<compile_context>
chip_gen: v7x
topology: tpu7x:2x2x1
jax: 0.10.2.dev20260603
libtpu: 0.0.44.dev20260713+nightly
codegen_flags: <defaults>
</compile_context>

<pallas_src>
import functools

import jax
import jax.numpy as jnp
from jax import lax
from jax.experimental import pallas as pl
from jax.experimental.pallas import tpu as pltpu
from jax.experimental.pallas import tpu_sc as plsc

N = 10000
E = 320000
D_IN = 128
D_HID = 256
D_OUT = 128

NC = 2
NS = 16
K = 128
E_T = E // NS
STEPS = 160
PAD = STEPS * K - E_T
N_ACC = 10240
ROWS_PER_TILE = N_ACC // NS
NB = 10
BLK = N // NB

_mesh = plsc.VectorSubcoreMesh(
    core_axis_name="c", subcore_axis_name="s", num_cores=NC, num_subcores=NS
)


@functools.partial(
    pl.kernel,
    out_type=jax.ShapeDtypeStruct((N_ACC,), jnp.float32),
    mesh=_mesh,
    scratch_types=[
        pltpu.VMEM((STEPS, K), jnp.int32),
        pltpu.VMEM((K,), jnp.float32),
        pltpu.VMEM((ROWS_PER_TILE,), jnp.float32),
        pltpu.VMEM_SHARED((N_ACC,), jnp.float32),
    ],
)
def _deg_kernel(dst_hbm, deg_out, dst_v, ones_v, zbuf, deg_sp):
    cid = lax.axis_index("c")
    w = lax.axis_index("s")
    zeros16 = jnp.zeros((16,), jnp.float32)
    ones16 = jnp.ones((16,), jnp.float32)

    def zb(i, carry):
        zbuf[pl.ds(i * 16, 16)] = zeros16
        return carry

    lax.fori_loop(0, ROWS_PER_TILE // 16, zb, 0)
    for j in range(K // 16):
        ones_v[pl.ds(j * 16, 16)] = ones16
    pltpu.sync_copy(zbuf, deg_sp.at[pl.ds(w * ROWS_PER_TILE, ROWS_PER_TILE)])
    pltpu.sync_copy(dst_hbm.at[pl.ds(w * STEPS, STEPS)], dst_v)
    plsc.subcore_barrier()

    def step(s, carry):
        pltpu.sync_copy(ones_v, deg_sp.at[dst_v.at[s]], add=True)
        return carry

    lax.fori_loop(0, STEPS, step, 0)
    plsc.subcore_barrier()

    @pl.when(jnp.logical_and(cid == 0, w == 0))
    def _():
        pltpu.sync_copy(deg_sp, deg_out)


DW = 128
N_HALF = 5000
A_ROWS = 5120
A_PT = A_ROWS // NS


def _make_scatter_kernel(n_accs, units):
    n_tables = max(u[0] for cu in units for u in cu) + 1
    n_out = n_accs * sum(len(cu) for cu in units)

    @functools.partial(
        pl.kernel,
        out_type=tuple(
            jax.ShapeDtypeStruct((A_ROWS, DW), jnp.float32)
            for _ in range(n_out)
        ),
        mesh=_mesh,
        scratch_types=(
            [
                pltpu.VMEM((STEPS, K), jnp.int32),
                pltpu.VMEM((STEPS, K), jnp.int32),
                pltpu.VMEM((K, DW), jnp.float32),
                pltpu.VMEM((K, DW), jnp.float32),
                pltpu.VMEM((64, DW), jnp.float32),
            ]
            + [pltpu.VMEM_SHARED((A_ROWS, DW), jnp.float32)] * n_accs
            + [pltpu.SemaphoreType.DMA, pltpu.SemaphoreType.DMA]
        ),
    )
    def scatter_kernel(*refs):
        ys = refs[:n_tables]
        src_hbm, dst_hbm = refs[n_tables], refs[n_tables + 1]
        outs = refs[n_tables + 2: n_tables + 2 + n_out]
        sc = refs[n_tables + 2 + n_out:]
        src_v, dst_v, rows0, rows1, zbuf = sc[:5]
        accs = sc[5: 5 + n_accs]
        gsem0, gsem1 = sc[5 + n_accs:]
        cid = lax.axis_index("c")
        w = lax.axis_index("s")
        zeros16 = jnp.zeros((16,), jnp.float32)

        def zb(i, carry):
            for j in range(DW // 16):
                zbuf[i, pl.ds(j * 16, 16)] = zeros16
            return carry

        lax.fori_loop(0, 64, zb, 0)
        pltpu.sync_copy(src_hbm.at[pl.ds(w * STEPS, STEPS)], src_v)

        def run(y_ref, win_lo, win_hi, bases, c_outs):
            acc0 = accs[0]
            base = bases[0]
            for a in accs:
                for i in range(A_PT // 64):
                    pltpu.sync_copy(
                        zbuf, a.at[pl.ds(w * A_PT + i * 64, 64)]
                    )
            pltpu.sync_copy(dst_hbm.at[pl.ds(w * STEPS, STEPS)], dst_v)

            def mk(s, carry):
                for j in range(K // 16):
                    d16 = dst_v[s, pl.ds(j * 16, 16)]
                    local = d16 - base
                    ok = jnp.logical_and(local >= 0, local < N_HALF)
                    dst_v[s, pl.ds(j * 16, 16)] = jnp.where(
                        ok, local, N_HALF + (d16 & 63)
                    )
                return carry

            lax.fori_loop(win_lo, win_hi, mk, 0)
            plsc.subcore_barrier()

            def gather(s, rows_b, sem_b):
                pltpu.async_copy(y_ref.at[src_v.at[s]], rows_b, sem_b)

            def gwait(rows_b, sem_b):
                pltpu.make_async_copy(
                    y_ref.at[src_v.at[0]], rows_b, sem_b
                ).wait()

            def scat(s, rows_b):
                pltpu.sync_copy(rows_b, acc0.at[dst_v.at[s]], add=True)

            gather(win_lo, rows0, gsem0)
            n_pairs = (win_hi - win_lo) // 2

            def pair(p, carry):
                s0 = win_lo + 2 * p
                gather(s0 + 1, rows1, gsem1)
                gwait(rows0, gsem0)
                scat(s0, rows0)

                @pl.when(p < n_pairs - 1)
                def _():
                    gather(s0 + 2, rows0, gsem0)

                gwait(rows1, gsem1)
                scat(s0 + 1, rows1)
                return carry

            lax.fori_loop(0, n_pairs, pair, 0)
            plsc.subcore_barrier()
            for acc, out_ref in zip(accs, c_outs):
                pltpu.sync_copy(
                    acc.at[pl.ds(w * A_PT, A_PT)],
                    out_ref.at[pl.ds(w * A_PT, A_PT)],
                )

        o = 0
        out_base = []
        for cu in units:
            out_base.append(o)
            o += n_accs * len(cu)
        for c in range(NC):
            @pl.when(cid == c)
            def _(c=c):
                for i, (t, lo, hi, bases) in enumerate(units[c]):
                    ob = out_base[c] + i * n_accs
                    run(ys[t], lo, hi, bases, outs[ob: ob + n_accs])

    return scatter_kernel


_scatter_hid = _make_scatter_kernel(
    1,
    [[(0, 0, STEPS, [0]), (0, 0, STEPS, [N_HALF])],
     [(1, 0, STEPS, [0]), (1, 0, STEPS, [N_HALF])]],
)
_scatter_out = _make_scatter_kernel(
    1,
    [[(0, 0, STEPS, [0])], [(1, 0, STEPS, [N_HALF])]],
)


def _mm1_body(x_ref, w1_ref, deg_ref, ya_ref, yb_ref):
    dinv = lax.rsqrt(deg_ref[...] + 1.0)
    z = jnp.dot(x_ref[...], w1_ref[...], preferred_element_type=jnp.float32)
    y = z * dinv
    ya_ref[...] = y[:, :DW]
    yb_ref[...] = y[:, DW:]


def _mm2_body(sa_ref, sb_ref, ya_ref, yb_ref, deg_ref, b1_ref, w2_ref,
              y2a_ref, y2b_ref):
    dinv = lax.rsqrt(deg_ref[...] + 1.0)
    h = jnp.concatenate(
        [sa_ref[...] + ya_ref[...], sb_ref[...] + yb_ref[...]], axis=1
    )
    h = jnp.maximum(h * dinv + b1_ref[...], 0.0)
    y2 = jnp.dot(h, w2_ref[...], preferred_element_type=jnp.float32) * dinv
    y2a_ref[...] = y2
    y2b_ref[...] = y2


def _final_body(s_ref, y_ref, deg_ref, b2_ref, o_ref):
    dinv = lax.rsqrt(deg_ref[...] + 1.0)
    o_ref[...] = (s_ref[...] + y_ref[...]) * dinv + b2_ref[...]


def _row_spec(d):
    return pl.BlockSpec((BLK, d), lambda i: (i, 0))


def _full_spec(r, c):
    return pl.BlockSpec((r, c), lambda i: (0, 0))


def kernel(x, edge_index, W1, b1, W2, b2):
    src = edge_index[0]
    dst = edge_index[1]
    pad_src = jnp.zeros((NS, PAD), jnp.int32)
    pad_dst = jnp.broadcast_to(
        N + (jnp.arange(PAD, dtype=jnp.int32) % (N_ACC - N)), (NS, PAD)
    )
    src_pad = jnp.concatenate([src.reshape(NS, E_T), pad_src], axis=1)
    src_pad = src_pad.reshape(NS * STEPS, K)
    dst_pad = jnp.concatenate([dst.reshape(NS, E_T), pad_dst], axis=1)
    dst_pad = dst_pad.reshape(NS * STEPS, K)

    deg = _deg_kernel(dst_pad)
    deg_col = deg[:N].reshape(N, 1)

    y1a, y1b = pl.pallas_call(
        _mm1_body,
        grid=(NB,),
        in_specs=[
            _row_spec(D_IN),
            _full_spec(D_IN, D_HID),
            _row_spec(1),
        ],
        out_specs=(_row_spec(DW), _row_spec(DW)),
        out_shape=(
            jax.ShapeDtypeStruct((N, DW), jnp.float32),
            jax.ShapeDtypeStruct((N, DW), jnp.float32),
        ),
    )(x, W1, deg_col)

    u00, u01, u10, u11 = _scatter_hid(y1a, y1b, src_pad, dst_pad)
    s1a = jnp.concatenate([u00[:N_HALF], u01[:N_HALF]], axis=0)
    s1b = jnp.concatenate([u10[:N_HALF], u11[:N_HALF]], axis=0)

    y2 = pl.pallas_call(
        _mm2_body,
        grid=(NB,),
        in_specs=[
            _row_spec(DW),
            _row_spec(DW),
            _row_spec(DW),
            _row_spec(DW),
            _row_spec(1),
            _full_spec(1, D_HID),
            _full_spec(D_HID, D_OUT),
        ],
        out_specs=(_row_spec(D_OUT), _row_spec(D_OUT)),
        out_shape=(
            jax.ShapeDtypeStruct((N, D_OUT), jnp.float32),
            jax.ShapeDtypeStruct((N, D_OUT), jnp.float32),
        ),
    )(s1a, s1b, y1a, y1b, deg_col, b1.reshape(1, D_HID), W2)
    y2, y2_copy = y2

    v0, v1 = _scatter_out(y2, y2_copy, src_pad, dst_pad)
    s2 = jnp.concatenate([v0[:N_HALF], v1[:N_HALF]], axis=0)

    out = pl.pallas_call(
        _final_body,
        grid=(NB,),
        in_specs=[
            _row_spec(D_OUT),
            _row_spec(D_OUT),
            _row_spec(1),
            _full_spec(1, D_OUT),
        ],
        out_specs=_row_spec(D_OUT),
        out_shape=jax.ShapeDtypeStruct((N, D_OUT), jnp.float32),
    )(s2, y2, deg_col, b2.reshape(1, D_OUT))

    return out

# --- scband reference (transcript-rebuilt; emitter-appended) ---
"""Pipeline reference for scband-gcnnet-61323543052323 (READ-ONLY COPY).

The authoritative reference and input builder live on the scoring server;
editing this copy changes nothing except your own understanding.
"""

import jax, jax.numpy as jnp
import numpy as np

N_NODES = 10000
N_EDGES = 320000
D_IN = 128
D_HID = 256
D_OUT = 128


def setup_inputs(seed: int = 0) -> dict:
    key = jax.random.key(seed)
    k1, k2, k3, k4 = jax.random.split(key, 4)
    x = jax.random.normal(k1, (N_NODES, D_IN), dtype=jnp.float32)
    edge_index = jax.random.randint(k2, (2, N_EDGES), 0, N_NODES, dtype=jnp.int32)
    W1 = jax.random.normal(k3, (D_IN, D_HID), dtype=jnp.float32) * 0.05
    b1 = jnp.zeros((D_HID,), dtype=jnp.float32)
    W2 = jax.random.normal(k4, (D_HID, D_OUT), dtype=jnp.float32) * 0.05
    b2 = jnp.zeros((D_OUT,), dtype=jnp.float32)
    return {"x": x, "edge_index": edge_index, "W1": W1, "b1": b1, "W2": W2, "b2": b2}


def _gcn_conv(x, edge_index, W, b, num_nodes):
    # linear transform first (as in torch_geometric GCNConv)
    x = x @ W
    src = edge_index[0]
    dst = edge_index[1]
    # add self loops
    loop = jnp.arange(num_nodes, dtype=edge_index.dtype)
    src = jnp.concatenate([src, loop])
    dst = jnp.concatenate([dst, loop])
    # symmetric normalization D^{-1/2} (A+I) D^{-1/2}
    ones = jnp.ones_like(src, dtype=x.dtype)
    deg = jnp.zeros((num_nodes,), dtype=x.dtype).at[dst].add(ones)
    deg_inv_sqrt = jnp.where(deg > 0, jax.lax.rsqrt(jnp.maximum(deg, 1e-12)), 0.0)
    norm = deg_inv_sqrt[src] * deg_inv_sqrt[dst]
    # gather messages from source nodes, scale, scatter-add to destination
    msg = x[src] * norm[:, None]
    out = jax.ops.segment_sum(msg, dst, num_segments=num_nodes)
    return out + b


def reference(x, edge_index, W1, b1, W2, b2):
    h = jax.nn.relu(_gcn_conv(x, edge_index, W1, b1, N_NODES))
    # F.dropout(training=self.training) is identity in eval mode
    out = _gcn_conv(h, edge_index, W2, b2, N_NODES)
    return out

if __name__ == "__main__":
    import jax
    _d = setup_inputs()
    print(jax.jit(kernel)(*tuple(_d.values())))

</pallas_src>

<mosaic_0001>
#map = affine_map<(d0, d1) -> (0, 0)>
#map1 = affine_map<(d0, d1) -> (0)>
module attributes {stable_mosaic.version = 14 : i64} {
  func.func @_deg_kernel(%arg0: i32, %arg1: i32, %arg2: memref<2560x128xi32, #tpu.memory_space<hbm>>, %arg3: memref<10240xf32, #tpu.memory_space<hbm>>, %arg4: memref<160x128xi32, #tpu.memory_space<vmem>>, %arg5: memref<128xf32, #tpu.memory_space<vmem>>, %arg6: memref<640xf32, #tpu.memory_space<vmem>>, %arg7: memref<10240xf32, #tpu.memory_space<vmem_shared>>) attributes {dimension_semantics = [#tpu.dimension_semantics<core_parallel>, #tpu.dimension_semantics<subcore_parallel>], iteration_bounds = array<i64: 2, 16>, scalar_prefetch = 0 : i64, scratch_operands = 4 : i64, tpu.core_type = #tpu.core_type<sc_vector_subcore>, window_params = [{transform_indices = #map}, {transform_indices = #map1}]} {
    %broadcast_in_dim3A = arith.constant 0.000000e+00 : f32
    %broadcast_in_dim3A_0 = vector.broadcast %broadcast_in_dim3A : f32 to vector<16xf32>
    %broadcast_in_dim3A_1 = arith.constant 1.000000e+00 : f32
    %broadcast_in_dim3A_2 = vector.broadcast %broadcast_in_dim3A_1 : f32 to vector<16xf32>
    %scan3A = arith.constant 0 : i32
    %scan3A_3 = arith.constant 0 : i32
    %scan3A_4 = arith.constant 40 : i32
    %scan3A_5 = arith.addi %scan3A_3, %scan3A_4 : i32
    %scan3A_6 = arith.constant 1 : i32
    scf.for %scan3A_53 = %scan3A_3 to %scan3A_5 step %scan3A_6  : i32 {
      %mul3A_54 = arith.constant 16 : i32
      %mul3A_55 = arith.muli %scan3A_53, %mul3A_54 : i32
      %swap3A_56 = arith.index_cast %mul3A_55 : i32 to index
      %swap3A_57 = tpu.vector_load %arg6[%swap3A_56] {strides = array<i32>} : memref<640xf32, #tpu.memory_space<vmem>>, vector<16xf32>,
      %swap3A_58 = vector.shape_cast %swap3A_57 : vector<16xf32> to vector<16xf32>
      %swap3A_59 = vector.shape_cast %broadcast_in_dim3A_0 : vector<16xf32> to vector<16xf32>
      tpu.vector_store %arg6[%swap3A_56], %swap3A_59 {strides = array<i32>} : memref<640xf32, #tpu.memory_space<vmem>>, vector<16xf32>,
    }
    %scan3A_7 = arith.constant 40 : i32
    %swap3A = arith.constant 0 : index
    %swap3A_8 = tpu.vector_load %arg5[%swap3A] {strides = array<i32>} : memref<128xf32, #tpu.memory_space<vmem>>, vector<16xf32>,
    %swap3A_9 = vector.shape_cast %swap3A_8 : vector<16xf32> to vector<16xf32>
    %swap3A_10 = vector.shape_cast %broadcast_in_dim3A_2 : vector<16xf32> to vector<16xf32>
    tpu.vector_store %arg5[%swap3A], %swap3A_10 {strides = array<i32>} : memref<128xf32, #tpu.memory_space<vmem>>, vector<16xf32>,
    %swap3A_11 = arith.constant 16 : index
    %swap3A_12 = tpu.vector_load %arg5[%swap3A_11] {strides = array<i32>} : memref<128xf32, #tpu.memory_space<vmem>>, vector<16xf32>,
    %swap3A_13 = vector.shape_cast %swap3A_12 : vector<16xf32> to vector<16xf32>
    %swap3A_14 = vector.shape_cast %broadcast_in_dim3A_2 : vector<16xf32> to vector<16xf32>
    tpu.vector_store %arg5[%swap3A_11], %swap3A_14 {strides = array<i32>} : memref<128xf32, #tpu.memory_space<vmem>>, vector<16xf32>,
    %swap3A_15 = arith.constant 32 : index
    %swap3A_16 = tpu.vector_load %arg5[%swap3A_15] {strides = array<i32>} : memref<128xf32, #tpu.memory_space<vmem>>, vector<16xf32>,
    %swap3A_17 = vector.shape_cast %swap3A_16 : vector<16xf32> to vector<16xf32>
    %swap3A_18 = vector.shape_cast %broadcast_in_dim3A_2 : vector<16xf32> to vector<16xf32>
    tpu.vector_store %arg5[%swap3A_15], %swap3A_18 {strides = array<i32>} : memref<128xf32, #tpu.memory_space<vmem>>, vector<16xf32>,
    %swap3A_19 = arith.constant 48 : index
    %swap3A_20 = tpu.vector_load %arg5[%swap3A_19] {strides = array<i32>} : memref<128xf32, #tpu.memory_space<vmem>>, vector<16xf32>,
    %swap3A_21 = vector.shape_cast %swap3A_20 : vector<16xf32> to vector<16xf32>
    %swap3A_22 = vector.shape_cast %broadcast_in_dim3A_2 : vector<16xf32> to vector<16xf32>
    tpu.vector_store %arg5[%swap3A_19], %swap3A_22 {strides = array<i32>} : memref<128xf32, #tpu.memory_space<vmem>>, vector<16xf32>,
    %swap3A_23 = arith.constant 64 : index
    %swap3A_24 = tpu.vector_load %arg5[%swap3A_23] {strides = array<i32>} : memref<128xf32, #tpu.memory_space<vmem>>, vector<16xf32>,
    %swap3A_25 = vector.shape_cast %swap3A_24 : vector<16xf32> to vector<16xf32>
    %swap3A_26 = vector.shape_cast %broadcast_in_dim3A_2 : vector<16xf32> to vector<16xf32>
    tpu.vector_store %arg5[%swap3A_23], %swap3A_26 {strides = array<i32>} : memref<128xf32, #tpu.memory_space<vmem>>, vector<16xf32>,
    %swap3A_27 = arith.constant 80 : index
    %swap3A_28 = tpu.vector_load %arg5[%swap3A_27] {strides = array<i32>} : memref<128xf32, #tpu.memory_space<vmem>>, vector<16xf32>,
    %swap3A_29 = vector.shape_cast %swap3A_28 : vector<16xf32> to vector<16xf32>
    %swap3A_30 = vector.shape_cast %broadcast_in_dim3A_2 : vector<16xf32> to vector<16xf32>
    tpu.vector_store %arg5[%swap3A_27], %swap3A_30 {strides = array<i32>} : memref<128xf32, #tpu.memory_space<vmem>>, vector<16xf32>,
    %swap3A_31 = arith.constant 96 : index
    %swap3A_32 = tpu.vector_load %arg5[%swap3A_31] {strides = array<i32>} : memref<128xf32, #tpu.memory_space<vmem>>, vector<16xf32>,
    %swap3A_33 = vector.shape_cast %swap3A_32 : vector<16xf32> to vector<16xf32>
    %swap3A_34 = vector.shape_cast %broadcast_in_dim3A_2 : vector<16xf32> to vector<16xf32>
    tpu.vector_store %arg5[%swap3A_31], %swap3A_34 {strides = array<i32>} : memref<128xf32, #tpu.memory_space<vmem>>, vector<16xf32>,
    %swap3A_35 = arith.constant 112 : index
    %swap3A_36 = tpu.vector_load %arg5[%swap3A_35] {strides = array<i32>} : memref<128xf32, #tpu.memory_space<vmem>>, vector<16xf32>,
    %swap3A_37 = vector.shape_cast %swap3A_36 : vector<16xf32> to vector<16xf32>
    %swap3A_38 = vector.shape_cast %broadcast_in_dim3A_2 : vector<16xf32> to vector<16xf32>
    tpu.vector_store %arg5[%swap3A_35], %swap3A_38 {strides = array<i32>} : memref<128xf32, #tpu.memory_space<vmem>>, vector<16xf32>,
    %mul3A = arith.constant 640 : i32
    %mul3A_39 = arith.muli %arg1, %mul3A : i32
    "tpu.region"() ({
      %run_scoped3A = tpu.sem_alloc : memref<!tpu.dma_semaphore, #tpu.memory_space<semaphore_mem>>
      %dma_start3A = tpu.memref_slice %arg7[%mul3A_39] : memref<10240xf32, #tpu.memory_space<vmem_shared>> -> memref<640xf32, #tpu.memory_space<vmem_shared>>
      %dma_start3A_53 = tpu.memref_slice %arg7[%mul3A_39] : memref<10240xf32, #tpu.memory_space<vmem_shared>> -> memref<640xf32, #tpu.memory_space<vmem_shared>>
      tpu.enqueue_dma source(%arg6 : memref<640xf32, #tpu.memory_space<vmem>>) target(%dma_start3A_53 : memref<640xf32, #tpu.memory_space<vmem_shared>>) target_semaphore(%run_scoped3A : memref<!tpu.dma_semaphore, #tpu.memory_space<semaphore_mem>>)
      %dma_wait3A = tpu.memref_slice %arg7[%mul3A_39] : memref<10240xf32, #tpu.memory_space<vmem_shared>> -> memref<640xf32, #tpu.memory_space<vmem_shared>>
      %dma_wait3A_54 = tpu.memref_slice %arg7[%mul3A_39] : memref<10240xf32, #tpu.memory_space<vmem_shared>> -> memref<640xf32, #tpu.memory_space<vmem_shared>>
      tpu.wait_dma2 semaphore(%run_scoped3A : memref<!tpu.dma_semaphore, #tpu.memory_space<semaphore_mem>>) src(%arg6 : memref<640xf32, #tpu.memory_space<vmem>>) dst(%dma_wait3A_54 : memref<640xf32, #tpu.memory_space<vmem_shared>>)
      tpu.yield
    }) : () -> ()
    %mul3A_40 = arith.constant 160 : i32
    %mul3A_41 = arith.muli %arg1, %mul3A_40 : i32
    "tpu.region"() ({
      %run_scoped3A = tpu.sem_alloc : memref<!tpu.dma_semaphore, #tpu.memory_space<semaphore_mem>>
      %dma_start3A = arith.constant 0 : i32
      %dma_start3A_53 = tpu.memref_slice %arg2[%mul3A_41, %dma_start3A] : memref<2560x128xi32, #tpu.memory_space<hbm>> -> memref<160x128xi32, #tpu.memory_space<hbm>>
      %dma_start3A_54 = arith.constant 0 : i32
      %dma_start3A_55 = tpu.memref_slice %arg2[%mul3A_41, %dma_start3A_54] : memref<2560x128xi32, #tpu.memory_space<hbm>> -> memref<160x128xi32, #tpu.memory_space<hbm>>
      tpu.enqueue_dma source(%dma_start3A_55 : memref<160x128xi32, #tpu.memory_space<hbm>>) target(%arg4 : memref<160x128xi32, #tpu.memory_space<vmem>>) target_semaphore(%run_scoped3A : memref<!tpu.dma_semaphore, #tpu.memory_space<semaphore_mem>>)
      %dma_wait3A = arith.constant 0 : i32
      %dma_wait3A_56 = tpu.memref_slice %arg2[%mul3A_41, %dma_wait3A] : memref<2560x128xi32, #tpu.memory_space<hbm>> -> memref<160x128xi32, #tpu.memory_space<hbm>>
      %dma_wait3A_57 = arith.constant 0 : i32
      %dma_wait3A_58 = tpu.memref_slice %arg2[%mul3A_41, %dma_wait3A_57] : memref<2560x128xi32, #tpu.memory_space<hbm>> -> memref<160x128xi32, #tpu.memory_space<hbm>>
      tpu.wait_dma2 semaphore(%run_scoped3A : memref<!tpu.dma_semaphore, #tpu.memory_space<semaphore_mem>>) src(%dma_wait3A_58 : memref<160x128xi32, #tpu.memory_space<hbm>>) dst(%arg4 : memref<160x128xi32, #tpu.memory_space<vmem>>)
      tpu.yield
    }) : () -> ()
    %barrier3A = arith.constant 0 : index
    tpu.barrier barrier_id(%barrier3A)
    %scan3A_42 = arith.constant 0 : i32
    %scan3A_43 = arith.constant 0 : i32
    %scan3A_44 = arith.constant 160 : i32
    %scan3A_45 = arith.addi %scan3A_43, %scan3A_44 : i32
    %scan3A_46 = arith.constant 1 : i32
    scf.for %scan3A_53 = %scan3A_43 to %scan3A_45 step %scan3A_46  : i32 {
      "tpu.region"() ({
        %run_scoped3A = tpu.sem_alloc : memref<!tpu.dma_semaphore, #tpu.memory_space<semaphore_mem>>
        %dma_start3A = arith.constant 0 : i32
        %dma_start3A_54 = tpu.memref_slice %arg4[%scan3A_53, %dma_start3A] : memref<160x128xi32, #tpu.memory_space<vmem>> -> memref<1x128xi32, #tpu.memory_space<vmem>>
        %dma_start3A_55 = tpu.memref_squeeze %dma_start3A_54 : memref<1x128xi32, #tpu.memory_space<vmem>> -> memref<128xi32, #tpu.memory_space<vmem>>
        %dma_start3A_56 = arith.constant 0 : i32
        %dma_start3A_57 = tpu.memref_slice %arg7[%dma_start3A_56] : memref<10240xf32, #tpu.memory_space<vmem_shared>> -> memref<10240xf32, #tpu.memory_space<vmem_shared>>
        tpu.enqueue_indirect_dma source(%arg5 : memref<128xf32, #tpu.memory_space<vmem>>) target(%dma_start3A_57 : memref<10240xf32, #tpu.memory_space<vmem_shared>>) offsets(%dma_start3A_55 : memref<128xi32, #tpu.memory_space<vmem>>) semaphore(%run_scoped3A : memref<!tpu.dma_semaphore, #tpu.memory_space<semaphore_mem>>) {add = true}
        %dma_wait3A = arith.constant 0 : i32
        %dma_wait3A_58 = tpu.memref_slice %arg4[%scan3A_53, %dma_wait3A] : memref<160x128xi32, #tpu.memory_space<vmem>> -> memref<1x128xi32, #tpu.memory_space<vmem>>
        %dma_wait3A_59 = tpu.memref_squeeze %dma_wait3A_58 : memref<1x128xi32, #tpu.memory_space<vmem>> -> memref<128xi32, #tpu.memory_space<vmem>>
        %dma_wait3A_60 = arith.constant 0 : i32
        %dma_wait3A_61 = tpu.memref_slice %arg7[%dma_wait3A_60] : memref<10240xf32, #tpu.memory_space<vmem_shared>> -> memref<10240xf32, #tpu.memory_space<vmem_shared>>
        tpu.wait_indirect_dma semaphore(%run_scoped3A : memref<!tpu.dma_semaphore, #tpu.memory_space<semaphore_mem>>) src(%arg5 : memref<128xf32, #tpu.memory_space<vmem>>) dst(%dma_wait3A_61 : memref<10240xf32, #tpu.memory_space<vmem_shared>>)
        tpu.yield
      }) : () -> ()
    }
    %scan3A_47 = arith.constant 160 : i32
    %barrier3A_48 = arith.constant 0 : index
    tpu.barrier barrier_id(%barrier3A_48)
    %eq3A = arith.constant 0 : i32
    %eq3A_49 = arith.cmpi eq, %arg0, %eq3A : i32
    %eq3A_50 = arith.constant 0 : i32
    %eq3A_51 = arith.cmpi eq, %arg1, %eq3A_50 : i32
    %and3A = arith.andi %eq3A_49, %eq3A_51 : i1
    %convert_element_type3A = arith.extui %and3A : i1 to i32
    %cond3A = arith.constant 0 : i32
    %cond3A_52 = arith.cmpi ne, %convert_element_type3A, %cond3A : i32
    scf.if %cond3A_52 {
      "tpu.region"() ({
        %run_scoped3A = tpu.sem_alloc : memref<!tpu.dma_semaphore, #tpu.memory_space<semaphore_mem>>
        tpu.enqueue_dma source(%arg7 : memref<10240xf32, #tpu.memory_space<vmem_shared>>) target(%arg3 : memref<10240xf32, #tpu.memory_space<hbm>>) target_semaphore(%run_scoped3A : memref<!tpu.dma_semaphore, #tpu.memory_space<semaphore_mem>>)
        tpu.wait_dma2 semaphore(%run_scoped3A : memref<!tpu.dma_semaphore, #tpu.memory_space<semaphore_mem>>) src(%arg7 : memref<10240xf32, #tpu.memory_space<vmem_shared>>) dst(%arg3 : memref<10240xf32, #tpu.memory_space<hbm>>)
        tpu.yield
      }) : () -> ()
    } else {
    }
    return
  }
}

#map = affine_map<(d0, d1) -> (0, 0)>
module attributes {stable_mosaic.version = 14 : i64} {
  func.func @scatter_kernel(%arg0: i32, %arg1: i32, %arg2: memref<10000x128xf32, #tpu.memory_space<hbm>>, %arg3: memref<10000x128xf32, #tpu.memory_space<hbm>>, %arg4: memref<2560x128xi32, #tpu.memory_space<hbm>>, %arg5: memref<2560x128xi32, #tpu.memory_space<hbm>>, %arg6: memref<5120x128xf32, #tpu.memory_space<hbm>>, %arg7: memref<5120x128xf32, #tpu.memory_space<hbm>>, %arg8: memref<160x128xi32, #tpu.memory_space<vmem>>, %arg9: memref<160x128xi32, #tpu.memory_space<vmem>>, %arg10: memref<128x128xf32, #tpu.memory_space<vmem>>, %arg11: memref<128x128xf32, #tpu.memory_space<vmem>>, %arg12: memref<64x128xf32, #tpu.memory_space<vmem>>, %arg13: memref<5120x128xf32, #tpu.memory_space<vmem_shared>>, %arg14: memref<!tpu.dma_semaphore, #tpu.memory_space<semaphore_mem>>, %arg15: memref<!tpu.dma_semaphore, #tpu.memory_space<semaphore_mem>>) attributes {dimension_semantics = [#tpu.dimension_semantics<core_parallel>, #tpu.dimension_semantics<subcore_parallel>], iteration_bounds = array<i64: 2, 16>, scalar_prefetch = 0 : i64, scratch_operands = 8 : i64, tpu.core_type = #tpu.core_type<sc_vector_subcore>, window_params = [{transform_indices = #map}, {transform_indices = #map}, {transform_indices = #map}, {transform_indices = #map}, {transform_indices = #map}, {transform_indices = #map}]} {
    %broadcast_in_dim3A = arith.constant 0.000000e+00 : f32
    %broadcast_in_dim3A_0 = vector.broadcast %broadcast_in_dim3A : f32 to vector<16xf32>
    %scan3A = arith.constant 0 : i32
    %scan3A_1 = arith.constant 0 : i32
    %scan3A_2 = arith.constant 64 : i32
    %scan3A_3 = arith.addi %scan3A_1, %scan3A_2 : i32
    %scan3A_4 = arith.constant 1 : i32
    scf.for %scan3A_14 = %scan3A_1 to %scan3A_3 step %scan3A_4  : i32 {
      %swap3A = arith.index_cast %scan3A_14 : i32 to index
      %swap3A_15 = arith.constant 0 : index
      %swap3A_16 = tpu.vector_load %arg12[%swap3A, %swap3A_15] {strides = array<i32>} : memref<64x128xf32, #tpu.memory_space<vmem>>, vector<1x16xf32>,
      %swap3A_17 = vector.shape_cast %swap3A_16 : vector<1x16xf32> to vector<16xf32>
      %swap3A_18 = vector.shape_cast %broadcast_in_dim3A_0 : vector<16xf32> to vector<1x16xf32>
      tpu.vector_store %arg12[%swap3A, %swap3A_15], %swap3A_18 {strides = array<i32>} : memref<64x128xf32, #tpu.memory_space<vmem>>, vector<1x16xf32>,
      %swap3A_19 = arith.index_cast %scan3A_14 : i32 to index
      %swap3A_20 = arith.constant 16 : index
      %swap3A_21 = tpu.vector_load %arg12[%swap3A_19, %swap3A_20] {strides = array<i32>} : memref<64x128xf32, #tpu.memory_space<vmem>>, vector<1x16xf32>,
      %swap3A_22 = vector.shape_cast %swap3A_21 : vector<1x16xf32> to vector<16xf32>
      %swap3A_23 = vector.shape_cast %broadcast_in_dim3A_0 : vector<16xf32> to vector<1x16xf32>
      tpu.vector_store %arg12[%swap3A_19, %swap3A_20], %swap3A_23 {strides = array<i32>} : memref<64x128xf32, #tpu.memory_space<vmem>>, vector<1x16xf32>,
      %swap3A_24 = arith.index_cast %scan3A_14 : i32 to index
      %swap3A_25 = arith.constant 32 : index
      %swap3A_26 = tpu.vector_load %arg12[%swap3A_24, %swap3A_25] {strides = array<i32>} : memref<64x128xf32, #tpu.memory_space<vmem>>, vector<1x16xf32>,
      %swap3A_27 = vector.shape_cast %swap3A_26 : vector<1x16xf32> to vector<16xf32>
      %swap3A_28 = vector.shape_cast %broadcast_in_dim3A_0 : vector<16xf32> to vector<1x16xf32>
      tpu.vector_store %arg12[%swap3A_24, %swap3A_25], %swap3A_28 {strides = array<i32>} : memref<64x128xf32, #tpu.memory_space<vmem>>, vector<1x16xf32>,
      %swap3A_29 = arith.index_cast %scan3A_14 : i32 to index
      %swap3A_30 = arith.constant 48 : index
      %swap3A_31 = tpu.vector_load %arg12[%swap3A_29, %swap3A_30] {strides = array<i32>} : memref<64x128xf32, #tpu.memory_space<vmem>>, vector<1x16xf32>,
      %swap3A_32 = vector.shape_cast %swap3A_31 : vector<1x16xf32> to vector<16xf32>
      %swap3A_33 = vector.shape_cast %broadcast_in_dim3A_0 : vector<16xf32> to vector<1x16xf32>
      tpu.vector_store %arg12[%swap3A_29, %swap3A_30], %swap3A_33 {strides = array<i32>} : memref<64x128xf32, #tpu.memory_space<vmem>>, vector<1x16xf32>,
      %swap3A_34 = arith.index_cast %scan3A_14 : i32 to index
      %swap3A_35 = arith.constant 64 : index
      %swap3A_36 = tpu.vector_load %arg12[%swap3A_34, %swap3A_35] {strides = array<i32>} : memref<64x128xf32, #tpu.memory_space<vmem>>, vector<1x16xf32>,
      %swap3A_37 = vector.shape_cast %swap3A_36 : vector<1x16xf32> to vector<16xf32>
      %swap3A_38 = vector.shape_cast %broadcast_in_dim3A_0 : vector<16xf32> to vector<1x16xf32>
      tpu.vector_store %arg12[%swap3A_34, %swap3A_35], %swap3A_38 {strides = array<i32>} : memref<64x128xf32, #tpu.memory_space<vmem>>, vector<1x16xf32>,
      %swap3A_39 = arith.index_cast %scan3A_14 : i32 to index
      %swap3A_40 = arith.constant 80 : index
      %swap3A_41 = tpu.vector_load %arg12[%swap3A_39, %swap3A_40] {strides = array<i32>} : memref<64x128xf32, #tpu.memory_space<vmem>>, vector<1x16xf32>,
      %swap3A_42 = vector.shape_cast %swap3A_41 : vector<1x16xf32> to vector<16xf32>
      %swap3A_43 = vector.shape_cast %broadcast_in_dim3A_0 : vector<16xf32> to vector<1x16xf32>
      tpu.vector_store %arg12[%swap3A_39, %swap3A_40], %swap3A_43 {strides = array<i32>} : memref<64x128xf32, #tpu.memory_space<vmem>>, vector<1x16xf32>,
      %swap3A_44 = arith.index_cast %scan3A_14 : i32 to index
      %swap3A_45 = arith.constant 96 : index
      %swap3A_46 = tpu.vector_load %arg12[%swap3A_44, %swap3A_45] {strides = array<i32>} : memref<64x128xf32, #tpu.memory_space<vmem>>, vector<1x16xf32>,
      %swap3A_47 = vector.shape_cast %swap3A_46 : vector<1x16xf32> to vector<16xf32>
      %swap3A_48 = vector.shape_cast %broadcast_in_dim3A_0 : vector<16xf32> to vector<1x16xf32>
      tpu.vector_store %arg12[%swap3A_44, %swap3A_45], %swap3A_48 {strides = array<i32>} : memref<64x128xf32, #tpu.memory_space<vmem>>, vector<1x16xf32>,
      %swap3A_49 = arith.index_cast %scan3A_14 : i32 to index
      %swap3A_50 = arith.constant 112 : index
      %swap3A_51 = tpu.vector_load %arg12[%swap3A_49, %swap3A_50] {strides = array<i32>} : memref<64x128xf32, #tpu.memory_space<vmem>>, vector<1x16xf32>,
      %swap3A_52 = vector.shape_cast %swap3A_51 : vector<1x16xf32> to vector<16xf32>
      %swap3A_53 = vector.shape_cast %broadcast_in_dim3A_0 : vector<16xf32> to vector<1x16xf32>
      tpu.vector_store %arg12[%swap3A_49, %swap3A_50], %swap3A_53 {strides = array<i32>} : memref<64x128xf32, #tpu.memory_space<vmem>>, vector<1x16xf32>,
    }
    %scan3A_5 = arith.constant 64 : i32
    %mul3A = arith.constant 160 : i32
    %mul3A_6 = arith.muli %arg1, %mul3A : i32
    "tpu.region"() ({
      %run_scoped3A = tpu.sem_alloc : memref<!tpu.dma_semaphore, #tpu.memory_space<semaphore_mem>>
      %dma_start3A = arith.constant 0 : i32
      %dma_start3A_14 = tpu.memref_slice %arg4[%mul3A_6, %dma_start3A] : memref<2560x128xi32, #tpu.memory_space<hbm>> -> memref<160x128xi32, #tpu.memory_space<hbm>>
      %dma_start3A_15 = arith.constant 0 : i32
      %dma_start3A_16 = tpu.memref_slice %arg4[%mul3A_6, %dma_start3A_15] : memref<2560x128xi32, #tpu.memory_space<hbm>> -> memref<160x128xi32, #tpu.memory_space<hbm>>
      tpu.enqueue_dma source(%dma_start3A_16 : memref<160x128xi32, #tpu.memory_space<hbm>>) target(%arg8 : memref<160x128xi32, #tpu.memory_space<vmem>>) target_semaphore(%run_scoped3A : memref<!tpu.dma_semaphore, #tpu.memory_space<semaphore_mem>>)
      %dma_wait3A = arith.constant 0 : i32
      %dma_wait3A_17 = tpu.memref_slice %arg4[%mul3A_6, %dma_wait3A] : memref<2560x128xi32, #tpu.memory_space<hbm>> -> memref<160x128xi32, #tpu.memory_space<hbm>>
      %dma_wait3A_18 = arith.constant 0 : i32
      %dma_wait3A_19 = tpu.memref_slice %arg4[%mul3A_6, %dma_wait3A_18] : memref<2560x128xi32, #tpu.memory_space<hbm>> -> memref<160x128xi32, #tpu.memory_space<hbm>>
      tpu.wait_dma2 semaphore(%run_scoped3A : memref<!tpu.dma_semaphore, #tpu.memory_space<semaphore_mem>>) src(%dma_wait3A_19 : memref<160x128xi32, #tpu.memory_space<hbm>>) dst(%arg8 : memref<160x128xi32, #tpu.memory_space<vmem>>)
      tpu.yield
    }) : () -> ()
    %eq3A = arith.constant 0 : i32
    %eq3A_7 = arith.cmpi eq, %arg0, %eq3A : i32
    %convert_element_type3A = arith.extui %eq3A_7 : i1 to i32
    %cond3A = arith.constant 0 : i32
    %cond3A_8 = arith.cmpi ne, %convert_element_type3A, %cond3A : i32
    scf.if %cond3A_8 {
      %mul3A_14 = arith.constant 320 : i32
      %mul3A_15 = arith.muli %arg1, %mul3A_14 : i32
      %add3A = arith.constant 0 : i32
      %add3A_16 = arith.addi %mul3A_15, %add3A : i32
      "tpu.region"() ({
        %run_scoped3A = tpu.sem_alloc : memref<!tpu.dma_semaphore, #tpu.memory_space<semaphore_mem>>
        %dma_start3A_58 = arith.constant 0 : i32
        %dma_start3A_59 = tpu.memref_slice %arg13[%add3A_16, %dma_start3A_58] : memref<5120x128xf32, #tpu.memory_space<vmem_shared>> -> memref<64x128xf32, #tpu.memory_space<vmem_shared>>
        %dma_start3A_60 = arith.constant 0 : i32
        %dma_start3A_61 = tpu.memref_slice %arg13[%add3A_16, %dma_start3A_60] : memref<5120x128xf32, #tpu.memory_space<vmem_shared>> -> memref<64x128xf32, #tpu.memory_space<vmem_shared>>
        tpu.enqueue_dma source(%arg12 : memref<64x128xf32, #tpu.memory_space<vmem>>) target(%dma_start3A_61 : memref<64x128xf32, #tpu.memory_space<vmem_shared>>) target_semaphore(%run_scoped3A : memref<!tpu.dma_semaphore, #tpu.memory_space<semaphore_mem>>)
        %dma_wait3A = arith.constant 0 : i32
        %dma_wait3A_62 = tpu.memref_slice %arg13[%add3A_16, %dma_wait3A] : memref<5120x128xf32, #tpu.memory_space<vmem_shared>> -> memref<64x128xf32, #tpu.memory_space<vmem_shared>>
        %dma_wait3A_63 = arith.constant 0 : i32
        %dma_wait3A_64 = tpu.memref_slice %arg13[%add3A_16, %dma_wait3A_63] : memref<5120x128xf32, #tpu.memory_space<vmem_shared>> -> memref<64x128xf32, #tpu.memory_space<vmem_shared>>
        tpu.wait_dma2 semaphore(%run_scoped3A : memref<!tpu.dma_semaphore, #tpu.memory_space<semaphore_mem>>) src(%arg12 : memref<64x128xf32, #tpu.memory_space<vmem>>) dst(%dma_wait3A_64 : memref<64x128xf32, #tpu.memory_space<vmem_shared>>)
        tpu.yield
      }) : () -> ()
      %mul3A_17 = arith.constant 320 : i32
      %mul3A_18 = arith.muli %arg1, %mul3A_17 : i32
      %add3A_19 = arith.constant 64 : i32
      %add3A_20 = arith.addi %mul3A_18, %add3A_19 : i32
      "tpu.region"() ({
        %run_scoped3A = tpu.sem_alloc : memref<!tpu.dma_semaphore, #tpu.memory_space<semaphore_mem>>
        %dma_start3A_58 = arith.constant 0 : i32
        %dma_start3A_59 = tpu.memref_slice %arg13[%add3A_20, %dma_start3A_58] : memref<5120x128xf32, #tpu.memory_space<vmem_shared>> -> memref<64x128xf32, #tpu.memory_space<vmem_shared>>
        %dma_start3A_60 = arith.constant 0 : i32
        %dma_start3A_61 = tpu.memref_slice %arg13[%add3A_20, %dma_start3A_60] : memref<5120x128xf32, #tpu.memory_space<vmem_shared>> -> memref<64x128xf32, #tpu.memory_space<vmem_shared>>
        tpu.enqueue_dma source(%arg12 : memref<64x128xf32, #tpu.memory_space<vmem>>) target(%dma_start3A_61 : memref<64x128xf32, #tpu.memory_space<vmem_shared>>) target_semaphore(%run_scoped3A : memref<!tpu.dma_semaphore, #tpu.memory_space<semaphore_mem>>)
        %dma_wait3A = arith.constant 0 : i32
        %dma_wait3A_62 = tpu.memref_slice %arg13[%add3A_20, %dma_wait3A] : memref<5120x128xf32, #tpu.memory_space<vmem_shared>> -> memref<64x128xf32, #tpu.memory_space<vmem_shared>>
        %dma_wait3A_63 = arith.constant 0 : i32
        %dma_wait3A_64 = tpu.memref_slice %arg13[%add3A_20, %dma_wait3A_63] : memref<5120x128xf32, #tpu.memory_space<vmem_shared>> -> memref<64x128xf32, #tpu.memory_space<vmem_shared>>
        tpu.wait_dma2 semaphore(%run_scoped3A : memref<!tpu.dma_semaphore, #tpu.memory_space<semaphore_mem>>) src(%arg12 : memref<64x128xf32, #tpu.memory_space<vmem>>) dst(%dma_wait3A_64 : memref<64x128xf32, #tpu.memory_space<vmem_shared>>)
        tpu.yield
      }) : () -> ()
      %mul3A_21 = arith.constant 320 : i32
      %mul3A_22 = arith.muli %arg1, %mul3A_21 : i32
      %add3A_23 = arith.constant 128 : i32
      %add3A_24 = arith.addi %mul3A_22, %add3A_23 : i32
      "tpu.region"() ({
        %run_scoped3A = tpu.sem_alloc : memref<!tpu.dma_semaphore, #tpu.memory_space<semaphore_mem>>
        %dma_start3A_58 = arith.constant 0 : i32
        %dma_start3A_59 = tpu.memref_slice %arg13[%add3A_24, %dma_start3A_58] : memref<5120x128xf32, #tpu.memory_space<vmem_shared>> -> memref<64x128xf32, #tpu.memory_space<vmem_shared>>
        %dma_start3A_60 = arith.constant 0 : i32
        %dma_start3A_61 = tpu.memref_slice %arg13[%add3A_24, %dma_start3A_60] : memref<5120x128xf32, #tpu.memory_space<vmem_shared>> -> memref<64x128xf32, #tpu.memory_space<vmem_shared>>
        tpu.enqueue_dma source(%arg12 : memref<64x128xf32, #tpu.memory_space<vmem>>) target(%dma_start3A_61 : memref<64x128xf32, #tpu.memory_space<vmem_shared>>) target_semaphore(%run_scoped3A : memref<!tpu.dma_semaphore, #tpu.memory_space<semaphore_mem>>)
        %dma_wait3A = arith.constant 0 : i32
        %dma_wait3A_62 = tpu.memref_slice %arg13[%add3A_24, %dma_wait3A] : memref<5120x128xf32, #tpu.memory_space<vmem_shared>> -> memref<64x128xf32, #tpu.memory_space<vmem_shared>>
        %dma_wait3A_63 = arith.constant 0 : i32
        %dma_wait3A_64 = tpu.memref_slice %arg13[%add3A_24, %dma_wait3A_63] : memref<5120x128xf32, #tpu.memory_space<vmem_shared>> -> memref<64x128xf32, #tpu.memory_space<vmem_shared>>
        tpu.wait_dma2 semaphore(%run_scoped3A : memref<!tpu.dma_semaphore, #tpu.memory_space<semaphore_mem>>) src(%arg12 : memref<64x128xf32, #tpu.memory_space<vmem>>) dst(%dma_wait3A_64 : memref<64x128xf32, #tpu.memory_space<vmem_shared>>)
        tpu.yield
      }) : () -> ()
      %mul3A_25 = arith.constant 320 : i32
      %mul3A_26 = arith.muli %arg1, %mul3A_25 : i32
      %add3A_27 = arith.constant 192 : i32
      %add3A_28 = arith.addi %mul3A_26, %add3A_27 : i32
      "tpu.region"() ({
        %run_scoped3A = tpu.sem_alloc : memref<!tpu.dma_semaphore, #tpu.memory_space<semaphore_mem>>
        %dma_start3A_58 = arith.constant 0 : i32
        %dma_start3A_59 = tpu.memref_slice %arg13[%add3A_28, %dma_start3A_58] : memref<5120x128xf32, #tpu.memory_space<vmem_shared>> -> memref<64x128xf32, #tpu.memory_space<vmem_shared>>
        %dma_start3A_60 = arith.constant 0 : i32
        %dma_start3A_61 = tpu.memref_slice %arg13[%add3A_28, %dma_start3A_60] : memref<5120x128xf32, #tpu.memory_space<vmem_shared>> -> memref<64x128xf32, #tpu.memory_space<vmem_shared>>
        tpu.enqueue_dma source(%arg12 : memref<64x128xf32, #tpu.memory_space<vmem>>) target(%dma_start3A_61 : memref<64x128xf32, #tpu.memory_space<vmem_shared>>) target_semaphore(%run_scoped3A : memref<!tpu.dma_semaphore, #tpu.memory_space<semaphore_mem>>)
        %dma_wait3A = arith.constant 0 : i32
        %dma_wait3A_62 = tpu.memref_slice %arg13[%add3A_28, %dma_wait3A] : memref<5120x128xf32, #tpu.memory_space<vmem_shared>> -> memref<64x128xf32, #tpu.memory_space<vmem_shared>>
        %dma_wait3A_63 = arith.constant 0 : i32
        %dma_wait3A_64 = tpu.memref_slice %arg13[%add3A_28, %dma_wait3A_63] : memref<5120x128xf32, #tpu.memory_space<vmem_shared>> -> memref<64x128xf32, #tpu.memory_space<vmem_shared>>
        tpu.wait_dma2 semaphore(%run_scoped3A : memref<!tpu.dma_semaphore, #tpu.memory_space<semaphore_mem>>) src(%arg12 : memref<64x128xf32, #tpu.memory_space<vmem>>) dst(%dma_wait3A_64 : memref<64x128xf32, #tpu.memory_space<vmem_shared>>)
        tpu.yield
      }) : () -> ()
      %mul3A_29 = arith.constant 320 : i32
      %mul3A_30 = arith.muli %arg1, %mul3A_29 : i32
      %add3A_31 = arith.constant 256 : i32
      %add3A_32 = arith.addi %mul3A_30, %add3A_31 : i32
      "tpu.region"() ({
        %run_scoped3A = tpu.sem_alloc : memref<!tpu.dma_semaphore, #tpu.memory_space<semaphore_mem>>
        %dma_start3A_58 = arith.constant 0 : i32
        %dma_start3A_59 = tpu.memref_slice %arg13[%add3A_32, %dma_start3A_58] : memref<5120x128xf32, #tpu.memory_space<vmem_shared>> -> memref<64x128xf32, #tpu.memory_space<vmem_shared>>
        %dma_start3A_60 = arith.constant 0 : i32
        %dma_start3A_61 = tpu.memref_slice %arg13[%add3A_32, %dma_start3A_60] : memref<5120x128xf32, #tpu.memory_space<vmem_shared>> -> memref<64x128xf32, #tpu.memory_space<vmem_shared>>
        tpu.enqueue_dma source(%arg12 : memref<64x128xf32, #tpu.memory_space<vmem>>) target(%dma_start3A_61 : memref<64x128xf32, #tpu.memory_space<vmem_shared>>) target_semaphore(%run_scoped3A : memref<!tpu.dma_semaphore, #tpu.memory_space<semaphore_mem>>)
        %dma_wait3A = arith.constant 0 : i32
        %dma_wait3A_62 = tpu.memref_slice %arg13[%add3A_32, %dma_wait3A] : memref<5120x128xf32, #tpu.memory_space<vmem_shared>> -> memref<64x128xf32, #tpu.memory_space<vmem_shared>>
        %dma_wait3A_63 = arith.constant 0 : i32
        %dma_wait3A_64 = tpu.memref_slice %arg13[%add3A_32, %dma_wait3A_63] : memref<5120x128xf32, #tpu.memory_space<vmem_shared>> -> memref<64x128xf32, #tpu.memory_space<vmem_shared>>
        tpu.wait_dma2 semaphore(%run_scoped3A : memref<!tpu.dma_semaphore, #tpu.memory_space<semaphore_mem>>) src(%arg12 : memref<64x128xf32, #tpu.memory_space<vmem>>) dst(%dma_wait3A_64 : memref<64x128xf32, #tpu.memory_space<vmem_shared>>)
        tpu.yield
      }) : () -> ()
      %mul3A_33 = arith.constant 160 : i32
      %mul3A_34 = arith.muli %arg1, %mul3A_33 : i32
      "tpu.region"() ({
        %run_scoped3A = tpu.sem_alloc : memref<!tpu.dma_semaphore, #tpu.memory_space<semaphore_mem>>
        %dma_start3A_58 = arith.constant 0 : i32
        %dma_start3A_59 = tpu.memref_slice %arg5[%mul3A_34, %dma_start3A_58] : memref<2560x128xi32, #tpu.memory_space<hbm>> -> memref<160x128xi32, #tpu.memory_space<hbm>>
        %dma_start3A_60 = arith.constant 0 : i32
        %dma_start3A_61 = tpu.memref_slice %arg5[%mul3A_34, %dma_start3A_60] : memref<2560x128xi32, #tpu.memory_space<hbm>> -> memref<160x128xi32, #tpu.memory_space<hbm>>
        tpu.enqueue_dma source(%dma_start3A_61 : memref<160x128xi32, #tpu.memory_space<hbm>>) target(%arg9 : memref<160x128xi32, #tpu.memory_space<vmem>>) target_semaphore(%run_scoped3A : memref<!tpu.dma_semaphore, #tpu.memory_space<semaphore_mem>>)
        %dma_wait3A = arith.constant 0 : i32
        %dma_wait3A_62 = tpu.memref_slice %arg5[%mul3A_34, %dma_wait3A] : memref<2560x128xi32, #tpu.memory_space<hbm>> -> memref<160x128xi32, #tpu.memory_space<hbm>>
        %dma_wait3A_63 = arith.constant 0 : i32
        %dma_wait3A_64 = tpu.memref_slice %arg5[%mul3A_34, %dma_wait3A_63] : memref<2560x128xi32, #tpu.memory_space<hbm>> -> memref<160x128xi32, #tpu.memory_space<hbm>>
        tpu.wait_dma2 semaphore(%run_scoped3A : memref<!tpu.dma_semaphore, #tpu.memory_space<semaphore_mem>>) src(%dma_wait3A_64 : memref<160x128xi32, #tpu.memory_space<hbm>>) dst(%arg9 : memref<160x128xi32, #tpu.memory_space<vmem>>)
        tpu.yield
      }) : () -> ()
      %scan3A_35 = arith.constant 0 : i32
      %scan3A_36 = arith.constant 0 : i32
      %scan3A_37 = arith.constant 160 : i32
      %scan3A_38 = arith.addi %scan3A_36, %scan3A_37 : i32
      %scan3A_39 = arith.constant 1 : i32
      scf.for %scan3A_58 = %scan3A_36 to %scan3A_38 step %scan3A_39  : i32 {
        %get3A = arith.index_cast %scan3A_58 : i32 to index
        %get3A_59 = arith.constant 0 : index
        %get3A_60 = tpu.vector_load %arg9[%get3A, %get3A_59] {strides = array<i32>} : memref<160x128xi32, #tpu.memory_space<vmem>>, vector<1x16xi32>,
        %get3A_61 = vector.shape_cast %get3A_60 : vector<1x16xi32> to vector<16xi32>
        %sub3A = arith.constant 0 : i32
        %sub3A_62 = vector.broadcast %sub3A : i32 to vector<16xi32>
        %sub3A_63 = arith.subi %get3A_61, %sub3A_62 : vector<16xi32>
        %ge3A = arith.constant 0 : i32
        %ge3A_64 = vector.broadcast %ge3A : i32 to vector<16xi32>
        %ge3A_65 = arith.cmpi sge, %sub3A_63, %ge3A_64 : vector<16xi32>
        %lt3A = arith.constant 5000 : i32
        %lt3A_66 = vector.broadcast %lt3A : i32 to vector<16xi32>
        %lt3A_67 = arith.cmpi slt, %sub3A_63, %lt3A_66 : vector<16xi32>
        %and3A = arith.andi %ge3A_65, %lt3A_67 : vector<16xi1>
        %and3A_68 = arith.constant 63 : i32
        %and3A_69 = vector.broadcast %and3A_68 : i32 to vector<16xi32>
        %and3A_70 = arith.andi %get3A_61, %and3A_69 : vector<16xi32>
        %add3A_71 = arith.constant 5000 : i32
        %add3A_72 = vector.broadcast %add3A_71 : i32 to vector<16xi32>
        %add3A_73 = arith.addi %add3A_72, %and3A_70 : vector<16xi32>
        %select_n3A = arith.select %and3A, %sub3A_63, %add3A_73 : vector<16xi1>, vector<16xi32>
        %swap3A = arith.index_cast %scan3A_58 : i32 to index
        %swap3A_74 = arith.constant 0 : index
        %swap3A_75 = tpu.vector_load %arg9[%swap3A, %swap3A_74] {strides = array<i32>} : memref<160x128xi32, #tpu.memory_space<vmem>>, vector<1x16xi32>,
        %swap3A_76 = vector.shape_cast %swap3A_75 : vector<1x16xi32> to vector<16xi32>
        %swap3A_77 = vector.shape_cast %select_n3A : vector<16xi32> to vector<1x16xi32>
        tpu.vector_store %arg9[%swap3A, %swap3A_74], %swap3A_77 {strides = array<i32>} : memref<160x128xi32, #tpu.memory_space<vmem>>, vector<1x16xi32>,
        %get3A_78 = arith.index_cast %scan3A_58 : i32 to index
        %get3A_79 = arith.constant 16 : index
        %get3A_80 = tpu.vector_load %arg9[%get3A_78, %get3A_79] {strides = array<i32>} : memref<160x128xi32, #tpu.memory_space<vmem>>, vector<1x16xi32>,
        %get3A_81 = vector.shape_cast %get3A_80 : vector<1x16xi32> to vector<16xi32>
        %sub3A_82 = arith.constant 0 : i32
        %sub3A_83 = vector.broadcast %sub3A_82 : i32 to vector<16xi32>
        %sub3A_84 = arith.subi %get3A_81, %sub3A_83 : vector<16xi32>
        %ge3A_85 = arith.constant 0 : i32
        %ge3A_86 = vector.broadcast %ge3A_85 : i32 to vector<16xi32>
        %ge3A_87 = arith.cmpi sge, %sub3A_84, %ge3A_86 : vector<16xi32>
        %lt3A_88 = arith.constant 5000 : i32
        %lt3A_89 = vector.broadcast %lt3A_88 : i32 to vector<16xi32>
        %lt3A_90 = arith.cmpi slt, %sub3A_84, %lt3A_89 : vector<16xi32>
        %and3A_91 = arith.andi %ge3A_87, %lt3A_90 : vector<16xi1>
        %and3A_92 = arith.constant 63 : i32
        %and3A_93 = vector.broadcast %and3A_92 : i32 to vector<16xi32>
        %and3A_94 = arith.andi %get3A_81, %and3A_93 : vector<16xi32>
        %add3A_95 = arith.constant 5000 : i32
        %add3A_96 = vector.broadcast %add3A_95 : i32 to vector<16xi32>
        %add3A_97 = arith.addi %add3A_96, %and3A_94 : vector<16xi32>
        %select_n3A_98 = arith.select %and3A_91, %sub3A_84, %add3A_97 : vector<16xi1>, vector<16xi32>
        %swap3A_99 = arith.index_cast %scan3A_58 : i32 to index
        %swap3A_100 = arith.constant 16 : index
        %swap3A_101 = tpu.vector_load %arg9[%swap3A_99, %swap3A_100] {strides = array<i32>} : memref<160x128xi32, #tpu.memory_space<vmem>>, vector<1x16xi32>,
        %swap3A_102 = vector.shape_cast %swap3A_101 : vector<1x16xi32> to vector<16xi32>
        %swap3A_103 = vector.shape_cast %select_n3A_98 : vector<16xi32> to vector<1x16xi32>
        tpu.vector_store %arg9[%swap3A_99, %swap3A_100], %swap3A_103 {strides = array<i32>} : memref<160x128xi32, #tpu.memory_space<vmem>>, vector<1x16xi32>,
        %get3A_104 = arith.index_cast %scan3A_58 : i32 to index
        %get3A_105 = arith.constant 32 : index
        %get3A_106 = tpu.vector_load %arg9[%get3A_104, %get3A_105] {strides = array<i32>} : memref<160x128xi32, #tpu.memory_space<vmem>>, vector<1x16xi32>,
        %get3A_107 = vector.shape_cast %get3A_106 : vector<1x16xi32> to vector<16xi32>
        %sub3A_108 = arith.constant 0 : i32
        %sub3A_109 = vector.broadcast %sub3A_108 : i32 to vector<16xi32>
        %sub3A_110 = arith.subi %get3A_107, %sub3A_109 : vector<16xi32>
        %ge3A_111 = arith.constant 0 : i32
        %ge3A_112 = vector.broadcast %ge3A_111 : i32 to vector<16xi32>
        %ge3A_113 = arith.cmpi sge, %sub3A_110, %ge3A_112 : vector<16xi32>
        %lt3A_114 = arith.constant 5000 : i32
        %lt3A_115 = vector.broadcast %lt3A_114 : i32 to vector<16xi32>
        %lt3A_116 = arith.cmpi slt, %sub3A_110, %lt3A_115 : vector<16xi32>
        %and3A_117 = arith.andi %ge3A_113, %lt3A_116 : vector<16xi1>
        %and3A_118 = arith.constant 63 : i32
        %and3A_119 = vector.broadcast %and3A_118 : i32 to vector<16xi32>
        %and3A_120 = arith.andi %get3A_107, %and3A_119 : vector<16xi32>
        %add3A_121 = arith.constant 5000 : i32
        %add3A_122 = vector.broadcast %add3A_121 : i32 to vector<16xi32>
        %add3A_123 = arith.addi %add3A_122, %and3A_120 : vector<16xi32>
        %select_n3A_124 = arith.select %and3A_117, %sub3A_110, %add3A_123 : vector<16xi1>, vector<16xi32>
        %swap3A_125 = arith.index_cast %scan3A_58 : i32 to index
        %swap3A_126 = arith.constant 32 : index
        %swap3A_127 = tpu.vector_load %arg9[%swap3A_125, %swap3A_126] {strides = array<i32>} : memref<160x128xi32, #tpu.memory_space<vmem>>, vector<1x16xi32>,
        %swap3A_128 = vector.shape_cast %swap3A_127 : vector<1x16xi32> to vector<16xi32>
        %swap3A_129 = vector.shape_cast %select_n3A_124 : vector<16xi32> to vector<1x16xi32>
        tpu.vector_store %arg9[%swap3A_125, %swap3A_126], %swap3A_129 {strides = array<i32>} : memref<160x128xi32, #tpu.memory_space<vmem>>, vector<1x16xi32>,
        %get3A_130 = arith.index_cast %scan3A_58 : i32 to index
        %get3A_131 = arith.constant 48 : index
        %get3A_132 = tpu.vector_load %arg9[%get3A_130, %get3A_131] {strides = array<i32>} : memref<160x128xi32, #tpu.memory_space<vmem>>, vector<1x16xi32>,
        %get3A_133 = vector.shape_cast %get3A_132 : vector<1x16xi32> to vector<16xi32>
        %sub3A_134 = arith.constant 0 : i32
        %sub3A_135 = vector.broadcast %sub3A_134 : i32 to vector<16xi32>
        %sub3A_136 = arith.subi %get3A_133, %sub3A_135 : vector<16xi32>
        %ge3A_137 = arith.constant 0 : i32
        %ge3A_138 = vector.broadcast %ge3A_137 : i32 to vector<16xi32>
        %ge3A_139 = arith.cmpi sge, %sub3A_136, %ge3A_138 : vector<16xi32>
        %lt3A_140 = arith.constant 5000 : i32
        %lt3A_141 = vector.broadcast %lt3A_140 : i32 to vector<16xi32>
        %lt3A_142 = arith.cmpi slt, %sub3A_136, %lt3A_141 : vector<16xi32>
        %and3A_143 = arith.andi %ge3A_139, %lt3A_142 : vector<16xi1>
        %and3A_144 = arith.constant 63 : i32
        %and3A_145 = vector.broadcast %and3A_144 : i32 to vector<16xi32>
        %and3A_146 = arith.andi %get3A_133, %and3A_145 : vector<16xi32>
        %add3A_147 = arith.constant 5000 : i32
        %add3A_148 = vector.broadcast %add3A_147 : i32 to vector<16xi32>
        %add3A_149 = arith.addi %add3A_148, %and3A_146 : vector<16xi32>
        %select_n3A_150 = arith.select %and3A_143, %sub3A_136, %add3A_149 : vector<16xi1>, vector<16xi32>
        %swap3A_151 = arith.index_cast %scan3A_58 : i32 to index
        %swap3A_152 = arith.constant 48 : index
        %swap3A_153 = tpu.vector_load %arg9[%swap3A_151, %swap3A_152] {strides = array<i32>} : memref<160x128xi32, #tpu.memory_space<vmem>>, vector<1x16xi32>,
        %swap3A_154 = vector.shape_cast %swap3A_153 : vector<1x16xi32> to vector<16xi32>
        %swap3A_155 = vector.shape_cast %select_n3A_150 : vector<16xi32> to vector<1x16xi32>
        tpu.vector_store %arg9[%swap3A_151, %swap3A_152], %swap3A_155 {strides = array<i32>} : memref<160x128xi32, #tpu.memory_space<vmem>>, vector<1x16xi32>,
        %get3A_156 = arith.index_cast %scan3A_58 : i32 to index
        %get3A_157 = arith.constant 64 : index
        %get3A_158 = tpu.vector_load %arg9[%get3A_156, %get3A_157] {strides = array<i32>} : memref<160x128xi32, #tpu.memory_space<vmem>>, vector<1x16xi32>,
        %get3A_159 = vector.shape_cast %get3A_158 : vector<1x16xi32> to vector<16xi32>
        %sub3A_160 = arith.constant 0 : i32
        %sub3A_161 = vector.broadcast %sub3A_160 : i32 to vector<16xi32>
        %sub3A_162 = arith.subi %get3A_159, %sub3A_161 : vector<16xi32>
        %ge3A_163 = arith.constant 0 : i32
        %ge3A_164 = vector.broadcast %ge3A_163 : i32 to vector<16xi32>
        %ge3A_165 = arith.cmpi sge, %sub3A_162, %ge3A_164 : vector<16xi32>
        %lt3A_166 = arith.constant 5000 : i32
        %lt3A_167 = vector.broadcast %lt3A_166 : i32 to vector<16xi32>
        %lt3A_168 = arith.cmpi slt, %sub3A_162, %lt3A_167 : vector<16xi32>
        %and3A_169 = arith.andi %ge3A_165, %lt3A_168 : vector<16xi1>
        %and3A_170 = arith.constant 63 : i32
        %and3A_171 = vector.broadcast %and3A_170 : i32 to vector<16xi32>
        %and3A_172 = arith.andi %get3A_159, %and3A_171 : vector<16xi32>
        %add3A_173 = arith.constant 5000 : i32
        %add3A_174 = vector.broadcast %add3A_173 : i32 to vector<16xi32>
        %add3A_175 = arith.addi %add3A_174, %and3A_172 : vector<16xi32>
        %select_n3A_176 = arith.select %and3A_169, %sub3A_162, %add3A_175 : vector<16xi1>, vector<16xi32>
        %swap3A_177 = arith.index_cast %scan3A_58 : i32 to index
        %swap3A_178 = arith.constant 64 : index
        %swap3A_179 = tpu.vector_load %arg9[%swap3A_177, %swap3A_178] {strides = array<i32>} : memref<160x128xi32, #tpu.memory_space<vmem>>, vector<1x16xi32>,
        %swap3A_180 = vector.shape_cast %swap3A_179 : vector<1x16xi32> to vector<16xi32>
        %swap3A_181 = vector.shape_cast %select_n3A_176 : vector<16xi32> to vector<1x16xi32>
        tpu.vector_store %arg9[%swap3A_177, %swap3A_178], %swap3A_181 {strides = array<i32>} : memref<160x128xi32, #tpu.memory_space<vmem>>, vector<1x16xi32>,
        %get3A_182 = arith.index_cast %scan3A_58 : i32 to index
        %get3A_183 = arith.constant 80 : index
        %get3A_184 = tpu.vector_load %arg9[%get3A_182, %get3A_183] {strides = array<i32>} : memref<160x128xi32, #tpu.memory_space<vmem>>, vector<1x16xi32>,
        %get3A_185 = vector.shape_cast %get3A_184 : vector<1x16xi32> to vector<16xi32>
        %sub3A_186 = arith.constant 0 : i32
        %sub3A_187 = vector.broadcast %sub3A_186 : i32 to vector<16xi32>
        %sub3A_188 = arith.subi %get3A_185, %sub3A_187 : vector<16xi32>
        %ge3A_189 = arith.constant 0 : i32
        %ge3A_190 = vector.broadcast %ge3A_189 : i32 to vector<16xi32>
        %ge3A_191 = arith.cmpi sge, %sub3A_188, %ge3A_190 : vector<16xi32>
        %lt3A_192 = arith.constant 5000 : i32
        %lt3A_193 = vector.broadcast %lt3A_192 : i32 to vector<16xi32>
        %lt3A_194 = arith.cmpi slt, %sub3A_188, %lt3A_193 : vector<16xi32>
        %and3A_195 = arith.andi %ge3A_191, %lt3A_194 : vector<16xi1>
        %and3A_196 = arith.constant 63 : i32
        %and3A_197 = vector.broadcast %and3A_196 : i32 to vector<16xi32>
        %and3A_198 = arith.andi %get3A_185, %and3A_197 : vector<16xi32>
        %add3A_199 = arith.constant 5000 : i32
        %add3A_200 = vector.broadcast %add3A_199 : i32 to vector<16xi32>
        %add3A_201 = arith.addi %add3A_200, %and3A_198 : vector<16xi32>
        %select_n3A_202 = arith.select %and3A_195, %sub3A_188, %add3A_201 : vector<16xi1>, vector<16xi32>
        %swap3A_203 = arith.index_cast %scan3A_58 : i32 to index
        %swap3A_204 = arith.constant 80 : index
        %swap3A_205 = tpu.vector_load %arg9[%swap3A_203, %swap3A_204] {strides = array<i32>} : memref<160x128xi32, #tpu.memory_space<vmem>>, vector<1x16xi32>,
        %swap3A_206 = vector.shape_cast %swap3A_205 : vector<1x16xi32> to vector<16xi32>
        %swap3A_207 = vector.shape_cast %select_n3A_202 : vector<16xi32> to vector<1x16xi32>
        tpu.vector_store %arg9[%swap3A_203, %swap3A_204], %swap3A_207 {strides = array<i32>} : memref<160x128xi32, #tpu.memory_space<vmem>>, vector<1x16xi32>,
        %get3A_208 = arith.index_cast %scan3A_58 : i32 to index
        %get3A_209 = arith.constant 96 : index
        %get3A_210 = tpu.vector_load %arg9[%get3A_208, %get3A_209] {strides = array<i32>} : memref<160x128xi32, #tpu.memory_space<vmem>>, vector<1x16xi32>,
        %get3A_211 = vector.shape_cast %get3A_210 : vector<1x16xi32> to vector<16xi32>
        %sub3A_212 = arith.constant 0 : i32
        %sub3A_213 = vector.broadcast %sub3A_212 : i32 to vector<16xi32>
        %sub3A_214 = arith.subi %get3A_211, %sub3A_213 : vector<16xi32>
        %ge3A_215 = arith.constant 0 : i32
        %ge3A_216 = vector.broadcast %ge3A_215 : i32 to vector<16xi32>
        %ge3A_217 = arith.cmpi sge, %sub3A_214, %ge3A_216 : vector<16xi32>
        %lt3A_218 = arith.constant 5000 : i32
        %lt3A_219 = vector.broadcast %lt3A_218 : i32 to vector<16xi32>
        %lt3A_220 = arith.cmpi slt, %sub3A_214, %lt3A_219 : vector<16xi32>
        %and3A_221 = arith.andi %ge3A_217, %lt3A_220 : vector<16xi1>
        %and3A_222 = arith.constant 63 : i32
        %and3A_223 = vector.broadcast %and3A_222 : i32 to vector<16xi32>
        %and3A_224 = arith.andi %get3A_211, %and3A_223 : vector<16xi32>
        %add3A_225 = arith.constant 5000 : i32
        %add3A_226 = vector.broadcast %add3A_225 : i32 to vector<16xi32>
        %add3A_227 = arith.addi %add3A_226, %and3A_224 : vector<16xi32>
        %select_n3A_228 = arith.select %and3A_221, %sub3A_214, %add3A_227 : vector<16xi1>, vector<16xi32>
        %swap3A_229 = arith.index_cast %scan3A_58 : i32 to index
        %swap3A_230 = arith.constant 96 : index
        %swap3A_231 = tpu.vector_load %arg9[%swap3A_229, %swap3A_230] {strides = array<i32>} : memref<160x128xi32, #tpu.memory_space<vmem>>, vector<1x16xi32>,
        %swap3A_232 = vector.shape_cast %swap3A_231 : vector<1x16xi32> to vector<16xi32>
        %swap3A_233 = vector.shape_cast %select_n3A_228 : vector<16xi32> to vector<1x16xi32>
        tpu.vector_store %arg9[%swap3A_229, %swap3A_230], %swap3A_233 {strides = array<i32>} : memref<160x128xi32, #tpu.memory_space<vmem>>, vector<1x16xi32>,
        %get3A_234 = arith.index_cast %scan3A_58 : i32 to index
        %get3A_235 = arith.constant 112 : index
        %get3A_236 = tpu.vector_load %arg9[%get3A_234, %get3A_235] {strides = array<i32>} : memref<160x128xi32, #tpu.memory_space<vmem>>, vector<1x16xi32>,
        %get3A_237 = vector.shape_cast %get3A_236 : vector<1x16xi32> to vector<16xi32>
        %sub3A_238 = arith.constant 0 : i32
        %sub3A_239 = vector.broadcast %sub3A_238 : i32 to vector<16xi32>
        %sub3A_240 = arith.subi %get3A_237, %sub3A_239 : vector<16xi32>
        %ge3A_241 = arith.constant 0 : i32
        %ge3A_242 = vector.broadcast %ge3A_241 : i32 to vector<16xi32>
        %ge3A_243 = arith.cmpi sge, %sub3A_240, %ge3A_242 : vector<16xi32>
        %lt3A_244 = arith.constant 5000 : i32
        %lt3A_245 = vector.broadcast %lt3A_244 : i32 to vector<16xi32>
        %lt3A_246 = arith.cmpi slt, %sub3A_240, %lt3A_245 : vector<16xi32>
        %and3A_247 = arith.andi %ge3A_243, %lt3A_246 : vector<16xi1>
        %and3A_248 = arith.constant 63 : i32
        %and3A_249 = vector.broadcast %and3A_248 : i32 to vector<16xi32>
        %and3A_250 = arith.andi %get3A_237, %and3A_249 : vector<16xi32>
        %add3A_251 = arith.constant 5000 : i32
        %add3A_252 = vector.broadcast %add3A_251 : i32 to vector<16xi32>
        %add3A_253 = arith.addi %add3A_252, %and3A_250 : vector<16xi32>
        %select_n3A_254 = arith.select %and3A_247, %sub3A_240, %add3A_253 : vector<16xi1>, vector<16xi32>
        %swap3A_255 = arith.index_cast %scan3A_58 : i32 to index
        %swap3A_256 = arith.constant 112 : index
        %swap3A_257 = tpu.vector_load %arg9[%swap3A_255, %swap3A_256] {strides = array<i32>} : memref<160x128xi32, #tpu.memory_space<vmem>>, vector<1x16xi32>,
        %swap3A_258 = vector.shape_cast %swap3A_257 : vector<1x16xi32> to vector<16xi32>
        %swap3A_259 = vector.shape_cast %select_n3A_254 : vector<16xi32> to vector<1x16xi32>
        tpu.vector_store %arg9[%swap3A_255, %swap3A_256], %swap3A_259 {strides = array<i32>} : memref<160x128xi32, #tpu.memory_space<vmem>>, vector<1x16xi32>,
      }
      %scan3A_40 = arith.constant 160 : i32
      %barrier3A = arith.constant 0 : index
      tpu.barrier barrier_id(%barrier3A)
      %dma_start3A = arith.constant 0 : i32
      %dma_start3A_41 = arith.constant 0 : i32
      %dma_start3A_42 = tpu.memref_slice %arg8[%dma_start3A, %dma_start3A_41] : memref<160x128xi32, #tpu.memory_space<vmem>> -> memref<1x128xi32, #tpu.memory_space<vmem>>
      %dma_start3A_43 = tpu.memref_squeeze %dma_start3A_42 : memref<1x128xi32, #tpu.memory_space<vmem>> -> memref<128xi32, #tpu.memory_space<vmem>>
      %dma_start3A_44 = arith.constant 0 : i32
      %dma_start3A_45 = arith.constant 0 : i32
      %dma_start3A_46 = tpu.memref_slice %arg2[%dma_start3A_44, %dma_start3A_45] : memref<10000x128xf32, #tpu.memory_space<hbm>> -> memref<10000x128xf32, #tpu.memory_space<hbm>>
      tpu.enqueue_indirect_dma source(%dma_start3A_46 : memref<10000x128xf32, #tpu.memory_space<hbm>>) target(%arg10 : memref<128x128xf32, #tpu.memory_space<vmem>>) offsets(%dma_start3A_43 : memref<128xi32, #tpu.memory_space<vmem>>) semaphore(%arg14 : memref<!tpu.dma_semaphore, #tpu.memory_space<semaphore_mem>>)
      %scan3A_47 = arith.constant 0 : i32
      %scan3A_48 = arith.constant 0 : i32
      %scan3A_49 = arith.constant 80 : i32
      %scan3A_50 = arith.addi %scan3A_48, %scan3A_49 : i32
      %scan3A_51 = arith.constant 1 : i32
      scf.for %scan3A_58 = %scan3A_48 to %scan3A_50 step %scan3A_51  : i32 {
        %mul3A_59 = arith.constant 2 : i32
        %mul3A_60 = arith.muli %mul3A_59, %scan3A_58 : i32
        %add3A_61 = arith.constant 0 : i32
        %add3A_62 = arith.addi %add3A_61, %mul3A_60 : i32
        %add3A_63 = arith.constant 1 : i32
        %add3A_64 = arith.addi %add3A_62, %add3A_63 : i32
        %dma_start3A_65 = arith.constant 0 : i32
        %dma_start3A_66 = tpu.memref_slice %arg8[%add3A_64, %dma_start3A_65] : memref<160x128xi32, #tpu.memory_space<vmem>> -> memref<1x128xi32, #tpu.memory_space<vmem>>
        %dma_start3A_67 = tpu.memref_squeeze %dma_start3A_66 : memref<1x128xi32, #tpu.memory_space<vmem>> -> memref<128xi32, #tpu.memory_space<vmem>>
        %dma_start3A_68 = arith.constant 0 : i32
        %dma_start3A_69 = arith.constant 0 : i32
        %dma_start3A_70 = tpu.memref_slice %arg2[%dma_start3A_68, %dma_start3A_69] : memref<10000x128xf32, #tpu.memory_space<hbm>> -> memref<10000x128xf32, #tpu.memory_space<hbm>>
        tpu.enqueue_indirect_dma source(%dma_start3A_70 : memref<10000x128xf32, #tpu.memory_space<hbm>>) target(%arg11 : memref<128x128xf32, #tpu.memory_space<vmem>>) offsets(%dma_start3A_67 : memref<128xi32, #tpu.memory_space<vmem>>) semaphore(%arg15 : memref<!tpu.dma_semaphore, #tpu.memory_space<semaphore_mem>>)
        %dma_wait3A = arith.constant 0 : i32
        %dma_wait3A_71 = arith.constant 0 : i32
        %dma_wait3A_72 = tpu.memref_slice %arg8[%dma_wait3A, %dma_wait3A_71] : memref<160x128xi32, #tpu.memory_space<vmem>> -> memref<1x128xi32, #tpu.memory_space<vmem>>
        %dma_wait3A_73 = tpu.memref_squeeze %dma_wait3A_72 : memref<1x128xi32, #tpu.memory_space<vmem>> -> memref<128xi32, #tpu.memory_space<vmem>>
        %dma_wait3A_74 = arith.constant 0 : i32
        %dma_wait3A_75 = arith.constant 0 : i32
        %dma_wait3A_76 = tpu.memref_slice %arg2[%dma_wait3A_74, %dma_wait3A_75] : memref<10000x128xf32, #tpu.memory_space<hbm>> -> memref<10000x128xf32, #tpu.memory_space<hbm>>
        tpu.wait_indirect_dma semaphore(%arg14 : memref<!tpu.dma_semaphore, #tpu.memory_space<semaphore_mem>>) src(%dma_wait3A_76 : memref<10000x128xf32, #tpu.memory_space<hbm>>) dst(%arg10 : memref<128x128xf32, #tpu.memory_space<vmem>>)
        "tpu.region"() ({
          %run_scoped3A = tpu.sem_alloc : memref<!tpu.dma_semaphore, #tpu.memory_space<semaphore_mem>>
          %dma_start3A_90 = arith.constant 0 : i32
          %dma_start3A_91 = tpu.memref_slice %arg9[%add3A_62, %dma_start3A_90] : memref<160x128xi32, #tpu.memory_space<vmem>> -> memref<1x128xi32, #tpu.memory_space<vmem>>
          %dma_start3A_92 = tpu.memref_squeeze %dma_start3A_91 : memref<1x128xi32, #tpu.memory_space<vmem>> -> memref<128xi32, #tpu.memory_space<vmem>>
          %dma_start3A_93 = arith.constant 0 : i32
          %dma_start3A_94 = arith.constant 0 : i32
          %dma_start3A_95 = tpu.memref_slice %arg13[%dma_start3A_93, %dma_start3A_94] : memref<5120x128xf32, #tpu.memory_space<vmem_shared>> -> memref<5120x128xf32, #tpu.memory_space<vmem_shared>>
          tpu.enqueue_indirect_dma source(%arg10 : memref<128x128xf32, #tpu.memory_space<vmem>>) target(%dma_start3A_95 : memref<5120x128xf32, #tpu.memory_space<vmem_shared>>) offsets(%dma_start3A_92 : memref<128xi32, #tpu.memory_space<vmem>>) semaphore(%run_scoped3A : memref<!tpu.dma_semaphore, #tpu.memory_space<semaphore_mem>>) {add = true}
          %dma_wait3A_96 = arith.constant 0 : i32
          %dma_wait3A_97 = tpu.memref_slice %arg9[%add3A_62, %dma_wait3A_96] : memref<160x128xi32, #tpu.memory_space<vmem>> -> memref<1x128xi32, #tpu.memory_space<vmem>>
          %dma_wait3A_98 = tpu.memref_squeeze %dma_wait3A_97 : memref<1x128xi32, #tpu.memory_space<vmem>> -> memref<128xi32, #tpu.memory_space<vmem>>
          %dma_wait3A_99 = arith.constant 0 : i32
          %dma_wait3A_100 = arith.constant 0 : i32
          %dma_wait3A_101 = tpu.memref_slice %arg13[%dma_wait3A_99, %dma_wait3A_100] : memref<5120x128xf32, #tpu.memory_space<vmem_shared>> -> memref<5120x128xf32, #tpu.memory_space<vmem_shared>>
          tpu.wait_indirect_dma semaphore(%run_scoped3A : memref<!tpu.dma_semaphore, #tpu.memory_space<semaphore_mem>>) src(%arg10 : memref<128x128xf32, #tpu.memory_space<vmem>>) dst(%dma_wait3A_101 : memref<5120x128xf32, #tpu.memory_space<vmem_shared>>)
          tpu.yield
        }) : () -> ()
        %lt3A = arith.constant 79 : i32
        %lt3A_77 = arith.cmpi slt, %scan3A_58, %lt3A : i32
        %convert_element_type3A_78 = arith.extui %lt3A_77 : i1 to i32
        %cond3A_79 = arith.constant 0 : i32
        %cond3A_80 = arith.cmpi ne, %convert_element_type3A_78, %cond3A_79 : i32
        scf.if %cond3A_80 {
          %add3A_90 = arith.constant 2 : i32
          %add3A_91 = arith.addi %add3A_62, %add3A_90 : i32
          %dma_start3A_92 = arith.constant 0 : i32
          %dma_start3A_93 = tpu.memref_slice %arg8[%add3A_91, %dma_start3A_92] : memref<160x128xi32, #tpu.memory_space<vmem>> -> memref<1x128xi32, #tpu.memory_space<vmem>>
          %dma_start3A_94 = tpu.memref_squeeze %dma_start3A_93 : memref<1x128xi32, #tpu.memory_space<vmem>> -> memref<128xi32, #tpu.memory_space<vmem>>
          %dma_start3A_95 = arith.constant 0 : i32
          %dma_start3A_96 = arith.constant 0 : i32
          %dma_start3A_97 = tpu.memref_slice %arg2[%dma_start3A_95, %dma_start3A_96] : memref<10000x128xf32, #tpu.memory_space<hbm>> -> memref<10000x128xf32, #tpu.memory_space<hbm>>
          tpu.enqueue_indirect_dma source(%dma_start3A_97 : memref<10000x128xf32, #tpu.memory_space<hbm>>) target(%arg10 : memref<128x128xf32, #tpu.memory_space<vmem>>) offsets(%dma_start3A_94 : memref<128xi32, #tpu.memory_space<vmem>>) semaphore(%arg14 : memref<!tpu.dma_semaphore, #tpu.memory_space<semaphore_mem>>)
        } else {
        }
        %dma_wait3A_81 = arith.constant 0 : i32
        %dma_wait3A_82 = arith.constant 0 : i32
        %dma_wait3A_83 = tpu.memref_slice %arg8[%dma_wait3A_81, %dma_wait3A_82] : memref<160x128xi32, #tpu.memory_space<vmem>> -> memref<1x128xi32, #tpu.memory_space<vmem>>
        %dma_wait3A_84 = tpu.memref_squeeze %dma_wait3A_83 : memref<1x128xi32, #tpu.memory_space<vmem>> -> memref<128xi32, #tpu.memory_space<vmem>>
        %dma_wait3A_85 = arith.constant 0 : i32
        %dma_wait3A_86 = arith.constant 0 : i32
        %dma_wait3A_87 = tpu.memref_slice %arg2[%dma_wait3A_85, %dma_wait3A_86] : memref<10000x128xf32, #tpu.memory_space<hbm>> -> memref<10000x128xf32, #tpu.memory_space<hbm>>
        tpu.wait_indirect_dma semaphore(%arg15 : memref<!tpu.dma_semaphore, #tpu.memory_space<semaphore_mem>>) src(%dma_wait3A_87 : memref<10000x128xf32, #tpu.memory_space<hbm>>) dst(%arg11 : memref<128x128xf32, #tpu.memory_space<vmem>>)
        %add3A_88 = arith.constant 1 : i32
        %add3A_89 = arith.addi %add3A_62, %add3A_88 : i32
        "tpu.region"() ({
          %run_scoped3A = tpu.sem_alloc : memref<!tpu.dma_semaphore, #tpu.memory_space<semaphore_mem>>
          %dma_start3A_90 = arith.constant 0 : i32
          %dma_start3A_91 = tpu.memref_slice %arg9[%add3A_89, %dma_start3A_90] : memref<160x128xi32, #tpu.memory_space<vmem>> -> memref<1x128xi32, #tpu.memory_space<vmem>>
          %dma_start3A_92 = tpu.memref_squeeze %dma_start3A_91 : memref<1x128xi32, #tpu.memory_space<vmem>> -> memref<128xi32, #tpu.memory_space<vmem>>
          %dma_start3A_93 = arith.constant 0 : i32
          %dma_start3A_94 = arith.constant 0 : i32
          %dma_start3A_95 = tpu.memref_slice %arg13[%dma_start3A_93, %dma_start3A_94] : memref<5120x128xf32, #tpu.memory_space<vmem_shared>> -> memref<5120x128xf32, #tpu.memory_space<vmem_shared>>
          tpu.enqueue_indirect_dma source(%arg11 : memref<128x128xf32, #tpu.memory_space<vmem>>) target(%dma_start3A_95 : memref<5120x128xf32, #tpu.memory_space<vmem_shared>>) offsets(%dma_start3A_92 : memref<128xi32, #tpu.memory_space<vmem>>) semaphore(%run_scoped3A : memref<!tpu.dma_semaphore, #tpu.memory_space<semaphore_mem>>) {add = true}
          %dma_wait3A_96 = arith.constant 0 : i32
          %dma_wait3A_97 = tpu.memref_slice %arg9[%add3A_89, %dma_wait3A_96] : memref<160x128xi32, #tpu.memory_space<vmem>> -> memref<1x128xi32, #tpu.memory_space<vmem>>
          %dma_wait3A_98 = tpu.memref_squeeze %dma_wait3A_97 : memref<1x128xi32, #tpu.memory_space<vmem>> -> memref<128xi32, #tpu.memory_space<vmem>>
          %dma_wait3A_99 = arith.constant 0 : i32
          %dma_wait3A_100 = arith.constant 0 : i32
          %dma_wait3A_101 = tpu.memref_slice %arg13[%dma_wait3A_99, %dma_wait3A_100] : memref<5120x128xf32, #tpu.memory_space<vmem_shared>> -> memref<5120x128xf32, #tpu.memory_space<vmem_shared>>
          tpu.wait_indirect_dma semaphore(%run_scoped3A : memref<!tpu.dma_semaphore, #tpu.memory_space<semaphore_mem>>) src(%arg11 : memref<128x128xf32, #tpu.memory_space<vmem>>) dst(%dma_wait3A_101 : memref<5120x128xf32, #tpu.memory_space<vmem_shared>>)
          tpu.yield
        }) : () -> ()
      }
      %scan3A_52 = arith.constant 80 : i32
      %barrier3A_53 = arith.constant 0 : index
      tpu.barrier barrier_id(%barrier3A_53)
      %mul3A_54 = arith.constant 320 : i32
      %mul3A_55 = arith.muli %arg1, %mul3A_54 : i32
      %mul3A_56 = arith.constant 320 : i32
      %mul3A_57 = arith.muli %arg1, %mul3A_56 : i32
      "tpu.region"() ({
        %run_scoped3A = tpu.sem_alloc : memref<!tpu.dma_semaphore, #tpu.memory_space<semaphore_mem>>
        %dma_start3A_58 = arith.constant 0 : i32
        %dma_start3A_59 = tpu.memref_slice %arg6[%mul3A_57, %dma_start3A_58] : memref<5120x128xf32, #tpu.memory_space<hbm>> -> memref<320x128xf32, #tpu.memory_space<hbm>>
        %dma_start3A_60 = arith.constant 0 : i32
        %dma_start3A_61 = tpu.memref_slice %arg13[%mul3A_55, %dma_start3A_60] : memref<5120x128xf32, #tpu.memory_space<vmem_shared>> -> memref<320x128xf32, #tpu.memory_space<vmem_shared>>
        tpu.enqueue_dma source(%dma_start3A_61 : memref<320x128xf32, #tpu.memory_space<vmem_shared>>) target(%dma_start3A_59 : memref<320x128xf32, #tpu.memory_space<hbm>>) target_semaphore(%run_scoped3A : memref<!tpu.dma_semaphore, #tpu.memory_space<semaphore_mem>>)
        %dma_wait3A = arith.constant 0 : i32
        %dma_wait3A_62 = tpu.memref_slice %arg6[%mul3A_57, %dma_wait3A] : memref<5120x128xf32, #tpu.memory_space<hbm>> -> memref<320x128xf32, #tpu.memory_space<hbm>>
        %dma_wait3A_63 = arith.constant 0 : i32
        %dma_wait3A_64 = tpu.memref_slice %arg13[%mul3A_55, %dma_wait3A_63] : memref<5120x128xf32, #tpu.memory_space<vmem_shared>> -> memref<320x128xf32, #tpu.memory_space<vmem_shared>>
        tpu.wait_dma2 semaphore(%run_scoped3A : memref<!tpu.dma_semaphore, #tpu.memory_space<semaphore_mem>>) src(%dma_wait3A_64 : memref<320x128xf32, #tpu.memory_space<vmem_shared>>) dst(%dma_wait3A_62 : memref<320x128xf32, #tpu.memory_space<hbm>>)
        tpu.yield
      }) : () -> ()
    } else {
    }
    %eq3A_9 = arith.constant 1 : i32
    %eq3A_10 = arith.cmpi eq, %arg0, %eq3A_9 : i32
    %convert_element_type3A_11 = arith.extui %eq3A_10 : i1 to i32
    %cond3A_12 = arith.constant 0 : i32
    %cond3A_13 = arith.cmpi ne, %convert_element_type3A_11, %cond3A_12 : i32
    scf.if %cond3A_13 {
      %mul3A_14 = arith.constant 320 : i32
      %mul3A_15 = arith.muli %arg1, %mul3A_14 : i32
      %add3A = arith.constant 0 : i32
      %add3A_16 = arith.addi %mul3A_15, %add3A : i32
      "tpu.region"() ({
        %run_scoped3A = tpu.sem_alloc : memref<!tpu.dma_semaphore, #tpu.memory_space<semaphore_mem>>
        %dma_start3A_58 = arith.constant 0 : i32
        %dma_start3A_59 = tpu.memref_slice %arg13[%add3A_16, %dma_start3A_58] : memref<5120x128xf32, #tpu.memory_space<vmem_shared>> -> memref<64x128xf32, #tpu.memory_space<vmem_shared>>
        %dma_start3A_60 = arith.constant 0 : i32
        %dma_start3A_61 = tpu.memref_slice %arg13[%add3A_16, %dma_start3A_60] : memref<5120x128xf32, #tpu.memory_space<vmem_shared>> -> memref<64x128xf32, #tpu.memory_space<vmem_shared>>
        tpu.enqueue_dma source(%arg12 : memref<64x128xf32, #tpu.memory_space<vmem>>) target(%dma_start3A_61 : memref<64x128xf32, #tpu.memory_space<vmem_shared>>) target_semaphore(%run_scoped3A : memref<!tpu.dma_semaphore, #tpu.memory_space<semaphore_mem>>)
        %dma_wait3A = arith.constant 0 : i32
        %dma_wait3A_62 = tpu.memref_slice %arg13[%add3A_16, %dma_wait3A] : memref<5120x128xf32, #tpu.memory_space<vmem_shared>> -> memref<64x128xf32, #tpu.memory_space<vmem_shared>>
        %dma_wait3A_63 = arith.constant 0 : i32
        %dma_wait3A_64 = tpu.memref_slice %arg13[%add3A_16, %dma_wait3A_63] : memref<5120x128xf32, #tpu.memory_space<vmem_shared>> -> memref<64x128xf32, #tpu.memory_space<vmem_shared>>
        tpu.wait_dma2 semaphore(%run_scoped3A : memref<!tpu.dma_semaphore, #tpu.memory_space<semaphore_mem>>) src(%arg12 : memref<64x128xf32, #tpu.memory_space<vmem>>) dst(%dma_wait3A_64 : memref<64x128xf32, #tpu.memory_space<vmem_shared>>)
        tpu.yield
      }) : () -> ()
      %mul3A_17 = arith.constant 320 : i32
      %mul3A_18 = arith.muli %arg1, %mul3A_17 : i32
      %add3A_19 = arith.constant 64 : i32
      %add3A_20 = arith.addi %mul3A_18, %add3A_19 : i32
      "tpu.region"() ({
        %run_scoped3A = tpu.sem_alloc : memref<!tpu.dma_semaphore, #tpu.memory_space<semaphore_mem>>
        %dma_start3A_58 = arith.constant 0 : i32
        %dma_start3A_59 = tpu.memref_slice %arg13[%add3A_20, %dma_start3A_58] : memref<5120x128xf32, #tpu.memory_space<vmem_shared>> -> memref<64x128xf32, #tpu.memory_space<vmem_shared>>
        %dma_start3A_60 = arith.constant 0 : i32
        %dma_start3A_61 = tpu.memref_slice %arg13[%add3A_20, %dma_start3A_60] : memref<5120x128xf32, #tpu.memory_space<vmem_shared>> -> memref<64x128xf32, #tpu.memory_space<vmem_shared>>
        tpu.enqueue_dma source(%arg12 : memref<64x128xf32, #tpu.memory_space<vmem>>) target(%dma_start3A_61 : memref<64x128xf32, #tpu.memory_space<vmem_shared>>) target_semaphore(%run_scoped3A : memref<!tpu.dma_semaphore, #tpu.memory_space<semaphore_mem>>)
        %dma_wait3A = arith.constant 0 : i32
        %dma_wait3A_62 = tpu.memref_slice %arg13[%add3A_20, %dma_wait3A] : memref<5120x128xf32, #tpu.memory_space<vmem_shared>> -> memref<64x128xf32, #tpu.memory_space<vmem_shared>>
        %dma_wait3A_63 = arith.constant 0 : i32
        %dma_wait3A_64 = tpu.memref_slice %arg13[%add3A_20, %dma_wait3A_63] : memref<5120x128xf32, #tpu.memory_space<vmem_shared>> -> memref<64x128xf32, #tpu.memory_space<vmem_shared>>
        tpu.wait_dma2 semaphore(%run_scoped3A : memref<!tpu.dma_semaphore, #tpu.memory_space<semaphore_mem>>) src(%arg12 : memref<64x128xf32, #tpu.memory_space<vmem>>) dst(%dma_wait3A_64 : memref<64x128xf32, #tpu.memory_space<vmem_shared>>)
        tpu.yield
      }) : () -> ()
      %mul3A_21 = arith.constant 320 : i32
      %mul3A_22 = arith.muli %arg1, %mul3A_21 : i32
      %add3A_23 = arith.constant 128 : i32
      %add3A_24 = arith.addi %mul3A_22, %add3A_23 : i32
      "tpu.region"() ({
        %run_scoped3A = tpu.sem_alloc : memref<!tpu.dma_semaphore, #tpu.memory_space<semaphore_mem>>
        %dma_start3A_58 = arith.constant 0 : i32
        %dma_start3A_59 = tpu.memref_slice %arg13[%add3A_24, %dma_start3A_58] : memref<5120x128xf32, #tpu.memory_space<vmem_shared>> -> memref<64x128xf32, #tpu.memory_space<vmem_shared>>
        %dma_start3A_60 = arith.constant 0 : i32
        %dma_start3A_61 = tpu.memref_slice %arg13[%add3A_24, %dma_start3A_60] : memref<5120x128xf32, #tpu.memory_space<vmem_shared>> -> memref<64x128xf32, #tpu.memory_space<vmem_shared>>
        tpu.enqueue_dma source(%arg12 : memref<64x128xf32, #tpu.memory_space<vmem>>) target(%dma_start3A_61 : memref<64x128xf32, #tpu.memory_space<vmem_shared>>) target_semaphore(%run_scoped3A : memref<!tpu.dma_semaphore, #tpu.memory_space<semaphore_mem>>)
        %dma_wait3A = arith.constant 0 : i32
        %dma_wait3A_62 = tpu.memref_slice %arg13[%add3A_24, %dma_wait3A] : memref<5120x128xf32, #tpu.memory_space<vmem_shared>> -> memref<64x128xf32, #tpu.memory_space<vmem_shared>>
        %dma_wait3A_63 = arith.constant 0 : i32
        %dma_wait3A_64 = tpu.memref_slice %arg13[%add3A_24, %dma_wait3A_63] : memref<5120x128xf32, #tpu.memory_space<vmem_shared>> -> memref<64x128xf32, #tpu.memory_space<vmem_shared>>
        tpu.wait_dma2 semaphore(%run_scoped3A : memref<!tpu.dma_semaphore, #tpu.memory_space<semaphore_mem>>) src(%arg12 : memref<64x128xf32, #tpu.memory_space<vmem>>) dst(%dma_wait3A_64 : memref<64x128xf32, #tpu.memory_space<vmem_shared>>)
        tpu.yield
      }) : () -> ()
      %mul3A_25 = arith.constant 320 : i32
      %mul3A_26 = arith.muli %arg1, %mul3A_25 : i32
      %add3A_27 = arith.constant 192 : i32
      %add3A_28 = arith.addi %mul3A_26, %add3A_27 : i32
      "tpu.region"() ({
        %run_scoped3A = tpu.sem_alloc : memref<!tpu.dma_semaphore, #tpu.memory_space<semaphore_mem>>
        %dma_start3A_58 = arith.constant 0 : i32
        %dma_start3A_59 = tpu.memref_slice %arg13[%add3A_28, %dma_start3A_58] : memref<5120x128xf32, #tpu.memory_space<vmem_shared>> -> memref<64x128xf32, #tpu.memory_space<vmem_shared>>
        %dma_start3A_60 = arith.constant 0 : i32
        %dma_start3A_61 = tpu.memref_slice %arg13[%add3A_28, %dma_start3A_60] : memref<5120x128xf32, #tpu.memory_space<vmem_shared>> -> memref<64x128xf32, #tpu.memory_space<vmem_shared>>
        tpu.enqueue_dma source(%arg12 : memref<64x128xf32, #tpu.memory_space<vmem>>) target(%dma_start3A_61 : memref<64x128xf32, #tpu.memory_space<vmem_shared>>) target_semaphore(%run_scoped3A : memref<!tpu.dma_semaphore, #tpu.memory_space<semaphore_mem>>)
        %dma_wait3A = arith.constant 0 : i32
        %dma_wait3A_62 = tpu.memref_slice %arg13[%add3A_28, %dma_wait3A] : memref<5120x128xf32, #tpu.memory_space<vmem_shared>> -> memref<64x128xf32, #tpu.memory_space<vmem_shared>>
        %dma_wait3A_63 = arith.constant 0 : i32
        %dma_wait3A_64 = tpu.memref_slice %arg13[%add3A_28, %dma_wait3A_63] : memref<5120x128xf32, #tpu.memory_space<vmem_shared>> -> memref<64x128xf32, #tpu.memory_space<vmem_shared>>
        tpu.wait_dma2 semaphore(%run_scoped3A : memref<!tpu.dma_semaphore, #tpu.memory_space<semaphore_mem>>) src(%arg12 : memref<64x128xf32, #tpu.memory_space<vmem>>) dst(%dma_wait3A_64 : memref<64x128xf32, #tpu.memory_space<vmem_shared>>)
        tpu.yield
      }) : () -> ()
      %mul3A_29 = arith.constant 320 : i32
      %mul3A_30 = arith.muli %arg1, %mul3A_29 : i32
      %add3A_31 = arith.constant 256 : i32
      %add3A_32 = arith.addi %mul3A_30, %add3A_31 : i32
      "tpu.region"() ({
        %run_scoped3A = tpu.sem_alloc : memref<!tpu.dma_semaphore, #tpu.memory_space<semaphore_mem>>
        %dma_start3A_58 = arith.constant 0 : i32
        %dma_start3A_59 = tpu.memref_slice %arg13[%add3A_32, %dma_start3A_58] : memref<5120x128xf32, #tpu.memory_space<vmem_shared>> -> memref<64x128xf32, #tpu.memory_space<vmem_shared>>
        %dma_start3A_60 = arith.constant 0 : i32
        %dma_start3A_61 = tpu.memref_slice %arg13[%add3A_32, %dma_start3A_60] : memref<5120x128xf32, #tpu.memory_space<vmem_shared>> -> memref<64x128xf32, #tpu.memory_space<vmem_shared>>
        tpu.enqueue_dma source(%arg12 : memref<64x128xf32, #tpu.memory_space<vmem>>) target(%dma_start3A_61 : memref<64x128xf32, #tpu.memory_space<vmem_shared>>) target_semaphore(%run_scoped3A : memref<!tpu.dma_semaphore, #tpu.memory_space<semaphore_mem>>)
        %dma_wait3A = arith.constant 0 : i32
        %dma_wait3A_62 = tpu.memref_slice %arg13[%add3A_32, %dma_wait3A] : memref<5120x128xf32, #tpu.memory_space<vmem_shared>> -> memref<64x128xf32, #tpu.memory_space<vmem_shared>>
        %dma_wait3A_63 = arith.constant 0 : i32
        %dma_wait3A_64 = tpu.memref_slice %arg13[%add3A_32, %dma_wait3A_63] : memref<5120x128xf32, #tpu.memory_space<vmem_shared>> -> memref<64x128xf32, #tpu.memory_space<vmem_shared>>
        tpu.wait_dma2 semaphore(%run_scoped3A : memref<!tpu.dma_semaphore, #tpu.memory_space<semaphore_mem>>) src(%arg12 : memref<64x128xf32, #tpu.memory_space<vmem>>) dst(%dma_wait3A_64 : memref<64x128xf32, #tpu.memory_space<vmem_shared>>)
        tpu.yield
      }) : () -> ()
      %mul3A_33 = arith.constant 160 : i32
      %mul3A_34 = arith.muli %arg1, %mul3A_33 : i32
      "tpu.region"() ({
        %run_scoped3A = tpu.sem_alloc : memref<!tpu.dma_semaphore, #tpu.memory_space<semaphore_mem>>
        %dma_start3A_58 = arith.constant 0 : i32
        %dma_start3A_59 = tpu.memref_slice %arg5[%mul3A_34, %dma_start3A_58] : memref<2560x128xi32, #tpu.memory_space<hbm>> -> memref<160x128xi32, #tpu.memory_space<hbm>>
        %dma_start3A_60 = arith.constant 0 : i32
        %dma_start3A_61 = tpu.memref_slice %arg5[%mul3A_34, %dma_start3A_60] : memref<2560x128xi32, #tpu.memory_space<hbm>> -> memref<160x128xi32, #tpu.memory_space<hbm>>
        tpu.enqueue_dma source(%dma_start3A_61 : memref<160x128xi32, #tpu.memory_space<hbm>>) target(%arg9 : memref<160x128xi32, #tpu.memory_space<vmem>>) target_semaphore(%run_scoped3A : memref<!tpu.dma_semaphore, #tpu.memory_space<semaphore_mem>>)
        %dma_wait3A = arith.constant 0 : i32
        %dma_wait3A_62 = tpu.memref_slice %arg5[%mul3A_34, %dma_wait3A] : memref<2560x128xi32, #tpu.memory_space<hbm>> -> memref<160x128xi32, #tpu.memory_space<hbm>>
        %dma_wait3A_63 = arith.constant 0 : i32
        %dma_wait3A_64 = tpu.memref_slice %arg5[%mul3A_34, %dma_wait3A_63] : memref<2560x128xi32, #tpu.memory_space<hbm>> -> memref<160x128xi32, #tpu.memory_space<hbm>>
        tpu.wait_dma2 semaphore(%run_scoped3A : memref<!tpu.dma_semaphore, #tpu.memory_space<semaphore_mem>>) src(%dma_wait3A_64 : memref<160x128xi32, #tpu.memory_space<hbm>>) dst(%arg9 : memref<160x128xi32, #tpu.memory_space<vmem>>)
        tpu.yield
      }) : () -> ()
      %scan3A_35 = arith.constant 0 : i32
      %scan3A_36 = arith.constant 0 : i32
      %scan3A_37 = arith.constant 160 : i32
      %scan3A_38 = arith.addi %scan3A_36, %scan3A_37 : i32
      %scan3A_39 = arith.constant 1 : i32
      scf.for %scan3A_58 = %scan3A_36 to %scan3A_38 step %scan3A_39  : i32 {
        %get3A = arith.index_cast %scan3A_58 : i32 to index
        %get3A_59 = arith.constant 0 : index
        %get3A_60 = tpu.vector_load %arg9[%get3A, %get3A_59] {strides = array<i32>} : memref<160x128xi32, #tpu.memory_space<vmem>>, vector<1x16xi32>,
        %get3A_61 = vector.shape_cast %get3A_60 : vector<1x16xi32> to vector<16xi32>
        %sub3A = arith.constant 5000 : i32
        %sub3A_62 = vector.broadcast %sub3A : i32 to vector<16xi32>
        %sub3A_63 = arith.subi %get3A_61, %sub3A_62 : vector<16xi32>
        %ge3A = arith.constant 0 : i32
        %ge3A_64 = vector.broadcast %ge3A : i32 to vector<16xi32>
        %ge3A_65 = arith.cmpi sge, %sub3A_63, %ge3A_64 : vector<16xi32>
        %lt3A = arith.constant 5000 : i32
        %lt3A_66 = vector.broadcast %lt3A : i32 to vector<16xi32>
        %lt3A_67 = arith.cmpi slt, %sub3A_63, %lt3A_66 : vector<16xi32>
        %and3A = arith.andi %ge3A_65, %lt3A_67 : vector<16xi1>
        %and3A_68 = arith.constant 63 : i32
        %and3A_69 = vector.broadcast %and3A_68 : i32 to vector<16xi32>
        %and3A_70 = arith.andi %get3A_61, %and3A_69 : vector<16xi32>
        %add3A_71 = arith.constant 5000 : i32
        %add3A_72 = vector.broadcast %add3A_71 : i32 to vector<16xi32>
        %add3A_73 = arith.addi %add3A_72, %and3A_70 : vector<16xi32>
        %select_n3A = arith.select %and3A, %sub3A_63, %add3A_73 : vector<16xi1>, vector<16xi32>
        %swap3A = arith.index_cast %scan3A_58 : i32 to index
        %swap3A_74 = arith.constant 0 : index
        %swap3A_75 = tpu.vector_load %arg9[%swap3A, %swap3A_74] {strides = array<i32>} : memref<160x128xi32, #tpu.memory_space<vmem>>, vector<1x16xi32>,
        %swap3A_76 = vector.shape_cast %swap3A_75 : vector<1x16xi32> to vector<16xi32>
        %swap3A_77 = vector.shape_cast %select_n3A : vector<16xi32> to vector<1x16xi32>
        tpu.vector_store %arg9[%swap3A, %swap3A_74], %swap3A_77 {strides = array<i32>} : memref<160x128xi32, #tpu.memory_space<vmem>>, vector<1x16xi32>,
        %get3A_78 = arith.index_cast %scan3A_58 : i32 to index
        %get3A_79 = arith.constant 16 : index
        %get3A_80 = tpu.vector_load %arg9[%get3A_78, %get3A_79] {strides = array<i32>} : memref<160x128xi32, #tpu.memory_space<vmem>>, vector<1x16xi32>,
        %get3A_81 = vector.shape_cast %get3A_80 : vector<1x16xi32> to vector<16xi32>
        %sub3A_82 = arith.constant 5000 : i32
        %sub3A_83 = vector.broadcast %sub3A_82 : i32 to vector<16xi32>
        %sub3A_84 = arith.subi %get3A_81, %sub3A_83 : vector<16xi32>
        %ge3A_85 = arith.constant 0 : i32
        %ge3A_86 = vector.broadcast %ge3A_85 : i32 to vector<16xi32>
        %ge3A_87 = arith.cmpi sge, %sub3A_84, %ge3A_86 : vector<16xi32>
        %lt3A_88 = arith.constant 5000 : i32
        %lt3A_89 = vector.broadcast %lt3A_88 : i32 to vector<16xi32>
        %lt3A_90 = arith.cmpi slt, %sub3A_84, %lt3A_89 : vector<16xi32>
        %and3A_91 = arith.andi %ge3A_87, %lt3A_90 : vector<16xi1>
        %and3A_92 = arith.constant 63 : i32
        %and3A_93 = vector.broadcast %and3A_92 : i32 to vector<16xi32>
        %and3A_94 = arith.andi %get3A_81, %and3A_93 : vector<16xi32>
        %add3A_95 = arith.constant 5000 : i32
        %add3A_96 = vector.broadcast %add3A_95 : i32 to vector<16xi32>
        %add3A_97 = arith.addi %add3A_96, %and3A_94 : vector<16xi32>
        %select_n3A_98 = arith.select %and3A_91, %sub3A_84, %add3A_97 : vector<16xi1>, vector<16xi32>
        %swap3A_99 = arith.index_cast %scan3A_58 : i32 to index
        %swap3A_100 = arith.constant 16 : index
        %swap3A_101 = tpu.vector_load %arg9[%swap3A_99, %swap3A_100] {strides = array<i32>} : memref<160x128xi32, #tpu.memory_space<vmem>>, vector<1x16xi32>,
        %swap3A_102 = vector.shape_cast %swap3A_101 : vector<1x16xi32> to vector<16xi32>
        %swap3A_103 = vector.shape_cast %select_n3A_98 : vector<16xi32> to vector<1x16xi32>
        tpu.vector_store %arg9[%swap3A_99, %swap3A_100], %swap3A_103 {strides = array<i32>} : memref<160x128xi32, #tpu.memory_space<vmem>>, vector<1x16xi32>,
        %get3A_104 = arith.index_cast %scan3A_58 : i32 to index
        %get3A_105 = arith.constant 32 : index
        %get3A_106 = tpu.vector_load %arg9[%get3A_104, %get3A_105] {strides = array<i32>} : memref<160x128xi32, #tpu.memory_space<vmem>>, vector<1x16xi32>,
        %get3A_107 = vector.shape_cast %get3A_106 : vector<1x16xi32> to vector<16xi32>
        %sub3A_108 = arith.constant 5000 : i32
        %sub3A_109 = vector.broadcast %sub3A_108 : i32 to vector<16xi32>
        %sub3A_110 = arith.subi %get3A_107, %sub3A_109 : vector<16xi32>
        %ge3A_111 = arith.constant 0 : i32
        %ge3A_112 = vector.broadcast %ge3A_111 : i32 to vector<16xi32>
        %ge3A_113 = arith.cmpi sge, %sub3A_110, %ge3A_112 : vector<16xi32>
        %lt3A_114 = arith.constant 5000 : i32
        %lt3A_115 = vector.broadcast %lt3A_114 : i32 to vector<16xi32>
        %lt3A_116 = arith.cmpi slt, %sub3A_110, %lt3A_115 : vector<16xi32>
        %and3A_117 = arith.andi %ge3A_113, %lt3A_116 : vector<16xi1>
        %and3A_118 = arith.constant 63 : i32
        %and3A_119 = vector.broadcast %and3A_118 : i32 to vector<16xi32>
        %and3A_120 = arith.andi %get3A_107, %and3A_119 : vector<16xi32>
        %add3A_121 = arith.constant 5000 : i32
        %add3A_122 = vector.broadcast %add3A_121 : i32 to vector<16xi32>
        %add3A_123 = arith.addi %add3A_122, %and3A_120 : vector<16xi32>
        %select_n3A_124 = arith.select %and3A_117, %sub3A_110, %add3A_123 : vector<16xi1>, vector<16xi32>
        %swap3A_125 = arith.index_cast %scan3A_58 : i32 to index
        %swap3A_126 = arith.constant 32 : index
        %swap3A_127 = tpu.vector_load %arg9[%swap3A_125, %swap3A_126] {strides = array<i32>} : memref<160x128xi32, #tpu.memory_space<vmem>>, vector<1x16xi32>,
        %swap3A_128 = vector.shape_cast %swap3A_127 : vector<1x16xi32> to vector<16xi32>
        %swap3A_129 = vector.shape_cast %select_n3A_124 : vector<16xi32> to vector<1x16xi32>
        tpu.vector_store %arg9[%swap3A_125, %swap3A_126], %swap3A_129 {strides = array<i32>} : memref<160x128xi32, #tpu.memory_space<vmem>>, vector<1x16xi32>,
        %get3A_130 = arith.index_cast %scan3A_58 : i32 to index
        %get3A_131 = arith.constant 48 : index
        %get3A_132 = tpu.vector_load %arg9[%get3A_130, %get3A_131] {strides = array<i32>} : memref<160x128xi32, #tpu.memory_space<vmem>>, vector<1x16xi32>,
        %get3A_133 = vector.shape_cast %get3A_132 : vector<1x16xi32> to vector<16xi32>
        %sub3A_134 = arith.constant 5000 : i32
        %sub3A_135 = vector.broadcast %sub3A_134 : i32 to vector<16xi32>
        %sub3A_136 = arith.subi %get3A_133, %sub3A_135 : vector<16xi32>
        %ge3A_137 = arith.constant 0 : i32
        %ge3A_138 = vector.broadcast %ge3A_137 : i32 to vector<16xi32>
        %ge3A_139 = arith.cmpi sge, %sub3A_136, %ge3A_138 : vector<16xi32>
        %lt3A_140 = arith.constant 5000 : i32
        %lt3A_141 = vector.broadcast %lt3A_140 : i32 to vector<16xi32>
        %lt3A_142 = arith.cmpi slt, %sub3A_136, %lt3A_141 : vector<16xi32>
        %and3A_143 = arith.andi %ge3A_139, %lt3A_142 : vector<16xi1>
        %and3A_144 = arith.constant 63 : i32
        %and3A_145 = vector.broadcast %and3A_144 : i32 to vector<16xi32>
        %and3A_146 = arith.andi %get3A_133, %and3A_145 : vector<16xi32>
        %add3A_147 = arith.constant 5000 : i32
        %add3A_148 = vector.broadcast %add3A_147 : i32 to vector<16xi32>
        %add3A_149 = arith.addi %add3A_148, %and3A_146 : vector<16xi32>
        %select_n3A_150 = arith.select %and3A_143, %sub3A_136, %add3A_149 : vector<16xi1>, vector<16xi32>
        %swap3A_151 = arith.index_cast %scan3A_58 : i32 to index
        %swap3A_152 = arith.constant 48 : index
        %swap3A_153 = tpu.vector_load %arg9[%swap3A_151, %swap3A_152] {strides = array<i32>} : memref<160x128xi32, #tpu.memory_space<vmem>>, vector<1x16xi32>,
        %swap3A_154 = vector.shape_cast %swap3A_153 : vector<1x16xi32> to vector<16xi32>
        %swap3A_155 = vector.shape_cast %select_n3A_150 : vector<16xi32> to vector<1x16xi32>
        tpu.vector_store %arg9[%swap3A_151, %swap3A_152], %swap3A_155 {strides = array<i32>} : memref<160x128xi32, #tpu.memory_space<vmem>>, vector<1x16xi32>,
        %get3A_156 = arith.index_cast %scan3A_58 : i32 to index
        %get3A_157 = arith.constant 64 : index
        %get3A_158 = tpu.vector_load %arg9[%get3A_156, %get3A_157] {strides = array<i32>} : memref<160x128xi32, #tpu.memory_space<vmem>>, vector<1x16xi32>,
        %get3A_159 = vector.shape_cast %get3A_158 : vector<1x16xi32> to vector<16xi32>
        %sub3A_160 = arith.constant 5000 : i32
        %sub3A_161 = vector.broadcast %sub3A_160 : i32 to vector<16xi32>
        %sub3A_162 = arith.subi %get3A_159, %sub3A_161 : vector<16xi32>
        %ge3A_163 = arith.constant 0 : i32
        %ge3A_164 = vector.broadcast %ge3A_163 : i32 to vector<16xi32>
        %ge3A_165 = arith.cmpi sge, %sub3A_162, %ge3A_164 : vector<16xi32>
        %lt3A_166 = arith.constant 5000 : i32
        %lt3A_167 = vector.broadcast %lt3A_166 : i32 to vector<16xi32>
        %lt3A_168 = arith.cmpi slt, %sub3A_162, %lt3A_167 : vector<16xi32>
        %and3A_169 = arith.andi %ge3A_165, %lt3A_168 : vector<16xi1>
        %and3A_170 = arith.constant 63 : i32
        %and3A_171 = vector.broadcast %and3A_170 : i32 to vector<16xi32>
        %and3A_172 = arith.andi %get3A_159, %and3A_171 : vector<16xi32>
        %add3A_173 = arith.constant 5000 : i32
        %add3A_174 = vector.broadcast %add3A_173 : i32 to vector<16xi32>
        %add3A_175 = arith.addi %add3A_174, %and3A_172 : vector<16xi32>
        %select_n3A_176 = arith.select %and3A_169, %sub3A_162, %add3A_175 : vector<16xi1>, vector<16xi32>
        %swap3A_177 = arith.index_cast %scan3A_58 : i32 to index
        %swap3A_178 = arith.constant 64 : index
        %swap3A_179 = tpu.vector_load %arg9[%swap3A_177, %swap3A_178] {strides = array<i32>} : memref<160x128xi32, #tpu.memory_space<vmem>>, vector<1x16xi32>,
        %swap3A_180 = vector.shape_cast %swap3A_179 : vector<1x16xi32> to vector<16xi32>
        %swap3A_181 = vector.shape_cast %select_n3A_176 : vector<16xi32> to vector<1x16xi32>
        tpu.vector_store %arg9[%swap3A_177, %swap3A_178], %swap3A_181 {strides = array<i32>} : memref<160x128xi32, #tpu.memory_space<vmem>>, vector<1x16xi32>,
        %get3A_182 = arith.index_cast %scan3A_58 : i32 to index
        %get3A_183 = arith.constant 80 : index
        %get3A_184 = tpu.vector_load %arg9[%get3A_182, %get3A_183] {strides = array<i32>} : memref<160x128xi32, #tpu.memory_space<vmem>>, vector<1x16xi32>,
        %get3A_185 = vector.shape_cast %get3A_184 : vector<1x16xi32> to vector<16xi32>
        %sub3A_186 = arith.constant 5000 : i32
        %sub3A_187 = vector.broadcast %sub3A_186 : i32 to vector<16xi32>
        %sub3A_188 = arith.subi %get3A_185, %sub3A_187 : vector<16xi32>
        %ge3A_189 = arith.constant 0 : i32
        %ge3A_190 = vector.broadcast %ge3A_189 : i32 to vector<16xi32>
        %ge3A_191 = arith.cmpi sge, %sub3A_188, %ge3A_190 : vector<16xi32>
        %lt3A_192 = arith.constant 5000 : i32
        %lt3A_193 = vector.broadcast %lt3A_192 : i32 to vector<16xi32>
        %lt3A_194 = arith.cmpi slt, %sub3A_188, %lt3A_193 : vector<16xi32>
        %and3A_195 = arith.andi %ge3A_191, %lt3A_194 : vector<16xi1>
        %and3A_196 = arith.constant 63 : i32
        %and3A_197 = vector.broadcast %and3A_196 : i32 to vector<16xi32>
        %and3A_198 = arith.andi %get3A_185, %and3A_197 : vector<16xi32>
        %add3A_199 = arith.constant 5000 : i32
        %add3A_200 = vector.broadcast %add3A_199 : i32 to vector<16xi32>
        %add3A_201 = arith.addi %add3A_200, %and3A_198 : vector<16xi32>
        %select_n3A_202 = arith.select %and3A_195, %sub3A_188, %add3A_201 : vector<16xi1>, vector<16xi32>
        %swap3A_203 = arith.index_cast %scan3A_58 : i32 to index
        %swap3A_204 = arith.constant 80 : index
        %swap3A_205 = tpu.vector_load %arg9[%swap3A_203, %swap3A_204] {strides = array<i32>} : memref<160x128xi32, #tpu.memory_space<vmem>>, vector<1x16xi32>,
        %swap3A_206 = vector.shape_cast %swap3A_205 : vector<1x16xi32> to vector<16xi32>
        %swap3A_207 = vector.shape_cast %select_n3A_202 : vector<16xi32> to vector<1x16xi32>
        tpu.vector_store %arg9[%swap3A_203, %swap3A_204], %swap3A_207 {strides = array<i32>} : memref<160x128xi32, #tpu.memory_space<vmem>>, vector<1x16xi32>,
        %get3A_208 = arith.index_cast %scan3A_58 : i32 to index
        %get3A_209 = arith.constant 96 : index
        %get3A_210 = tpu.vector_load %arg9[%get3A_208, %get3A_209] {strides = array<i32>} : memref<160x128xi32, #tpu.memory_space<vmem>>, vector<1x16xi32>,
        %get3A_211 = vector.shape_cast %get3A_210 : vector<1x16xi32> to vector<16xi32>
        %sub3A_212 = arith.constant 5000 : i32
        %sub3A_213 = vector.broadcast %sub3A_212 : i32 to vector<16xi32>
        %sub3A_214 = arith.subi %get3A_211, %sub3A_213 : vector<16xi32>
        %ge3A_215 = arith.constant 0 : i32
        %ge3A_216 = vector.broadcast %ge3A_215 : i32 to vector<16xi32>
        %ge3A_217 = arith.cmpi sge, %sub3A_214, %ge3A_216 : vector<16xi32>
        %lt3A_218 = arith.constant 5000 : i32
        %lt3A_219 = vector.broadcast %lt3A_218 : i32 to vector<16xi32>
        %lt3A_220 = arith.cmpi slt, %sub3A_214, %lt3A_219 : vector<16xi32>
        %and3A_221 = arith.andi %ge3A_217, %lt3A_220 : vector<16xi1>
        %and3A_222 = arith.constant 63 : i32
        %and3A_223 = vector.broadcast %and3A_222 : i32 to vector<16xi32>
        %and3A_224 = arith.andi %get3A_211, %and3A_223 : vector<16xi32>
        %add3A_225 = arith.constant 5000 : i32
        %add3A_226 = vector.broadcast %add3A_225 : i32 to vector<16xi32>
        %add3A_227 = arith.addi %add3A_226, %and3A_224 : vector<16xi32>
        %select_n3A_228 = arith.select %and3A_221, %sub3A_214, %add3A_227 : vector<16xi1>, vector<16xi32>
        %swap3A_229 = arith.index_cast %scan3A_58 : i32 to index
        %swap3A_230 = arith.constant 96 : index
        %swap3A_231 = tpu.vector_load %arg9[%swap3A_229, %swap3A_230] {strides = array<i32>} : memref<160x128xi32, #tpu.memory_space<vmem>>, vector<1x16xi32>,
        %swap3A_232 = vector.shape_cast %swap3A_231 : vector<1x16xi32> to vector<16xi32>
        %swap3A_233 = vector.shape_cast %select_n3A_228 : vector<16xi32> to vector<1x16xi32>
        tpu.vector_store %arg9[%swap3A_229, %swap3A_230], %swap3A_233 {strides = array<i32>} : memref<160x128xi32, #tpu.memory_space<vmem>>, vector<1x16xi32>,
        %get3A_234 = arith.index_cast %scan3A_58 : i32 to index
        %get3A_235 = arith.constant 112 : index
        %get3A_236 = tpu.vector_load %arg9[%get3A_234, %get3A_235] {strides = array<i32>} : memref<160x128xi32, #tpu.memory_space<vmem>>, vector<1x16xi32>,
        %get3A_237 = vector.shape_cast %get3A_236 : vector<1x16xi32> to vector<16xi32>
        %sub3A_238 = arith.constant 5000 : i32
        %sub3A_239 = vector.broadcast %sub3A_238 : i32 to vector<16xi32>
        %sub3A_240 = arith.subi %get3A_237, %sub3A_239 : vector<16xi32>
        %ge3A_241 = arith.constant 0 : i32
        %ge3A_242 = vector.broadcast %ge3A_241 : i32 to vector<16xi32>
        %ge3A_243 = arith.cmpi sge, %sub3A_240, %ge3A_242 : vector<16xi32>
        %lt3A_244 = arith.constant 5000 : i32
        %lt3A_245 = vector.broadcast %lt3A_244 : i32 to vector<16xi32>
        %lt3A_246 = arith.cmpi slt, %sub3A_240, %lt3A_245 : vector<16xi32>
        %and3A_247 = arith.andi %ge3A_243, %lt3A_246 : vector<16xi1>
        %and3A_248 = arith.constant 63 : i32
        %and3A_249 = vector.broadcast %and3A_248 : i32 to vector<16xi32>
        %and3A_250 = arith.andi %get3A_237, %and3A_249 : vector<16xi32>
        %add3A_251 = arith.constant 5000 : i32
        %add3A_252 = vector.broadcast %add3A_251 : i32 to vector<16xi32>
        %add3A_253 = arith.addi %add3A_252, %and3A_250 : vector<16xi32>
        %select_n3A_254 = arith.select %and3A_247, %sub3A_240, %add3A_253 : vector<16xi1>, vector<16xi32>
        %swap3A_255 = arith.index_cast %scan3A_58 : i32 to index
        %swap3A_256 = arith.constant 112 : index
        %swap3A_257 = tpu.vector_load %arg9[%swap3A_255, %swap3A_256] {strides = array<i32>} : memref<160x128xi32, #tpu.memory_space<vmem>>, vector<1x16xi32>,
        %swap3A_258 = vector.shape_cast %swap3A_257 : vector<1x16xi32> to vector<16xi32>
        %swap3A_259 = vector.shape_cast %select_n3A_254 : vector<16xi32> to vector<1x16xi32>
        tpu.vector_store %arg9[%swap3A_255, %swap3A_256], %swap3A_259 {strides = array<i32>} : memref<160x128xi32, #tpu.memory_space<vmem>>, vector<1x16xi32>,
      }
      %scan3A_40 = arith.constant 160 : i32
      %barrier3A = arith.constant 0 : index
      tpu.barrier barrier_id(%barrier3A)
      %dma_start3A = arith.constant 0 : i32
      %dma_start3A_41 = arith.constant 0 : i32
      %dma_start3A_42 = tpu.memref_slice %arg8[%dma_start3A, %dma_start3A_41] : memref<160x128xi32, #tpu.memory_space<vmem>> -> memref<1x128xi32, #tpu.memory_space<vmem>>
      %dma_start3A_43 = tpu.memref_squeeze %dma_start3A_42 : memref<1x128xi32, #tpu.memory_space<vmem>> -> memref<128xi32, #tpu.memory_space<vmem>>
      %dma_start3A_44 = arith.constant 0 : i32
      %dma_start3A_45 = arith.constant 0 : i32
      %dma_start3A_46 = tpu.memref_slice %arg3[%dma_start3A_44, %dma_start3A_45] : memref<10000x128xf32, #tpu.memory_space<hbm>> -> memref<10000x128xf32, #tpu.memory_space<hbm>>
      tpu.enqueue_indirect_dma source(%dma_start3A_46 : memref<10000x128xf32, #tpu.memory_space<hbm>>) target(%arg10 : memref<128x128xf32, #tpu.memory_space<vmem>>) offsets(%dma_start3A_43 : memref<128xi32, #tpu.memory_space<vmem>>) semaphore(%arg14 : memref<!tpu.dma_semaphore, #tpu.memory_space<semaphore_mem>>)
      %scan3A_47 = arith.constant 0 : i32
      %scan3A_48 = arith.constant 0 : i32
      %scan3A_49 = arith.constant 80 : i32
      %scan3A_50 = arith.addi %scan3A_48, %scan3A_49 : i32
      %scan3A_51 = arith.constant 1 : i32
      scf.for %scan3A_58 = %scan3A_48 to %scan3A_50 step %scan3A_51  : i32 {
        %mul3A_59 = arith.constant 2 : i32
        %mul3A_60 = arith.muli %mul3A_59, %scan3A_58 : i32
        %add3A_61 = arith.constant 0 : i32
        %add3A_62 = arith.addi %add3A_61, %mul3A_60 : i32
        %add3A_63 = arith.constant 1 : i32
        %add3A_64 = arith.addi %add3A_62, %add3A_63 : i32
        %dma_start3A_65 = arith.constant 0 : i32
        %dma_start3A_66 = tpu.memref_slice %arg8[%add3A_64, %dma_start3A_65] : memref<160x128xi32, #tpu.memory_space<vmem>> -> memref<1x128xi32, #tpu.memory_space<vmem>>
        %dma_start3A_67 = tpu.memref_squeeze %dma_start3A_66 : memref<1x128xi32, #tpu.memory_space<vmem>> -> memref<128xi32, #tpu.memory_space<vmem>>
        %dma_start3A_68 = arith.constant 0 : i32
        %dma_start3A_69 = arith.constant 0 : i32
        %dma_start3A_70 = tpu.memref_slice %arg3[%dma_start3A_68, %dma_start3A_69] : memref<10000x128xf32, #tpu.memory_space<hbm>> -> memref<10000x128xf32, #tpu.memory_space<hbm>>
        tpu.enqueue_indirect_dma source(%dma_start3A_70 : memref<10000x128xf32, #tpu.memory_space<hbm>>) target(%arg11 : memref<128x128xf32, #tpu.memory_space<vmem>>) offsets(%dma_start3A_67 : memref<128xi32, #tpu.memory_space<vmem>>) semaphore(%arg15 : memref<!tpu.dma_semaphore, #tpu.memory_space<semaphore_mem>>)
        %dma_wait3A = arith.constant 0 : i32
        %dma_wait3A_71 = arith.constant 0 : i32
        %dma_wait3A_72 = tpu.memref_slice %arg8[%dma_wait3A, %dma_wait3A_71] : memref<160x128xi32, #tpu.memory_space<vmem>> -> memref<1x128xi32, #tpu.memory_space<vmem>>
        %dma_wait3A_73 = tpu.memref_squeeze %dma_wait3A_72 : memref<1x128xi32, #tpu.memory_space<vmem>> -> memref<128xi32, #tpu.memory_space<vmem>>
        %dma_wait3A_74 = arith.constant 0 : i32
        %dma_wait3A_75 = arith.constant 0 : i32
        %dma_wait3A_76 = tpu.memref_slice %arg3[%dma_wait3A_74, %dma_wait3A_75] : memref<10000x128xf32, #tpu.memory_space<hbm>> -> memref<10000x128xf32, #tpu.memory_space<hbm>>
        tpu.wait_indirect_dma semaphore(%arg14 : memref<!tpu.dma_semaphore, #tpu.memory_space<semaphore_mem>>) src(%dma_wait3A_76 : memref<10000x128xf32, #tpu.memory_space<hbm>>) dst(%arg10 : memref<128x128xf32, #tpu.memory_space<vmem>>)
        "tpu.region"() ({
          %run_scoped3A = tpu.sem_alloc : memref<!tpu.dma_semaphore, #tpu.memory_space<semaphore_mem>>
          %dma_start3A_90 = arith.constant 0 : i32
          %dma_start3A_91 = tpu.memref_slice %arg9[%add3A_62, %dma_start3A_90] : memref<160x128xi32, #tpu.memory_space<vmem>> -> memref<1x128xi32, #tpu.memory_space<vmem>>
          %dma_start3A_92 = tpu.memref_squeeze %dma_start3A_91 : memref<1x128xi32, #tpu.memory_space<vmem>> -> memref<128xi32, #tpu.memory_space<vmem>>
          %dma_start3A_93 = arith.constant 0 : i32
          %dma_start3A_94 = arith.constant 0 : i32
          %dma_start3A_95 = tpu.memref_slice %arg13[%dma_start3A_93, %dma_start3A_94] : memref<5120x128xf32, #tpu.memory_space<vmem_shared>> -> memref<5120x128xf32, #tpu.memory_space<vmem_shared>>
          tpu.enqueue_indirect_dma source(%arg10 : memref<128x128xf32, #tpu.memory_space<vmem>>) target(%dma_start3A_95 : memref<5120x128xf32, #tpu.memory_space<vmem_shared>>) offsets(%dma_start3A_92 : memref<128xi32, #tpu.memory_space<vmem>>) semaphore(%run_scoped3A : memref<!tpu.dma_semaphore, #tpu.memory_space<semaphore_mem>>) {add = true}
          %dma_wait3A_96 = arith.constant 0 : i32
          %dma_wait3A_97 = tpu.memref_slice %arg9[%add3A_62, %dma_wait3A_96] : memref<160x128xi32, #tpu.memory_space<vmem>> -> memref<1x128xi32, #tpu.memory_space<vmem>>
          %dma_wait3A_98 = tpu.memref_squeeze %dma_wait3A_97 : memref<1x128xi32, #tpu.memory_space<vmem>> -> memref<128xi32, #tpu.memory_space<vmem>>
          %dma_wait3A_99 = arith.constant 0 : i32
          %dma_wait3A_100 = arith.constant 0 : i32
          %dma_wait3A_101 = tpu.memref_slice %arg13[%dma_wait3A_99, %dma_wait3A_100] : memref<5120x128xf32, #tpu.memory_space<vmem_shared>> -> memref<5120x128xf32, #tpu.memory_space<vmem_shared>>
          tpu.wait_indirect_dma semaphore(%run_scoped3A : memref<!tpu.dma_semaphore, #tpu.memory_space<semaphore_mem>>) src(%arg10 : memref<128x128xf32, #tpu.memory_space<vmem>>) dst(%dma_wait3A_101 : memref<5120x128xf32, #tpu.memory_space<vmem_shared>>)
          tpu.yield
        }) : () -> ()
        %lt3A = arith.constant 79 : i32
        %lt3A_77 = arith.cmpi slt, %scan3A_58, %lt3A : i32
        %convert_element_type3A_78 = arith.extui %lt3A_77 : i1 to i32
        %cond3A_79 = arith.constant 0 : i32
        %cond3A_80 = arith.cmpi ne, %convert_element_type3A_78, %cond3A_79 : i32
        scf.if %cond3A_80 {
          %add3A_90 = arith.constant 2 : i32
          %add3A_91 = arith.addi %add3A_62, %add3A_90 : i32
          %dma_start3A_92 = arith.constant 0 : i32
          %dma_start3A_93 = tpu.memref_slice %arg8[%add3A_91, %dma_start3A_92] : memref<160x128xi32, #tpu.memory_space<vmem>> -> memref<1x128xi32, #tpu.memory_space<vmem>>
          %dma_start3A_94 = tpu.memref_squeeze %dma_start3A_93 : memref<1x128xi32, #tpu.memory_space<vmem>> -> memref<128xi32, #tpu.memory_space<vmem>>
          %dma_start3A_95 = arith.constant 0 : i32
          %dma_start3A_96 = arith.constant 0 : i32
          %dma_start3A_97 = tpu.memref_slice %arg3[%dma_start3A_95, %dma_start3A_96] : memref<10000x128xf32, #tpu.memory_space<hbm>> -> memref<10000x128xf32, #tpu.memory_space<hbm>>
          tpu.enqueue_indirect_dma source(%dma_start3A_97 : memref<10000x128xf32, #tpu.memory_space<hbm>>) target(%arg10 : memref<128x128xf32, #tpu.memory_space<vmem>>) offsets(%dma_start3A_94 : memref<128xi32, #tpu.memory_space<vmem>>) semaphore(%arg14 : memref<!tpu.dma_semaphore, #tpu.memory_space<semaphore_mem>>)
        } else {
        }
        %dma_wait3A_81 = arith.constant 0 : i32
        %dma_wait3A_82 = arith.constant 0 : i32
        %dma_wait3A_83 = tpu.memref_slice %arg8[%dma_wait3A_81, %dma_wait3A_82] : memref<160x128xi32, #tpu.memory_space<vmem>> -> memref<1x128xi32, #tpu.memory_space<vmem>>
        %dma_wait3A_84 = tpu.memref_squeeze %dma_wait3A_83 : memref<1x128xi32, #tpu.memory_space<vmem>> -> memref<128xi32, #tpu.memory_space<vmem>>
        %dma_wait3A_85 = arith.constant 0 : i32
        %dma_wait3A_86 = arith.constant 0 : i32
        %dma_wait3A_87 = tpu.memref_slice %arg3[%dma_wait3A_85, %dma_wait3A_86] : memref<10000x128xf32, #tpu.memory_space<hbm>> -> memref<10000x128xf32, #tpu.memory_space<hbm>>
        tpu.wait_indirect_dma semaphore(%arg15 : memref<!tpu.dma_semaphore, #tpu.memory_space<semaphore_mem>>) src(%dma_wait3A_87 : memref<10000x128xf32, #tpu.memory_space<hbm>>) dst(%arg11 : memref<128x128xf32, #tpu.memory_space<vmem>>)
        %add3A_88 = arith.constant 1 : i32
        %add3A_89 = arith.addi %add3A_62, %add3A_88 : i32
        "tpu.region"() ({
          %run_scoped3A = tpu.sem_alloc : memref<!tpu.dma_semaphore, #tpu.memory_space<semaphore_mem>>
          %dma_start3A_90 = arith.constant 0 : i32
          %dma_start3A_91 = tpu.memref_slice %arg9[%add3A_89, %dma_start3A_90] : memref<160x128xi32, #tpu.memory_space<vmem>> -> memref<1x128xi32, #tpu.memory_space<vmem>>
          %dma_start3A_92 = tpu.memref_squeeze %dma_start3A_91 : memref<1x128xi32, #tpu.memory_space<vmem>> -> memref<128xi32, #tpu.memory_space<vmem>>
          %dma_start3A_93 = arith.constant 0 : i32
          %dma_start3A_94 = arith.constant 0 : i32
          %dma_start3A_95 = tpu.memref_slice %arg13[%dma_start3A_93, %dma_start3A_94] : memref<5120x128xf32, #tpu.memory_space<vmem_shared>> -> memref<5120x128xf32, #tpu.memory_space<vmem_shared>>
          tpu.enqueue_indirect_dma source(%arg11 : memref<128x128xf32, #tpu.memory_space<vmem>>) target(%dma_start3A_95 : memref<5120x128xf32, #tpu.memory_space<vmem_shared>>) offsets(%dma_start3A_92 : memref<128xi32, #tpu.memory_space<vmem>>) semaphore(%run_scoped3A : memref<!tpu.dma_semaphore, #tpu.memory_space<semaphore_mem>>) {add = true}
          %dma_wait3A_96 = arith.constant 0 : i32
          %dma_wait3A_97 = tpu.memref_slice %arg9[%add3A_89, %dma_wait3A_96] : memref<160x128xi32, #tpu.memory_space<vmem>> -> memref<1x128xi32, #tpu.memory_space<vmem>>
          %dma_wait3A_98 = tpu.memref_squeeze %dma_wait3A_97 : memref<1x128xi32, #tpu.memory_space<vmem>> -> memref<128xi32, #tpu.memory_space<vmem>>
          %dma_wait3A_99 = arith.constant 0 : i32
          %dma_wait3A_100 = arith.constant 0 : i32
          %dma_wait3A_101 = tpu.memref_slice %arg13[%dma_wait3A_99, %dma_wait3A_100] : memref<5120x128xf32, #tpu.memory_space<vmem_shared>> -> memref<5120x128xf32, #tpu.memory_space<vmem_shared>>
          tpu.wait_indirect_dma semaphore(%run_scoped3A : memref<!tpu.dma_semaphore, #tpu.memory_space<semaphore_mem>>) src(%arg11 : memref<128x128xf32, #tpu.memory_space<vmem>>) dst(%dma_wait3A_101 : memref<5120x128xf32, #tpu.memory_space<vmem_shared>>)
          tpu.yield
        }) : () -> ()
      }
      %scan3A_52 = arith.constant 80 : i32
      %barrier3A_53 = arith.constant 0 : index
      tpu.barrier barrier_id(%barrier3A_53)
      %mul3A_54 = arith.constant 320 : i32
      %mul3A_55 = arith.muli %arg1, %mul3A_54 : i32
      %mul3A_56 = arith.constant 320 : i32
      %mul3A_57 = arith.muli %arg1, %mul3A_56 : i32
      "tpu.region"() ({
        %run_scoped3A = tpu.sem_alloc : memref<!tpu.dma_semaphore, #tpu.memory_space<semaphore_mem>>
        %dma_start3A_58 = arith.constant 0 : i32
        %dma_start3A_59 = tpu.memref_slice %arg7[%mul3A_57, %dma_start3A_58] : memref<5120x128xf32, #tpu.memory_space<hbm>> -> memref<320x128xf32, #tpu.memory_space<hbm>>
        %dma_start3A_60 = arith.constant 0 : i32
        %dma_start3A_61 = tpu.memref_slice %arg13[%mul3A_55, %dma_start3A_60] : memref<5120x128xf32, #tpu.memory_space<vmem_shared>> -> memref<320x128xf32, #tpu.memory_space<vmem_shared>>
        tpu.enqueue_dma source(%dma_start3A_61 : memref<320x128xf32, #tpu.memory_space<vmem_shared>>) target(%dma_start3A_59 : memref<320x128xf32, #tpu.memory_space<hbm>>) target_semaphore(%run_scoped3A : memref<!tpu.dma_semaphore, #tpu.memory_space<semaphore_mem>>)
        %dma_wait3A = arith.constant 0 : i32
        %dma_wait3A_62 = tpu.memref_slice %arg7[%mul3A_57, %dma_wait3A] : memref<5120x128xf32, #tpu.memory_space<hbm>> -> memref<320x128xf32, #tpu.memory_space<hbm>>
        %dma_wait3A_63 = arith.constant 0 : i32
        %dma_wait3A_64 = tpu.memref_slice %arg13[%mul3A_55, %dma_wait3A_63] : memref<5120x128xf32, #tpu.memory_space<vmem_shared>> -> memref<320x128xf32, #tpu.memory_space<vmem_shared>>
        tpu.wait_dma2 semaphore(%run_scoped3A : memref<!tpu.dma_semaphore, #tpu.memory_space<semaphore_mem>>) src(%dma_wait3A_64 : memref<320x128xf32, #tpu.memory_space<vmem_shared>>) dst(%dma_wait3A_62 : memref<320x128xf32, #tpu.memory_space<hbm>>)
        tpu.yield
      }) : () -> ()
    } else {
    }
    return
  }
}

#map = affine_map<(d0, d1) -> (0, 0)>
module attributes {stable_mosaic.version = 14 : i64} {
  func.func @scatter_kernel(%arg0: i32, %arg1: i32, %arg2: memref<10000x128xf32, #tpu.memory_space<hbm>>, %arg3: memref<10000x128xf32, #tpu.memory_space<hbm>>, %arg4: memref<2560x128xi32, #tpu.memory_space<hbm>>, %arg5: memref<2560x128xi32, #tpu.memory_space<hbm>>, %arg6: memref<5120x128xf32, #tpu.memory_space<hbm>>, %arg7: memref<5120x128xf32, #tpu.memory_space<hbm>>, %arg8: memref<5120x128xf32, #tpu.memory_space<hbm>>, %arg9: memref<5120x128xf32, #tpu.memory_space<hbm>>, %arg10: memref<160x128xi32, #tpu.memory_space<vmem>>, %arg11: memref<160x128xi32, #tpu.memory_space<vmem>>, %arg12: memref<128x128xf32, #tpu.memory_space<vmem>>, %arg13: memref<128x128xf32, #tpu.memory_space<vmem>>, %arg14: memref<64x128xf32, #tpu.memory_space<vmem>>, %arg15: memref<5120x128xf32, #tpu.memory_space<vmem_shared>>, %arg16: memref<!tpu.dma_semaphore, #tpu.memory_space<semaphore_mem>>, %arg17: memref<!tpu.dma_semaphore, #tpu.memory_space<semaphore_mem>>) attributes {dimension_semantics = [#tpu.dimension_semantics<core_parallel>, #tpu.dimension_semantics<subcore_parallel>], iteration_bounds = array<i64: 2, 16>, scalar_prefetch = 0 : i64, scratch_operands = 8 : i64, tpu.core_type = #tpu.core_type<sc_vector_subcore>, window_params = [{transform_indices = #map}, {transform_indices = #map}, {transform_indices = #map}, {transform_indices = #map}, {transform_indices = #map}, {transform_indices = #map}, {transform_indices = #map}, {transform_indices = #map}]} {
    %broadcast_in_dim3A = arith.constant 0.000000e+00 : f32
    %broadcast_in_dim3A_0 = vector.broadcast %broadcast_in_dim3A : f32 to vector<16xf32>
    %scan3A = arith.constant 0 : i32
    %scan3A_1 = arith.constant 0 : i32
    %scan3A_2 = arith.constant 64 : i32
    %scan3A_3 = arith.addi %scan3A_1, %scan3A_2 : i32
    %scan3A_4 = arith.constant 1 : i32
    scf.for %scan3A_14 = %scan3A_1 to %scan3A_3 step %scan3A_4  : i32 {
      %swap3A = arith.index_cast %scan3A_14 : i32 to index
      %swap3A_15 = arith.constant 0 : index
      %swap3A_16 = tpu.vector_load %arg14[%swap3A, %swap3A_15] {strides = array<i32>} : memref<64x128xf32, #tpu.memory_space<vmem>>, vector<1x16xf32>,
      %swap3A_17 = vector.shape_cast %swap3A_16 : vector<1x16xf32> to vector<16xf32>
      %swap3A_18 = vector.shape_cast %broadcast_in_dim3A_0 : vector<16xf32> to vector<1x16xf32>
      tpu.vector_store %arg14[%swap3A, %swap3A_15], %swap3A_18 {strides = array<i32>} : memref<64x128xf32, #tpu.memory_space<vmem>>, vector<1x16xf32>,
      %swap3A_19 = arith.index_cast %scan3A_14 : i32 to index
      %swap3A_20 = arith.constant 16 : index
      %swap3A_21 = tpu.vector_load %arg14[%swap3A_19, %swap3A_20] {strides = array<i32>} : memref<64x128xf32, #tpu.memory_space<vmem>>, vector<1x16xf32>,
      %swap3A_22 = vector.shape_cast %swap3A_21 : vector<1x16xf32> to vector<16xf32>
      %swap3A_23 = vector.shape_cast %broadcast_in_dim3A_0 : vector<16xf32> to vector<1x16xf32>
      tpu.vector_store %arg14[%swap3A_19, %swap3A_20], %swap3A_23 {strides = array<i32>} : memref<64x128xf32, #tpu.memory_space<vmem>>, vector<1x16xf32>,
      %swap3A_24 = arith.index_cast %scan3A_14 : i32 to index
      %swap3A_25 = arith.constant 32 : index
      %swap3A_26 = tpu.vector_load %arg14[%swap3A_24, %swap3A_25] {strides = array<i32>} : memref<64x128xf32, #tpu.memory_space<vmem>>, vector<1x16xf32>,
      %swap3A_27 = vector.shape_cast %swap3A_26 : vector<1x16xf32> to vector<16xf32>
      %swap3A_28 = vector.shape_cast %broadcast_in_dim3A_0 : vector<16xf32> to vector<1x16xf32>
      tpu.vector_store %arg14[%swap3A_24, %swap3A_25], %swap3A_28 {strides = array<i32>} : memref<64x128xf32, #tpu.memory_space<vmem>>, vector<1x16xf32>,
      %swap3A_29 = arith.index_cast %scan3A_14 : i32 to index
      %swap3A_30 = arith.constant 48 : index
      %swap3A_31 = tpu.vector_load %arg14[%swap3A_29, %swap3A_30] {strides = array<i32>} : memref<64x128xf32, #tpu.memory_space<vmem>>, vector<1x16xf32>,
      %swap3A_32 = vector.shape_cast %swap3A_31 : vector<1x16xf32> to vector<16xf32>
      %swap3A_33 = vector.shape_cast %broadcast_in_dim3A_0 : vector<16xf32> to vector<1x16xf32>
      tpu.vector_store %arg14[%swap3A_29, %swap3A_30], %swap3A_33 {strides = array<i32>} : memref<64x128xf32, #tpu.memory_space<vmem>>, vector<1x16xf32>,
      %swap3A_34 = arith.index_cast %scan3A_14 : i32 to index
      %swap3A_35 = arith.constant 64 : index
      %swap3A_36 = tpu.vector_load %arg14[%swap3A_34, %swap3A_35] {strides = array<i32>} : memref<64x128xf32, #tpu.memory_space<vmem>>, vector<1x16xf32>,
      %swap3A_37 = vector.shape_cast %swap3A_36 : vector<1x16xf32> to vector<16xf32>
      %swap3A_38 = vector.shape_cast %broadcast_in_dim3A_0 : vector<16xf32> to vector<1x16xf32>
      tpu.vector_store %arg14[%swap3A_34, %swap3A_35], %swap3A_38 {strides = array<i32>} : memref<64x128xf32, #tpu.memory_space<vmem>>, vector<1x16xf32>,
      %swap3A_39 = arith.index_cast %scan3A_14 : i32 to index
      %swap3A_40 = arith.constant 80 : index
      %swap3A_41 = tpu.vector_load %arg14[%swap3A_39, %swap3A_40] {strides = array<i32>} : memref<64x128xf32, #tpu.memory_space<vmem>>, vector<1x16xf32>,
      %swap3A_42 = vector.shape_cast %swap3A_41 : vector<1x16xf32> to vector<16xf32>
      %swap3A_43 = vector.shape_cast %broadcast_in_dim3A_0 : vector<16xf32> to vector<1x16xf32>
      tpu.vector_store %arg14[%swap3A_39, %swap3A_40], %swap3A_43 {strides = array<i32>} : memref<64x128xf32, #tpu.memory_space<vmem>>, vector<1x16xf32>,
      %swap3A_44 = arith.index_cast %scan3A_14 : i32 to index
      %swap3A_45 = arith.constant 96 : index
      %swap3A_46 = tpu.vector_load %arg14[%swap3A_44, %swap3A_45] {strides = array<i32>} : memref<64x128xf32, #tpu.memory_space<vmem>>, vector<1x16xf32>,
      %swap3A_47 = vector.shape_cast %swap3A_46 : vector<1x16xf32> to vector<16xf32>
      %swap3A_48 = vector.shape_cast %broadcast_in_dim3A_0 : vector<16xf32> to vector<1x16xf32>
      tpu.vector_store %arg14[%swap3A_44, %swap3A_45], %swap3A_48 {strides = array<i32>} : memref<64x128xf32, #tpu.memory_space<vmem>>, vector<1x16xf32>,
      %swap3A_49 = arith.index_cast %scan3A_14 : i32 to index
      %swap3A_50 = arith.constant 112 : index
      %swap3A_51 = tpu.vector_load %arg14[%swap3A_49, %swap3A_50] {strides = array<i32>} : memref<64x128xf32, #tpu.memory_space<vmem>>, vector<1x16xf32>,
      %swap3A_52 = vector.shape_cast %swap3A_51 : vector<1x16xf32> to vector<16xf32>
      %swap3A_53 = vector.shape_cast %broadcast_in_dim3A_0 : vector<16xf32> to vector<1x16xf32>
      tpu.vector_store %arg14[%swap3A_49, %swap3A_50], %swap3A_53 {strides = array<i32>} : memref<64x128xf32, #tpu.memory_space<vmem>>, vector<1x16xf32>,
    }
    %scan3A_5 = arith.constant 64 : i32
    %mul3A = arith.constant 160 : i32
    %mul3A_6 = arith.muli %arg1, %mul3A : i32
    "tpu.region"() ({
      %run_scoped3A = tpu.sem_alloc : memref<!tpu.dma_semaphore, #tpu.memory_space<semaphore_mem>>
      %dma_start3A = arith.constant 0 : i32
      %dma_start3A_14 = tpu.memref_slice %arg4[%mul3A_6, %dma_start3A] : memref<2560x128xi32, #tpu.memory_space<hbm>> -> memref<160x128xi32, #tpu.memory_space<hbm>>
      %dma_start3A_15 = arith.constant 0 : i32
      %dma_start3A_16 = tpu.memref_slice %arg4[%mul3A_6, %dma_start3A_15] : memref<2560x128xi32, #tpu.memory_space<hbm>> -> memref<160x128xi32, #tpu.memory_space<hbm>>
      tpu.enqueue_dma source(%dma_start3A_16 : memref<160x128xi32, #tpu.memory_space<hbm>>) target(%arg10 : memref<160x128xi32, #tpu.memory_space<vmem>>) target_semaphore(%run_scoped3A : memref<!tpu.dma_semaphore, #tpu.memory_space<semaphore_mem>>)
      %dma_wait3A = arith.constant 0 : i32
      %dma_wait3A_17 = tpu.memref_slice %arg4[%mul3A_6, %dma_wait3A] : memref<2560x128xi32, #tpu.memory_space<hbm>> -> memref<160x128xi32, #tpu.memory_space<hbm>>
      %dma_wait3A_18 = arith.constant 0 : i32
      %dma_wait3A_19 = tpu.memref_slice %arg4[%mul3A_6, %dma_wait3A_18] : memref<2560x128xi32, #tpu.memory_space<hbm>> -> memref<160x128xi32, #tpu.memory_space<hbm>>
      tpu.wait_dma2 semaphore(%run_scoped3A : memref<!tpu.dma_semaphore, #tpu.memory_space<semaphore_mem>>) src(%dma_wait3A_19 : memref<160x128xi32, #tpu.memory_space<hbm>>) dst(%arg10 : memref<160x128xi32, #tpu.memory_space<vmem>>)
      tpu.yield
    }) : () -> ()
    %eq3A = arith.constant 0 : i32
    %eq3A_7 = arith.cmpi eq, %arg0, %eq3A : i32
    %convert_element_type3A = arith.extui %eq3A_7 : i1 to i32
    %cond3A = arith.constant 0 : i32
    %cond3A_8 = arith.cmpi ne, %convert_element_type3A, %cond3A : i32
    scf.if %cond3A_8 {
      %mul3A_14 = arith.constant 320 : i32
      %mul3A_15 = arith.muli %arg1, %mul3A_14 : i32
      %add3A = arith.constant 0 : i32
      %add3A_16 = arith.addi %mul3A_15, %add3A : i32
      "tpu.region"() ({
        %run_scoped3A = tpu.sem_alloc : memref<!tpu.dma_semaphore, #tpu.memory_space<semaphore_mem>>
        %dma_start3A_105 = arith.constant 0 : i32
        %dma_start3A_106 = tpu.memref_slice %arg15[%add3A_16, %dma_start3A_105] : memref<5120x128xf32, #tpu.memory_space<vmem_shared>> -> memref<64x128xf32, #tpu.memory_space<vmem_shared>>
        %dma_start3A_107 = arith.constant 0 : i32
        %dma_start3A_108 = tpu.memref_slice %arg15[%add3A_16, %dma_start3A_107] : memref<5120x128xf32, #tpu.memory_space<vmem_shared>> -> memref<64x128xf32, #tpu.memory_space<vmem_shared>>
        tpu.enqueue_dma source(%arg14 : memref<64x128xf32, #tpu.memory_space<vmem>>) target(%dma_start3A_108 : memref<64x128xf32, #tpu.memory_space<vmem_shared>>) target_semaphore(%run_scoped3A : memref<!tpu.dma_semaphore, #tpu.memory_space<semaphore_mem>>)
        %dma_wait3A = arith.constant 0 : i32
        %dma_wait3A_109 = tpu.memref_slice %arg15[%add3A_16, %dma_wait3A] : memref<5120x128xf32, #tpu.memory_space<vmem_shared>> -> memref<64x128xf32, #tpu.memory_space<vmem_shared>>
        %dma_wait3A_110 = arith.constant 0 : i32
        %dma_wait3A_111 = tpu.memref_slice %arg15[%add3A_16, %dma_wait3A_110] : memref<5120x128xf32, #tpu.memory_space<vmem_shared>> -> memref<64x128xf32, #tpu.memory_space<vmem_shared>>
        tpu.wait_dma2 semaphore(%run_scoped3A : memref<!tpu.dma_semaphore, #tpu.memory_space<semaphore_mem>>) src(%arg14 : memref<64x128xf32, #tpu.memory_space<vmem>>) dst(%dma_wait3A_111 : memref<64x128xf32, #tpu.memory_space<vmem_shared>>)
        tpu.yield
      }) : () -> ()
      %mul3A_17 = arith.constant 320 : i32
      %mul3A_18 = arith.muli %arg1, %mul3A_17 : i32
      %add3A_19 = arith.constant 64 : i32
      %add3A_20 = arith.addi %mul3A_18, %add3A_19 : i32
      "tpu.region"() ({
        %run_scoped3A = tpu.sem_alloc : memref<!tpu.dma_semaphore, #tpu.memory_space<semaphore_mem>>
        %dma_start3A_105 = arith.constant 0 : i32
        %dma_start3A_106 = tpu.memref_slice %arg15[%add3A_20, %dma_start3A_105] : memref<5120x128xf32, #tpu.memory_space<vmem_shared>> -> memref<64x128xf32, #tpu.memory_space<vmem_shared>>
        %dma_start3A_107 = arith.constant 0 : i32
        %dma_start3A_108 = tpu.memref_slice %arg15[%add3A_20, %dma_start3A_107] : memref<5120x128xf32, #tpu.memory_space<vmem_shared>> -> memref<64x128xf32, #tpu.memory_space<vmem_shared>>
        tpu.enqueue_dma source(%arg14 : memref<64x128xf32, #tpu.memory_space<vmem>>) target(%dma_start3A_108 : memref<64x128xf32, #tpu.memory_space<vmem_shared>>) target_semaphore(%run_scoped3A : memref<!tpu.dma_semaphore, #tpu.memory_space<semaphore_mem>>)
        %dma_wait3A = arith.constant 0 : i32
        %dma_wait3A_109 = tpu.memref_slice %arg15[%add3A_20, %dma_wait3A] : memref<5120x128xf32, #tpu.memory_space<vmem_shared>> -> memref<64x128xf32, #tpu.memory_space<vmem_shared>>
        %dma_wait3A_110 = arith.constant 0 : i32
        %dma_wait3A_111 = tpu.memref_slice %arg15[%add3A_20, %dma_wait3A_110] : memref<5120x128xf32, #tpu.memory_space<vmem_shared>> -> memref<64x128xf32, #tpu.memory_space<vmem_shared>>
        tpu.wait_dma2 semaphore(%run_scoped3A : memref<!tpu.dma_semaphore, #tpu.memory_space<semaphore_mem>>) src(%arg14 : memref<64x128xf32, #tpu.memory_space<vmem>>) dst(%dma_wait3A_111 : memref<64x128xf32, #tpu.memory_space<vmem_shared>>)
        tpu.yield
      }) : () -> ()
      %mul3A_21 = arith.constant 320 : i32
      %mul3A_22 = arith.muli %arg1, %mul3A_21 : i32
      %add3A_23 = arith.constant 128 : i32
      %add3A_24 = arith.addi %mul3A_22, %add3A_23 : i32
      "tpu.region"() ({
        %run_scoped3A = tpu.sem_alloc : memref<!tpu.dma_semaphore, #tpu.memory_space<semaphore_mem>>
        %dma_start3A_105 = arith.constant 0 : i32
        %dma_start3A_106 = tpu.memref_slice %arg15[%add3A_24, %dma_start3A_105] : memref<5120x128xf32, #tpu.memory_space<vmem_shared>> -> memref<64x128xf32, #tpu.memory_space<vmem_shared>>
        %dma_start3A_107 = arith.constant 0 : i32
        %dma_start3A_108 = tpu.memref_slice %arg15[%add3A_24, %dma_start3A_107] : memref<5120x128xf32, #tpu.memory_space<vmem_shared>> -> memref<64x128xf32, #tpu.memory_space<vmem_shared>>
        tpu.enqueue_dma source(%arg14 : memref<64x128xf32, #tpu.memory_space<vmem>>) target(%dma_start3A_108 : memref<64x128xf32, #tpu.memory_space<vmem_shared>>) target_semaphore(%run_scoped3A : memref<!tpu.dma_semaphore, #tpu.memory_space<semaphore_mem>>)
        %dma_wait3A = arith.constant 0 : i32
        %dma_wait3A_109 = tpu.memref_slice %arg15[%add3A_24, %dma_wait3A] : memref<5120x128xf32, #tpu.memory_space<vmem_shared>> -> memref<64x128xf32, #tpu.memory_space<vmem_shared>>
        %dma_wait3A_110 = arith.constant 0 : i32
        %dma_wait3A_111 = tpu.memref_slice %arg15[%add3A_24, %dma_wait3A_110] : memref<5120x128xf32, #tpu.memory_space<vmem_shared>> -> memref<64x128xf32, #tpu.memory_space<vmem_shared>>
        tpu.wait_dma2 semaphore(%run_scoped3A : memref<!tpu.dma_semaphore, #tpu.memory_space<semaphore_mem>>) src(%arg14 : memref<64x128xf32, #tpu.memory_space<vmem>>) dst(%dma_wait3A_111 : memref<64x128xf32, #tpu.memory_space<vmem_shared>>)
        tpu.yield
      }) : () -> ()
      %mul3A_25 = arith.constant 320 : i32
      %mul3A_26 = arith.muli %arg1, %mul3A_25 : i32
      %add3A_27 = arith.constant 192 : i32
      %add3A_28 = arith.addi %mul3A_26, %add3A_27 : i32
      "tpu.region"() ({
        %run_scoped3A = tpu.sem_alloc : memref<!tpu.dma_semaphore, #tpu.memory_space<semaphore_mem>>
        %dma_start3A_105 = arith.constant 0 : i32
        %dma_start3A_106 = tpu.memref_slice %arg15[%add3A_28, %dma_start3A_105] : memref<5120x128xf32, #tpu.memory_space<vmem_shared>> -> memref<64x128xf32, #tpu.memory_space<vmem_shared>>
        %dma_start3A_107 = arith.constant 0 : i32
        %dma_start3A_108 = tpu.memref_slice %arg15[%add3A_28, %dma_start3A_107] : memref<5120x128xf32, #tpu.memory_space<vmem_shared>> -> memref<64x128xf32, #tpu.memory_space<vmem_shared>>
        tpu.enqueue_dma source(%arg14 : memref<64x128xf32, #tpu.memory_space<vmem>>) target(%dma_start3A_108 : memref<64x128xf32, #tpu.memory_space<vmem_shared>>) target_semaphore(%run_scoped3A : memref<!tpu.dma_semaphore, #tpu.memory_space<semaphore_mem>>)
        %dma_wait3A = arith.constant 0 : i32
        %dma_wait3A_109 = tpu.memref_slice %arg15[%add3A_28, %dma_wait3A] : memref<5120x128xf32, #tpu.memory_space<vmem_shared>> -> memref<64x128xf32, #tpu.memory_space<vmem_shared>>
        %dma_wait3A_110 = arith.constant 0 : i32
        %dma_wait3A_111 = tpu.memref_slice %arg15[%add3A_28, %dma_wait3A_110] : memref<5120x128xf32, #tpu.memory_space<vmem_shared>> -> memref<64x128xf32, #tpu.memory_space<vmem_shared>>
        tpu.wait_dma2 semaphore(%run_scoped3A : memref<!tpu.dma_semaphore, #tpu.memory_space<semaphore_mem>>) src(%arg14 : memref<64x128xf32, #tpu.memory_space<vmem>>) dst(%dma_wait3A_111 : memref<64x128xf32, #tpu.memory_space<vmem_shared>>)
        tpu.yield
      }) : () -> ()
      %mul3A_29 = arith.constant 320 : i32
      %mul3A_30 = arith.muli %arg1, %mul3A_29 : i32
      %add3A_31 = arith.constant 256 : i32
      %add3A_32 = arith.addi %mul3A_30, %add3A_31 : i32
      "tpu.region"() ({
        %run_scoped3A = tpu.sem_alloc : memref<!tpu.dma_semaphore, #tpu.memory_space<semaphore_mem>>
        %dma_start3A_105 = arith.constant 0 : i32
        %dma_start3A_106 = tpu.memref_slice %arg15[%add3A_32, %dma_start3A_105] : memref<5120x128xf32, #tpu.memory_space<vmem_shared>> -> memref<64x128xf32, #tpu.memory_space<vmem_shared>>
        %dma_start3A_107 = arith.constant 0 : i32
        %dma_start3A_108 = tpu.memref_slice %arg15[%add3A_32, %dma_start3A_107] : memref<5120x128xf32, #tpu.memory_space<vmem_shared>> -> memref<64x128xf32, #tpu.memory_space<vmem_shared>>
        tpu.enqueue_dma source(%arg14 : memref<64x128xf32, #tpu.memory_space<vmem>>) target(%dma_start3A_108 : memref<64x128xf32, #tpu.memory_space<vmem_shared>>) target_semaphore(%run_scoped3A : memref<!tpu.dma_semaphore, #tpu.memory_space<semaphore_mem>>)
        %dma_wait3A = arith.constant 0 : i32
        %dma_wait3A_109 = tpu.memref_slice %arg15[%add3A_32, %dma_wait3A] : memref<5120x128xf32, #tpu.memory_space<vmem_shared>> -> memref<64x128xf32, #tpu.memory_space<vmem_shared>>
        %dma_wait3A_110 = arith.constant 0 : i32
        %dma_wait3A_111 = tpu.memref_slice %arg15[%add3A_32, %dma_wait3A_110] : memref<5120x128xf32, #tpu.memory_space<vmem_shared>> -> memref<64x128xf32, #tpu.memory_space<vmem_shared>>
        tpu.wait_dma2 semaphore(%run_scoped3A : memref<!tpu.dma_semaphore, #tpu.memory_space<semaphore_mem>>) src(%arg14 : memref<64x128xf32, #tpu.memory_space<vmem>>) dst(%dma_wait3A_111 : memref<64x128xf32, #tpu.memory_space<vmem_shared>>)
        tpu.yield
      }) : () -> ()
      %mul3A_33 = arith.constant 160 : i32
      %mul3A_34 = arith.muli %arg1, %mul3A_33 : i32
      "tpu.region"() ({
        %run_scoped3A = tpu.sem_alloc : memref<!tpu.dma_semaphore, #tpu.memory_space<semaphore_mem>>
        %dma_start3A_105 = arith.constant 0 : i32
        %dma_start3A_106 = tpu.memref_slice %arg5[%mul3A_34, %dma_start3A_105] : memref<2560x128xi32, #tpu.memory_space<hbm>> -> memref<160x128xi32, #tpu.memory_space<hbm>>
        %dma_start3A_107 = arith.constant 0 : i32
        %dma_start3A_108 = tpu.memref_slice %arg5[%mul3A_34, %dma_start3A_107] : memref<2560x128xi32, #tpu.memory_space<hbm>> -> memref<160x128xi32, #tpu.memory_space<hbm>>
        tpu.enqueue_dma source(%dma_start3A_108 : memref<160x128xi32, #tpu.memory_space<hbm>>) target(%arg11 : memref<160x128xi32, #tpu.memory_space<vmem>>) target_semaphore(%run_scoped3A : memref<!tpu.dma_semaphore, #tpu.memory_space<semaphore_mem>>)
        %dma_wait3A = arith.constant 0 : i32
        %dma_wait3A_109 = tpu.memref_slice %arg5[%mul3A_34, %dma_wait3A] : memref<2560x128xi32, #tpu.memory_space<hbm>> -> memref<160x128xi32, #tpu.memory_space<hbm>>
        %dma_wait3A_110 = arith.constant 0 : i32
        %dma_wait3A_111 = tpu.memref_slice %arg5[%mul3A_34, %dma_wait3A_110] : memref<2560x128xi32, #tpu.memory_space<hbm>> -> memref<160x128xi32, #tpu.memory_space<hbm>>
        tpu.wait_dma2 semaphore(%run_scoped3A : memref<!tpu.dma_semaphore, #tpu.memory_space<semaphore_mem>>) src(%dma_wait3A_111 : memref<160x128xi32, #tpu.memory_space<hbm>>) dst(%arg11 : memref<160x128xi32, #tpu.memory_space<vmem>>)
        tpu.yield
      }) : () -> ()
      %scan3A_35 = arith.constant 0 : i32
      %scan3A_36 = arith.constant 0 : i32
      %scan3A_37 = arith.constant 160 : i32
      %scan3A_38 = arith.addi %scan3A_36, %scan3A_37 : i32
      %scan3A_39 = arith.constant 1 : i32
      scf.for %scan3A_105 = %scan3A_36 to %scan3A_38 step %scan3A_39  : i32 {
        %get3A = arith.index_cast %scan3A_105 : i32 to index
        %get3A_106 = arith.constant 0 : index
        %get3A_107 = tpu.vector_load %arg11[%get3A, %get3A_106] {strides = array<i32>} : memref<160x128xi32, #tpu.memory_space<vmem>>, vector<1x16xi32>,
        %get3A_108 = vector.shape_cast %get3A_107 : vector<1x16xi32> to vector<16xi32>
        %sub3A = arith.constant 0 : i32
        %sub3A_109 = vector.broadcast %sub3A : i32 to vector<16xi32>
        %sub3A_110 = arith.subi %get3A_108, %sub3A_109 : vector<16xi32>
        %ge3A = arith.constant 0 : i32
        %ge3A_111 = vector.broadcast %ge3A : i32 to vector<16xi32>
        %ge3A_112 = arith.cmpi sge, %sub3A_110, %ge3A_111 : vector<16xi32>
        %lt3A = arith.constant 5000 : i32
        %lt3A_113 = vector.broadcast %lt3A : i32 to vector<16xi32>
        %lt3A_114 = arith.cmpi slt, %sub3A_110, %lt3A_113 : vector<16xi32>
        %and3A = arith.andi %ge3A_112, %lt3A_114 : vector<16xi1>
        %and3A_115 = arith.constant 63 : i32
        %and3A_116 = vector.broadcast %and3A_115 : i32 to vector<16xi32>
        %and3A_117 = arith.andi %get3A_108, %and3A_116 : vector<16xi32>
        %add3A_118 = arith.constant 5000 : i32
        %add3A_119 = vector.broadcast %add3A_118 : i32 to vector<16xi32>
        %add3A_120 = arith.addi %add3A_119, %and3A_117 : vector<16xi32>
        %select_n3A = arith.select %and3A, %sub3A_110, %add3A_120 : vector<16xi1>, vector<16xi32>
        %swap3A = arith.index_cast %scan3A_105 : i32 to index
        %swap3A_121 = arith.constant 0 : index
        %swap3A_122 = tpu.vector_load %arg11[%swap3A, %swap3A_121] {strides = array<i32>} : memref<160x128xi32, #tpu.memory_space<vmem>>, vector<1x16xi32>,
        %swap3A_123 = vector.shape_cast %swap3A_122 : vector<1x16xi32> to vector<16xi32>
        %swap3A_124 = vector.shape_cast %select_n3A : vector<16xi32> to vector<1x16xi32>
        tpu.vector_store %arg11[%swap3A, %swap3A_121], %swap3A_124 {strides = array<i32>} : memref<160x128xi32, #tpu.memory_space<vmem>>, vector<1x16xi32>,
        %get3A_125 = arith.index_cast %scan3A_105 : i32 to index
        %get3A_126 = arith.constant 16 : index
        %get3A_127 = tpu.vector_load %arg11[%get3A_125, %get3A_126] {strides = array<i32>} : memref<160x128xi32, #tpu.memory_space<vmem>>, vector<1x16xi32>,
        %get3A_128 = vector.shape_cast %get3A_127 : vector<1x16xi32> to vector<16xi32>
        %sub3A_129 = arith.constant 0 : i32
        %sub3A_130 = vector.broadcast %sub3A_129 : i32 to vector<16xi32>
        %sub3A_131 = arith.subi %get3A_128, %sub3A_130 : vector<16xi32>
        %ge3A_132 = arith.constant 0 : i32
        %ge3A_133 = vector.broadcast %ge3A_132 : i32 to vector<16xi32>
        %ge3A_134 = arith.cmpi sge, %sub3A_131, %ge3A_133 : vector<16xi32>
        %lt3A_135 = arith.constant 5000 : i32
        %lt3A_136 = vector.broadcast %lt3A_135 : i32 to vector<16xi32>
        %lt3A_137 = arith.cmpi slt, %sub3A_131, %lt3A_136 : vector<16xi32>
        %and3A_138 = arith.andi %ge3A_134, %lt3A_137 : vector<16xi1>
        %and3A_139 = arith.constant 63 : i32
        %and3A_140 = vector.broadcast %and3A_139 : i32 to vector<16xi32>
        %and3A_141 = arith.andi %get3A_128, %and3A_140 : vector<16xi32>
        %add3A_142 = arith.constant 5000 : i32
        %add3A_143 = vector.broadcast %add3A_142 : i32 to vector<16xi32>
        %add3A_144 = arith.addi %add3A_143, %and3A_141 : vector<16xi32>
        %select_n3A_145 = arith.select %and3A_138, %sub3A_131, %add3A_144 : vector<16xi1>, vector<16xi32>
        %swap3A_146 = arith.index_cast %scan3A_105 : i32 to index
        %swap3A_147 = arith.constant 16 : index
        %swap3A_148 = tpu.vector_load %arg11[%swap3A_146, %swap3A_147] {strides = array<i32>} : memref<160x128xi32, #tpu.memory_space<vmem>>, vector<1x16xi32>,
        %swap3A_149 = vector.shape_cast %swap3A_148 : vector<1x16xi32> to vector<16xi32>
        %swap3A_150 = vector.shape_cast %select_n3A_145 : vector<16xi32> to vector<1x16xi32>
        tpu.vector_store %arg11[%swap3A_146, %swap3A_147], %swap3A_150 {strides = array<i32>} : memref<160x128xi32, #tpu.memory_space<vmem>>, vector<1x16xi32>,
        %get3A_151 = arith.index_cast %scan3A_105 : i32 to index
        %get3A_152 = arith.constant 32 : index
        %get3A_153 = tpu.vector_load %arg11[%get3A_151, %get3A_152] {strides = array<i32>} : memref<160x128xi32, #tpu.memory_space<vmem>>, vector<1x16xi32>,
        %get3A_154 = vector.shape_cast %get3A_153 : vector<1x16xi32> to vector<16xi32>
        %sub3A_155 = arith.constant 0 : i32
        %sub3A_156 = vector.broadcast %sub3A_155 : i32 to vector<16xi32>
        %sub3A_157 = arith.subi %get3A_154, %sub3A_156 : vector<16xi32>
        %ge3A_158 = arith.constant 0 : i32
        %ge3A_159 = vector.broadcast %ge3A_158 : i32 to vector<16xi32>
        %ge3A_160 = arith.cmpi sge, %sub3A_157, %ge3A_159 : vector<16xi32>
        %lt3A_161 = arith.constant 5000 : i32
        %lt3A_162 = vector.broadcast %lt3A_161 : i32 to vector<16xi32>
        %lt3A_163 = arith.cmpi slt, %sub3A_157, %lt3A_162 : vector<16xi32>
        %and3A_164 = arith.andi %ge3A_160, %lt3A_163 : vector<16xi1>
        %and3A_165 = arith.constant 63 : i32
        %and3A_166 = vector.broadcast %and3A_165 : i32 to vector<16xi32>
        %and3A_167 = arith.andi %get3A_154, %and3A_166 : vector<16xi32>
        %add3A_168 = arith.constant 5000 : i32
        %add3A_169 = vector.broadcast %add3A_168 : i32 to vector<16xi32>
        %add3A_170 = arith.addi %add3A_169, %and3A_167 : vector<16xi32>
        %select_n3A_171 = arith.select %and3A_164, %sub3A_157, %add3A_170 : vector<16xi1>, vector<16xi32>
        %swap3A_172 = arith.index_cast %scan3A_105 : i32 to index
        %swap3A_173 = arith.constant 32 : index
        %swap3A_174 = tpu.vector_load %arg11[%swap3A_172, %swap3A_173] {strides = array<i32>} : memref<160x128xi32, #tpu.memory_space<vmem>>, vector<1x16xi32>,
        %swap3A_175 = vector.shape_cast %swap3A_174 : vector<1x16xi32> to vector<16xi32>
        %swap3A_176 = vector.shape_cast %select_n3A_171 : vector<16xi32> to vector<1x16xi32>
        tpu.vector_store %arg11[%swap3A_172, %swap3A_173], %swap3A_176 {strides = array<i32>} : memref<160x128xi32, #tpu.memory_space<vmem>>, vector<1x16xi32>,
        %get3A_177 = arith.index_cast %scan3A_105 : i32 to index
        %get3A_178 = arith.constant 48 : index
        %get3A_179 = tpu.vector_load %arg11[%get3A_177, %get3A_178] {strides = array<i32>} : memref<160x128xi32, #tpu.memory_space<vmem>>, vector<1x16xi32>,
        %get3A_180 = vector.shape_cast %get3A_179 : vector<1x16xi32> to vector<16xi32>
        %sub3A_181 = arith.constant 0 : i32
        %sub3A_182 = vector.broadcast %sub3A_181 : i32 to vector<16xi32>
        %sub3A_183 = arith.subi %get3A_180, %sub3A_182 : vector<16xi32>
        %ge3A_184 = arith.constant 0 : i32
        %ge3A_185 = vector.broadcast %ge3A_184 : i32 to vector<16xi32>
        %ge3A_186 = arith.cmpi sge, %sub3A_183, %ge3A_185 : vector<16xi32>
        %lt3A_187 = arith.constant 5000 : i32
        %lt3A_188 = vector.broadcast %lt3A_187 : i32 to vector<16xi32>
        %lt3A_189 = arith.cmpi slt, %sub3A_183, %lt3A_188 : vector<16xi32>
        %and3A_190 = arith.andi %ge3A_186, %lt3A_189 : vector<16xi1>
        %and3A_191 = arith.constant 63 : i32
        %and3A_192 = vector.broadcast %and3A_191 : i32 to vector<16xi32>
        %and3A_193 = arith.andi %get3A_180, %and3A_192 : vector<16xi32>
        %add3A_194 = arith.constant 5000 : i32
        %add3A_195 = vector.broadcast %add3A_194 : i32 to vector<16xi32>
        %add3A_196 = arith.addi %add3A_195, %and3A_193 : vector<16xi32>
        %select_n3A_197 = arith.select %and3A_190, %sub3A_183, %add3A_196 : vector<16xi1>, vector<16xi32>
        %swap3A_198 = arith.index_cast %scan3A_105 : i32 to index
        %swap3A_199 = arith.constant 48 : index
        %swap3A_200 = tpu.vector_load %arg11[%swap3A_198, %swap3A_199] {strides = array<i32>} : memref<160x128xi32, #tpu.memory_space<vmem>>, vector<1x16xi32>,
        %swap3A_201 = vector.shape_cast %swap3A_200 : vector<1x16xi32> to vector<16xi32>
        %swap3A_202 = vector.shape_cast %select_n3A_197 : vector<16xi32> to vector<1x16xi32>
        tpu.vector_store %arg11[%swap3A_198, %swap3A_199], %swap3A_202 {strides = array<i32>} : memref<160x128xi32, #tpu.memory_space<vmem>>, vector<1x16xi32>,
        %get3A_203 = arith.index_cast %scan3A_105 : i32 to index
        %get3A_204 = arith.constant 64 : index
        %get3A_205 = tpu.vector_load %arg11[%get3A_203, %get3A_204] {strides = array<i32>} : memref<160x128xi32, #tpu.memory_space<vmem>>, vector<1x16xi32>,
        %get3A_206 = vector.shape_cast %get3A_205 : vector<1x16xi32> to vector<16xi32>
        %sub3A_207 = arith.constant 0 : i32
        %sub3A_208 = vector.broadcast %sub3A_207 : i32 to vector<16xi32>
        %sub3A_209 = arith.subi %get3A_206, %sub3A_208 : vector<16xi32>
        %ge3A_210 = arith.constant 0 : i32
        %ge3A_211 = vector.broadcast %ge3A_210 : i32 to vector<16xi32>
        %ge3A_212 = arith.cmpi sge, %sub3A_209, %ge3A_211 : vector<16xi32>
        %lt3A_213 = arith.constant 5000 : i32
        %lt3A_214 = vector.broadcast %lt3A_213 : i32 to vector<16xi32>
        %lt3A_215 = arith.cmpi slt, %sub3A_209, %lt3A_214 : vector<16xi32>
        %and3A_216 = arith.andi %ge3A_212, %lt3A_215 : vector<16xi1>
        %and3A_217 = arith.constant 63 : i32
        %and3A_218 = vector.broadcast %and3A_217 : i32 to vector<16xi32>
        %and3A_219 = arith.andi %get3A_206, %and3A_218 : vector<16xi32>
        %add3A_220 = arith.constant 5000 : i32
        %add3A_221 = vector.broadcast %add3A_220 : i32 to vector<16xi32>
        %add3A_222 = arith.addi %add3A_221, %and3A_219 : vector<16xi32>
        %select_n3A_223 = arith.select %and3A_216, %sub3A_209, %add3A_222 : vector<16xi1>, vector<16xi32>
        %swap3A_224 = arith.index_cast %scan3A_105 : i32 to index
        %swap3A_225 = arith.constant 64 : index
        %swap3A_226 = tpu.vector_load %arg11[%swap3A_224, %swap3A_225] {strides = array<i32>} : memref<160x128xi32, #tpu.memory_space<vmem>>, vector<1x16xi32>,
        %swap3A_227 = vector.shape_cast %swap3A_226 : vector<1x16xi32> to vector<16xi32>
        %swap3A_228 = vector.shape_cast %select_n3A_223 : vector<16xi32> to vector<1x16xi32>
        tpu.vector_store %arg11[%swap3A_224, %swap3A_225], %swap3A_228 {strides = array<i32>} : memref<160x128xi32, #tpu.memory_space<vmem>>, vector<1x16xi32>,
        %get3A_229 = arith.index_cast %scan3A_105 : i32 to index
        %get3A_230 = arith.constant 80 : index
        %get3A_231 = tpu.vector_load %arg11[%get3A_229, %get3A_230] {strides = array<i32>} : memref<160x128xi32, #tpu.memory_space<vmem>>, vector<1x16xi32>,
        %get3A_232 = vector.shape_cast %get3A_231 : vector<1x16xi32> to vector<16xi32>
        %sub3A_233 = arith.constant 0 : i32
        %sub3A_234 = vector.broadcast %sub3A_233 : i32 to vector<16xi32>
        %sub3A_235 = arith.subi %get3A_232, %sub3A_234 : vector<16xi32>
        %ge3A_236 = arith.constant 0 : i32
        %ge3A_237 = vector.broadcast %ge3A_236 : i32 to vector<16xi32>
        %ge3A_238 = arith.cmpi sge, %sub3A_235, %ge3A_237 : vector<16xi32>
        %lt3A_239 = arith.constant 5000 : i32
        %lt3A_240 = vector.broadcast %lt3A_239 : i32 to vector<16xi32>
        %lt3A_241 = arith.cmpi slt, %sub3A_235, %lt3A_240 : vector<16xi32>
        %and3A_242 = arith.andi %ge3A_238, %lt3A_241 : vector<16xi1>
        %and3A_243 = arith.constant 63 : i32
        %and3A_244 = vector.broadcast %and3A_243 : i32 to vector<16xi32>
        %and3A_245 = arith.andi %get3A_232, %and3A_244 : vector<16xi32>
        %add3A_246 = arith.constant 5000 : i32
        %add3A_247 = vector.broadcast %add3A_246 : i32 to vector<16xi32>
        %add3A_248 = arith.addi %add3A_247, %and3A_245 : vector<16xi32>
        %select_n3A_249 = arith.select %and3A_242, %sub3A_235, %add3A_248 : vector<16xi1>, vector<16xi32>
        %swap3A_250 = arith.index_cast %scan3A_105 : i32 to index
        %swap3A_251 = arith.constant 80 : index
        %swap3A_252 = tpu.vector_load %arg11[%swap3A_250, %swap3A_251] {strides = array<i32>} : memref<160x128xi32, #tpu.memory_space<vmem>>, vector<1x16xi32>,
        %swap3A_253 = vector.shape_cast %swap3A_252 : vector<1x16xi32> to vector<16xi32>
        %swap3A_254 = vector.shape_cast %select_n3A_249 : vector<16xi32> to vector<1x16xi32>
        tpu.vector_store %arg11[%swap3A_250, %swap3A_251], %swap3A_254 {strides = array<i32>} : memref<160x128xi32, #tpu.memory_space<vmem>>, vector<1x16xi32>,
        %get3A_255 = arith.index_cast %scan3A_105 : i32 to index
        %get3A_256 = arith.constant 96 : index
        %get3A_257 = tpu.vector_load %arg11[%get3A_255, %get3A_256] {strides = array<i32>} : memref<160x128xi32, #tpu.memory_space<vmem>>, vector<1x16xi32>,
        %get3A_258 = vector.shape_cast %get3A_257 : vector<1x16xi32> to vector<16xi32>
        %sub3A_259 = arith.constant 0 : i32
        %sub3A_260 = vector.broadcast %sub3A_259 : i32 to vector<16xi32>
        %sub3A_261 = arith.subi %get3A_258, %sub3A_260 : vector<16xi32>
        %ge3A_262 = arith.constant 0 : i32
        %ge3A_263 = vector.broadcast %ge3A_262 : i32 to vector<16xi32>
        %ge3A_264 = arith.cmpi sge, %sub3A_261, %ge3A_263 : vector<16xi32>
        %lt3A_265 = arith.constant 5000 : i32
        %lt3A_266 = vector.broadcast %lt3A_265 : i32 to vector<16xi32>
        %lt3A_267 = arith.cmpi slt, %sub3A_261, %lt3A_266 : vector<16xi32>
        %and3A_268 = arith.andi %ge3A_264, %lt3A_267 : vector<16xi1>
        %and3A_269 = arith.constant 63 : i32
        %and3A_270 = vector.broadcast %and3A_269 : i32 to vector<16xi32>
        %and3A_271 = arith.andi %get3A_258, %and3A_270 : vector<16xi32>
        %add3A_272 = arith.constant 5000 : i32
        %add3A_273 = vector.broadcast %add3A_272 : i32 to vector<16xi32>
        %add3A_274 = arith.addi %add3A_273, %and3A_271 : vector<16xi32>
        %select_n3A_275 = arith.select %and3A_268, %sub3A_261, %add3A_274 : vector<16xi1>, vector<16xi32>
        %swap3A_276 = arith.index_cast %scan3A_105 : i32 to index
        %swap3A_277 = arith.constant 96 : index
        %swap3A_278 = tpu.vector_load %arg11[%swap3A_276, %swap3A_277] {strides = array<i32>} : memref<160x128xi32, #tpu.memory_space<vmem>>, vector<1x16xi32>,
        %swap3A_279 = vector.shape_cast %swap3A_278 : vector<1x16xi32> to vector<16xi32>
        %swap3A_280 = vector.shape_cast %select_n3A_275 : vector<16xi32> to vector<1x16xi32>
        tpu.vector_store %arg11[%swap3A_276, %swap3A_277], %swap3A_280 {strides = array<i32>} : memref<160x128xi32, #tpu.memory_space<vmem>>, vector<1x16xi32>,
        %get3A_281 = arith.index_cast %scan3A_105 : i32 to index
        %get3A_282 = arith.constant 112 : index
        %get3A_283 = tpu.vector_load %arg11[%get3A_281, %get3A_282] {strides = array<i32>} : memref<160x128xi32, #tpu.memory_space<vmem>>, vector<1x16xi32>,
        %get3A_284 = vector.shape_cast %get3A_283 : vector<1x16xi32> to vector<16xi32>
        %sub3A_285 = arith.constant 0 : i32
        %sub3A_286 = vector.broadcast %sub3A_285 : i32 to vector<16xi32>
        %sub3A_287 = arith.subi %get3A_284, %sub3A_286 : vector<16xi32>
        %ge3A_288 = arith.constant 0 : i32
        %ge3A_289 = vector.broadcast %ge3A_288 : i32 to vector<16xi32>
        %ge3A_290 = arith.cmpi sge, %sub3A_287, %ge3A_289 : vector<16xi32>
        %lt3A_291 = arith.constant 5000 : i32
        %lt3A_292 = vector.broadcast %lt3A_291 : i32 to vector<16xi32>
        %lt3A_293 = arith.cmpi slt, %sub3A_287, %lt3A_292 : vector<16xi32>
        %and3A_294 = arith.andi %ge3A_290, %lt3A_293 : vector<16xi1>
        %and3A_295 = arith.constant 63 : i32
        %and3A_296 = vector.broadcast %and3A_295 : i32 to vector<16xi32>
        %and3A_297 = arith.andi %get3A_284, %and3A_296 : vector<16xi32>
        %add3A_298 = arith.constant 5000 : i32
        %add3A_299 = vector.broadcast %add3A_298 : i32 to vector<16xi32>
        %add3A_300 = arith.addi %add3A_299, %and3A_297 : vector<16xi32>
        %select_n3A_301 = arith.select %and3A_294, %sub3A_287, %add3A_300 : vector<16xi1>, vector<16xi32>
        %swap3A_302 = arith.index_cast %scan3A_105 : i32 to index
        %swap3A_303 = arith.constant 112 : index
        %swap3A_304 = tpu.vector_load %arg11[%swap3A_302, %swap3A_303] {strides = array<i32>} : memref<160x128xi32, #tpu.memory_space<vmem>>, vector<1x16xi32>,
        %swap3A_305 = vector.shape_cast %swap3A_304 : vector<1x16xi32> to vector<16xi32>
        %swap3A_306 = vector.shape_cast %select_n3A_301 : vector<16xi32> to vector<1x16xi32>
        tpu.vector_store %arg11[%swap3A_302, %swap3A_303], %swap3A_306 {strides = array<i32>} : memref<160x128xi32, #tpu.memory_space<vmem>>, vector<1x16xi32>,
      }
      %scan3A_40 = arith.constant 160 : i32
      %barrier3A = arith.constant 0 : index
      tpu.barrier barrier_id(%barrier3A)
      %dma_start3A = arith.constant 0 : i32
      %dma_start3A_41 = arith.constant 0 : i32
      %dma_start3A_42 = tpu.memref_slice %arg10[%dma_start3A, %dma_start3A_41] : memref<160x128xi32, #tpu.memory_space<vmem>> -> memref<1x128xi32, #tpu.memory_space<vmem>>
      %dma_start3A_43 = tpu.memref_squeeze %dma_start3A_42 : memref<1x128xi32, #tpu.memory_space<vmem>> -> memref<128xi32, #tpu.memory_space<vmem>>
      %dma_start3A_44 = arith.constant 0 : i32
      %dma_start3A_45 = arith.constant 0 : i32
      %dma_start3A_46 = tpu.memref_slice %arg2[%dma_start3A_44, %dma_start3A_45] : memref<10000x128xf32, #tpu.memory_space<hbm>> -> memref<10000x128xf32, #tpu.memory_space<hbm>>
      tpu.enqueue_indirect_dma source(%dma_start3A_46 : memref<10000x128xf32, #tpu.memory_space<hbm>>) target(%arg12 : memref<128x128xf32, #tpu.memory_space<vmem>>) offsets(%dma_start3A_43 : memref<128xi32, #tpu.memory_space<vmem>>) semaphore(%arg16 : memref<!tpu.dma_semaphore, #tpu.memory_space<semaphore_mem>>)
      %scan3A_47 = arith.constant 0 : i32
      %scan3A_48 = arith.constant 0 : i32
      %scan3A_49 = arith.constant 80 : i32
      %scan3A_50 = arith.addi %scan3A_48, %scan3A_49 : i32
      %scan3A_51 = arith.constant 1 : i32
      scf.for %scan3A_105 = %scan3A_48 to %scan3A_50 step %scan3A_51  : i32 {
        %mul3A_106 = arith.constant 2 : i32
        %mul3A_107 = arith.muli %mul3A_106, %scan3A_105 : i32
        %add3A_108 = arith.constant 0 : i32
        %add3A_109 = arith.addi %add3A_108, %mul3A_107 : i32
        %add3A_110 = arith.constant 1 : i32
        %add3A_111 = arith.addi %add3A_109, %add3A_110 : i32
        %dma_start3A_112 = arith.constant 0 : i32
        %dma_start3A_113 = tpu.memref_slice %arg10[%add3A_111, %dma_start3A_112] : memref<160x128xi32, #tpu.memory_space<vmem>> -> memref<1x128xi32, #tpu.memory_space<vmem>>
        %dma_start3A_114 = tpu.memref_squeeze %dma_start3A_113 : memref<1x128xi32, #tpu.memory_space<vmem>> -> memref<128xi32, #tpu.memory_space<vmem>>
        %dma_start3A_115 = arith.constant 0 : i32
        %dma_start3A_116 = arith.constant 0 : i32
        %dma_start3A_117 = tpu.memref_slice %arg2[%dma_start3A_115, %dma_start3A_116] : memref<10000x128xf32, #tpu.memory_space<hbm>> -> memref<10000x128xf32, #tpu.memory_space<hbm>>
        tpu.enqueue_indirect_dma source(%dma_start3A_117 : memref<10000x128xf32, #tpu.memory_space<hbm>>) target(%arg13 : memref<128x128xf32, #tpu.memory_space<vmem>>) offsets(%dma_start3A_114 : memref<128xi32, #tpu.memory_space<vmem>>) semaphore(%arg17 : memref<!tpu.dma_semaphore, #tpu.memory_space<semaphore_mem>>)
        %dma_wait3A = arith.constant 0 : i32
        %dma_wait3A_118 = arith.constant 0 : i32
        %dma_wait3A_119 = tpu.memref_slice %arg10[%dma_wait3A, %dma_wait3A_118] : memref<160x128xi32, #tpu.memory_space<vmem>> -> memref<1x128xi32, #tpu.memory_space<vmem>>
        %dma_wait3A_120 = tpu.memref_squeeze %dma_wait3A_119 : memref<1x128xi32, #tpu.memory_space<vmem>> -> memref<128xi32, #tpu.memory_space<vmem>>
        %dma_wait3A_121 = arith.constant 0 : i32
        %dma_wait3A_122 = arith.constant 0 : i32
        %dma_wait3A_123 = tpu.memref_slice %arg2[%dma_wait3A_121, %dma_wait3A_122] : memref<10000x128xf32, #tpu.memory_space<hbm>> -> memref<10000x128xf32, #tpu.memory_space<hbm>>
        tpu.wait_indirect_dma semaphore(%arg16 : memref<!tpu.dma_semaphore, #tpu.memory_space<semaphore_mem>>) src(%dma_wait3A_123 : memref<10000x128xf32, #tpu.memory_space<hbm>>) dst(%arg12 : memref<128x128xf32, #tpu.memory_space<vmem>>)
        "tpu.region"() ({
          %run_scoped3A = tpu.sem_alloc : memref<!tpu.dma_semaphore, #tpu.memory_space<semaphore_mem>>
          %dma_start3A_137 = arith.constant 0 : i32
          %dma_start3A_138 = tpu.memref_slice %arg11[%add3A_109, %dma_start3A_137] : memref<160x128xi32, #tpu.memory_space<vmem>> -> memref<1x128xi32, #tpu.memory_space<vmem>>
          %dma_start3A_139 = tpu.memref_squeeze %dma_start3A_138 : memref<1x128xi32, #tpu.memory_space<vmem>> -> memref<128xi32, #tpu.memory_space<vmem>>
          %dma_start3A_140 = arith.constant 0 : i32
          %dma_start3A_141 = arith.constant 0 : i32
          %dma_start3A_142 = tpu.memref_slice %arg15[%dma_start3A_140, %dma_start3A_141] : memref<5120x128xf32, #tpu.memory_space<vmem_shared>> -> memref<5120x128xf32, #tpu.memory_space<vmem_shared>>
          tpu.enqueue_indirect_dma source(%arg12 : memref<128x128xf32, #tpu.memory_space<vmem>>) target(%dma_start3A_142 : memref<5120x128xf32, #tpu.memory_space<vmem_shared>>) offsets(%dma_start3A_139 : memref<128xi32, #tpu.memory_space<vmem>>) semaphore(%run_scoped3A : memref<!tpu.dma_semaphore, #tpu.memory_space<semaphore_mem>>) {add = true}
          %dma_wait3A_143 = arith.constant 0 : i32
          %dma_wait3A_144 = tpu.memref_slice %arg11[%add3A_109, %dma_wait3A_143] : memref<160x128xi32, #tpu.memory_space<vmem>> -> memref<1x128xi32, #tpu.memory_space<vmem>>
          %dma_wait3A_145 = tpu.memref_squeeze %dma_wait3A_144 : memref<1x128xi32, #tpu.memory_space<vmem>> -> memref<128xi32, #tpu.memory_space<vmem>>
          %dma_wait3A_146 = arith.constant 0 : i32
          %dma_wait3A_147 = arith.constant 0 : i32
          %dma_wait3A_148 = tpu.memref_slice %arg15[%dma_wait3A_146, %dma_wait3A_147] : memref<5120x128xf32, #tpu.memory_space<vmem_shared>> -> memref<5120x128xf32, #tpu.memory_space<vmem_shared>>
          tpu.wait_indirect_dma semaphore(%run_scoped3A : memref<!tpu.dma_semaphore, #tpu.memory_space<semaphore_mem>>) src(%arg12 : memref<128x128xf32, #tpu.memory_space<vmem>>) dst(%dma_wait3A_148 : memref<5120x128xf32, #tpu.memory_space<vmem_shared>>)
          tpu.yield
        }) : () -> ()
        %lt3A = arith.constant 79 : i32
        %lt3A_124 = arith.cmpi slt, %scan3A_105, %lt3A : i32
        %convert_element_type3A_125 = arith.extui %lt3A_124 : i1 to i32
        %cond3A_126 = arith.constant 0 : i32
        %cond3A_127 = arith.cmpi ne, %convert_element_type3A_125, %cond3A_126 : i32
        scf.if %cond3A_127 {
          %add3A_137 = arith.constant 2 : i32
          %add3A_138 = arith.addi %add3A_109, %add3A_137 : i32
          %dma_start3A_139 = arith.constant 0 : i32
          %dma_start3A_140 = tpu.memref_slice %arg10[%add3A_138, %dma_start3A_139] : memref<160x128xi32, #tpu.memory_space<vmem>> -> memref<1x128xi32, #tpu.memory_space<vmem>>
          %dma_start3A_141 = tpu.memref_squeeze %dma_start3A_140 : memref<1x128xi32, #tpu.memory_space<vmem>> -> memref<128xi32, #tpu.memory_space<vmem>>
          %dma_start3A_142 = arith.constant 0 : i32
          %dma_start3A_143 = arith.constant 0 : i32
          %dma_start3A_144 = tpu.memref_slice %arg2[%dma_start3A_142, %dma_start3A_143] : memref<10000x128xf32, #tpu.memory_space<hbm>> -> memref<10000x128xf32, #tpu.memory_space<hbm>>
          tpu.enqueue_indirect_dma source(%dma_start3A_144 : memref<10000x128xf32, #tpu.memory_space<hbm>>) target(%arg12 : memref<128x128xf32, #tpu.memory_space<vmem>>) offsets(%dma_start3A_141 : memref<128xi32, #tpu.memory_space<vmem>>) semaphore(%arg16 : memref<!tpu.dma_semaphore, #tpu.memory_space<semaphore_mem>>)
        } else {
        }
        %dma_wait3A_128 = arith.constant 0 : i32
        %dma_wait3A_129 = arith.constant 0 : i32
        %dma_wait3A_130 = tpu.memref_slice %arg10[%dma_wait3A_128, %dma_wait3A_129] : memref<160x128xi32, #tpu.memory_space<vmem>> -> memref<1x128xi32, #tpu.memory_space<vmem>>
        %dma_wait3A_131 = tpu.memref_squeeze %dma_wait3A_130 : memref<1x128xi32, #tpu.memory_space<vmem>> -> memref<128xi32, #tpu.memory_space<vmem>>
        %dma_wait3A_132 = arith.constant 0 : i32
        %dma_wait3A_133 = arith.constant 0 : i32
        %dma_wait3A_134 = tpu.memref_slice %arg2[%dma_wait3A_132, %dma_wait3A_133] : memref<10000x128xf32, #tpu.memory_space<hbm>> -> memref<10000x128xf32, #tpu.memory_space<hbm>>
        tpu.wait_indirect_dma semaphore(%arg17 : memref<!tpu.dma_semaphore, #tpu.memory_space<semaphore_mem>>) src(%dma_wait3A_134 : memref<10000x128xf32, #tpu.memory_space<hbm>>) dst(%arg13 : memref<128x128xf32, #tpu.memory_space<vmem>>)
        %add3A_135 = arith.constant 1 : i32
        %add3A_136 = arith.addi %add3A_109, %add3A_135 : i32
        "tpu.region"() ({
          %run_scoped3A = tpu.sem_alloc : memref<!tpu.dma_semaphore, #tpu.memory_space<semaphore_mem>>
          %dma_start3A_137 = arith.constant 0 : i32
          %dma_start3A_138 = tpu.memref_slice %arg11[%add3A_136, %dma_start3A_137] : memref<160x128xi32, #tpu.memory_space<vmem>> -> memref<1x128xi32, #tpu.memory_space<vmem>>
          %dma_start3A_139 = tpu.memref_squeeze %dma_start3A_138 : memref<1x128xi32, #tpu.memory_space<vmem>> -> memref<128xi32, #tpu.memory_space<vmem>>
          %dma_start3A_140 = arith.constant 0 : i32
          %dma_start3A_141 = arith.constant 0 : i32
          %dma_start3A_142 = tpu.memref_slice %arg15[%dma_start3A_140, %dma_start3A_141] : memref<5120x128xf32, #tpu.memory_space<vmem_shared>> -> memref<5120x128xf32, #tpu.memory_space<vmem_shared>>
          tpu.enqueue_indirect_dma source(%arg13 : memref<128x128xf32, #tpu.memory_space<vmem>>) target(%dma_start3A_142 : memref<5120x128xf32, #tpu.memory_space<vmem_shared>>) offsets(%dma_start3A_139 : memref<128xi32, #tpu.memory_space<vmem>>) semaphore(%run_scoped3A : memref<!tpu.dma_semaphore, #tpu.memory_space<semaphore_mem>>) {add = true}
          %dma_wait3A_143 = arith.constant 0 : i32
          %dma_wait3A_144 = tpu.memref_slice %arg11[%add3A_136, %dma_wait3A_143] : memref<160x128xi32, #tpu.memory_space<vmem>> -> memref<1x128xi32, #tpu.memory_space<vmem>>
          %dma_wait3A_145 = tpu.memref_squeeze %dma_wait3A_144 : memref<1x128xi32, #tpu.memory_space<vmem>> -> memref<128xi32, #tpu.memory_space<vmem>>
          %dma_wait3A_146 = arith.constant 0 : i32
          %dma_wait3A_147 = arith.constant 0 : i32
          %dma_wait3A_148 = tpu.memref_slice %arg15[%dma_wait3A_146, %dma_wait3A_147] : memref<5120x128xf32, #tpu.memory_space<vmem_shared>> -> memref<5120x128xf32, #tpu.memory_space<vmem_shared>>
          tpu.wait_indirect_dma semaphore(%run_scoped3A : memref<!tpu.dma_semaphore, #tpu.memory_space<semaphore_mem>>) src(%arg13 : memref<128x128xf32, #tpu.memory_space<vmem>>) dst(%dma_wait3A_148 : memref<5120x128xf32, #tpu.memory_space<vmem_shared>>)
          tpu.yield
        }) : () -> ()
      }
      %scan3A_52 = arith.constant 80 : i32
      %barrier3A_53 = arith.constant 0 : index
      tpu.barrier barrier_id(%barrier3A_53)
      %mul3A_54 = arith.constant 320 : i32
      %mul3A_55 = arith.muli %arg1, %mul3A_54 : i32
      %mul3A_56 = arith.constant 320 : i32
      %mul3A_57 = arith.muli %arg1, %mul3A_56 : i32
      "tpu.region"() ({
        %run_scoped3A = tpu.sem_alloc : memref<!tpu.dma_semaphore, #tpu.memory_space<semaphore_mem>>
        %dma_start3A_105 = arith.constant 0 : i32
        %dma_start3A_106 = tpu.memref_slice %arg6[%mul3A_57, %dma_start3A_105] : memref<5120x128xf32, #tpu.memory_space<hbm>> -> memref<320x128xf32, #tpu.memory_space<hbm>>
        %dma_start3A_107 = arith.constant 0 : i32
        %dma_start3A_108 = tpu.memref_slice %arg15[%mul3A_55, %dma_start3A_107] : memref<5120x128xf32, #tpu.memory_space<vmem_shared>> -> memref<320x128xf32, #tpu.memory_space<vmem_shared>>
        tpu.enqueue_dma source(%dma_start3A_108 : memref<320x128xf32, #tpu.memory_space<vmem_shared>>) target(%dma_start3A_106 : memref<320x128xf32, #tpu.memory_space<hbm>>) target_semaphore(%run_scoped3A : memref<!tpu.dma_semaphore, #tpu.memory_space<semaphore_mem>>)
        %dma_wait3A = arith.constant 0 : i32
        %dma_wait3A_109 = tpu.memref_slice %arg6[%mul3A_57, %dma_wait3A] : memref<5120x128xf32, #tpu.memory_space<hbm>> -> memref<320x128xf32, #tpu.memory_space<hbm>>
        %dma_wait3A_110 = arith.constant 0 : i32
        %dma_wait3A_111 = tpu.memref_slice %arg15[%mul3A_55, %dma_wait3A_110] : memref<5120x128xf32, #tpu.memory_space<vmem_shared>> -> memref<320x128xf32, #tpu.memory_space<vmem_shared>>
        tpu.wait_dma2 semaphore(%run_scoped3A : memref<!tpu.dma_semaphore, #tpu.memory_space<semaphore_mem>>) src(%dma_wait3A_111 : memref<320x128xf32, #tpu.memory_space<vmem_shared>>) dst(%dma_wait3A_109 : memref<320x128xf32, #tpu.memory_space<hbm>>)
        tpu.yield
      }) : () -> ()
      %mul3A_58 = arith.constant 320 : i32
      %mul3A_59 = arith.muli %arg1, %mul3A_58 : i32
      %add3A_60 = arith.constant 0 : i32
      %add3A_61 = arith.addi %mul3A_59, %add3A_60 : i32
      "tpu.region"() ({
        %run_scoped3A = tpu.sem_alloc : memref<!tpu.dma_semaphore, #tpu.memory_space<semaphore_mem>>
        %dma_start3A_105 = arith.constant 0 : i32
        %dma_start3A_106 = tpu.memref_slice %arg15[%add3A_61, %dma_start3A_105] : memref<5120x128xf32, #tpu.memory_space<vmem_shared>> -> memref<64x128xf32, #tpu.memory_space<vmem_shared>>
        %dma_start3A_107 = arith.constant 0 : i32
        %dma_start3A_108 = tpu.memref_slice %arg15[%add3A_61, %dma_start3A_107] : memref<5120x128xf32, #tpu.memory_space<vmem_shared>> -> memref<64x128xf32, #tpu.memory_space<vmem_shared>>
        tpu.enqueue_dma source(%arg14 : memref<64x128xf32, #tpu.memory_space<vmem>>) target(%dma_start3A_108 : memref<64x128xf32, #tpu.memory_space<vmem_shared>>) target_semaphore(%run_scoped3A : memref<!tpu.dma_semaphore, #tpu.memory_space<semaphore_mem>>)
        %dma_wait3A = arith.constant 0 : i32
        %dma_wait3A_109 = tpu.memref_slice %arg15[%add3A_61, %dma_wait3A] : memref<5120x128xf32, #tpu.memory_space<vmem_shared>> -> memref<64x128xf32, #tpu.memory_space<vmem_shared>>
        %dma_wait3A_110 = arith.constant 0 : i32
        %dma_wait3A_111 = tpu.memref_slice %arg15[%add3A_61, %dma_wait3A_110] : memref<5120x128xf32, #tpu.memory_space<vmem_shared>> -> memref<64x128xf32, #tpu.memory_space<vmem_shared>>
        tpu.wait_dma2 semaphore(%run_scoped3A : memref<!tpu.dma_semaphore, #tpu.memory_space<semaphore_mem>>) src(%arg14 : memref<64x128xf32, #tpu.memory_space<vmem>>) dst(%dma_wait3A_111 : memref<64x128xf32, #tpu.memory_space<vmem_shared>>)
        tpu.yield
      }) : () -> ()
      %mul3A_62 = arith.constant 320 : i32
      %mul3A_63 = arith.muli %arg1, %mul3A_62 : i32
      %add3A_64 = arith.constant 64 : i32
      %add3A_65 = arith.addi %mul3A_63, %add3A_64 : i32
      "tpu.region"() ({
        %run_scoped3A = tpu.sem_alloc : memref<!tpu.dma_semaphore, #tpu.memory_space<semaphore_mem>>
        %dma_start3A_105 = arith.constant 0 : i32
        %dma_start3A_106 = tpu.memref_slice %arg15[%add3A_65, %dma_start3A_105] : memref<5120x128xf32, #tpu.memory_space<vmem_shared>> -> memref<64x128xf32, #tpu.memory_space<vmem_shared>>
        %dma_start3A_107 = arith.constant 0 : i32
        %dma_start3A_108 = tpu.memref_slice %arg15[%add3A_65, %dma_start3A_107] : memref<5120x128xf32, #tpu.memory_space<vmem_shared>> -> memref<64x128xf32, #tpu.memory_space<vmem_shared>>
        tpu.enqueue_dma source(%arg14 : memref<64x128xf32, #tpu.memory_space<vmem>>) target(%dma_start3A_108 : memref<64x128xf32, #tpu.memory_space<vmem_shared>>) target_semaphore(%run_scoped3A : memref<!tpu.dma_semaphore, #tpu.memory_space<semaphore_mem>>)
        %dma_wait3A = arith.constant 0 : i32
        %dma_wait3A_109 = tpu.memref_slice %arg15[%add3A_65, %dma_wait3A] : memref<5120x128xf32, #tpu.memory_space<vmem_shared>> -> memref<64x128xf32, #tpu.memory_space<vmem_shared>>
        %dma_wait3A_110 = arith.constant 0 : i32
        %dma_wait3A_111 = tpu.memref_slice %arg15[%add3A_65, %dma_wait3A_110] : memref<5120x128xf32, #tpu.memory_space<vmem_shared>> -> memref<64x128xf32, #tpu.memory_space<vmem_shared>>
        tpu.wait_dma2 semaphore(%run_scoped3A : memref<!tpu.dma_semaphore, #tpu.memory_space<semaphore_mem>>) src(%arg14 : memref<64x128xf32, #tpu.memory_space<vmem>>) dst(%dma_wait3A_111 : memref<64x128xf32, #tpu.memory_space<vmem_shared>>)
        tpu.yield
      }) : () -> ()
      %mul3A_66 = arith.constant 320 : i32
      %mul3A_67 = arith.muli %arg1, %mul3A_66 : i32
      %add3A_68 = arith.constant 128 : i32
      %add3A_69 = arith.addi %mul3A_67, %add3A_68 : i32
      "tpu.region"() ({
        %run_scoped3A = tpu.sem_alloc : memref<!tpu.dma_semaphore, #tpu.memory_space<semaphore_mem>>
        %dma_start3A_105 = arith.constant 0 : i32
        %dma_start3A_106 = tpu.memref_slice %arg15[%add3A_69, %dma_start3A_105] : memref<5120x128xf32, #tpu.memory_space<vmem_shared>> -> memref<64x128xf32, #tpu.memory_space<vmem_shared>>
        %dma_start3A_107 = arith.constant 0 : i32
        %dma_start3A_108 = tpu.memref_slice %arg15[%add3A_69, %dma_start3A_107] : memref<5120x128xf32, #tpu.memory_space<vmem_shared>> -> memref<64x128xf32, #tpu.memory_space<vmem_shared>>
        tpu.enqueue_dma source(%arg14 : memref<64x128xf32, #tpu.memory_space<vmem>>) target(%dma_start3A_108 : memref<64x128xf32, #tpu.memory_space<vmem_shared>>) target_semaphore(%run_scoped3A : memref<!tpu.dma_semaphore, #tpu.memory_space<semaphore_mem>>)
        %dma_wait3A = arith.constant 0 : i32
        %dma_wait3A_109 = tpu.memref_slice %arg15[%add3A_69, %dma_wait3A] : memref<5120x128xf32, #tpu.memory_space<vmem_shared>> -> memref<64x128xf32, #tpu.memory_space<vmem_shared>>
        %dma_wait3A_110 = arith.constant 0 : i32
        %dma_wait3A_111 = tpu.memref_slice %arg15[%add3A_69, %dma_wait3A_110] : memref<5120x128xf32, #tpu.memory_space<vmem_shared>> -> memref<64x128xf32, #tpu.memory_space<vmem_shared>>
        tpu.wait_dma2 semaphore(%run_scoped3A : memref<!tpu.dma_semaphore, #tpu.memory_space<semaphore_mem>>) src(%arg14 : memref<64x128xf32, #tpu.memory_space<vmem>>) dst(%dma_wait3A_111 : memref<64x128xf32, #tpu.memory_space<vmem_shared>>)
        tpu.yield
      }) : () -> ()
      %mul3A_70 = arith.constant 320 : i32
      %mul3A_71 = arith.muli %arg1, %mul3A_70 : i32
      %add3A_72 = arith.constant 192 : i32
      %add3A_73 = arith.addi %mul3A_71, %add3A_72 : i32
      "tpu.region"() ({
        %run_scoped3A = tpu.sem_alloc : memref<!tpu.dma_semaphore, #tpu.memory_space<semaphore_mem>>
        %dma_start3A_105 = arith.constant 0 : i32
        %dma_start3A_106 = tpu.memref_slice %arg15[%add3A_73, %dma_start3A_105] : memref<5120x128xf32, #tpu.memory_space<vmem_shared>> -> memref<64x128xf32, #tpu.memory_space<vmem_shared>>
        %dma_start3A_107 = arith.constant 0 : i32
        %dma_start3A_108 = tpu.memref_slice %arg15[%add3A_73, %dma_start3A_107] : memref<5120x128xf32, #tpu.memory_space<vmem_shared>> -> memref<64x128xf32, #tpu.memory_space<vmem_shared>>
        tpu.enqueue_dma source(%arg14 : memref<64x128xf32, #tpu.memory_space<vmem>>) target(%dma_start3A_108 : memref<64x128xf32, #tpu.memory_space<vmem_shared>>) target_semaphore(%run_scoped3A : memref<!tpu.dma_semaphore, #tpu.memory_space<semaphore_mem>>)
        %dma_wait3A = arith.constant 0 : i32
        %dma_wait3A_109 = tpu.memref_slice %arg15[%add3A_73, %dma_wait3A] : memref<5120x128xf32, #tpu.memory_space<vmem_shared>> -> memref<64x128xf32, #tpu.memory_space<vmem_shared>>
        %dma_wait3A_110 = arith.constant 0 : i32
        %dma_wait3A_111 = tpu.memref_slice %arg15[%add3A_73, %dma_wait3A_110] : memref<5120x128xf32, #tpu.memory_space<vmem_shared>> -> memref<64x128xf32, #tpu.memory_space<vmem_shared>>
        tpu.wait_dma2 semaphore(%run_scoped3A : memref<!tpu.dma_semaphore, #tpu.memory_space<semaphore_mem>>) src(%arg14 : memref<64x128xf32, #tpu.memory_space<vmem>>) dst(%dma_wait3A_111 : memref<64x128xf32, #tpu.memory_space<vmem_shared>>)
        tpu.yield
      }) : () -> ()
      %mul3A_74 = arith.constant 320 : i32
      %mul3A_75 = arith.muli %arg1, %mul3A_74 : i32
      %add3A_76 = arith.constant 256 : i32
      %add3A_77 = arith.addi %mul3A_75, %add3A_76 : i32
      "tpu.region"() ({
        %run_scoped3A = tpu.sem_alloc : memref<!tpu.dma_semaphore, #tpu.memory_space<semaphore_mem>>
        %dma_start3A_105 = arith.constant 0 : i32
        %dma_start3A_106 = tpu.memref_slice %arg15[%add3A_77, %dma_start3A_105] : memref<5120x128xf32, #tpu.memory_space<vmem_shared>> -> memref<64x128xf32, #tpu.memory_space<vmem_shared>>
        %dma_start3A_107 = arith.constant 0 : i32
        %dma_start3A_108 = tpu.memref_slice %arg15[%add3A_77, %dma_start3A_107] : memref<5120x128xf32, #tpu.memory_space<vmem_shared>> -> memref<64x128xf32, #tpu.memory_space<vmem_shared>>
        tpu.enqueue_dma source(%arg14 : memref<64x128xf32, #tpu.memory_space<vmem>>) target(%dma_start3A_108 : memref<64x128xf32, #tpu.memory_space<vmem_shared>>) target_semaphore(%run_scoped3A : memref<!tpu.dma_semaphore, #tpu.memory_space<semaphore_mem>>)
        %dma_wait3A = arith.constant 0 : i32
        %dma_wait3A_109 = tpu.memref_slice %arg15[%add3A_77, %dma_wait3A] : memref<5120x128xf32, #tpu.memory_space<vmem_shared>> -> memref<64x128xf32, #tpu.memory_space<vmem_shared>>
        %dma_wait3A_110 = arith.constant 0 : i32
        %dma_wait3A_111 = tpu.memref_slice %arg15[%add3A_77, %dma_wait3A_110] : memref<5120x128xf32, #tpu.memory_space<vmem_shared>> -> memref<64x128xf32, #tpu.memory_space<vmem_shared>>
        tpu.wait_dma2 semaphore(%run_scoped3A : memref<!tpu.dma_semaphore, #tpu.memory_space<semaphore_mem>>) src(%arg14 : memref<64x128xf32, #tpu.memory_space<vmem>>) dst(%dma_wait3A_111 : memref<64x128xf32, #tpu.memory_space<vmem_shared>>)
        tpu.yield
      }) : () -> ()
      %mul3A_78 = arith.constant 160 : i32
      %mul3A_79 = arith.muli %arg1, %mul3A_78 : i32
      "tpu.region"() ({
        %run_scoped3A = tpu.sem_alloc : memref<!tpu.dma_semaphore, #tpu.memory_space<semaphore_mem>>
        %dma_start3A_105 = arith.constant 0 : i32
        %dma_start3A_106 = tpu.memref_slice %arg5[%mul3A_79, %dma_start3A_105] : memref<2560x128xi32, #tpu.memory_space<hbm>> -> memref<160x128xi32, #tpu.memory_space<hbm>>
        %dma_start3A_107 = arith.constant 0 : i32
        %dma_start3A_108 = tpu.memref_slice %arg5[%mul3A_79, %dma_start3A_107] : memref<2560x128xi32, #tpu.memory_space<hbm>> -> memref<160x128xi32, #tpu.memory_space<hbm>>
        tpu.enqueue_dma source(%dma_start3A_108 : memref<160x128xi32, #tpu.memory_space<hbm>>) target(%arg11 : memref<160x128xi32, #tpu.memory_space<vmem>>) target_semaphore(%run_scoped3A : memref<!tpu.dma_semaphore, #tpu.memory_space<semaphore_mem>>)
        %dma_wait3A = arith.constant 0 : i32
        %dma_wait3A_109 = tpu.memref_slice %arg5[%mul3A_79, %dma_wait3A] : memref<2560x128xi32, #tpu.memory_space<hbm>> -> memref<160x128xi32, #tpu.memory_space<hbm>>
        %dma_wait3A_110 = arith.constant 0 : i32
        %dma_wait3A_111 = tpu.memref_slice %arg5[%mul3A_79, %dma_wait3A_110] : memref<2560x128xi32, #tpu.memory_space<hbm>> -> memref<160x128xi32, #tpu.memory_space<hbm>>
        tpu.wait_dma2 semaphore(%run_scoped3A : memref<!tpu.dma_semaphore, #tpu.memory_space<semaphore_mem>>) src(%dma_wait3A_111 : memref<160x128xi32, #tpu.memory_space<hbm>>) dst(%arg11 : memref<160x128xi32, #tpu.memory_space<vmem>>)
        tpu.yield
      }) : () -> ()
      %scan3A_80 = arith.constant 0 : i32
      %scan3A_81 = arith.constant 0 : i32
      %scan3A_82 = arith.constant 160 : i32
      %scan3A_83 = arith.addi %scan3A_81, %scan3A_82 : i32
      %scan3A_84 = arith.constant 1 : i32
      scf.for %scan3A_105 = %scan3A_81 to %scan3A_83 step %scan3A_84  : i32 {
        %get3A = arith.index_cast %scan3A_105 : i32 to index
        %get3A_106 = arith.constant 0 : index
        %get3A_107 = tpu.vector_load %arg11[%get3A, %get3A_106] {strides = array<i32>} : memref<160x128xi32, #tpu.memory_space<vmem>>, vector<1x16xi32>,
        %get3A_108 = vector.shape_cast %get3A_107 : vector<1x16xi32> to vector<16xi32>
        %sub3A = arith.constant 5000 : i32
        %sub3A_109 = vector.broadcast %sub3A : i32 to vector<16xi32>
        %sub3A_110 = arith.subi %get3A_108, %sub3A_109 : vector<16xi32>
        %ge3A = arith.constant 0 : i32
        %ge3A_111 = vector.broadcast %ge3A : i32 to vector<16xi32>
        %ge3A_112 = arith.cmpi sge, %sub3A_110, %ge3A_111 : vector<16xi32>
        %lt3A = arith.constant 5000 : i32
        %lt3A_113 = vector.broadcast %lt3A : i32 to vector<16xi32>
        %lt3A_114 = arith.cmpi slt, %sub3A_110, %lt3A_113 : vector<16xi32>
        %and3A = arith.andi %ge3A_112, %lt3A_114 : vector<16xi1>
        %and3A_115 = arith.constant 63 : i32
        %and3A_116 = vector.broadcast %and3A_115 : i32 to vector<16xi32>
        %and3A_117 = arith.andi %get3A_108, %and3A_116 : vector<16xi32>
        %add3A_118 = arith.constant 5000 : i32
        %add3A_119 = vector.broadcast %add3A_118 : i32 to vector<16xi32>
        %add3A_120 = arith.addi %add3A_119, %and3A_117 : vector<16xi32>
        %select_n3A = arith.select %and3A, %sub3A_110, %add3A_120 : vector<16xi1>, vector<16xi32>
        %swap3A = arith.index_cast %scan3A_105 : i32 to index
        %swap3A_121 = arith.constant 0 : index
        %swap3A_122 = tpu.vector_load %arg11[%swap3A, %swap3A_121] {strides = array<i32>} : memref<160x128xi32, #tpu.memory_space<vmem>>, vector<1x16xi32>,
        %swap3A_123 = vector.shape_cast %swap3A_122 : vector<1x16xi32> to vector<16xi32>
        %swap3A_124 = vector.shape_cast %select_n3A : vector<16xi32> to vector<1x16xi32>
        tpu.vector_store %arg11[%swap3A, %swap3A_121], %swap3A_124 {strides = array<i32>} : memref<160x128xi32, #tpu.memory_space<vmem>>, vector<1x16xi32>,
        %get3A_125 = arith.index_cast %scan3A_105 : i32 to index
        %get3A_126 = arith.constant 16 : index
        %get3A_127 = tpu.vector_load %arg11[%get3A_125, %get3A_126] {strides = array<i32>} : memref<160x128xi32, #tpu.memory_space<vmem>>, vector<1x16xi32>,
        %get3A_128 = vector.shape_cast %get3A_127 : vector<1x16xi32> to vector<16xi32>
        %sub3A_129 = arith.constant 5000 : i32
        %sub3A_130 = vector.broadcast %sub3A_129 : i32 to vector<16xi32>
        %sub3A_131 = arith.subi %get3A_128, %sub3A_130 : vector<16xi32>
        %ge3A_132 = arith.constant 0 : i32
        %ge3A_133 = vector.broadcast %ge3A_132 : i32 to vector<16xi32>
        %ge3A_134 = arith.cmpi sge, %sub3A_131, %ge3A_133 : vector<16xi32>
        %lt3A_135 = arith.constant 5000 : i32
        %lt3A_136 = vector.broadcast %lt3A_135 : i32 to vector<16xi32>
        %lt3A_137 = arith.cmpi slt, %sub3A_131, %lt3A_136 : vector<16xi32>
        %and3A_138 = arith.andi %ge3A_134, %lt3A_137 : vector<16xi1>
        %and3A_139 = arith.constant 63 : i32
        %and3A_140 = vector.broadcast %and3A_139 : i32 to vector<16xi32>
        %and3A_141 = arith.andi %get3A_128, %and3A_140 : vector<16xi32>
        %add3A_142 = arith.constant 5000 : i32
        %add3A_143 = vector.broadcast %add3A_142 : i32 to vector<16xi32>
        %add3A_144 = arith.addi %add3A_143, %and3A_141 : vector<16xi32>
        %select_n3A_145 = arith.select %and3A_138, %sub3A_131, %add3A_144 : vector<16xi1>, vector<16xi32>
        %swap3A_146 = arith.index_cast %scan3A_105 : i32 to index
        %swap3A_147 = arith.constant 16 : index
        %swap3A_148 = tpu.vector_load %arg11[%swap3A_146, %swap3A_147] {strides = array<i32>} : memref<160x128xi32, #tpu.memory_space<vmem>>, vector<1x16xi32>,
        %swap3A_149 = vector.shape_cast %swap3A_148 : vector<1x16xi32> to vector<16xi32>
        %swap3A_150 = vector.shape_cast %select_n3A_145 : vector<16xi32> to vector<1x16xi32>
        tpu.vector_store %arg11[%swap3A_146, %swap3A_147], %swap3A_150 {strides = array<i32>} : memref<160x128xi32, #tpu.memory_space<vmem>>, vector<1x16xi32>,
        %get3A_151 = arith.index_cast %scan3A_105 : i32 to index
        %get3A_152 = arith.constant 32 : index
        %get3A_153 = tpu.vector_load %arg11[%get3A_151, %get3A_152] {strides = array<i32>} : memref<160x128xi32, #tpu.memory_space<vmem>>, vector<1x16xi32>,
        %get3A_154 = vector.shape_cast %get3A_153 : vector<1x16xi32> to vector<16xi32>
        %sub3A_155 = arith.constant 5000 : i32
        %sub3A_156 = vector.broadcast %sub3A_155 : i32 to vector<16xi32>
        %sub3A_157 = arith.subi %get3A_154, %sub3A_156 : vector<16xi32>
        %ge3A_158 = arith.constant 0 : i32
        %ge3A_159 = vector.broadcast %ge3A_158 : i32 to vector<16xi32>
        %ge3A_160 = arith.cmpi sge, %sub3A_157, %ge3A_159 : vector<16xi32>
        %lt3A_161 = arith.constant 5000 : i32
        %lt3A_162 = vector.broadcast %lt3A_161 : i32 to vector<16xi32>
        %lt3A_163 = arith.cmpi slt, %sub3A_157, %lt3A_162 : vector<16xi32>
        %and3A_164 = arith.andi %ge3A_160, %lt3A_163 : vector<16xi1>
        %and3A_165 = arith.constant 63 : i32
        %and3A_166 = vector.broadcast %and3A_165 : i32 to vector<16xi32>
        %and3A_167 = arith.andi %get3A_154, %and3A_166 : vector<16xi32>
        %add3A_168 = arith.constant 5000 : i32
        %add3A_169 = vector.broadcast %add3A_168 : i32 to vector<16xi32>
        %add3A_170 = arith.addi %add3A_169, %and3A_167 : vector<16xi32>
        %select_n3A_171 = arith.select %and3A_164, %sub3A_157, %add3A_170 : vector<16xi1>, vector<16xi32>
        %swap3A_172 = arith.index_cast %scan3A_105 : i32 to index
        %swap3A_173 = arith.constant 32 : index
        %swap3A_174 = tpu.vector_load %arg11[%swap3A_172, %swap3A_173] {strides = array<i32>} : memref<160x128xi32, #tpu.memory_space<vmem>>, vector<1x16xi32>,
        %swap3A_175 = vector.shape_cast %swap3A_174 : vector<1x16xi32> to vector<16xi32>
        %swap3A_176 = vector.shape_cast %select_n3A_171 : vector<16xi32> to vector<1x16xi32>
        tpu.vector_store %arg11[%swap3A_172, %swap3A_173], %swap3A_176 {strides = array<i32>} : memref<160x128xi32, #tpu.memory_space<vmem>>, vector<1x16xi32>,
        %get3A_177 = arith.index_cast %scan3A_105 : i32 to index
        %get3A_178 = arith.constant 48 : index
        %get3A_179 = tpu.vector_load %arg11[%get3A_177, %get3A_178] {strides = array<i32>} : memref<160x128xi32, #tpu.memory_space<vmem>>, vector<1x16xi32>,
        %get3A_180 = vector.shape_cast %get3A_179 : vector<1x16xi32> to vector<16xi32>
        %sub3A_181 = arith.constant 5000 : i32
        %sub3A_182 = vector.broadcast %sub3A_181 : i32 to vector<16xi32>
        %sub3A_183 = arith.subi %get3A_180, %sub3A_182 : vector<16xi32>
        %ge3A_184 = arith.constant 0 : i32
        %ge3A_185 = vector.broadcast %ge3A_184 : i32 to vector<16xi32>
        %ge3A_186 = arith.cmpi sge, %sub3A_183, %ge3A_185 : vector<16xi32>
        %lt3A_187 = arith.constant 5000 : i32
        %lt3A_188 = vector.broadcast %lt3A_187 : i32 to vector<16xi32>
        %lt3A_189 = arith.cmpi slt, %sub3A_183, %lt3A_188 : vector<16xi32>
        %and3A_190 = arith.andi %ge3A_186, %lt3A_189 : vector<16xi1>
        %and3A_191 = arith.constant 63 : i32
        %and3A_192 = vector.broadcast %and3A_191 : i32 to vector<16xi32>
        %and3A_193 = arith.andi %get3A_180, %and3A_192 : vector<16xi32>
        %add3A_194 = arith.constant 5000 : i32
        %add3A_195 = vector.broadcast %add3A_194 : i32 to vector<16xi32>
        %add3A_196 = arith.addi %add3A_195, %and3A_193 : vector<16xi32>
        %select_n3A_197 = arith.select %and3A_190, %sub3A_183, %add3A_196 : vector<16xi1>, vector<16xi32>
        %swap3A_198 = arith.index_cast %scan3A_105 : i32 to index
        %swap3A_199 = arith.constant 48 : index
        %swap3A_200 = tpu.vector_load %arg11[%swap3A_198, %swap3A_199] {strides = array<i32>} : memref<160x128xi32, #tpu.memory_space<vmem>>, vector<1x16xi32>,
        %swap3A_201 = vector.shape_cast %swap3A_200 : vector<1x16xi32> to vector<16xi32>
        %swap3A_202 = vector.shape_cast %select_n3A_197 : vector<16xi32> to vector<1x16xi32>
        tpu.vector_store %arg11[%swap3A_198, %swap3A_199], %swap3A_202 {strides = array<i32>} : memref<160x128xi32, #tpu.memory_space<vmem>>, vector<1x16xi32>,
        %get3A_203 = arith.index_cast %scan3A_105 : i32 to index
        %get3A_204 = arith.constant 64 : index
        %get3A_205 = tpu.vector_load %arg11[%get3A_203, %get3A_204] {strides = array<i32>} : memref<160x128xi32, #tpu.memory_space<vmem>>, vector<1x16xi32>,
        %get3A_206 = vector.shape_cast %get3A_205 : vector<1x16xi32> to vector<16xi32>
        %sub3A_207 = arith.constant 5000 : i32
        %sub3A_208 = vector.broadcast %sub3A_207 : i32 to vector<16xi32>
        %sub3A_209 = arith.subi %get3A_206, %sub3A_208 : vector<16xi32>
        %ge3A_210 = arith.constant 0 : i32
        %ge3A_211 = vector.broadcast %ge3A_210 : i32 to vector<16xi32>
        %ge3A_212 = arith.cmpi sge, %sub3A_209, %ge3A_211 : vector<16xi32>
        %lt3A_213 = arith.constant 5000 : i32
        %lt3A_214 = vector.broadcast %lt3A_213 : i32 to vector<16xi32>
        %lt3A_215 = arith.cmpi slt, %sub3A_209, %lt3A_214 : vector<16xi32>
        %and3A_216 = arith.andi %ge3A_212, %lt3A_215 : vector<16xi1>
        %and3A_217 = arith.constant 63 : i32
        %and3A_218 = vector.broadcast %and3A_217 : i32 to vector<16xi32>
        %and3A_219 = arith.andi %get3A_206, %and3A_218 : vector<16xi32>
        %add3A_220 = arith.constant 5000 : i32
        %add3A_221 = vector.broadcast %add3A_220 : i32 to vector<16xi32>
        %add3A_222 = arith.addi %add3A_221, %and3A_219 : vector<16xi32>
        %select_n3A_223 = arith.select %and3A_216, %sub3A_209, %add3A_222 : vector<16xi1>, vector<16xi32>
        %swap3A_224 = arith.index_cast %scan3A_105 : i32 to index
        %swap3A_225 = arith.constant 64 : index
        %swap3A_226 = tpu.vector_load %arg11[%swap3A_224, %swap3A_225] {strides = array<i32>} : memref<160x128xi32, #tpu.memory_space<vmem>>, vector<1x16xi32>,
        %swap3A_227 = vector.shape_cast %swap3A_226 : vector<1x16xi32> to vector<16xi32>
        %swap3A_228 = vector.shape_cast %select_n3A_223 : vector<16xi32> to vector<1x16xi32>
        tpu.vector_store %arg11[%swap3A_224, %swap3A_225], %swap3A_228 {strides = array<i32>} : memref<160x128xi32, #tpu.memory_space<vmem>>, vector<1x16xi32>,
        %get3A_229 = arith.index_cast %scan3A_105 : i32 to index
        %get3A_230 = arith.constant 80 : index
        %get3A_231 = tpu.vector_load %arg11[%get3A_229, %get3A_230] {strides = array<i32>} : memref<160x128xi32, #tpu.memory_space<vmem>>, vector<1x16xi32>,
        %get3A_232 = vector.shape_cast %get3A_231 : vector<1x16xi32> to vector<16xi32>
        %sub3A_233 = arith.constant 5000 : i32
        %sub3A_234 = vector.broadcast %sub3A_233 : i32 to vector<16xi32>
        %sub3A_235 = arith.subi %get3A_232, %sub3A_234 : vector<16xi32>
        %ge3A_236 = arith.constant 0 : i32
        %ge3A_237 = vector.broadcast %ge3A_236 : i32 to vector<16xi32>
        %ge3A_238 = arith.cmpi sge, %sub3A_235, %ge3A_237 : vector<16xi32>
        %lt3A_239 = arith.constant 5000 : i32
        %lt3A_240 = vector.broadcast %lt3A_239 : i32 to vector<16xi32>
        %lt3A_241 = arith.cmpi slt, %sub3A_235, %lt3A_240 : vector<16xi32>
        %and3A_242 = arith.andi %ge3A_238, %lt3A_241 : vector<16xi1>
        %and3A_243 = arith.constant 63 : i32
        %and3A_244 = vector.broadcast %and3A_243 : i32 to vector<16xi32>
        %and3A_245 = arith.andi %get3A_232, %and3A_244 : vector<16xi32>
        %add3A_246 = arith.constant 5000 : i32
        %add3A_247 = vector.broadcast %add3A_246 : i32 to vector<16xi32>
        %add3A_248 = arith.addi %add3A_247, %and3A_245 : vector<16xi32>
        %select_n3A_249 = arith.select %and3A_242, %sub3A_235, %add3A_248 : vector<16xi1>, vector<16xi32>
        %swap3A_250 = arith.index_cast %scan3A_105 : i32 to index
        %swap3A_251 = arith.constant 80 : index
        %swap3A_252 = tpu.vector_load %arg11[%swap3A_250, %swap3A_251] {strides = array<i32>} : memref<160x128xi32, #tpu.memory_space<vmem>>, vector<1x16xi32>,
        %swap3A_253 = vector.shape_cast %swap3A_252 : vector<1x16xi32> to vector<16xi32>
        %swap3A_254 = vector.shape_cast %select_n3A_249 : vector<16xi32> to vector<1x16xi32>
        tpu.vector_store %arg11[%swap3A_250, %swap3A_251], %swap3A_254 {strides = array<i32>} : memref<160x128xi32, #tpu.memory_space<vmem>>, vector<1x16xi32>,
        %get3A_255 = arith.index_cast %scan3A_105 : i32 to index
        %get3A_256 = arith.constant 96 : index
        %get3A_257 = tpu.vector_load %arg11[%get3A_255, %get3A_256] {strides = array<i32>} : memref<160x128xi32, #tpu.memory_space<vmem>>, vector<1x16xi32>,
        %get3A_258 = vector.shape_cast %get3A_257 : vector<1x16xi32> to vector<16xi32>
        %sub3A_259 = arith.constant 5000 : i32
        %sub3A_260 = vector.broadcast %sub3A_259 : i32 to vector<16xi32>
        %sub3A_261 = arith.subi %get3A_258, %sub3A_260 : vector<16xi32>
        %ge3A_262 = arith.constant 0 : i32
        %ge3A_263 = vector.broadcast %ge3A_262 : i32 to vector<16xi32>
        %ge3A_264 = arith.cmpi sge, %sub3A_261, %ge3A_263 : vector<16xi32>
        %lt3A_265 = arith.constant 5000 : i32
        %lt3A_266 = vector.broadcast %lt3A_265 : i32 to vector<16xi32>
        %lt3A_267 = arith.cmpi slt, %sub3A_261, %lt3A_266 : vector<16xi32>
        %and3A_268 = arith.andi %ge3A_264, %lt3A_267 : vector<16xi1>
        %and3A_269 = arith.constant 63 : i32
        %and3A_270 = vector.broadcast %and3A_269 : i32 to vector<16xi32>
        %and3A_271 = arith.andi %get3A_258, %and3A_270 : vector<16xi32>
        %add3A_272 = arith.constant 5000 : i32
        %add3A_273 = vector.broadcast %add3A_272 : i32 to vector<16xi32>
        %add3A_274 = arith.addi %add3A_273, %and3A_271 : vector<16xi32>
        %select_n3A_275 = arith.select %and3A_268, %sub3A_261, %add3A_274 : vector<16xi1>, vector<16xi32>
        %swap3A_276 = arith.index_cast %scan3A_105 : i32 to index
        %swap3A_277 = arith.constant 96 : index
        %swap3A_278 = tpu.vector_load %arg11[%swap3A_276, %swap3A_277] {strides = array<i32>} : memref<160x128xi32, #tpu.memory_space<vmem>>, vector<1x16xi32>,
        %swap3A_279 = vector.shape_cast %swap3A_278 : vector<1x16xi32> to vector<16xi32>
        %swap3A_280 = vector.shape_cast %select_n3A_275 : vector<16xi32> to vector<1x16xi32>
        tpu.vector_store %arg11[%swap3A_276, %swap3A_277], %swap3A_280 {strides = array<i32>} : memref<160x128xi32, #tpu.memory_space<vmem>>, vector<1x16xi32>,
        %get3A_281 = arith.index_cast %scan3A_105 : i32 to index
        %get3A_282 = arith.constant 112 : index
        %get3A_283 = tpu.vector_load %arg11[%get3A_281, %get3A_282] {strides = array<i32>} : memref<160x128xi32, #tpu.memory_space<vmem>>, vector<1x16xi32>,
        %get3A_284 = vector.shape_cast %get3A_283 : vector<1x16xi32> to vector<16xi32>
        %sub3A_285 = arith.constant 5000 : i32
        %sub3A_286 = vector.broadcast %sub3A_285 : i32 to vector<16xi32>
        %sub3A_287 = arith.subi %get3A_284, %sub3A_286 : vector<16xi32>
        %ge3A_288 = arith.constant 0 : i32
        %ge3A_289 = vector.broadcast %ge3A_288 : i32 to vector<16xi32>
        %ge3A_290 = arith.cmpi sge, %sub3A_287, %ge3A_289 : vector<16xi32>
        %lt3A_291 = arith.constant 5000 : i32
        %lt3A_292 = vector.broadcast %lt3A_291 : i32 to vector<16xi32>
        %lt3A_293 = arith.cmpi slt, %sub3A_287, %lt3A_292 : vector<16xi32>
        %and3A_294 = arith.andi %ge3A_290, %lt3A_293 : vector<16xi1>
        %and3A_295 = arith.constant 63 : i32
        %and3A_296 = vector.broadcast %and3A_295 : i32 to vector<16xi32>
        %and3A_297 = arith.andi %get3A_284, %and3A_296 : vector<16xi32>
        %add3A_298 = arith.constant 5000 : i32
        %add3A_299 = vector.broadcast %add3A_298 : i32 to vector<16xi32>
        %add3A_300 = arith.addi %add3A_299, %and3A_297 : vector<16xi32>
        %select_n3A_301 = arith.select %and3A_294, %sub3A_287, %add3A_300 : vector<16xi1>, vector<16xi32>
        %swap3A_302 = arith.index_cast %scan3A_105 : i32 to index
        %swap3A_303 = arith.constant 112 : index
        %swap3A_304 = tpu.vector_load %arg11[%swap3A_302, %swap3A_303] {strides = array<i32>} : memref<160x128xi32, #tpu.memory_space<vmem>>, vector<1x16xi32>,
        %swap3A_305 = vector.shape_cast %swap3A_304 : vector<1x16xi32> to vector<16xi32>
        %swap3A_306 = vector.shape_cast %select_n3A_301 : vector<16xi32> to vector<1x16xi32>
        tpu.vector_store %arg11[%swap3A_302, %swap3A_303], %swap3A_306 {strides = array<i32>} : memref<160x128xi32, #tpu.memory_space<vmem>>, vector<1x16xi32>,
      }
      %scan3A_85 = arith.constant 160 : i32
      %barrier3A_86 = arith.constant 0 : index
      tpu.barrier barrier_id(%barrier3A_86)
      %dma_start3A_87 = arith.constant 0 : i32
      %dma_start3A_88 = arith.constant 0 : i32
      %dma_start3A_89 = tpu.memref_slice %arg10[%dma_start3A_87, %dma_start3A_88] : memref<160x128xi32, #tpu.memory_space<vmem>> -> memref<1x128xi32, #tpu.memory_space<vmem>>
      %dma_start3A_90 = tpu.memref_squeeze %dma_start3A_89 : memref<1x128xi32, #tpu.memory_space<vmem>> -> memref<128xi32, #tpu.memory_space<vmem>>
      %dma_start3A_91 = arith.constant 0 : i32
      %dma_start3A_92 = arith.constant 0 : i32
      %dma_start3A_93 = tpu.memref_slice %arg2[%dma_start3A_91, %dma_start3A_92] : memref<10000x128xf32, #tpu.memory_space<hbm>> -> memref<10000x128xf32, #tpu.memory_space<hbm>>
      tpu.enqueue_indirect_dma source(%dma_start3A_93 : memref<10000x128xf32, #tpu.memory_space<hbm>>) target(%arg12 : memref<128x128xf32, #tpu.memory_space<vmem>>) offsets(%dma_start3A_90 : memref<128xi32, #tpu.memory_space<vmem>>) semaphore(%arg16 : memref<!tpu.dma_semaphore, #tpu.memory_space<semaphore_mem>>)
      %scan3A_94 = arith.constant 0 : i32
      %scan3A_95 = arith.constant 0 : i32
      %scan3A_96 = arith.constant 80 : i32
      %scan3A_97 = arith.addi %scan3A_95, %scan3A_96 : i32
      %scan3A_98 = arith.constant 1 : i32
      scf.for %scan3A_105 = %scan3A_95 to %scan3A_97 step %scan3A_98  : i32 {
        %mul3A_106 = arith.constant 2 : i32
        %mul3A_107 = arith.muli %mul3A_106, %scan3A_105 : i32
        %add3A_108 = arith.constant 0 : i32
        %add3A_109 = arith.addi %add3A_108, %mul3A_107 : i32
        %add3A_110 = arith.constant 1 : i32
        %add3A_111 = arith.addi %add3A_109, %add3A_110 : i32
        %dma_start3A_112 = arith.constant 0 : i32
        %dma_start3A_113 = tpu.memref_slice %arg10[%add3A_111, %dma_start3A_112] : memref<160x128xi32, #tpu.memory_space<vmem>> -> memref<1x128xi32, #tpu.memory_space<vmem>>
        %dma_start3A_114 = tpu.memref_squeeze %dma_start3A_113 : memref<1x128xi32, #tpu.memory_space<vmem>> -> memref<128xi32, #tpu.memory_space<vmem>>
        %dma_start3A_115 = arith.constant 0 : i32
        %dma_start3A_116 = arith.constant 0 : i32
        %dma_start3A_117 = tpu.memref_slice %arg2[%dma_start3A_115, %dma_start3A_116] : memref<10000x128xf32, #tpu.memory_space<hbm>> -> memref<10000x128xf32, #tpu.memory_space<hbm>>
        tpu.enqueue_indirect_dma source(%dma_start3A_117 : memref<10000x128xf32, #tpu.memory_space<hbm>>) target(%arg13 : memref<128x128xf32, #tpu.memory_space<vmem>>) offsets(%dma_start3A_114 : memref<128xi32, #tpu.memory_space<vmem>>) semaphore(%arg17 : memref<!tpu.dma_semaphore, #tpu.memory_space<semaphore_mem>>)
        %dma_wait3A = arith.constant 0 : i32
        %dma_wait3A_118 = arith.constant 0 : i32
        %dma_wait3A_119 = tpu.memref_slice %arg10[%dma_wait3A, %dma_wait3A_118] : memref<160x128xi32, #tpu.memory_space<vmem>> -> memref<1x128xi32, #tpu.memory_space<vmem>>
        %dma_wait3A_120 = tpu.memref_squeeze %dma_wait3A_119 : memref<1x128xi32, #tpu.memory_space<vmem>> -> memref<128xi32, #tpu.memory_space<vmem>>
        %dma_wait3A_121 = arith.constant 0 : i32
        %dma_wait3A_122 = arith.constant 0 : i32
        %dma_wait3A_123 = tpu.memref_slice %arg2[%dma_wait3A_121, %dma_wait3A_122] : memref<10000x128xf32, #tpu.memory_space<hbm>> -> memref<10000x128xf32, #tpu.memory_space<hbm>>
        tpu.wait_indirect_dma semaphore(%arg16 : memref<!tpu.dma_semaphore, #tpu.memory_space<semaphore_mem>>) src(%dma_wait3A_123 : memref<10000x128xf32, #tpu.memory_space<hbm>>) dst(%arg12 : memref<128x128xf32, #tpu.memory_space<vmem>>)
        "tpu.region"() ({
          %run_scoped3A = tpu.sem_alloc : memref<!tpu.dma_semaphore, #tpu.memory_space<semaphore_mem>>
          %dma_start3A_137 = arith.constant 0 : i32
          %dma_start3A_138 = tpu.memref_slice %arg11[%add3A_109, %dma_start3A_137] : memref<160x128xi32, #tpu.memory_space<vmem>> -> memref<1x128xi32, #tpu.memory_space<vmem>>
          %dma_start3A_139 = tpu.memref_squeeze %dma_start3A_138 : memref<1x128xi32, #tpu.memory_space<vmem>> -> memref<128xi32, #tpu.memory_space<vmem>>
          %dma_start3A_140 = arith.constant 0 : i32
          %dma_start3A_141 = arith.constant 0 : i32
          %dma_start3A_142 = tpu.memref_slice %arg15[%dma_start3A_140, %dma_start3A_141] : memref<5120x128xf32, #tpu.memory_space<vmem_shared>> -> memref<5120x128xf32, #tpu.memory_space<vmem_shared>>
          tpu.enqueue_indirect_dma source(%arg12 : memref<128x128xf32, #tpu.memory_space<vmem>>) target(%dma_start3A_142 : memref<5120x128xf32, #tpu.memory_space<vmem_shared>>) offsets(%dma_start3A_139 : memref<128xi32, #tpu.memory_space<vmem>>) semaphore(%run_scoped3A : memref<!tpu.dma_semaphore, #tpu.memory_space<semaphore_mem>>) {add = true}
          %dma_wait3A_143 = arith.constant 0 : i32
          %dma_wait3A_144 = tpu.memref_slice %arg11[%add3A_109, %dma_wait3A_143] : memref<160x128xi32, #tpu.memory_space<vmem>> -> memref<1x128xi32, #tpu.memory_space<vmem>>
          %dma_wait3A_145 = tpu.memref_squeeze %dma_wait3A_144 : memref<1x128xi32, #tpu.memory_space<vmem>> -> memref<128xi32, #tpu.memory_space<vmem>>
          %dma_wait3A_146 = arith.constant 0 : i32
          %dma_wait3A_147 = arith.constant 0 : i32
          %dma_wait3A_148 = tpu.memref_slice %arg15[%dma_wait3A_146, %dma_wait3A_147] : memref<5120x128xf32, #tpu.memory_space<vmem_shared>> -> memref<5120x128xf32, #tpu.memory_space<vmem_shared>>
          tpu.wait_indirect_dma semaphore(%run_scoped3A : memref<!tpu.dma_semaphore, #tpu.memory_space<semaphore_mem>>) src(%arg12 : memref<128x128xf32, #tpu.memory_space<vmem>>) dst(%dma_wait3A_148 : memref<5120x128xf32, #tpu.memory_space<vmem_shared>>)
          tpu.yield
        }) : () -> ()
        %lt3A = arith.constant 79 : i32
        %lt3A_124 = arith.cmpi slt, %scan3A_105, %lt3A : i32
        %convert_element_type3A_125 = arith.extui %lt3A_124 : i1 to i32
        %cond3A_126 = arith.constant 0 : i32
        %cond3A_127 = arith.cmpi ne, %convert_element_type3A_125, %cond3A_126 : i32
        scf.if %cond3A_127 {
          %add3A_137 = arith.constant 2 : i32
          %add3A_138 = arith.addi %add3A_109, %add3A_137 : i32
          %dma_start3A_139 = arith.constant 0 : i32
          %dma_start3A_140 = tpu.memref_slice %arg10[%add3A_138, %dma_start3A_139] : memref<160x128xi32, #tpu.memory_space<vmem>> -> memref<1x128xi32, #tpu.memory_space<vmem>>
          %dma_start3A_141 = tpu.memref_squeeze %dma_start3A_140 : memref<1x128xi32, #tpu.memory_space<vmem>> -> memref<128xi32, #tpu.memory_space<vmem>>
          %dma_start3A_142 = arith.constant 0 : i32
          %dma_start3A_143 = arith.constant 0 : i32
          %dma_start3A_144 = tpu.memref_slice %arg2[%dma_start3A_142, %dma_start3A_143] : memref<10000x128xf32, #tpu.memory_space<hbm>> -> memref<10000x128xf32, #tpu.memory_space<hbm>>
          tpu.enqueue_indirect_dma source(%dma_start3A_144 : memref<10000x128xf32, #tpu.memory_space<hbm>>) target(%arg12 : memref<128x128xf32, #tpu.memory_space<vmem>>) offsets(%dma_start3A_141 : memref<128xi32, #tpu.memory_space<vmem>>) semaphore(%arg16 : memref<!tpu.dma_semaphore, #tpu.memory_space<semaphore_mem>>)
        } else {
        }
        %dma_wait3A_128 = arith.constant 0 : i32
        %dma_wait3A_129 = arith.constant 0 : i32
        %dma_wait3A_130 = tpu.memref_slice %arg10[%dma_wait3A_128, %dma_wait3A_129] : memref<160x128xi32, #tpu.memory_space<vmem>> -> memref<1x128xi32, #tpu.memory_space<vmem>>
        %dma_wait3A_131 = tpu.memref_squeeze %dma_wait3A_130 : memref<1x128xi32, #tpu.memory_space<vmem>> -> memref<128xi32, #tpu.memory_space<vmem>>
        %dma_wait3A_132 = arith.constant 0 : i32
        %dma_wait3A_133 = arith.constant 0 : i32
        %dma_wait3A_134 = tpu.memref_slice %arg2[%dma_wait3A_132, %dma_wait3A_133] : memref<10000x128xf32, #tpu.memory_space<hbm>> -> memref<10000x128xf32, #tpu.memory_space<hbm>>
        tpu.wait_indirect_dma semaphore(%arg17 : memref<!tpu.dma_semaphore, #tpu.memory_space<semaphore_mem>>) src(%dma_wait3A_134 : memref<10000x128xf32, #tpu.memory_space<hbm>>) dst(%arg13 : memref<128x128xf32, #tpu.memory_space<vmem>>)
        %add3A_135 = arith.constant 1 : i32
        %add3A_136 = arith.addi %add3A_109, %add3A_135 : i32
        "tpu.region"() ({
          %run_scoped3A = tpu.sem_alloc : memref<!tpu.dma_semaphore, #tpu.memory_space<semaphore_mem>>
          %dma_start3A_137 = arith.constant 0 : i32
          %dma_start3A_138 = tpu.memref_slice %arg11[%add3A_136, %dma_start3A_137] : memref<160x128xi32, #tpu.memory_space<vmem>> -> memref<1x128xi32, #tpu.memory_space<vmem>>
          %dma_start3A_139 = tpu.memref_squeeze %dma_start3A_138 : memref<1x128xi32, #tpu.memory_space<vmem>> -> memref<128xi32, #tpu.memory_space<vmem>>
          %dma_start3A_140 = arith.constant 0 : i32
          %dma_start3A_141 = arith.constant 0 : i32
          %dma_start3A_142 = tpu.memref_slice %arg15[%dma_start3A_140, %dma_start3A_141] : memref<5120x128xf32, #tpu.memory_space<vmem_shared>> -> memref<5120x128xf32, #tpu.memory_space<vmem_shared>>
          tpu.enqueue_indirect_dma source(%arg13 : memref<128x128xf32, #tpu.memory_space<vmem>>) target(%dma_start3A_142 : memref<5120x128xf32, #tpu.memory_space<vmem_shared>>) offsets(%dma_start3A_139 : memref<128xi32, #tpu.memory_space<vmem>>) semaphore(%run_scoped3A : memref<!tpu.dma_semaphore, #tpu.memory_space<semaphore_mem>>) {add = true}
          %dma_wait3A_143 = arith.constant 0 : i32
          %dma_wait3A_144 = tpu.memref_slice %arg11[%add3A_136, %dma_wait3A_143] : memref<160x128xi32, #tpu.memory_space<vmem>> -> memref<1x128xi32, #tpu.memory_space<vmem>>
          %dma_wait3A_145 = tpu.memref_squeeze %dma_wait3A_144 : memref<1x128xi32, #tpu.memory_space<vmem>> -> memref<128xi32, #tpu.memory_space<vmem>>
          %dma_wait3A_146 = arith.constant 0 : i32
          %dma_wait3A_147 = arith.constant 0 : i32
          %dma_wait3A_148 = tpu.memref_slice %arg15[%dma_wait3A_146, %dma_wait3A_147] : memref<5120x128xf32, #tpu.memory_space<vmem_shared>> -> memref<5120x128xf32, #tpu.memory_space<vmem_shared>>
          tpu.wait_indirect_dma semaphore(%run_scoped3A : memref<!tpu.dma_semaphore, #tpu.memory_space<semaphore_mem>>) src(%arg13 : memref<128x128xf32, #tpu.memory_space<vmem>>) dst(%dma_wait3A_148 : memref<5120x128xf32, #tpu.memory_space<vmem_shared>>)
          tpu.yield
        }) : () -> ()
      }
      %scan3A_99 = arith.constant 80 : i32
      %barrier3A_100 = arith.constant 0 : index
      tpu.barrier barrier_id(%barrier3A_100)
      %mul3A_101 = arith.constant 320 : i32
      %mul3A_102 = arith.muli %arg1, %mul3A_101 : i32
      %mul3A_103 = arith.constant 320 : i32
      %mul3A_104 = arith.muli %arg1, %mul3A_103 : i32
      "tpu.region"() ({
        %run_scoped3A = tpu.sem_alloc : memref<!tpu.dma_semaphore, #tpu.memory_space<semaphore_mem>>
        %dma_start3A_105 = arith.constant 0 : i32
        %dma_start3A_106 = tpu.memref_slice %arg7[%mul3A_104, %dma_start3A_105] : memref<5120x128xf32, #tpu.memory_space<hbm>> -> memref<320x128xf32, #tpu.memory_space<hbm>>
        %dma_start3A_107 = arith.constant 0 : i32
        %dma_start3A_108 = tpu.memref_slice %arg15[%mul3A_102, %dma_start3A_107] : memref<5120x128xf32, #tpu.memory_space<vmem_shared>> -> memref<320x128xf32, #tpu.memory_space<vmem_shared>>
        tpu.enqueue_dma source(%dma_start3A_108 : memref<320x128xf32, #tpu.memory_space<vmem_shared>>) target(%dma_start3A_106 : memref<320x128xf32, #tpu.memory_space<hbm>>) target_semaphore(%run_scoped3A : memref<!tpu.dma_semaphore, #tpu.memory_space<semaphore_mem>>)
        %dma_wait3A = arith.constant 0 : i32
        %dma_wait3A_109 = tpu.memref_slice %arg7[%mul3A_104, %dma_wait3A] : memref<5120x128xf32, #tpu.memory_space<hbm>> -> memref<320x128xf32, #tpu.memory_space<hbm>>
        %dma_wait3A_110 = arith.constant 0 : i32
        %dma_wait3A_111 = tpu.memref_slice %arg15[%mul3A_102, %dma_wait3A_110] : memref<5120x128xf32, #tpu.memory_space<vmem_shared>> -> memref<320x128xf32, #tpu.memory_space<vmem_shared>>
        tpu.wait_dma2 semaphore(%run_scoped3A : memref<!tpu.dma_semaphore, #tpu.memory_space<semaphore_mem>>) src(%dma_wait3A_111 : memref<320x128xf32, #tpu.memory_space<vmem_shared>>) dst(%dma_wait3A_109 : memref<320x128xf32, #tpu.memory_space<hbm>>)
        tpu.yield
      }) : () -> ()
    } else {
    }
    %eq3A_9 = arith.constant 1 : i32
    %eq3A_10 = arith.cmpi eq, %arg0, %eq3A_9 : i32
    %convert_element_type3A_11 = arith.extui %eq3A_10 : i1 to i32
    %cond3A_12 = arith.constant 0 : i32
    %cond3A_13 = arith.cmpi ne, %convert_element_type3A_11, %cond3A_12 : i32
    scf.if %cond3A_13 {
      %mul3A_14 = arith.constant 320 : i32
      %mul3A_15 = arith.muli %arg1, %mul3A_14 : i32
      %add3A = arith.constant 0 : i32
      %add3A_16 = arith.addi %mul3A_15, %add3A : i32
      "tpu.region"() ({
        %run_scoped3A = tpu.sem_alloc : memref<!tpu.dma_semaphore, #tpu.memory_space<semaphore_mem>>
        %dma_start3A_105 = arith.constant 0 : i32
        %dma_start3A_106 = tpu.memref_slice %arg15[%add3A_16, %dma_start3A_105] : memref<5120x128xf32, #tpu.memory_space<vmem_shared>> -> memref<64x128xf32, #tpu.memory_space<vmem_shared>>
        %dma_start3A_107 = arith.constant 0 : i32
        %dma_start3A_108 = tpu.memref_slice %arg15[%add3A_16, %dma_start3A_107] : memref<5120x128xf32, #tpu.memory_space<vmem_shared>> -> memref<64x128xf32, #tpu.memory_space<vmem_shared>>
        tpu.enqueue_dma source(%arg14 : memref<64x128xf32, #tpu.memory_space<vmem>>) target(%dma_start3A_108 : memref<64x128xf32, #tpu.memory_space<vmem_shared>>) target_semaphore(%run_scoped3A : memref<!tpu.dma_semaphore, #tpu.memory_space<semaphore_mem>>)
        %dma_wait3A = arith.constant 0 : i32
        %dma_wait3A_109 = tpu.memref_slice %arg15[%add3A_16, %dma_wait3A] : memref<5120x128xf32, #tpu.memory_space<vmem_shared>> -> memref<64x128xf32, #tpu.memory_space<vmem_shared>>
        %dma_wait3A_110 = arith.constant 0 : i32
        %dma_wait3A_111 = tpu.memref_slice %arg15[%add3A_16, %dma_wait3A_110] : memref<5120x128xf32, #tpu.memory_space<vmem_shared>> -> memref<64x128xf32, #tpu.memory_space<vmem_shared>>
        tpu.wait_dma2 semaphore(%run_scoped3A : memref<!tpu.dma_semaphore, #tpu.memory_space<semaphore_mem>>) src(%arg14 : memref<64x128xf32, #tpu.memory_space<vmem>>) dst(%dma_wait3A_111 : memref<64x128xf32, #tpu.memory_space<vmem_shared>>)
        tpu.yield
      }) : () -> ()
      %mul3A_17 = arith.constant 320 : i32
      %mul3A_18 = arith.muli %arg1, %mul3A_17 : i32
      %add3A_19 = arith.constant 64 : i32
      %add3A_20 = arith.addi %mul3A_18, %add3A_19 : i32
      "tpu.region"() ({
        %run_scoped3A = tpu.sem_alloc : memref<!tpu.dma_semaphore, #tpu.memory_space<semaphore_mem>>
        %dma_start3A_105 = arith.constant 0 : i32
        %dma_start3A_106 = tpu.memref_slice %arg15[%add3A_20, %dma_start3A_105] : memref<5120x128xf32, #tpu.memory_space<vmem_shared>> -> memref<64x128xf32, #tpu.memory_space<vmem_shared>>
        %dma_start3A_107 = arith.constant 0 : i32
        %dma_start3A_108 = tpu.memref_slice %arg15[%add3A_20, %dma_start3A_107] : memref<5120x128xf32, #tpu.memory_space<vmem_shared>> -> memref<64x128xf32, #tpu.memory_space<vmem_shared>>
        tpu.enqueue_dma source(%arg14 : memref<64x128xf32, #tpu.memory_space<vmem>>) target(%dma_start3A_108 : memref<64x128xf32, #tpu.memory_space<vmem_shared>>) target_semaphore(%run_scoped3A : memref<!tpu.dma_semaphore, #tpu.memory_space<semaphore_mem>>)
        %dma_wait3A = arith.constant 0 : i32
        %dma_wait3A_109 = tpu.memref_slice %arg15[%add3A_20, %dma_wait3A] : memref<5120x128xf32, #tpu.memory_space<vmem_shared>> -> memref<64x128xf32, #tpu.memory_space<vmem_shared>>
        %dma_wait3A_110 = arith.constant 0 : i32
        %dma_wait3A_111 = tpu.memref_slice %arg15[%add3A_20, %dma_wait3A_110] : memref<5120x128xf32, #tpu.memory_space<vmem_shared>> -> memref<64x128xf32, #tpu.memory_space<vmem_shared>>
        tpu.wait_dma2 semaphore(%run_scoped3A : memref<!tpu.dma_semaphore, #tpu.memory_space<semaphore_mem>>) src(%arg14 : memref<64x128xf32, #tpu.memory_space<vmem>>) dst(%dma_wait3A_111 : memref<64x128xf32, #tpu.memory_space<vmem_shared>>)
        tpu.yield
      }) : () -> ()
      %mul3A_21 = arith.constant 320 : i32
      %mul3A_22 = arith.muli %arg1, %mul3A_21 : i32
      %add3A_23 = arith.constant 128 : i32
      %add3A_24 = arith.addi %mul3A_22, %add3A_23 : i32
      "tpu.region"() ({
        %run_scoped3A = tpu.sem_alloc : memref<!tpu.dma_semaphore, #tpu.memory_space<semaphore_mem>>
        %dma_start3A_105 = arith.constant 0 : i32
        %dma_start3A_106 = tpu.memref_slice %arg15[%add3A_24, %dma_start3A_105] : memref<5120x128xf32, #tpu.memory_space<vmem_shared>> -> memref<64x128xf32, #tpu.memory_space<vmem_shared>>
        %dma_start3A_107 = arith.constant 0 : i32
        %dma_start3A_108 = tpu.memref_slice %arg15[%add3A_24, %dma_start3A_107] : memref<5120x128xf32, #tpu.memory_space<vmem_shared>> -> memref<64x128xf32, #tpu.memory_space<vmem_shared>>
        tpu.enqueue_dma source(%arg14 : memref<64x128xf32, #tpu.memory_space<vmem>>) target(%dma_start3A_108 : memref<64x128xf32, #tpu.memory_space<vmem_shared>>) target_semaphore(%run_scoped3A : memref<!tpu.dma_semaphore, #tpu.memory_space<semaphore_mem>>)
        %dma_wait3A = arith.constant 0 : i32
        %dma_wait3A_109 = tpu.memref_slice %arg15[%add3A_24, %dma_wait3A] : memref<5120x128xf32, #tpu.memory_space<vmem_shared>> -> memref<64x128xf32, #tpu.memory_space<vmem_shared>>
        %dma_wait3A_110 = arith.constant 0 : i32
        %dma_wait3A_111 = tpu.memref_slice %arg15[%add3A_24, %dma_wait3A_110] : memref<5120x128xf32, #tpu.memory_space<vmem_shared>> -> memref<64x128xf32, #tpu.memory_space<vmem_shared>>
        tpu.wait_dma2 semaphore(%run_scoped3A : memref<!tpu.dma_semaphore, #tpu.memory_space<semaphore_mem>>) src(%arg14 : memref<64x128xf32, #tpu.memory_space<vmem>>) dst(%dma_wait3A_111 : memref<64x128xf32, #tpu.memory_space<vmem_shared>>)
        tpu.yield
      }) : () -> ()
      %mul3A_25 = arith.constant 320 : i32
      %mul3A_26 = arith.muli %arg1, %mul3A_25 : i32
      %add3A_27 = arith.constant 192 : i32
      %add3A_28 = arith.addi %mul3A_26, %add3A_27 : i32
      "tpu.region"() ({
        %run_scoped3A = tpu.sem_alloc : memref<!tpu.dma_semaphore, #tpu.memory_space<semaphore_mem>>
        %dma_start3A_105 = arith.constant 0 : i32
        %dma_start3A_106 = tpu.memref_slice %arg15[%add3A_28, %dma_start3A_105] : memref<5120x128xf32, #tpu.memory_space<vmem_shared>> -> memref<64x128xf32, #tpu.memory_space<vmem_shared>>
        %dma_start3A_107 = arith.constant 0 : i32
        %dma_start3A_108 = tpu.memref_slice %arg15[%add3A_28, %dma_start3A_107] : memref<5120x128xf32, #tpu.memory_space<vmem_shared>> -> memref<64x128xf32, #tpu.memory_space<vmem_shared>>
        tpu.enqueue_dma source(%arg14 : memref<64x128xf32, #tpu.memory_space<vmem>>) target(%dma_start3A_108 : memref<64x128xf32, #tpu.memory_space<vmem_shared>>) target_semaphore(%run_scoped3A : memref<!tpu.dma_semaphore, #tpu.memory_space<semaphore_mem>>)
        %dma_wait3A = arith.constant 0 : i32
        %dma_wait3A_109 = tpu.memref_slice %arg15[%add3A_28, %dma_wait3A] : memref<5120x128xf32, #tpu.memory_space<vmem_shared>> -> memref<64x128xf32, #tpu.memory_space<vmem_shared>>
        %dma_wait3A_110 = arith.constant 0 : i32
        %dma_wait3A_111 = tpu.memref_slice %arg15[%add3A_28, %dma_wait3A_110] : memref<5120x128xf32, #tpu.memory_space<vmem_shared>> -> memref<64x128xf32, #tpu.memory_space<vmem_shared>>
        tpu.wait_dma2 semaphore(%run_scoped3A : memref<!tpu.dma_semaphore, #tpu.memory_space<semaphore_mem>>) src(%arg14 : memref<64x128xf32, #tpu.memory_space<vmem>>) dst(%dma_wait3A_111 : memref<64x128xf32, #tpu.memory_space<vmem_shared>>)
        tpu.yield
      }) : () -> ()
      %mul3A_29 = arith.constant 320 : i32
      %mul3A_30 = arith.muli %arg1, %mul3A_29 : i32
      %add3A_31 = arith.constant 256 : i32
      %add3A_32 = arith.addi %mul3A_30, %add3A_31 : i32
      "tpu.region"() ({
        %run_scoped3A = tpu.sem_alloc : memref<!tpu.dma_semaphore, #tpu.memory_space<semaphore_mem>>
        %dma_start3A_105 = arith.constant 0 : i32
        %dma_start3A_106 = tpu.memref_slice %arg15[%add3A_32, %dma_start3A_105] : memref<5120x128xf32, #tpu.memory_space<vmem_shared>> -> memref<64x128xf32, #tpu.memory_space<vmem_shared>>
        %dma_start3A_107 = arith.constant 0 : i32
        %dma_start3A_108 = tpu.memref_slice %arg15[%add3A_32, %dma_start3A_107] : memref<5120x128xf32, #tpu.memory_space<vmem_shared>> -> memref<64x128xf32, #tpu.memory_space<vmem_shared>>
        tpu.enqueue_dma source(%arg14 : memref<64x128xf32, #tpu.memory_space<vmem>>) target(%dma_start3A_108 : memref<64x128xf32, #tpu.memory_space<vmem_shared>>) target_semaphore(%run_scoped3A : memref<!tpu.dma_semaphore, #tpu.memory_space<semaphore_mem>>)
        %dma_wait3A = arith.constant 0 : i32
        %dma_wait3A_109 = tpu.memref_slice %arg15[%add3A_32, %dma_wait3A] : memref<5120x128xf32, #tpu.memory_space<vmem_shared>> -> memref<64x128xf32, #tpu.memory_space<vmem_shared>>
        %dma_wait3A_110 = arith.constant 0 : i32
        %dma_wait3A_111 = tpu.memref_slice %arg15[%add3A_32, %dma_wait3A_110] : memref<5120x128xf32, #tpu.memory_space<vmem_shared>> -> memref<64x128xf32, #tpu.memory_space<vmem_shared>>
        tpu.wait_dma2 semaphore(%run_scoped3A : memref<!tpu.dma_semaphore, #tpu.memory_space<semaphore_mem>>) src(%arg14 : memref<64x128xf32, #tpu.memory_space<vmem>>) dst(%dma_wait3A_111 : memref<64x128xf32, #tpu.memory_space<vmem_shared>>)
        tpu.yield
      }) : () -> ()
      %mul3A_33 = arith.constant 160 : i32
      %mul3A_34 = arith.muli %arg1, %mul3A_33 : i32
      "tpu.region"() ({
        %run_scoped3A = tpu.sem_alloc : memref<!tpu.dma_semaphore, #tpu.memory_space<semaphore_mem>>
        %dma_start3A_105 = arith.constant 0 : i32
        %dma_start3A_106 = tpu.memref_slice %arg5[%mul3A_34, %dma_start3A_105] : memref<2560x128xi32, #tpu.memory_space<hbm>> -> memref<160x128xi32, #tpu.memory_space<hbm>>
        %dma_start3A_107 = arith.constant 0 : i32
        %dma_start3A_108 = tpu.memref_slice %arg5[%mul3A_34, %dma_start3A_107] : memref<2560x128xi32, #tpu.memory_space<hbm>> -> memref<160x128xi32, #tpu.memory_space<hbm>>
        tpu.enqueue_dma source(%dma_start3A_108 : memref<160x128xi32, #tpu.memory_space<hbm>>) target(%arg11 : memref<160x128xi32, #tpu.memory_space<vmem>>) target_semaphore(%run_scoped3A : memref<!tpu.dma_semaphore, #tpu.memory_space<semaphore_mem>>)
        %dma_wait3A = arith.constant 0 : i32
        %dma_wait3A_109 = tpu.memref_slice %arg5[%mul3A_34, %dma_wait3A] : memref<2560x128xi32, #tpu.memory_space<hbm>> -> memref<160x128xi32, #tpu.memory_space<hbm>>
        %dma_wait3A_110 = arith.constant 0 : i32
        %dma_wait3A_111 = tpu.memref_slice %arg5[%mul3A_34, %dma_wait3A_110] : memref<2560x128xi32, #tpu.memory_space<hbm>> -> memref<160x128xi32, #tpu.memory_space<hbm>>
        tpu.wait_dma2 semaphore(%run_scoped3A : memref<!tpu.dma_semaphore, #tpu.memory_space<semaphore_mem>>) src(%dma_wait3A_111 : memref<160x128xi32, #tpu.memory_space<hbm>>) dst(%arg11 : memref<160x128xi32, #tpu.memory_space<vmem>>)
        tpu.yield
      }) : () -> ()
      %scan3A_35 = arith.constant 0 : i32
      %scan3A_36 = arith.constant 0 : i32
      %scan3A_37 = arith.constant 160 : i32
      %scan3A_38 = arith.addi %scan3A_36, %scan3A_37 : i32
      %scan3A_39 = arith.constant 1 : i32
      scf.for %scan3A_105 = %scan3A_36 to %scan3A_38 step %scan3A_39  : i32 {
        %get3A = arith.index_cast %scan3A_105 : i32 to index
        %get3A_106 = arith.constant 0 : index
        %get3A_107 = tpu.vector_load %arg11[%get3A, %get3A_106] {strides = array<i32>} : memref<160x128xi32, #tpu.memory_space<vmem>>, vector<1x16xi32>,
        %get3A_108 = vector.shape_cast %get3A_107 : vector<1x16xi32> to vector<16xi32>
        %sub3A = arith.constant 0 : i32
        %sub3A_109 = vector.broadcast %sub3A : i32 to vector<16xi32>
        %sub3A_110 = arith.subi %get3A_108, %sub3A_109 : vector<16xi32>
        %ge3A = arith.constant 0 : i32
        %ge3A_111 = vector.broadcast %ge3A : i32 to vector<16xi32>
        %ge3A_112 = arith.cmpi sge, %sub3A_110, %ge3A_111 : vector<16xi32>
        %lt3A = arith.constant 5000 : i32
        %lt3A_113 = vector.broadcast %lt3A : i32 to vector<16xi32>
        %lt3A_114 = arith.cmpi slt, %sub3A_110, %lt3A_113 : vector<16xi32>
        %and3A = arith.andi %ge3A_112, %lt3A_114 : vector<16xi1>
        %and3A_115 = arith.constant 63 : i32
        %and3A_116 = vector.broadcast %and3A_115 : i32 to vector<16xi32>
        %and3A_117 = arith.andi %get3A_108, %and3A_116 : vector<16xi32>
        %add3A_118 = arith.constant 5000 : i32
        %add3A_119 = vector.broadcast %add3A_118 : i32 to vector<16xi32>
        %add3A_120 = arith.addi %add3A_119, %and3A_117 : vector<16xi32>
        %select_n3A = arith.select %and3A, %sub3A_110, %add3A_120 : vector<16xi1>, vector<16xi32>
        %swap3A = arith.index_cast %scan3A_105 : i32 to index
        %swap3A_121 = arith.constant 0 : index
        %swap3A_122 = tpu.vector_load %arg11[%swap3A, %swap3A_121] {strides = array<i32>} : memref<160x128xi32, #tpu.memory_space<vmem>>, vector<1x16xi32>,
        %swap3A_123 = vector.shape_cast %swap3A_122 : vector<1x16xi32> to vector<16xi32>
        %swap3A_124 = vector.shape_cast %select_n3A : vector<16xi32> to vector<1x16xi32>
        tpu.vector_store %arg11[%swap3A, %swap3A_121], %swap3A_124 {strides = array<i32>} : memref<160x128xi32, #tpu.memory_space<vmem>>, vector<1x16xi32>,
        %get3A_125 = arith.index_cast %scan3A_105 : i32 to index
        %get3A_126 = arith.constant 16 : index
        %get3A_127 = tpu.vector_load %arg11[%get3A_125, %get3A_126] {strides = array<i32>} : memref<160x128xi32, #tpu.memory_space<vmem>>, vector<1x16xi32>,
        %get3A_128 = vector.shape_cast %get3A_127 : vector<1x16xi32> to vector<16xi32>
        %sub3A_129 = arith.constant 0 : i32
        %sub3A_130 = vector.broadcast %sub3A_129 : i32 to vector<16xi32>
        %sub3A_131 = arith.subi %get3A_128, %sub3A_130 : vector<16xi32>
        %ge3A_132 = arith.constant 0 : i32
        %ge3A_133 = vector.broadcast %ge3A_132 : i32 to vector<16xi32>
        %ge3A_134 = arith.cmpi sge, %sub3A_131, %ge3A_133 : vector<16xi32>
        %lt3A_135 = arith.constant 5000 : i32
        %lt3A_136 = vector.broadcast %lt3A_135 : i32 to vector<16xi32>
        %lt3A_137 = arith.cmpi slt, %sub3A_131, %lt3A_136 : vector<16xi32>
        %and3A_138 = arith.andi %ge3A_134, %lt3A_137 : vector<16xi1>
        %and3A_139 = arith.constant 63 : i32
        %and3A_140 = vector.broadcast %and3A_139 : i32 to vector<16xi32>
        %and3A_141 = arith.andi %get3A_128, %and3A_140 : vector<16xi32>
        %add3A_142 = arith.constant 5000 : i32
        %add3A_143 = vector.broadcast %add3A_142 : i32 to vector<16xi32>
        %add3A_144 = arith.addi %add3A_143, %and3A_141 : vector<16xi32>
        %select_n3A_145 = arith.select %and3A_138, %sub3A_131, %add3A_144 : vector<16xi1>, vector<16xi32>
        %swap3A_146 = arith.index_cast %scan3A_105 : i32 to index
        %swap3A_147 = arith.constant 16 : index
        %swap3A_148 = tpu.vector_load %arg11[%swap3A_146, %swap3A_147] {strides = array<i32>} : memref<160x128xi32, #tpu.memory_space<vmem>>, vector<1x16xi32>,
        %swap3A_149 = vector.shape_cast %swap3A_148 : vector<1x16xi32> to vector<16xi32>
        %swap3A_150 = vector.shape_cast %select_n3A_145 : vector<16xi32> to vector<1x16xi32>
        tpu.vector_store %arg11[%swap3A_146, %swap3A_147], %swap3A_150 {strides = array<i32>} : memref<160x128xi32, #tpu.memory_space<vmem>>, vector<1x16xi32>,
        %get3A_151 = arith.index_cast %scan3A_105 : i32 to index
        %get3A_152 = arith.constant 32 : index
        %get3A_153 = tpu.vector_load %arg11[%get3A_151, %get3A_152] {strides = array<i32>} : memref<160x128xi32, #tpu.memory_space<vmem>>, vector<1x16xi32>,
        %get3A_154 = vector.shape_cast %get3A_153 : vector<1x16xi32> to vector<16xi32>
        %sub3A_155 = arith.constant 0 : i32
        %sub3A_156 = vector.broadcast %sub3A_155 : i32 to vector<16xi32>
        %sub3A_157 = arith.subi %get3A_154, %sub3A_156 : vector<16xi32>
        %ge3A_158 = arith.constant 0 : i32
        %ge3A_159 = vector.broadcast %ge3A_158 : i32 to vector<16xi32>
        %ge3A_160 = arith.cmpi sge, %sub3A_157, %ge3A_159 : vector<16xi32>
        %lt3A_161 = arith.constant 5000 : i32
        %lt3A_162 = vector.broadcast %lt3A_161 : i32 to vector<16xi32>
        %lt3A_163 = arith.cmpi slt, %sub3A_157, %lt3A_162 : vector<16xi32>
        %and3A_164 = arith.andi %ge3A_160, %lt3A_163 : vector<16xi1>
        %and3A_165 = arith.constant 63 : i32
        %and3A_166 = vector.broadcast %and3A_165 : i32 to vector<16xi32>
        %and3A_167 = arith.andi %get3A_154, %and3A_166 : vector<16xi32>
        %add3A_168 = arith.constant 5000 : i32
        %add3A_169 = vector.broadcast %add3A_168 : i32 to vector<16xi32>
        %add3A_170 = arith.addi %add3A_169, %and3A_167 : vector<16xi32>
        %select_n3A_171 = arith.select %and3A_164, %sub3A_157, %add3A_170 : vector<16xi1>, vector<16xi32>
        %swap3A_172 = arith.index_cast %scan3A_105 : i32 to index
        %swap3A_173 = arith.constant 32 : index
        %swap3A_174 = tpu.vector_load %arg11[%swap3A_172, %swap3A_173] {strides = array<i32>} : memref<160x128xi32, #tpu.memory_space<vmem>>, vector<1x16xi32>,
        %swap3A_175 = vector.shape_cast %swap3A_174 : vector<1x16xi32> to vector<16xi32>
        %swap3A_176 = vector.shape_cast %select_n3A_171 : vector<16xi32> to vector<1x16xi32>
        tpu.vector_store %arg11[%swap3A_172, %swap3A_173], %swap3A_176 {strides = array<i32>} : memref<160x128xi32, #tpu.memory_space<vmem>>, vector<1x16xi32>,
        %get3A_177 = arith.index_cast %scan3A_105 : i32 to index
        %get3A_178 = arith.constant 48 : index
        %get3A_179 = tpu.vector_load %arg11[%get3A_177, %get3A_178] {strides = array<i32>} : memref<160x128xi32, #tpu.memory_space<vmem>>, vector<1x16xi32>,
        %get3A_180 = vector.shape_cast %get3A_179 : vector<1x16xi32> to vector<16xi32>
        %sub3A_181 = arith.constant 0 : i32
        %sub3A_182 = vector.broadcast %sub3A_181 : i32 to vector<16xi32>
        %sub3A_183 = arith.subi %get3A_180, %sub3A_182 : vector<16xi32>
        %ge3A_184 = arith.constant 0 : i32
        %ge3A_185 = vector.broadcast %ge3A_184 : i32 to vector<16xi32>
        %ge3A_186 = arith.cmpi sge, %sub3A_183, %ge3A_185 : vector<16xi32>
        %lt3A_187 = arith.constant 5000 : i32
        %lt3A_188 = vector.broadcast %lt3A_187 : i32 to vector<16xi32>
        %lt3A_189 = arith.cmpi slt, %sub3A_183, %lt3A_188 : vector<16xi32>
        %and3A_190 = arith.andi %ge3A_186, %lt3A_189 : vector<16xi1>
        %and3A_191 = arith.constant 63 : i32
        %and3A_192 = vector.broadcast %and3A_191 : i32 to vector<16xi32>
        %and3A_193 = arith.andi %get3A_180, %and3A_192 : vector<16xi32>
        %add3A_194 = arith.constant 5000 : i32
        %add3A_195 = vector.broadcast %add3A_194 : i32 to vector<16xi32>
        %add3A_196 = arith.addi %add3A_195, %and3A_193 : vector<16xi32>
        %select_n3A_197 = arith.select %and3A_190, %sub3A_183, %add3A_196 : vector<16xi1>, vector<16xi32>
        %swap3A_198 = arith.index_cast %scan3A_105 : i32 to index
        %swap3A_199 = arith.constant 48 : index
        %swap3A_200 = tpu.vector_load %arg11[%swap3A_198, %swap3A_199] {strides = array<i32>} : memref<160x128xi32, #tpu.memory_space<vmem>>, vector<1x16xi32>,
        %swap3A_201 = vector.shape_cast %swap3A_200 : vector<1x16xi32> to vector<16xi32>
        %swap3A_202 = vector.shape_cast %select_n3A_197 : vector<16xi32> to vector<1x16xi32>
        tpu.vector_store %arg11[%swap3A_198, %swap3A_199], %swap3A_202 {strides = array<i32>} : memref<160x128xi32, #tpu.memory_space<vmem>>, vector<1x16xi32>,
        %get3A_203 = arith.index_cast %scan3A_105 : i32 to index
        %get3A_204 = arith.constant 64 : index
        %get3A_205 = tpu.vector_load %arg11[%get3A_203, %get3A_204] {strides = array<i32>} : memref<160x128xi32, #tpu.memory_space<vmem>>, vector<1x16xi32>,
        %get3A_206 = vector.shape_cast %get3A_205 : vector<1x16xi32> to vector<16xi32>
        %sub3A_207 = arith.constant 0 : i32
        %sub3A_208 = vector.broadcast %sub3A_207 : i32 to vector<16xi32>
        %sub3A_209 = arith.subi %get3A_206, %sub3A_208 : vector<16xi32>
        %ge3A_210 = arith.constant 0 : i32
        %ge3A_211 = vector.broadcast %ge3A_210 : i32 to vector<16xi32>
        %ge3A_212 = arith.cmpi sge, %sub3A_209, %ge3A_211 : vector<16xi32>
        %lt3A_213 = arith.constant 5000 : i32
        %lt3A_214 = vector.broadcast %lt3A_213 : i32 to vector<16xi32>
        %lt3A_215 = arith.cmpi slt, %sub3A_209, %lt3A_214 : vector<16xi32>
        %and3A_216 = arith.andi %ge3A_212, %lt3A_215 : vector<16xi1>
        %and3A_217 = arith.constant 63 : i32
        %and3A_218 = vector.broadcast %and3A_217 : i32 to vector<16xi32>
        %and3A_219 = arith.andi %get3A_206, %and3A_218 : vector<16xi32>
        %add3A_220 = arith.constant 5000 : i32
        %add3A_221 = vector.broadcast %add3A_220 : i32 to vector<16xi32>
        %add3A_222 = arith.addi %add3A_221, %and3A_219 : vector<16xi32>
        %select_n3A_223 = arith.select %and3A_216, %sub3A_209, %add3A_222 : vector<16xi1>, vector<16xi32>
        %swap3A_224 = arith.index_cast %scan3A_105 : i32 to index
        %swap3A_225 = arith.constant 64 : index
        %swap3A_226 = tpu.vector_load %arg11[%swap3A_224, %swap3A_225] {strides = array<i32>} : memref<160x128xi32, #tpu.memory_space<vmem>>, vector<1x16xi32>,
        %swap3A_227 = vector.shape_cast %swap3A_226 : vector<1x16xi32> to vector<16xi32>
        %swap3A_228 = vector.shape_cast %select_n3A_223 : vector<16xi32> to vector<1x16xi32>
        tpu.vector_store %arg11[%swap3A_224, %swap3A_225], %swap3A_228 {strides = array<i32>} : memref<160x128xi32, #tpu.memory_space<vmem>>, vector<1x16xi32>,
        %get3A_229 = arith.index_cast %scan3A_105 : i32 to index
        %get3A_230 = arith.constant 80 : index
        %get3A_231 = tpu.vector_load %arg11[%get3A_229, %get3A_230] {strides = array<i32>} : memref<160x128xi32, #tpu.memory_space<vmem>>, vector<1x16xi32>,
        %get3A_232 = vector.shape_cast %get3A_231 : vector<1x16xi32> to vector<16xi32>
        %sub3A_233 = arith.constant 0 : i32
        %sub3A_234 = vector.broadcast %sub3A_233 : i32 to vector<16xi32>
        %sub3A_235 = arith.subi %get3A_232, %sub3A_234 : vector<16xi32>
        %ge3A_236 = arith.constant 0 : i32
        %ge3A_237 = vector.broadcast %ge3A_236 : i32 to vector<16xi32>
        %ge3A_238 = arith.cmpi sge, %sub3A_235, %ge3A_237 : vector<16xi32>
        %lt3A_239 = arith.constant 5000 : i32
        %lt3A_240 = vector.broadcast %lt3A_239 : i32 to vector<16xi32>
        %lt3A_241 = arith.cmpi slt, %sub3A_235, %lt3A_240 : vector<16xi32>
        %and3A_242 = arith.andi %ge3A_238, %lt3A_241 : vector<16xi1>
        %and3A_243 = arith.constant 63 : i32
        %and3A_244 = vector.broadcast %and3A_243 : i32 to vector<16xi32>
        %and3A_245 = arith.andi %get3A_232, %and3A_244 : vector<16xi32>
        %add3A_246 = arith.constant 5000 : i32
        %add3A_247 = vector.broadcast %add3A_246 : i32 to vector<16xi32>
        %add3A_248 = arith.addi %add3A_247, %and3A_245 : vector<16xi32>
        %select_n3A_249 = arith.select %and3A_242, %sub3A_235, %add3A_248 : vector<16xi1>, vector<16xi32>
        %swap3A_250 = arith.index_cast %scan3A_105 : i32 to index
        %swap3A_251 = arith.constant 80 : index
        %swap3A_252 = tpu.vector_load %arg11[%swap3A_250, %swap3A_251] {strides = array<i32>} : memref<160x128xi32, #tpu.memory_space<vmem>>, vector<1x16xi32>,
        %swap3A_253 = vector.shape_cast %swap3A_252 : vector<1x16xi32> to vector<16xi32>
        %swap3A_254 = vector.shape_cast %select_n3A_249 : vector<16xi32> to vector<1x16xi32>
        tpu.vector_store %arg11[%swap3A_250, %swap3A_251], %swap3A_254 {strides = array<i32>} : memref<160x128xi32, #tpu.memory_space<vmem>>, vector<1x16xi32>,
        %get3A_255 = arith.index_cast %scan3A_105 : i32 to index
        %get3A_256 = arith.constant 96 : index
        %get3A_257 = tpu.vector_load %arg11[%get3A_255, %get3A_256] {strides = array<i32>} : memref<160x128xi32, #tpu.memory_space<vmem>>, vector<1x16xi32>,
        %get3A_258 = vector.shape_cast %get3A_257 : vector<1x16xi32> to vector<16xi32>
        %sub3A_259 = arith.constant 0 : i32
        %sub3A_260 = vector.broadcast %sub3A_259 : i32 to vector<16xi32>
        %sub3A_261 = arith.subi %get3A_258, %sub3A_260 : vector<16xi32>
        %ge3A_262 = arith.constant 0 : i32
        %ge3A_263 = vector.broadcast %ge3A_262 : i32 to vector<16xi32>
        %ge3A_264 = arith.cmpi sge, %sub3A_261, %ge3A_263 : vector<16xi32>
        %lt3A_265 = arith.constant 5000 : i32
        %lt3A_266 = vector.broadcast %lt3A_265 : i32 to vector<16xi32>
        %lt3A_267 = arith.cmpi slt, %sub3A_261, %lt3A_266 : vector<16xi32>
        %and3A_268 = arith.andi %ge3A_264, %lt3A_267 : vector<16xi1>
        %and3A_269 = arith.constant 63 : i32
        %and3A_270 = vector.broadcast %and3A_269 : i32 to vector<16xi32>
        %and3A_271 = arith.andi %get3A_258, %and3A_270 : vector<16xi32>
        %add3A_272 = arith.constant 5000 : i32
        %add3A_273 = vector.broadcast %add3A_272 : i32 to vector<16xi32>
        %add3A_274 = arith.addi %add3A_273, %and3A_271 : vector<16xi32>
        %select_n3A_275 = arith.select %and3A_268, %sub3A_261, %add3A_274 : vector<16xi1>, vector<16xi32>
        %swap3A_276 = arith.index_cast %scan3A_105 : i32 to index
        %swap3A_277 = arith.constant 96 : index
        %swap3A_278 = tpu.vector_load %arg11[%swap3A_276, %swap3A_277] {strides = array<i32>} : memref<160x128xi32, #tpu.memory_space<vmem>>, vector<1x16xi32>,
        %swap3A_279 = vector.shape_cast %swap3A_278 : vector<1x16xi32> to vector<16xi32>
        %swap3A_280 = vector.shape_cast %select_n3A_275 : vector<16xi32> to vector<1x16xi32>
        tpu.vector_store %arg11[%swap3A_276, %swap3A_277], %swap3A_280 {strides = array<i32>} : memref<160x128xi32, #tpu.memory_space<vmem>>, vector<1x16xi32>,
        %get3A_281 = arith.index_cast %scan3A_105 : i32 to index
        %get3A_282 = arith.constant 112 : index
        %get3A_283 = tpu.vector_load %arg11[%get3A_281, %get3A_282] {strides = array<i32>} : memref<160x128xi32, #tpu.memory_space<vmem>>, vector<1x16xi32>,
        %get3A_284 = vector.shape_cast %get3A_283 : vector<1x16xi32> to vector<16xi32>
        %sub3A_285 = arith.constant 0 : i32
        %sub3A_286 = vector.broadcast %sub3A_285 : i32 to vector<16xi32>
        %sub3A_287 = arith.subi %get3A_284, %sub3A_286 : vector<16xi32>
        %ge3A_288 = arith.constant 0 : i32
        %ge3A_289 = vector.broadcast %ge3A_288 : i32 to vector<16xi32>
        %ge3A_290 = arith.cmpi sge, %sub3A_287, %ge3A_289 : vector<16xi32>
        %lt3A_291 = arith.constant 5000 : i32
        %lt3A_292 = vector.broadcast %lt3A_291 : i32 to vector<16xi32>
        %lt3A_293 = arith.cmpi slt, %sub3A_287, %lt3A_292 : vector<16xi32>
        %and3A_294 = arith.andi %ge3A_290, %lt3A_293 : vector<16xi1>
        %and3A_295 = arith.constant 63 : i32
        %and3A_296 = vector.broadcast %and3A_295 : i32 to vector<16xi32>
        %and3A_297 = arith.andi %get3A_284, %and3A_296 : vector<16xi32>
        %add3A_298 = arith.constant 5000 : i32
        %add3A_299 = vector.broadcast %add3A_298 : i32 to vector<16xi32>
        %add3A_300 = arith.addi %add3A_299, %and3A_297 : vector<16xi32>
        %select_n3A_301 = arith.select %and3A_294, %sub3A_287, %add3A_300 : vector<16xi1>, vector<16xi32>
        %swap3A_302 = arith.index_cast %scan3A_105 : i32 to index
        %swap3A_303 = arith.constant 112 : index
        %swap3A_304 = tpu.vector_load %arg11[%swap3A_302, %swap3A_303] {strides = array<i32>} : memref<160x128xi32, #tpu.memory_space<vmem>>, vector<1x16xi32>,
        %swap3A_305 = vector.shape_cast %swap3A_304 : vector<1x16xi32> to vector<16xi32>
        %swap3A_306 = vector.shape_cast %select_n3A_301 : vector<16xi32> to vector<1x16xi32>
        tpu.vector_store %arg11[%swap3A_302, %swap3A_303], %swap3A_306 {strides = array<i32>} : memref<160x128xi32, #tpu.memory_space<vmem>>, vector<1x16xi32>,
      }
      %scan3A_40 = arith.constant 160 : i32
      %barrier3A = arith.constant 0 : index
      tpu.barrier barrier_id(%barrier3A)
      %dma_start3A = arith.constant 0 : i32
      %dma_start3A_41 = arith.constant 0 : i32
      %dma_start3A_42 = tpu.memref_slice %arg10[%dma_start3A, %dma_start3A_41] : memref<160x128xi32, #tpu.memory_space<vmem>> -> memref<1x128xi32, #tpu.memory_space<vmem>>
      %dma_start3A_43 = tpu.memref_squeeze %dma_start3A_42 : memref<1x128xi32, #tpu.memory_space<vmem>> -> memref<128xi32, #tpu.memory_space<vmem>>
      %dma_start3A_44 = arith.constant 0 : i32
      %dma_start3A_45 = arith.constant 0 : i32
      %dma_start3A_46 = tpu.memref_slice %arg3[%dma_start3A_44, %dma_start3A_45] : memref<10000x128xf32, #tpu.memory_space<hbm>> -> memref<10000x128xf32, #tpu.memory_space<hbm>>
      tpu.enqueue_indirect_dma source(%dma_start3A_46 : memref<10000x128xf32, #tpu.memory_space<hbm>>) target(%arg12 : memref<128x128xf32, #tpu.memory_space<vmem>>) offsets(%dma_start3A_43 : memref<128xi32, #tpu.memory_space<vmem>>) semaphore(%arg16 : memref<!tpu.dma_semaphore, #tpu.memory_space<semaphore_mem>>)
      %scan3A_47 = arith.constant 0 : i32
      %scan3A_48 = arith.constant 0 : i32
      %scan3A_49 = arith.constant 80 : i32
      %scan3A_50 = arith.addi %scan3A_48, %scan3A_49 : i32
      %scan3A_51 = arith.constant 1 : i32
      scf.for %scan3A_105 = %scan3A_48 to %scan3A_50 step %scan3A_51  : i32 {
        %mul3A_106 = arith.constant 2 : i32
        %mul3A_107 = arith.muli %mul3A_106, %scan3A_105 : i32
        %add3A_108 = arith.constant 0 : i32
        %add3A_109 = arith.addi %add3A_108, %mul3A_107 : i32
        %add3A_110 = arith.constant 1 : i32
        %add3A_111 = arith.addi %add3A_109, %add3A_110 : i32
        %dma_start3A_112 = arith.constant 0 : i32
        %dma_start3A_113 = tpu.memref_slice %arg10[%add3A_111, %dma_start3A_112] : memref<160x128xi32, #tpu.memory_space<vmem>> -> memref<1x128xi32, #tpu.memory_space<vmem>>
        %dma_start3A_114 = tpu.memref_squeeze %dma_start3A_113 : memref<1x128xi32, #tpu.memory_space<vmem>> -> memref<128xi32, #tpu.memory_space<vmem>>
        %dma_start3A_115 = arith.constant 0 : i32
        %dma_start3A_116 = arith.constant 0 : i32
        %dma_start3A_117 = tpu.memref_slice %arg3[%dma_start3A_115, %dma_start3A_116] : memref<10000x128xf32, #tpu.memory_space<hbm>> -> memref<10000x128xf32, #tpu.memory_space<hbm>>
        tpu.enqueue_indirect_dma source(%dma_start3A_117 : memref<10000x128xf32, #tpu.memory_space<hbm>>) target(%arg13 : memref<128x128xf32, #tpu.memory_space<vmem>>) offsets(%dma_start3A_114 : memref<128xi32, #tpu.memory_space<vmem>>) semaphore(%arg17 : memref<!tpu.dma_semaphore, #tpu.memory_space<semaphore_mem>>)
        %dma_wait3A = arith.constant 0 : i32
        %dma_wait3A_118 = arith.constant 0 : i32
        %dma_wait3A_119 = tpu.memref_slice %arg10[%dma_wait3A, %dma_wait3A_118] : memref<160x128xi32, #tpu.memory_space<vmem>> -> memref<1x128xi32, #tpu.memory_space<vmem>>
        %dma_wait3A_120 = tpu.memref_squeeze %dma_wait3A_119 : memref<1x128xi32, #tpu.memory_space<vmem>> -> memref<128xi32, #tpu.memory_space<vmem>>
        %dma_wait3A_121 = arith.constant 0 : i32
        %dma_wait3A_122 = arith.constant 0 : i32
        %dma_wait3A_123 = tpu.memref_slice %arg3[%dma_wait3A_121, %dma_wait3A_122] : memref<10000x128xf32, #tpu.memory_space<hbm>> -> memref<10000x128xf32, #tpu.memory_space<hbm>>
        tpu.wait_indirect_dma semaphore(%arg16 : memref<!tpu.dma_semaphore, #tpu.memory_space<semaphore_mem>>) src(%dma_wait3A_123 : memref<10000x128xf32, #tpu.memory_space<hbm>>) dst(%arg12 : memref<128x128xf32, #tpu.memory_space<vmem>>)
        "tpu.region"() ({
          %run_scoped3A = tpu.sem_alloc : memref<!tpu.dma_semaphore, #tpu.memory_space<semaphore_mem>>
          %dma_start3A_137 = arith.constant 0 : i32
          %dma_start3A_138 = tpu.memref_slice %arg11[%add3A_109, %dma_start3A_137] : memref<160x128xi32, #tpu.memory_space<vmem>> -> memref<1x128xi32, #tpu.memory_space<vmem>>
          %dma_start3A_139 = tpu.memref_squeeze %dma_start3A_138 : memref<1x128xi32, #tpu.memory_space<vmem>> -> memref<128xi32, #tpu.memory_space<vmem>>
          %dma_start3A_140 = arith.constant 0 : i32
          %dma_start3A_141 = arith.constant 0 : i32
          %dma_start3A_142 = tpu.memref_slice %arg15[%dma_start3A_140, %dma_start3A_141] : memref<5120x128xf32, #tpu.memory_space<vmem_shared>> -> memref<5120x128xf32, #tpu.memory_space<vmem_shared>>
          tpu.enqueue_indirect_dma source(%arg12 : memref<128x128xf32, #tpu.memory_space<vmem>>) target(%dma_start3A_142 : memref<5120x128xf32, #tpu.memory_space<vmem_shared>>) offsets(%dma_start3A_139 : memref<128xi32, #tpu.memory_space<vmem>>) semaphore(%run_scoped3A : memref<!tpu.dma_semaphore, #tpu.memory_space<semaphore_mem>>) {add = true}
          %dma_wait3A_143 = arith.constant 0 : i32
          %dma_wait3A_144 = tpu.memref_slice %arg11[%add3A_109, %dma_wait3A_143] : memref<160x128xi32, #tpu.memory_space<vmem>> -> memref<1x128xi32, #tpu.memory_space<vmem>>
          %dma_wait3A_145 = tpu.memref_squeeze %dma_wait3A_144 : memref<1x128xi32, #tpu.memory_space<vmem>> -> memref<128xi32, #tpu.memory_space<vmem>>
          %dma_wait3A_146 = arith.constant 0 : i32
          %dma_wait3A_147 = arith.constant 0 : i32
          %dma_wait3A_148 = tpu.memref_slice %arg15[%dma_wait3A_146, %dma_wait3A_147] : memref<5120x128xf32, #tpu.memory_space<vmem_shared>> -> memref<5120x128xf32, #tpu.memory_space<vmem_shared>>
          tpu.wait_indirect_dma semaphore(%run_scoped3A : memref<!tpu.dma_semaphore, #tpu.memory_space<semaphore_mem>>) src(%arg12 : memref<128x128xf32, #tpu.memory_space<vmem>>) dst(%dma_wait3A_148 : memref<5120x128xf32, #tpu.memory_space<vmem_shared>>)
          tpu.yield
        }) : () -> ()
        %lt3A = arith.constant 79 : i32
        %lt3A_124 = arith.cmpi slt, %scan3A_105, %lt3A : i32
        %convert_element_type3A_125 = arith.extui %lt3A_124 : i1 to i32
        %cond3A_126 = arith.constant 0 : i32
        %cond3A_127 = arith.cmpi ne, %convert_element_type3A_125, %cond3A_126 : i32
        scf.if %cond3A_127 {
          %add3A_137 = arith.constant 2 : i32
          %add3A_138 = arith.addi %add3A_109, %add3A_137 : i32
          %dma_start3A_139 = arith.constant 0 : i32
          %dma_start3A_140 = tpu.memref_slice %arg10[%add3A_138, %dma_start3A_139] : memref<160x128xi32, #tpu.memory_space<vmem>> -> memref<1x128xi32, #tpu.memory_space<vmem>>
          %dma_start3A_141 = tpu.memref_squeeze %dma_start3A_140 : memref<1x128xi32, #tpu.memory_space<vmem>> -> memref<128xi32, #tpu.memory_space<vmem>>
          %dma_start3A_142 = arith.constant 0 : i32
          %dma_start3A_143 = arith.constant 0 : i32
          %dma_start3A_144 = tpu.memref_slice %arg3[%dma_start3A_142, %dma_start3A_143] : memref<10000x128xf32, #tpu.memory_space<hbm>> -> memref<10000x128xf32, #tpu.memory_space<hbm>>
          tpu.enqueue_indirect_dma source(%dma_start3A_144 : memref<10000x128xf32, #tpu.memory_space<hbm>>) target(%arg12 : memref<128x128xf32, #tpu.memory_space<vmem>>) offsets(%dma_start3A_141 : memref<128xi32, #tpu.memory_space<vmem>>) semaphore(%arg16 : memref<!tpu.dma_semaphore, #tpu.memory_space<semaphore_mem>>)
        } else {
        }
        %dma_wait3A_128 = arith.constant 0 : i32
        %dma_wait3A_129 = arith.constant 0 : i32
        %dma_wait3A_130 = tpu.memref_slice %arg10[%dma_wait3A_128, %dma_wait3A_129] : memref<160x128xi32, #tpu.memory_space<vmem>> -> memref<1x128xi32, #tpu.memory_space<vmem>>
        %dma_wait3A_131 = tpu.memref_squeeze %dma_wait3A_130 : memref<1x128xi32, #tpu.memory_space<vmem>> -> memref<128xi32, #tpu.memory_space<vmem>>
        %dma_wait3A_132 = arith.constant 0 : i32
        %dma_wait3A_133 = arith.constant 0 : i32
        %dma_wait3A_134 = tpu.memref_slice %arg3[%dma_wait3A_132, %dma_wait3A_133] : memref<10000x128xf32, #tpu.memory_space<hbm>> -> memref<10000x128xf32, #tpu.memory_space<hbm>>
        tpu.wait_indirect_dma semaphore(%arg17 : memref<!tpu.dma_semaphore, #tpu.memory_space<semaphore_mem>>) src(%dma_wait3A_134 : memref<10000x128xf32, #tpu.memory_space<hbm>>) dst(%arg13 : memref<128x128xf32, #tpu.memory_space<vmem>>)
        %add3A_135 = arith.constant 1 : i32
        %add3A_136 = arith.addi %add3A_109, %add3A_135 : i32
        "tpu.region"() ({
          %run_scoped3A = tpu.sem_alloc : memref<!tpu.dma_semaphore, #tpu.memory_space<semaphore_mem>>
          %dma_start3A_137 = arith.constant 0 : i32
          %dma_start3A_138 = tpu.memref_slice %arg11[%add3A_136, %dma_start3A_137] : memref<160x128xi32, #tpu.memory_space<vmem>> -> memref<1x128xi32, #tpu.memory_space<vmem>>
          %dma_start3A_139 = tpu.memref_squeeze %dma_start3A_138 : memref<1x128xi32, #tpu.memory_space<vmem>> -> memref<128xi32, #tpu.memory_space<vmem>>
          %dma_start3A_140 = arith.constant 0 : i32
          %dma_start3A_141 = arith.constant 0 : i32
          %dma_start3A_142 = tpu.memref_slice %arg15[%dma_start3A_140, %dma_start3A_141] : memref<5120x128xf32, #tpu.memory_space<vmem_shared>> -> memref<5120x128xf32, #tpu.memory_space<vmem_shared>>
          tpu.enqueue_indirect_dma source(%arg13 : memref<128x128xf32, #tpu.memory_space<vmem>>) target(%dma_start3A_142 : memref<5120x128xf32, #tpu.memory_space<vmem_shared>>) offsets(%dma_start3A_139 : memref<128xi32, #tpu.memory_space<vmem>>) semaphore(%run_scoped3A : memref<!tpu.dma_semaphore, #tpu.memory_space<semaphore_mem>>) {add = true}
          %dma_wait3A_143 = arith.constant 0 : i32
          %dma_wait3A_144 = tpu.memref_slice %arg11[%add3A_136, %dma_wait3A_143] : memref<160x128xi32, #tpu.memory_space<vmem>> -> memref<1x128xi32, #tpu.memory_space<vmem>>
          %dma_wait3A_145 = tpu.memref_squeeze %dma_wait3A_144 : memref<1x128xi32, #tpu.memory_space<vmem>> -> memref<128xi32, #tpu.memory_space<vmem>>
          %dma_wait3A_146 = arith.constant 0 : i32
          %dma_wait3A_147 = arith.constant 0 : i32
          %dma_wait3A_148 = tpu.memref_slice %arg15[%dma_wait3A_146, %dma_wait3A_147] : memref<5120x128xf32, #tpu.memory_space<vmem_shared>> -> memref<5120x128xf32, #tpu.memory_space<vmem_shared>>
          tpu.wait_indirect_dma semaphore(%run_scoped3A : memref<!tpu.dma_semaphore, #tpu.memory_space<semaphore_mem>>) src(%arg13 : memref<128x128xf32, #tpu.memory_space<vmem>>) dst(%dma_wait3A_148 : memref<5120x128xf32, #tpu.memory_space<vmem_shared>>)
          tpu.yield
        }) : () -> ()
      }
      %scan3A_52 = arith.constant 80 : i32
      %barrier3A_53 = arith.constant 0 : index
      tpu.barrier barrier_id(%barrier3A_53)
      %mul3A_54 = arith.constant 320 : i32
      %mul3A_55 = arith.muli %arg1, %mul3A_54 : i32
      %mul3A_56 = arith.constant 320 : i32
      %mul3A_57 = arith.muli %arg1, %mul3A_56 : i32
      "tpu.region"() ({
        %run_scoped3A = tpu.sem_alloc : memref<!tpu.dma_semaphore, #tpu.memory_space<semaphore_mem>>
        %dma_start3A_105 = arith.constant 0 : i32
        %dma_start3A_106 = tpu.memref_slice %arg8[%mul3A_57, %dma_start3A_105] : memref<5120x128xf32, #tpu.memory_space<hbm>> -> memref<320x128xf32, #tpu.memory_space<hbm>>
        %dma_start3A_107 = arith.constant 0 : i32
        %dma_start3A_108 = tpu.memref_slice %arg15[%mul3A_55, %dma_start3A_107] : memref<5120x128xf32, #tpu.memory_space<vmem_shared>> -> memref<320x128xf32, #tpu.memory_space<vmem_shared>>
        tpu.enqueue_dma source(%dma_start3A_108 : memref<320x128xf32, #tpu.memory_space<vmem_shared>>) target(%dma_start3A_106 : memref<320x128xf32, #tpu.memory_space<hbm>>) target_semaphore(%run_scoped3A : memref<!tpu.dma_semaphore, #tpu.memory_space<semaphore_mem>>)
        %dma_wait3A = arith.constant 0 : i32
        %dma_wait3A_109 = tpu.memref_slice %arg8[%mul3A_57, %dma_wait3A] : memref<5120x128xf32, #tpu.memory_space<hbm>> -> memref<320x128xf32, #tpu.memory_space<hbm>>
        %dma_wait3A_110 = arith.constant 0 : i32
        %dma_wait3A_111 = tpu.memref_slice %arg15[%mul3A_55, %dma_wait3A_110] : memref<5120x128xf32, #tpu.memory_space<vmem_shared>> -> memref<320x128xf32, #tpu.memory_space<vmem_shared>>
        tpu.wait_dma2 semaphore(%run_scoped3A : memref<!tpu.dma_semaphore, #tpu.memory_space<semaphore_mem>>) src(%dma_wait3A_111 : memref<320x128xf32, #tpu.memory_space<vmem_shared>>) dst(%dma_wait3A_109 : memref<320x128xf32, #tpu.memory_space<hbm>>)
        tpu.yield
      }) : () -> ()
      %mul3A_58 = arith.constant 320 : i32
      %mul3A_59 = arith.muli %arg1, %mul3A_58 : i32
      %add3A_60 = arith.constant 0 : i32
      %add3A_61 = arith.addi %mul3A_59, %add3A_60 : i32
      "tpu.region"() ({
        %run_scoped3A = tpu.sem_alloc : memref<!tpu.dma_semaphore, #tpu.memory_space<semaphore_mem>>
        %dma_start3A_105 = arith.constant 0 : i32
        %dma_start3A_106 = tpu.memref_slice %arg15[%add3A_61, %dma_start3A_105] : memref<5120x128xf32, #tpu.memory_space<vmem_shared>> -> memref<64x128xf32, #tpu.memory_space<vmem_shared>>
        %dma_start3A_107 = arith.constant 0 : i32
        %dma_start3A_108 = tpu.memref_slice %arg15[%add3A_61, %dma_start3A_107] : memref<5120x128xf32, #tpu.memory_space<vmem_shared>> -> memref<64x128xf32, #tpu.memory_space<vmem_shared>>
        tpu.enqueue_dma source(%arg14 : memref<64x128xf32, #tpu.memory_space<vmem>>) target(%dma_start3A_108 : memref<64x128xf32, #tpu.memory_space<vmem_shared>>) target_semaphore(%run_scoped3A : memref<!tpu.dma_semaphore, #tpu.memory_space<semaphore_mem>>)
        %dma_wait3A = arith.constant 0 : i32
        %dma_wait3A_109 = tpu.memref_slice %arg15[%add3A_61, %dma_wait3A] : memref<5120x128xf32, #tpu.memory_space<vmem_shared>> -> memref<64x128xf32, #tpu.memory_space<vmem_shared>>
        %dma_wait3A_110 = arith.constant 0 : i32
        %dma_wait3A_111 = tpu.memref_slice %arg15[%add3A_61, %dma_wait3A_110] : memref<5120x128xf32, #tpu.memory_space<vmem_shared>> -> memref<64x128xf32, #tpu.memory_space<vmem_shared>>
        tpu.wait_dma2 semaphore(%run_scoped3A : memref<!tpu.dma_semaphore, #tpu.memory_space<semaphore_mem>>) src(%arg14 : memref<64x128xf32, #tpu.memory_space<vmem>>) dst(%dma_wait3A_111 : memref<64x128xf32, #tpu.memory_space<vmem_shared>>)
        tpu.yield
      }) : () -> ()
      %mul3A_62 = arith.constant 320 : i32
      %mul3A_63 = arith.muli %arg1, %mul3A_62 : i32
      %add3A_64 = arith.constant 64 : i32
      %add3A_65 = arith.addi %mul3A_63, %add3A_64 : i32
      "tpu.region"() ({
        %run_scoped3A = tpu.sem_alloc : memref<!tpu.dma_semaphore, #tpu.memory_space<semaphore_mem>>
        %dma_start3A_105 = arith.constant 0 : i32
        %dma_start3A_106 = tpu.memref_slice %arg15[%add3A_65, %dma_start3A_105] : memref<5120x128xf32, #tpu.memory_space<vmem_shared>> -> memref<64x128xf32, #tpu.memory_space<vmem_shared>>
        %dma_start3A_107 = arith.constant 0 : i32
        %dma_start3A_108 = tpu.memref_slice %arg15[%add3A_65, %dma_start3A_107] : memref<5120x128xf32, #tpu.memory_space<vmem_shared>> -> memref<64x128xf32, #tpu.memory_space<vmem_shared>>
        tpu.enqueue_dma source(%arg14 : memref<64x128xf32, #tpu.memory_space<vmem>>) target(%dma_start3A_108 : memref<64x128xf32, #tpu.memory_space<vmem_shared>>) target_semaphore(%run_scoped3A : memref<!tpu.dma_semaphore, #tpu.memory_space<semaphore_mem>>)
        %dma_wait3A = arith.constant 0 : i32
        %dma_wait3A_109 = tpu.memref_slice %arg15[%add3A_65, %dma_wait3A] : memref<5120x128xf32, #tpu.memory_space<vmem_shared>> -> memref<64x128xf32, #tpu.memory_space<vmem_shared>>
        %dma_wait3A_110 = arith.constant 0 : i32
        %dma_wait3A_111 = tpu.memref_slice %arg15[%add3A_65, %dma_wait3A_110] : memref<5120x128xf32, #tpu.memory_space<vmem_shared>> -> memref<64x128xf32, #tpu.memory_space<vmem_shared>>
        tpu.wait_dma2 semaphore(%run_scoped3A : memref<!tpu.dma_semaphore, #tpu.memory_space<semaphore_mem>>) src(%arg14 : memref<64x128xf32, #tpu.memory_space<vmem>>) dst(%dma_wait3A_111 : memref<64x128xf32, #tpu.memory_space<vmem_shared>>)
        tpu.yield
      }) : () -> ()
      %mul3A_66 = arith.constant 320 : i32
      %mul3A_67 = arith.muli %arg1, %mul3A_66 : i32
      %add3A_68 = arith.constant 128 : i32
      %add3A_69 = arith.addi %mul3A_67, %add3A_68 : i32
      "tpu.region"() ({
        %run_scoped3A = tpu.sem_alloc : memref<!tpu.dma_semaphore, #tpu.memory_space<semaphore_mem>>
        %dma_start3A_105 = arith.constant 0 : i32
        %dma_start3A_106 = tpu.memref_slice %arg15[%add3A_69, %dma_start3A_105] : memref<5120x128xf32, #tpu.memory_space<vmem_shared>> -> memref<64x128xf32, #tpu.memory_space<vmem_shared>>
        %dma_start3A_107 = arith.constant 0 : i32
        %dma_start3A_108 = tpu.memref_slice %arg15[%add3A_69, %dma_start3A_107] : memref<5120x128xf32, #tpu.memory_space<vmem_shared>> -> memref<64x128xf32, #tpu.memory_space<vmem_shared>>
        tpu.enqueue_dma source(%arg14 : memref<64x128xf32, #tpu.memory_space<vmem>>) target(%dma_start3A_108 : memref<64x128xf32, #tpu.memory_space<vmem_shared>>) target_semaphore(%run_scoped3A : memref<!tpu.dma_semaphore, #tpu.memory_space<semaphore_mem>>)
        %dma_wait3A = arith.constant 0 : i32
        %dma_wait3A_109 = tpu.memref_slice %arg15[%add3A_69, %dma_wait3A] : memref<5120x128xf32, #tpu.memory_space<vmem_shared>> -> memref<64x128xf32, #tpu.memory_space<vmem_shared>>
        %dma_wait3A_110 = arith.constant 0 : i32
        %dma_wait3A_111 = tpu.memref_slice %arg15[%add3A_69, %dma_wait3A_110] : memref<5120x128xf32, #tpu.memory_space<vmem_shared>> -> memref<64x128xf32, #tpu.memory_space<vmem_shared>>
        tpu.wait_dma2 semaphore(%run_scoped3A : memref<!tpu.dma_semaphore, #tpu.memory_space<semaphore_mem>>) src(%arg14 : memref<64x128xf32, #tpu.memory_space<vmem>>) dst(%dma_wait3A_111 : memref<64x128xf32, #tpu.memory_space<vmem_shared>>)
        tpu.yield
      }) : () -> ()
      %mul3A_70 = arith.constant 320 : i32
      %mul3A_71 = arith.muli %arg1, %mul3A_70 : i32
      %add3A_72 = arith.constant 192 : i32
      %add3A_73 = arith.addi %mul3A_71, %add3A_72 : i32
      "tpu.region"() ({
        %run_scoped3A = tpu.sem_alloc : memref<!tpu.dma_semaphore, #tpu.memory_space<semaphore_mem>>
        %dma_start3A_105 = arith.constant 0 : i32
        %dma_start3A_106 = tpu.memref_slice %arg15[%add3A_73, %dma_start3A_105] : memref<5120x128xf32, #tpu.memory_space<vmem_shared>> -> memref<64x128xf32, #tpu.memory_space<vmem_shared>>
        %dma_start3A_107 = arith.constant 0 : i32
        %dma_start3A_108 = tpu.memref_slice %arg15[%add3A_73, %dma_start3A_107] : memref<5120x128xf32, #tpu.memory_space<vmem_shared>> -> memref<64x128xf32, #tpu.memory_space<vmem_shared>>
        tpu.enqueue_dma source(%arg14 : memref<64x128xf32, #tpu.memory_space<vmem>>) target(%dma_start3A_108 : memref<64x128xf32, #tpu.memory_space<vmem_shared>>) target_semaphore(%run_scoped3A : memref<!tpu.dma_semaphore, #tpu.memory_space<semaphore_mem>>)
        %dma_wait3A = arith.constant 0 : i32
        %dma_wait3A_109 = tpu.memref_slice %arg15[%add3A_73, %dma_wait3A] : memref<5120x128xf32, #tpu.memory_space<vmem_shared>> -> memref<64x128xf32, #tpu.memory_space<vmem_shared>>
        %dma_wait3A_110 = arith.constant 0 : i32
        %dma_wait3A_111 = tpu.memref_slice %arg15[%add3A_73, %dma_wait3A_110] : memref<5120x128xf32, #tpu.memory_space<vmem_shared>> -> memref<64x128xf32, #tpu.memory_space<vmem_shared>>
        tpu.wait_dma2 semaphore(%run_scoped3A : memref<!tpu.dma_semaphore, #tpu.memory_space<semaphore_mem>>) src(%arg14 : memref<64x128xf32, #tpu.memory_space<vmem>>) dst(%dma_wait3A_111 : memref<64x128xf32, #tpu.memory_space<vmem_shared>>)
        tpu.yield
      }) : () -> ()
      %mul3A_74 = arith.constant 320 : i32
      %mul3A_75 = arith.muli %arg1, %mul3A_74 : i32
      %add3A_76 = arith.constant 256 : i32
      %add3A_77 = arith.addi %mul3A_75, %add3A_76 : i32
      "tpu.region"() ({
        %run_scoped3A = tpu.sem_alloc : memref<!tpu.dma_semaphore, #tpu.memory_space<semaphore_mem>>
        %dma_start3A_105 = arith.constant 0 : i32
        %dma_start3A_106 = tpu.memref_slice %arg15[%add3A_77, %dma_start3A_105] : memref<5120x128xf32, #tpu.memory_space<vmem_shared>> -> memref<64x128xf32, #tpu.memory_space<vmem_shared>>
        %dma_start3A_107 = arith.constant 0 : i32
        %dma_start3A_108 = tpu.memref_slice %arg15[%add3A_77, %dma_start3A_107] : memref<5120x128xf32, #tpu.memory_space<vmem_shared>> -> memref<64x128xf32, #tpu.memory_space<vmem_shared>>
        tpu.enqueue_dma source(%arg14 : memref<64x128xf32, #tpu.memory_space<vmem>>) target(%dma_start3A_108 : memref<64x128xf32, #tpu.memory_space<vmem_shared>>) target_semaphore(%run_scoped3A : memref<!tpu.dma_semaphore, #tpu.memory_space<semaphore_mem>>)
        %dma_wait3A = arith.constant 0 : i32
        %dma_wait3A_109 = tpu.memref_slice %arg15[%add3A_77, %dma_wait3A] : memref<5120x128xf32, #tpu.memory_space<vmem_shared>> -> memref<64x128xf32, #tpu.memory_space<vmem_shared>>
        %dma_wait3A_110 = arith.constant 0 : i32
        %dma_wait3A_111 = tpu.memref_slice %arg15[%add3A_77, %dma_wait3A_110] : memref<5120x128xf32, #tpu.memory_space<vmem_shared>> -> memref<64x128xf32, #tpu.memory_space<vmem_shared>>
        tpu.wait_dma2 semaphore(%run_scoped3A : memref<!tpu.dma_semaphore, #tpu.memory_space<semaphore_mem>>) src(%arg14 : memref<64x128xf32, #tpu.memory_space<vmem>>) dst(%dma_wait3A_111 : memref<64x128xf32, #tpu.memory_space<vmem_shared>>)
        tpu.yield
      }) : () -> ()
      %mul3A_78 = arith.constant 160 : i32
      %mul3A_79 = arith.muli %arg1, %mul3A_78 : i32
      "tpu.region"() ({
        %run_scoped3A = tpu.sem_alloc : memref<!tpu.dma_semaphore, #tpu.memory_space<semaphore_mem>>
        %dma_start3A_105 = arith.constant 0 : i32
        %dma_start3A_106 = tpu.memref_slice %arg5[%mul3A_79, %dma_start3A_105] : memref<2560x128xi32, #tpu.memory_space<hbm>> -> memref<160x128xi32, #tpu.memory_space<hbm>>
        %dma_start3A_107 = arith.constant 0 : i32
        %dma_start3A_108 = tpu.memref_slice %arg5[%mul3A_79, %dma_start3A_107] : memref<2560x128xi32, #tpu.memory_space<hbm>> -> memref<160x128xi32, #tpu.memory_space<hbm>>
        tpu.enqueue_dma source(%dma_start3A_108 : memref<160x128xi32, #tpu.memory_space<hbm>>) target(%arg11 : memref<160x128xi32, #tpu.memory_space<vmem>>) target_semaphore(%run_scoped3A : memref<!tpu.dma_semaphore, #tpu.memory_space<semaphore_mem>>)
        %dma_wait3A = arith.constant 0 : i32
        %dma_wait3A_109 = tpu.memref_slice %arg5[%mul3A_79, %dma_wait3A] : memref<2560x128xi32, #tpu.memory_space<hbm>> -> memref<160x128xi32, #tpu.memory_space<hbm>>
        %dma_wait3A_110 = arith.constant 0 : i32
        %dma_wait3A_111 = tpu.memref_slice %arg5[%mul3A_79, %dma_wait3A_110] : memref<2560x128xi32, #tpu.memory_space<hbm>> -> memref<160x128xi32, #tpu.memory_space<hbm>>
        tpu.wait_dma2 semaphore(%run_scoped3A : memref<!tpu.dma_semaphore, #tpu.memory_space<semaphore_mem>>) src(%dma_wait3A_111 : memref<160x128xi32, #tpu.memory_space<hbm>>) dst(%arg11 : memref<160x128xi32, #tpu.memory_space<vmem>>)
        tpu.yield
      }) : () -> ()
      %scan3A_80 = arith.constant 0 : i32
      %scan3A_81 = arith.constant 0 : i32
      %scan3A_82 = arith.constant 160 : i32
      %scan3A_83 = arith.addi %scan3A_81, %scan3A_82 : i32
      %scan3A_84 = arith.constant 1 : i32
      scf.for %scan3A_105 = %scan3A_81 to %scan3A_83 step %scan3A_84  : i32 {
        %get3A = arith.index_cast %scan3A_105 : i32 to index
        %get3A_106 = arith.constant 0 : index
        %get3A_107 = tpu.vector_load %arg11[%get3A, %get3A_106] {strides = array<i32>} : memref<160x128xi32, #tpu.memory_space<vmem>>, vector<1x16xi32>,
        %get3A_108 = vector.shape_cast %get3A_107 : vector<1x16xi32> to vector<16xi32>
        %sub3A = arith.constant 5000 : i32
        %sub3A_109 = vector.broadcast %sub3A : i32 to vector<16xi32>
        %sub3A_110 = arith.subi %get3A_108, %sub3A_109 : vector<16xi32>
        %ge3A = arith.constant 0 : i32
        %ge3A_111 = vector.broadcast %ge3A : i32 to vector<16xi32>
        %ge3A_112 = arith.cmpi sge, %sub3A_110, %ge3A_111 : vector<16xi32>
        %lt3A = arith.constant 5000 : i32
        %lt3A_113 = vector.broadcast %lt3A : i32 to vector<16xi32>
        %lt3A_114 = arith.cmpi slt, %sub3A_110, %lt3A_113 : vector<16xi32>
        %and3A = arith.andi %ge3A_112, %lt3A_114 : vector<16xi1>
        %and3A_115 = arith.constant 63 : i32
        %and3A_116 = vector.broadcast %and3A_115 : i32 to vector<16xi32>
        %and3A_117 = arith.andi %get3A_108, %and3A_116 : vector<16xi32>
        %add3A_118 = arith.constant 5000 : i32
        %add3A_119 = vector.broadcast %add3A_118 : i32 to vector<16xi32>
        %add3A_120 = arith.addi %add3A_119, %and3A_117 : vector<16xi32>
        %select_n3A = arith.select %and3A, %sub3A_110, %add3A_120 : vector<16xi1>, vector<16xi32>
        %swap3A = arith.index_cast %scan3A_105 : i32 to index
        %swap3A_121 = arith.constant 0 : index
        %swap3A_122 = tpu.vector_load %arg11[%swap3A, %swap3A_121] {strides = array<i32>} : memref<160x128xi32, #tpu.memory_space<vmem>>, vector<1x16xi32>,
        %swap3A_123 = vector.shape_cast %swap3A_122 : vector<1x16xi32> to vector<16xi32>
        %swap3A_124 = vector.shape_cast %select_n3A : vector<16xi32> to vector<1x16xi32>
        tpu.vector_store %arg11[%swap3A, %swap3A_121], %swap3A_124 {strides = array<i32>} : memref<160x128xi32, #tpu.memory_space<vmem>>, vector<1x16xi32>,
        %get3A_125 = arith.index_cast %scan3A_105 : i32 to index
        %get3A_126 = arith.constant 16 : index
        %get3A_127 = tpu.vector_load %arg11[%get3A_125, %get3A_126] {strides = array<i32>} : memref<160x128xi32, #tpu.memory_space<vmem>>, vector<1x16xi32>,
        %get3A_128 = vector.shape_cast %get3A_127 : vector<1x16xi32> to vector<16xi32>
        %sub3A_129 = arith.constant 5000 : i32
        %sub3A_130 = vector.broadcast %sub3A_129 : i32 to vector<16xi32>
        %sub3A_131 = arith.subi %get3A_128, %sub3A_130 : vector<16xi32>
        %ge3A_132 = arith.constant 0 : i32
        %ge3A_133 = vector.broadcast %ge3A_132 : i32 to vector<16xi32>
        %ge3A_134 = arith.cmpi sge, %sub3A_131, %ge3A_133 : vector<16xi32>
        %lt3A_135 = arith.constant 5000 : i32
        %lt3A_136 = vector.broadcast %lt3A_135 : i32 to vector<16xi32>
        %lt3A_137 = arith.cmpi slt, %sub3A_131, %lt3A_136 : vector<16xi32>
        %and3A_138 = arith.andi %ge3A_134, %lt3A_137 : vector<16xi1>
        %and3A_139 = arith.constant 63 : i32
        %and3A_140 = vector.broadcast %and3A_139 : i32 to vector<16xi32>
        %and3A_141 = arith.andi %get3A_128, %and3A_140 : vector<16xi32>
        %add3A_142 = arith.constant 5000 : i32
        %add3A_143 = vector.broadcast %add3A_142 : i32 to vector<16xi32>
        %add3A_144 = arith.addi %add3A_143, %and3A_141 : vector<16xi32>
        %select_n3A_145 = arith.select %and3A_138, %sub3A_131, %add3A_144 : vector<16xi1>, vector<16xi32>
        %swap3A_146 = arith.index_cast %scan3A_105 : i32 to index
        %swap3A_147 = arith.constant 16 : index
        %swap3A_148 = tpu.vector_load %arg11[%swap3A_146, %swap3A_147] {strides = array<i32>} : memref<160x128xi32, #tpu.memory_space<vmem>>, vector<1x16xi32>,
        %swap3A_149 = vector.shape_cast %swap3A_148 : vector<1x16xi32> to vector<16xi32>
        %swap3A_150 = vector.shape_cast %select_n3A_145 : vector<16xi32> to vector<1x16xi32>
        tpu.vector_store %arg11[%swap3A_146, %swap3A_147], %swap3A_150 {strides = array<i32>} : memref<160x128xi32, #tpu.memory_space<vmem>>, vector<1x16xi32>,
        %get3A_151 = arith.index_cast %scan3A_105 : i32 to index
        %get3A_152 = arith.constant 32 : index
        %get3A_153 = tpu.vector_load %arg11[%get3A_151, %get3A_152] {strides = array<i32>} : memref<160x128xi32, #tpu.memory_space<vmem>>, vector<1x16xi32>,
        %get3A_154 = vector.shape_cast %get3A_153 : vector<1x16xi32> to vector<16xi32>
        %sub3A_155 = arith.constant 5000 : i32
        %sub3A_156 = vector.broadcast %sub3A_155 : i32 to vector<16xi32>
        %sub3A_157 = arith.subi %get3A_154, %sub3A_156 : vector<16xi32>
        %ge3A_158 = arith.constant 0 : i32
        %ge3A_159 = vector.broadcast %ge3A_158 : i32 to vector<16xi32>
        %ge3A_160 = arith.cmpi sge, %sub3A_157, %ge3A_159 : vector<16xi32>
        %lt3A_161 = arith.constant 5000 : i32
        %lt3A_162 = vector.broadcast %lt3A_161 : i32 to vector<16xi32>
        %lt3A_163 = arith.cmpi slt, %sub3A_157, %lt3A_162 : vector<16xi32>
        %and3A_164 = arith.andi %ge3A_160, %lt3A_163 : vector<16xi1>
        %and3A_165 = arith.constant 63 : i32
        %and3A_166 = vector.broadcast %and3A_165 : i32 to vector<16xi32>
        %and3A_167 = arith.andi %get3A_154, %and3A_166 : vector<16xi32>
        %add3A_168 = arith.constant 5000 : i32
        %add3A_169 = vector.broadcast %add3A_168 : i32 to vector<16xi32>
        %add3A_170 = arith.addi %add3A_169, %and3A_167 : vector<16xi32>
        %select_n3A_171 = arith.select %and3A_164, %sub3A_157, %add3A_170 : vector<16xi1>, vector<16xi32>
        %swap3A_172 = arith.index_cast %scan3A_105 : i32 to index
        %swap3A_173 = arith.constant 32 : index
        %swap3A_174 = tpu.vector_load %arg11[%swap3A_172, %swap3A_173] {strides = array<i32>} : memref<160x128xi32, #tpu.memory_space<vmem>>, vector<1x16xi32>,
        %swap3A_175 = vector.shape_cast %swap3A_174 : vector<1x16xi32> to vector<16xi32>
        %swap3A_176 = vector.shape_cast %select_n3A_171 : vector<16xi32> to vector<1x16xi32>
        tpu.vector_store %arg11[%swap3A_172, %swap3A_173], %swap3A_176 {strides = array<i32>} : memref<160x128xi32, #tpu.memory_space<vmem>>, vector<1x16xi32>,
        %get3A_177 = arith.index_cast %scan3A_105 : i32 to index
        %get3A_178 = arith.constant 48 : index
        %get3A_179 = tpu.vector_load %arg11[%get3A_177, %get3A_178] {strides = array<i32>} : memref<160x128xi32, #tpu.memory_space<vmem>>, vector<1x16xi32>,
        %get3A_180 = vector.shape_cast %get3A_179 : vector<1x16xi32> to vector<16xi32>
        %sub3A_181 = arith.constant 5000 : i32
        %sub3A_182 = vector.broadcast %sub3A_181 : i32 to vector<16xi32>
        %sub3A_183 = arith.subi %get3A_180, %sub3A_182 : vector<16xi32>
        %ge3A_184 = arith.constant 0 : i32
        %ge3A_185 = vector.broadcast %ge3A_184 : i32 to vector<16xi32>
        %ge3A_186 = arith.cmpi sge, %sub3A_183, %ge3A_185 : vector<16xi32>
        %lt3A_187 = arith.constant 5000 : i32
        %lt3A_188 = vector.broadcast %lt3A_187 : i32 to vector<16xi32>
        %lt3A_189 = arith.cmpi slt, %sub3A_183, %lt3A_188 : vector<16xi32>
        %and3A_190 = arith.andi %ge3A_186, %lt3A_189 : vector<16xi1>
        %and3A_191 = arith.constant 63 : i32
        %and3A_192 = vector.broadcast %and3A_191 : i32 to vector<16xi32>
        %and3A_193 = arith.andi %get3A_180, %and3A_192 : vector<16xi32>
        %add3A_194 = arith.constant 5000 : i32
        %add3A_195 = vector.broadcast %add3A_194 : i32 to vector<16xi32>
        %add3A_196 = arith.addi %add3A_195, %and3A_193 : vector<16xi32>
        %select_n3A_197 = arith.select %and3A_190, %sub3A_183, %add3A_196 : vector<16xi1>, vector<16xi32>
        %swap3A_198 = arith.index_cast %scan3A_105 : i32 to index
        %swap3A_199 = arith.constant 48 : index
        %swap3A_200 = tpu.vector_load %arg11[%swap3A_198, %swap3A_199] {strides = array<i32>} : memref<160x128xi32, #tpu.memory_space<vmem>>, vector<1x16xi32>,
        %swap3A_201 = vector.shape_cast %swap3A_200 : vector<1x16xi32> to vector<16xi32>
        %swap3A_202 = vector.shape_cast %select_n3A_197 : vector<16xi32> to vector<1x16xi32>
        tpu.vector_store %arg11[%swap3A_198, %swap3A_199], %swap3A_202 {strides = array<i32>} : memref<160x128xi32, #tpu.memory_space<vmem>>, vector<1x16xi32>,
        %get3A_203 = arith.index_cast %scan3A_105 : i32 to index
        %get3A_204 = arith.constant 64 : index
        %get3A_205 = tpu.vector_load %arg11[%get3A_203, %get3A_204] {strides = array<i32>} : memref<160x128xi32, #tpu.memory_space<vmem>>, vector<1x16xi32>,
        %get3A_206 = vector.shape_cast %get3A_205 : vector<1x16xi32> to vector<16xi32>
        %sub3A_207 = arith.constant 5000 : i32
        %sub3A_208 = vector.broadcast %sub3A_207 : i32 to vector<16xi32>
        %sub3A_209 = arith.subi %get3A_206, %sub3A_208 : vector<16xi32>
        %ge3A_210 = arith.constant 0 : i32
        %ge3A_211 = vector.broadcast %ge3A_210 : i32 to vector<16xi32>
        %ge3A_212 = arith.cmpi sge, %sub3A_209, %ge3A_211 : vector<16xi32>
        %lt3A_213 = arith.constant 5000 : i32
        %lt3A_214 = vector.broadcast %lt3A_213 : i32 to vector<16xi32>
        %lt3A_215 = arith.cmpi slt, %sub3A_209, %lt3A_214 : vector<16xi32>
        %and3A_216 = arith.andi %ge3A_212, %lt3A_215 : vector<16xi1>
        %and3A_217 = arith.constant 63 : i32
        %and3A_218 = vector.broadcast %and3A_217 : i32 to vector<16xi32>
        %and3A_219 = arith.andi %get3A_206, %and3A_218 : vector<16xi32>
        %add3A_220 = arith.constant 5000 : i32
        %add3A_221 = vector.broadcast %add3A_220 : i32 to vector<16xi32>
        %add3A_222 = arith.addi %add3A_221, %and3A_219 : vector<16xi32>
        %select_n3A_223 = arith.select %and3A_216, %sub3A_209, %add3A_222 : vector<16xi1>, vector<16xi32>
        %swap3A_224 = arith.index_cast %scan3A_105 : i32 to index
        %swap3A_225 = arith.constant 64 : index
        %swap3A_226 = tpu.vector_load %arg11[%swap3A_224, %swap3A_225] {strides = array<i32>} : memref<160x128xi32, #tpu.memory_space<vmem>>, vector<1x16xi32>,
        %swap3A_227 = vector.shape_cast %swap3A_226 : vector<1x16xi32> to vector<16xi32>
        %swap3A_228 = vector.shape_cast %select_n3A_223 : vector<16xi32> to vector<1x16xi32>
        tpu.vector_store %arg11[%swap3A_224, %swap3A_225], %swap3A_228 {strides = array<i32>} : memref<160x128xi32, #tpu.memory_space<vmem>>, vector<1x16xi32>,
        %get3A_229 = arith.index_cast %scan3A_105 : i32 to index
        %get3A_230 = arith.constant 80 : index
        %get3A_231 = tpu.vector_load %arg11[%get3A_229, %get3A_230] {strides = array<i32>} : memref<160x128xi32, #tpu.memory_space<vmem>>, vector<1x16xi32>,
        %get3A_232 = vector.shape_cast %get3A_231 : vector<1x16xi32> to vector<16xi32>
        %sub3A_233 = arith.constant 5000 : i32
        %sub3A_234 = vector.broadcast %sub3A_233 : i32 to vector<16xi32>
        %sub3A_235 = arith.subi %get3A_232, %sub3A_234 : vector<16xi32>
        %ge3A_236 = arith.constant 0 : i32
        %ge3A_237 = vector.broadcast %ge3A_236 : i32 to vector<16xi32>
        %ge3A_238 = arith.cmpi sge, %sub3A_235, %ge3A_237 : vector<16xi32>
        %lt3A_239 = arith.constant 5000 : i32
        %lt3A_240 = vector.broadcast %lt3A_239 : i32 to vector<16xi32>
        %lt3A_241 = arith.cmpi slt, %sub3A_235, %lt3A_240 : vector<16xi32>
        %and3A_242 = arith.andi %ge3A_238, %lt3A_241 : vector<16xi1>
        %and3A_243 = arith.constant 63 : i32
        %and3A_244 = vector.broadcast %and3A_243 : i32 to vector<16xi32>
        %and3A_245 = arith.andi %get3A_232, %and3A_244 : vector<16xi32>
        %add3A_246 = arith.constant 5000 : i32
        %add3A_247 = vector.broadcast %add3A_246 : i32 to vector<16xi32>
        %add3A_248 = arith.addi %add3A_247, %and3A_245 : vector<16xi32>
        %select_n3A_249 = arith.select %and3A_242, %sub3A_235, %add3A_248 : vector<16xi1>, vector<16xi32>
        %swap3A_250 = arith.index_cast %scan3A_105 : i32 to index
        %swap3A_251 = arith.constant 80 : index
        %swap3A_252 = tpu.vector_load %arg11[%swap3A_250, %swap3A_251] {strides = array<i32>} : memref<160x128xi32, #tpu.memory_space<vmem>>, vector<1x16xi32>,
        %swap3A_253 = vector.shape_cast %swap3A_252 : vector<1x16xi32> to vector<16xi32>
        %swap3A_254 = vector.shape_cast %select_n3A_249 : vector<16xi32> to vector<1x16xi32>
        tpu.vector_store %arg11[%swap3A_250, %swap3A_251], %swap3A_254 {strides = array<i32>} : memref<160x128xi32, #tpu.memory_space<vmem>>, vector<1x16xi32>,
        %get3A_255 = arith.index_cast %scan3A_105 : i32 to index
        %get3A_256 = arith.constant 96 : index
        %get3A_257 = tpu.vector_load %arg11[%get3A_255, %get3A_256] {strides = array<i32>} : memref<160x128xi32, #tpu.memory_space<vmem>>, vector<1x16xi32>,
        %get3A_258 = vector.shape_cast %get3A_257 : vector<1x16xi32> to vector<16xi32>
        %sub3A_259 = arith.constant 5000 : i32
        %sub3A_260 = vector.broadcast %sub3A_259 : i32 to vector<16xi32>
        %sub3A_261 = arith.subi %get3A_258, %sub3A_260 : vector<16xi32>
        %ge3A_262 = arith.constant 0 : i32
        %ge3A_263 = vector.broadcast %ge3A_262 : i32 to vector<16xi32>
        %ge3A_264 = arith.cmpi sge, %sub3A_261, %ge3A_263 : vector<16xi32>
        %lt3A_265 = arith.constant 5000 : i32
        %lt3A_266 = vector.broadcast %lt3A_265 : i32 to vector<16xi32>
        %lt3A_267 = arith.cmpi slt, %sub3A_261, %lt3A_266 : vector<16xi32>
        %and3A_268 = arith.andi %ge3A_264, %lt3A_267 : vector<16xi1>
        %and3A_269 = arith.constant 63 : i32
        %and3A_270 = vector.broadcast %and3A_269 : i32 to vector<16xi32>
        %and3A_271 = arith.andi %get3A_258, %and3A_270 : vector<16xi32>
        %add3A_272 = arith.constant 5000 : i32
        %add3A_273 = vector.broadcast %add3A_272 : i32 to vector<16xi32>
        %add3A_274 = arith.addi %add3A_273, %and3A_271 : vector<16xi32>
        %select_n3A_275 = arith.select %and3A_268, %sub3A_261, %add3A_274 : vector<16xi1>, vector<16xi32>
        %swap3A_276 = arith.index_cast %scan3A_105 : i32 to index
        %swap3A_277 = arith.constant 96 : index
        %swap3A_278 = tpu.vector_load %arg11[%swap3A_276, %swap3A_277] {strides = array<i32>} : memref<160x128xi32, #tpu.memory_space<vmem>>, vector<1x16xi32>,
        %swap3A_279 = vector.shape_cast %swap3A_278 : vector<1x16xi32> to vector<16xi32>
        %swap3A_280 = vector.shape_cast %select_n3A_275 : vector<16xi32> to vector<1x16xi32>
        tpu.vector_store %arg11[%swap3A_276, %swap3A_277], %swap3A_280 {strides = array<i32>} : memref<160x128xi32, #tpu.memory_space<vmem>>, vector<1x16xi32>,
        %get3A_281 = arith.index_cast %scan3A_105 : i32 to index
        %get3A_282 = arith.constant 112 : index
        %get3A_283 = tpu.vector_load %arg11[%get3A_281, %get3A_282] {strides = array<i32>} : memref<160x128xi32, #tpu.memory_space<vmem>>, vector<1x16xi32>,
        %get3A_284 = vector.shape_cast %get3A_283 : vector<1x16xi32> to vector<16xi32>
        %sub3A_285 = arith.constant 5000 : i32
        %sub3A_286 = vector.broadcast %sub3A_285 : i32 to vector<16xi32>
        %sub3A_287 = arith.subi %get3A_284, %sub3A_286 : vector<16xi32>
        %ge3A_288 = arith.constant 0 : i32
        %ge3A_289 = vector.broadcast %ge3A_288 : i32 to vector<16xi32>
        %ge3A_290 = arith.cmpi sge, %sub3A_287, %ge3A_289 : vector<16xi32>
        %lt3A_291 = arith.constant 5000 : i32
        %lt3A_292 = vector.broadcast %lt3A_291 : i32 to vector<16xi32>
        %lt3A_293 = arith.cmpi slt, %sub3A_287, %lt3A_292 : vector<16xi32>
        %and3A_294 = arith.andi %ge3A_290, %lt3A_293 : vector<16xi1>
        %and3A_295 = arith.constant 63 : i32
        %and3A_296 = vector.broadcast %and3A_295 : i32 to vector<16xi32>
        %and3A_297 = arith.andi %get3A_284, %and3A_296 : vector<16xi32>
        %add3A_298 = arith.constant 5000 : i32
        %add3A_299 = vector.broadcast %add3A_298 : i32 to vector<16xi32>
        %add3A_300 = arith.addi %add3A_299, %and3A_297 : vector<16xi32>
        %select_n3A_301 = arith.select %and3A_294, %sub3A_287, %add3A_300 : vector<16xi1>, vector<16xi32>
        %swap3A_302 = arith.index_cast %scan3A_105 : i32 to index
        %swap3A_303 = arith.constant 112 : index
        %swap3A_304 = tpu.vector_load %arg11[%swap3A_302, %swap3A_303] {strides = array<i32>} : memref<160x128xi32, #tpu.memory_space<vmem>>, vector<1x16xi32>,
        %swap3A_305 = vector.shape_cast %swap3A_304 : vector<1x16xi32> to vector<16xi32>
        %swap3A_306 = vector.shape_cast %select_n3A_301 : vector<16xi32> to vector<1x16xi32>
        tpu.vector_store %arg11[%swap3A_302, %swap3A_303], %swap3A_306 {strides = array<i32>} : memref<160x128xi32, #tpu.memory_space<vmem>>, vector<1x16xi32>,
      }
      %scan3A_85 = arith.constant 160 : i32
      %barrier3A_86 = arith.constant 0 : index
      tpu.barrier barrier_id(%barrier3A_86)
      %dma_start3A_87 = arith.constant 0 : i32
      %dma_start3A_88 = arith.constant 0 : i32
      %dma_start3A_89 = tpu.memref_slice %arg10[%dma_start3A_87, %dma_start3A_88] : memref<160x128xi32, #tpu.memory_space<vmem>> -> memref<1x128xi32, #tpu.memory_space<vmem>>
      %dma_start3A_90 = tpu.memref_squeeze %dma_start3A_89 : memref<1x128xi32, #tpu.memory_space<vmem>> -> memref<128xi32, #tpu.memory_space<vmem>>
      %dma_start3A_91 = arith.constant 0 : i32
      %dma_start3A_92 = arith.constant 0 : i32
      %dma_start3A_93 = tpu.memref_slice %arg3[%dma_start3A_91, %dma_start3A_92] : memref<10000x128xf32, #tpu.memory_space<hbm>> -> memref<10000x128xf32, #tpu.memory_space<hbm>>
      tpu.enqueue_indirect_dma source(%dma_start3A_93 : memref<10000x128xf32, #tpu.memory_space<hbm>>) target(%arg12 : memref<128x128xf32, #tpu.memory_space<vmem>>) offsets(%dma_start3A_90 : memref<128xi32, #tpu.memory_space<vmem>>) semaphore(%arg16 : memref<!tpu.dma_semaphore, #tpu.memory_space<semaphore_mem>>)
      %scan3A_94 = arith.constant 0 : i32
      %scan3A_95 = arith.constant 0 : i32
      %scan3A_96 = arith.constant 80 : i32
      %scan3A_97 = arith.addi %scan3A_95, %scan3A_96 : i32
      %scan3A_98 = arith.constant 1 : i32
      scf.for %scan3A_105 = %scan3A_95 to %scan3A_97 step %scan3A_98  : i32 {
        %mul3A_106 = arith.constant 2 : i32
        %mul3A_107 = arith.muli %mul3A_106, %scan3A_105 : i32
        %add3A_108 = arith.constant 0 : i32
        %add3A_109 = arith.addi %add3A_108, %mul3A_107 : i32
        %add3A_110 = arith.constant 1 : i32
        %add3A_111 = arith.addi %add3A_109, %add3A_110 : i32
        %dma_start3A_112 = arith.constant 0 : i32
        %dma_start3A_113 = tpu.memref_slice %arg10[%add3A_111, %dma_start3A_112] : memref<160x128xi32, #tpu.memory_space<vmem>> -> memref<1x128xi32, #tpu.memory_space<vmem>>
        %dma_start3A_114 = tpu.memref_squeeze %dma_start3A_113 : memref<1x128xi32, #tpu.memory_space<vmem>> -> memref<128xi32, #tpu.memory_space<vmem>>
        %dma_start3A_115 = arith.constant 0 : i32
        %dma_start3A_116 = arith.constant 0 : i32
        %dma_start3A_117 = tpu.memref_slice %arg3[%dma_start3A_115, %dma_start3A_116] : memref<10000x128xf32, #tpu.memory_space<hbm>> -> memref<10000x128xf32, #tpu.memory_space<hbm>>
        tpu.enqueue_indirect_dma source(%dma_start3A_117 : memref<10000x128xf32, #tpu.memory_space<hbm>>) target(%arg13 : memref<128x128xf32, #tpu.memory_space<vmem>>) offsets(%dma_start3A_114 : memref<128xi32, #tpu.memory_space<vmem>>) semaphore(%arg17 : memref<!tpu.dma_semaphore, #tpu.memory_space<semaphore_mem>>)
        %dma_wait3A = arith.constant 0 : i32
        %dma_wait3A_118 = arith.constant 0 : i32
        %dma_wait3A_119 = tpu.memref_slice %arg10[%dma_wait3A, %dma_wait3A_118] : memref<160x128xi32, #tpu.memory_space<vmem>> -> memref<1x128xi32, #tpu.memory_space<vmem>>
        %dma_wait3A_120 = tpu.memref_squeeze %dma_wait3A_119 : memref<1x128xi32, #tpu.memory_space<vmem>> -> memref<128xi32, #tpu.memory_space<vmem>>
        %dma_wait3A_121 = arith.constant 0 : i32
        %dma_wait3A_122 = arith.constant 0 : i32
        %dma_wait3A_123 = tpu.memref_slice %arg3[%dma_wait3A_121, %dma_wait3A_122] : memref<10000x128xf32, #tpu.memory_space<hbm>> -> memref<10000x128xf32, #tpu.memory_space<hbm>>
        tpu.wait_indirect_dma semaphore(%arg16 : memref<!tpu.dma_semaphore, #tpu.memory_space<semaphore_mem>>) src(%dma_wait3A_123 : memref<10000x128xf32, #tpu.memory_space<hbm>>) dst(%arg12 : memref<128x128xf32, #tpu.memory_space<vmem>>)
        "tpu.region"() ({
          %run_scoped3A = tpu.sem_alloc : memref<!tpu.dma_semaphore, #tpu.memory_space<semaphore_mem>>
          %dma_start3A_137 = arith.constant 0 : i32
          %dma_start3A_138 = tpu.memref_slice %arg11[%add3A_109, %dma_start3A_137] : memref<160x128xi32, #tpu.memory_space<vmem>> -> memref<1x128xi32, #tpu.memory_space<vmem>>
          %dma_start3A_139 = tpu.memref_squeeze %dma_start3A_138 : memref<1x128xi32, #tpu.memory_space<vmem>> -> memref<128xi32, #tpu.memory_space<vmem>>
          %dma_start3A_140 = arith.constant 0 : i32
          %dma_start3A_141 = arith.constant 0 : i32
          %dma_start3A_142 = tpu.memref_slice %arg15[%dma_start3A_140, %dma_start3A_141] : memref<5120x128xf32, #tpu.memory_space<vmem_shared>> -> memref<5120x128xf32, #tpu.memory_space<vmem_shared>>
          tpu.enqueue_indirect_dma source(%arg12 : memref<128x128xf32, #tpu.memory_space<vmem>>) target(%dma_start3A_142 : memref<5120x128xf32, #tpu.memory_space<vmem_shared>>) offsets(%dma_start3A_139 : memref<128xi32, #tpu.memory_space<vmem>>) semaphore(%run_scoped3A : memref<!tpu.dma_semaphore, #tpu.memory_space<semaphore_mem>>) {add = true}
          %dma_wait3A_143 = arith.constant 0 : i32
          %dma_wait3A_144 = tpu.memref_slice %arg11[%add3A_109, %dma_wait3A_143] : memref<160x128xi32, #tpu.memory_space<vmem>> -> memref<1x128xi32, #tpu.memory_space<vmem>>
          %dma_wait3A_145 = tpu.memref_squeeze %dma_wait3A_144 : memref<1x128xi32, #tpu.memory_space<vmem>> -> memref<128xi32, #tpu.memory_space<vmem>>
          %dma_wait3A_146 = arith.constant 0 : i32
          %dma_wait3A_147 = arith.constant 0 : i32
          %dma_wait3A_148 = tpu.memref_slice %arg15[%dma_wait3A_146, %dma_wait3A_147] : memref<5120x128xf32, #tpu.memory_space<vmem_shared>> -> memref<5120x128xf32, #tpu.memory_space<vmem_shared>>
          tpu.wait_indirect_dma semaphore(%run_scoped3A : memref<!tpu.dma_semaphore, #tpu.memory_space<semaphore_mem>>) src(%arg12 : memref<128x128xf32, #tpu.memory_space<vmem>>) dst(%dma_wait3A_148 : memref<5120x128xf32, #tpu.memory_space<vmem_shared>>)
          tpu.yield
        }) : () -> ()
        %lt3A = arith.constant 79 : i32
        %lt3A_124 = arith.cmpi slt, %scan3A_105, %lt3A : i32
        %convert_element_type3A_125 = arith.extui %lt3A_124 : i1 to i32
        %cond3A_126 = arith.constant 0 : i32
        %cond3A_127 = arith.cmpi ne, %convert_element_type3A_125, %cond3A_126 : i32
        scf.if %cond3A_127 {
          %add3A_137 = arith.constant 2 : i32
          %add3A_138 = arith.addi %add3A_109, %add3A_137 : i32
          %dma_start3A_139 = arith.constant 0 : i32
          %dma_start3A_140 = tpu.memref_slice %arg10[%add3A_138, %dma_start3A_139] : memref<160x128xi32, #tpu.memory_space<vmem>> -> memref<1x128xi32, #tpu.memory_space<vmem>>
          %dma_start3A_141 = tpu.memref_squeeze %dma_start3A_140 : memref<1x128xi32, #tpu.memory_space<vmem>> -> memref<128xi32, #tpu.memory_space<vmem>>
          %dma_start3A_142 = arith.constant 0 : i32
          %dma_start3A_143 = arith.constant 0 : i32
          %dma_start3A_144 = tpu.memref_slice %arg3[%dma_start3A_142, %dma_start3A_143] : memref<10000x128xf32, #tpu.memory_space<hbm>> -> memref<10000x128xf32, #tpu.memory_space<hbm>>
          tpu.enqueue_indirect_dma source(%dma_start3A_144 : memref<10000x128xf32, #tpu.memory_space<hbm>>) target(%arg12 : memref<128x128xf32, #tpu.memory_space<vmem>>) offsets(%dma_start3A_141 : memref<128xi32, #tpu.memory_space<vmem>>) semaphore(%arg16 : memref<!tpu.dma_semaphore, #tpu.memory_space<semaphore_mem>>)
        } else {
        }
        %dma_wait3A_128 = arith.constant 0 : i32
        %dma_wait3A_129 = arith.constant 0 : i32
        %dma_wait3A_130 = tpu.memref_slice %arg10[%dma_wait3A_128, %dma_wait3A_129] : memref<160x128xi32, #tpu.memory_space<vmem>> -> memref<1x128xi32, #tpu.memory_space<vmem>>
        %dma_wait3A_131 = tpu.memref_squeeze %dma_wait3A_130 : memref<1x128xi32, #tpu.memory_space<vmem>> -> memref<128xi32, #tpu.memory_space<vmem>>
        %dma_wait3A_132 = arith.constant 0 : i32
        %dma_wait3A_133 = arith.constant 0 : i32
        %dma_wait3A_134 = tpu.memref_slice %arg3[%dma_wait3A_132, %dma_wait3A_133] : memref<10000x128xf32, #tpu.memory_space<hbm>> -> memref<10000x128xf32, #tpu.memory_space<hbm>>
        tpu.wait_indirect_dma semaphore(%arg17 : memref<!tpu.dma_semaphore, #tpu.memory_space<semaphore_mem>>) src(%dma_wait3A_134 : memref<10000x128xf32, #tpu.memory_space<hbm>>) dst(%arg13 : memref<128x128xf32, #tpu.memory_space<vmem>>)
        %add3A_135 = arith.constant 1 : i32
        %add3A_136 = arith.addi %add3A_109, %add3A_135 : i32
        "tpu.region"() ({
          %run_scoped3A = tpu.sem_alloc : memref<!tpu.dma_semaphore, #tpu.memory_space<semaphore_mem>>
          %dma_start3A_137 = arith.constant 0 : i32
          %dma_start3A_138 = tpu.memref_slice %arg11[%add3A_136, %dma_start3A_137] : memref<160x128xi32, #tpu.memory_space<vmem>> -> memref<1x128xi32, #tpu.memory_space<vmem>>
          %dma_start3A_139 = tpu.memref_squeeze %dma_start3A_138 : memref<1x128xi32, #tpu.memory_space<vmem>> -> memref<128xi32, #tpu.memory_space<vmem>>
          %dma_start3A_140 = arith.constant 0 : i32
          %dma_start3A_141 = arith.constant 0 : i32
          %dma_start3A_142 = tpu.memref_slice %arg15[%dma_start3A_140, %dma_start3A_141] : memref<5120x128xf32, #tpu.memory_space<vmem_shared>> -> memref<5120x128xf32, #tpu.memory_space<vmem_shared>>
          tpu.enqueue_indirect_dma source(%arg13 : memref<128x128xf32, #tpu.memory_space<vmem>>) target(%dma_start3A_142 : memref<5120x128xf32, #tpu.memory_space<vmem_shared>>) offsets(%dma_start3A_139 : memref<128xi32, #tpu.memory_space<vmem>>) semaphore(%run_scoped3A : memref<!tpu.dma_semaphore, #tpu.memory_space<semaphore_mem>>) {add = true}
          %dma_wait3A_143 = arith.constant 0 : i32
          %dma_wait3A_144 = tpu.memref_slice %arg11[%add3A_136, %dma_wait3A_143] : memref<160x128xi32, #tpu.memory_space<vmem>> -> memref<1x128xi32, #tpu.memory_space<vmem>>
          %dma_wait3A_145 = tpu.memref_squeeze %dma_wait3A_144 : memref<1x128xi32, #tpu.memory_space<vmem>> -> memref<128xi32, #tpu.memory_space<vmem>>
          %dma_wait3A_146 = arith.constant 0 : i32
          %dma_wait3A_147 = arith.constant 0 : i32
          %dma_wait3A_148 = tpu.memref_slice %arg15[%dma_wait3A_146, %dma_wait3A_147] : memref<5120x128xf32, #tpu.memory_space<vmem_shared>> -> memref<5120x128xf32, #tpu.memory_space<vmem_shared>>
          tpu.wait_indirect_dma semaphore(%run_scoped3A : memref<!tpu.dma_semaphore, #tpu.memory_space<semaphore_mem>>) src(%arg13 : memref<128x128xf32, #tpu.memory_space<vmem>>) dst(%dma_wait3A_148 : memref<5120x128xf32, #tpu.memory_space<vmem_shared>>)
          tpu.yield
        }) : () -> ()
      }
      %scan3A_99 = arith.constant 80 : i32
      %barrier3A_100 = arith.constant 0 : index
      tpu.barrier barrier_id(%barrier3A_100)
      %mul3A_101 = arith.constant 320 : i32
      %mul3A_102 = arith.muli %arg1, %mul3A_101 : i32
      %mul3A_103 = arith.constant 320 : i32
      %mul3A_104 = arith.muli %arg1, %mul3A_103 : i32
      "tpu.region"() ({
        %run_scoped3A = tpu.sem_alloc : memref<!tpu.dma_semaphore, #tpu.memory_space<semaphore_mem>>
        %dma_start3A_105 = arith.constant 0 : i32
        %dma_start3A_106 = tpu.memref_slice %arg9[%mul3A_104, %dma_start3A_105] : memref<5120x128xf32, #tpu.memory_space<hbm>> -> memref<320x128xf32, #tpu.memory_space<hbm>>
        %dma_start3A_107 = arith.constant 0 : i32
        %dma_start3A_108 = tpu.memref_slice %arg15[%mul3A_102, %dma_start3A_107] : memref<5120x128xf32, #tpu.memory_space<vmem_shared>> -> memref<320x128xf32, #tpu.memory_space<vmem_shared>>
        tpu.enqueue_dma source(%dma_start3A_108 : memref<320x128xf32, #tpu.memory_space<vmem_shared>>) target(%dma_start3A_106 : memref<320x128xf32, #tpu.memory_space<hbm>>) target_semaphore(%run_scoped3A : memref<!tpu.dma_semaphore, #tpu.memory_space<semaphore_mem>>)
        %dma_wait3A = arith.constant 0 : i32
        %dma_wait3A_109 = tpu.memref_slice %arg9[%mul3A_104, %dma_wait3A] : memref<5120x128xf32, #tpu.memory_space<hbm>> -> memref<320x128xf32, #tpu.memory_space<hbm>>
        %dma_wait3A_110 = arith.constant 0 : i32
        %dma_wait3A_111 = tpu.memref_slice %arg15[%mul3A_102, %dma_wait3A_110] : memref<5120x128xf32, #tpu.memory_space<vmem_shared>> -> memref<320x128xf32, #tpu.memory_space<vmem_shared>>
        tpu.wait_dma2 semaphore(%run_scoped3A : memref<!tpu.dma_semaphore, #tpu.memory_space<semaphore_mem>>) src(%dma_wait3A_111 : memref<320x128xf32, #tpu.memory_space<vmem_shared>>) dst(%dma_wait3A_109 : memref<320x128xf32, #tpu.memory_space<hbm>>)
        tpu.yield
      }) : () -> ()
    } else {
    }
    return
  }
}

module attributes {stable_mosaic.version = 14 : i64} {
  func.func @_mm1_body(%arg0: i32, %arg1: memref<1000x128xf32, #tpu.memory_space<vmem>>, %arg2: memref<128x256xf32, #tpu.memory_space<vmem>>, %arg3: memref<1000x1xf32, #tpu.memory_space<vmem>>, %arg4: memref<1000x128xf32, #tpu.memory_space<vmem>>, %arg5: memref<1000x128xf32, #tpu.memory_space<vmem>>) attributes {dimension_semantics = [#tpu.dimension_semantics<arbitrary>], iteration_bounds = array<i64: 10>, scalar_prefetch = 0 : i64, scratch_operands = 0 : i64, tpu.core_type = #tpu.core_type<tc>, window_params = [{transform_indices = @transform_0, window_bounds = array<i64: 1000, 128>}, {pipeline_mode = #tpu.pipeline_mode<synchronous>, transform_indices = @transform_1, window_bounds = array<i64: 128, 256>}, {transform_indices = @transform_2, window_bounds = array<i64: 1000, 1>}, {transform_indices = @transform_3, window_bounds = array<i64: 1000, 128>}, {transform_indices = @transform_4, window_bounds = array<i64: 1000, 128>}]} {
    %get3A = arith.constant 0 : index
    %get3A_0 = arith.constant 0 : index
    %get3A_1 = vector.load %arg3[%get3A, %get3A_0] : memref<1000x1xf32, #tpu.memory_space<vmem>>, vector<1000x1xf32>
    %add3A = arith.constant 1.000000e+00 : f32
    %add3A_2 = vector.broadcast %add3A : f32 to vector<1000x1xf32>
    %add3A_3 = arith.addf %get3A_1, %add3A_2 : vector<1000x1xf32>
    %rsqrt3A = math.rsqrt %add3A_3 : vector<1000x1xf32>
    %get3A_4 = arith.constant 0 : index
    %get3A_5 = arith.constant 0 : index
    %get3A_6 = vector.load %arg1[%get3A_4, %get3A_5] : memref<1000x128xf32, #tpu.memory_space<vmem>>, vector<1000x128xf32>
    %get3A_7 = arith.constant 0 : index
    %get3A_8 = arith.constant 0 : index
    %get3A_9 = vector.load %arg2[%get3A_7, %get3A_8] : memref<128x256xf32, #tpu.memory_space<vmem>>, vector<128x256xf32>
    %dot_general3A = arith.constant dense<0.000000e+00> : vector<1000x256xf32>
    %dot_general3A_10 = tpu.matmul %get3A_6, %get3A_9, %dot_general3A {dimension_numbers = #tpu.dot_dimension_numbers<[1], [0], [0], [1], [0, 0, 1, 1], [], []>, transpose_lhs_hint = false} : vector<1000x128xf32>, vector<128x256xf32>, vector<1000x256xf32> -> vector<1000x256xf32>
    %mul3A = vector.broadcast %rsqrt3A : vector<1000x1xf32> to vector<1000x256xf32>
    %mul3A_11 = arith.mulf %dot_general3A_10, %mul3A : vector<1000x256xf32>
    %slice3A = vector.extract_strided_slice %mul3A_11 {offsets = [0, 0], sizes = [1000, 128], strides = [1, 1]} : vector<1000x256xf32> to vector<1000x128xf32>
    %swap3A = arith.constant 0 : index
    %swap3A_12 = arith.constant 0 : index
    %swap3A_13 = vector.load %arg4[%swap3A, %swap3A_12] : memref<1000x128xf32, #tpu.memory_space<vmem>>, vector<1000x128xf32>
    tpu.vector_store %arg4[%swap3A, %swap3A_12], %slice3A {strides = array<i32>} : memref<1000x128xf32, #tpu.memory_space<vmem>>, vector<1000x128xf32>,
    %slice3A_14 = vector.extract_strided_slice %mul3A_11 {offsets = [0, 128], sizes = [1000, 128], strides = [1, 1]} : vector<1000x256xf32> to vector<1000x128xf32>
    %swap3A_15 = arith.constant 0 : index
    %swap3A_16 = arith.constant 0 : index
    %swap3A_17 = vector.load %arg5[%swap3A_15, %swap3A_16] : memref<1000x128xf32, #tpu.memory_space<vmem>>, vector<1000x128xf32>
    tpu.vector_store %arg5[%swap3A_15, %swap3A_16], %slice3A_14 {strides = array<i32>} : memref<1000x128xf32, #tpu.memory_space<vmem>>, vector<1000x128xf32>,
    return
  }
  func.func @transform_0(%arg0: i32) -> (i32, i32) {
    %c0_i32 = arith.constant 0 : i32
    %c0_i32_0 = arith.constant 0 : i32
    return %arg0, %c0_i32 : i32, i32
  }
  func.func @transform_1(%arg0: i32) -> (i32, i32) {
    %c0_i32 = arith.constant 0 : i32
    %c0_i32_0 = arith.constant 0 : i32
    %c0_i32_1 = arith.constant 0 : i32
    return %c0_i32, %c0_i32_0 : i32, i32
  }
  func.func @transform_2(%arg0: i32) -> (i32, i32) {
    %c0_i32 = arith.constant 0 : i32
    %c0_i32_0 = arith.constant 0 : i32
    return %arg0, %c0_i32 : i32, i32
  }
  func.func @transform_3(%arg0: i32) -> (i32, i32) {
    %c0_i32 = arith.constant 0 : i32
    %c0_i32_0 = arith.constant 0 : i32
    return %arg0, %c0_i32 : i32, i32
  }
  func.func @transform_4(%arg0: i32) -> (i32, i32) {
    %c0_i32 = arith.constant 0 : i32
    %c0_i32_0 = arith.constant 0 : i32
    return %arg0, %c0_i32 : i32, i32
  }
}

module attributes {stable_mosaic.version = 14 : i64} {
  func.func @_mm2_body(%arg0: i32, %arg1: memref<1000x128xf32, #tpu.memory_space<vmem>>, %arg2: memref<1000x128xf32, #tpu.memory_space<vmem>>, %arg3: memref<1000x128xf32, #tpu.memory_space<vmem>>, %arg4: memref<1000x128xf32, #tpu.memory_space<vmem>>, %arg5: memref<1000x1xf32, #tpu.memory_space<vmem>>, %arg6: memref<1x256xf32, #tpu.memory_space<vmem>>, %arg7: memref<256x128xf32, #tpu.memory_space<vmem>>, %arg8: memref<1000x128xf32, #tpu.memory_space<vmem>>, %arg9: memref<1000x128xf32, #tpu.memory_space<vmem>>) attributes {dimension_semantics = [#tpu.dimension_semantics<arbitrary>], iteration_bounds = array<i64: 10>, scalar_prefetch = 0 : i64, scratch_operands = 0 : i64, tpu.core_type = #tpu.core_type<tc>, window_params = [{transform_indices = @transform_0, window_bounds = array<i64: 1000, 128>}, {transform_indices = @transform_1, window_bounds = array<i64: 1000, 128>}, {transform_indices = @transform_2, window_bounds = array<i64: 1000, 128>}, {transform_indices = @transform_3, window_bounds = array<i64: 1000, 128>}, {transform_indices = @transform_4, window_bounds = array<i64: 1000, 1>}, {pipeline_mode = #tpu.pipeline_mode<synchronous>, transform_indices = @transform_5, window_bounds = array<i64: 1, 256>}, {pipeline_mode = #tpu.pipeline_mode<synchronous>, transform_indices = @transform_6, window_bounds = array<i64: 256, 128>}, {transform_indices = @transform_7, window_bounds = array<i64: 1000, 128>}, {transform_indices = @transform_8, window_bounds = array<i64: 1000, 128>}]} {
    %get3A = arith.constant 0 : index
    %get3A_0 = arith.constant 0 : index
    %get3A_1 = vector.load %arg5[%get3A, %get3A_0] : memref<1000x1xf32, #tpu.memory_space<vmem>>, vector<1000x1xf32>
    %add3A = arith.constant 1.000000e+00 : f32
    %add3A_2 = vector.broadcast %add3A : f32 to vector<1000x1xf32>
    %add3A_3 = arith.addf %get3A_1, %add3A_2 : vector<1000x1xf32>
    %rsqrt3A = math.rsqrt %add3A_3 : vector<1000x1xf32>
    %get3A_4 = arith.constant 0 : index
    %get3A_5 = arith.constant 0 : index
    %get3A_6 = vector.load %arg1[%get3A_4, %get3A_5] : memref<1000x128xf32, #tpu.memory_space<vmem>>, vector<1000x128xf32>
    %get3A_7 = arith.constant 0 : index
    %get3A_8 = arith.constant 0 : index
    %get3A_9 = vector.load %arg3[%get3A_7, %get3A_8] : memref<1000x128xf32, #tpu.memory_space<vmem>>, vector<1000x128xf32>
    %add3A_10 = arith.addf %get3A_6, %get3A_9 : vector<1000x128xf32>
    %get3A_11 = arith.constant 0 : index
    %get3A_12 = arith.constant 0 : index
    %get3A_13 = vector.load %arg2[%get3A_11, %get3A_12] : memref<1000x128xf32, #tpu.memory_space<vmem>>, vector<1000x128xf32>
    %get3A_14 = arith.constant 0 : index
    %get3A_15 = arith.constant 0 : index
    %get3A_16 = vector.load %arg4[%get3A_14, %get3A_15] : memref<1000x128xf32, #tpu.memory_space<vmem>>, vector<1000x128xf32>
    %add3A_17 = arith.addf %get3A_13, %get3A_16 : vector<1000x128xf32>
    %concatenate3A = tpu.concatenate %add3A_10, %add3A_17 in 1 : vector<1000x128xf32>, vector<1000x128xf32> -> vector<1000x256xf32>
    %mul3A = vector.broadcast %rsqrt3A : vector<1000x1xf32> to vector<1000x256xf32>
    %mul3A_18 = arith.mulf %concatenate3A, %mul3A : vector<1000x256xf32>
    %get3A_19 = arith.constant 0 : index
    %get3A_20 = arith.constant 0 : index
    %get3A_21 = vector.load %arg6[%get3A_19, %get3A_20] : memref<1x256xf32, #tpu.memory_space<vmem>>, vector<1x256xf32>
    %add3A_22 = vector.broadcast %get3A_21 : vector<1x256xf32> to vector<1000x256xf32>
    %add3A_23 = arith.addf %mul3A_18, %add3A_22 : vector<1000x256xf32>
    %max3A = arith.constant 0.000000e+00 : f32
    %max3A_24 = vector.broadcast %max3A : f32 to vector<1000x256xf32>
    %max3A_25 = arith.maximumf %add3A_23, %max3A_24 : vector<1000x256xf32>
    %get3A_26 = arith.constant 0 : index
    %get3A_27 = arith.constant 0 : index
    %get3A_28 = vector.load %arg7[%get3A_26, %get3A_27] : memref<256x128xf32, #tpu.memory_space<vmem>>, vector<256x128xf32>
    %dot_general3A = arith.constant dense<0.000000e+00> : vector<1000x128xf32>
    %dot_general3A_29 = tpu.matmul %max3A_25, %get3A_28, %dot_general3A {dimension_numbers = #tpu.dot_dimension_numbers<[1], [0], [0], [1], [0, 0, 1, 1], [], []>, transpose_lhs_hint = false} : vector<1000x256xf32>, vector<256x128xf32>, vector<1000x128xf32> -> vector<1000x128xf32>
    %mul3A_30 = vector.broadcast %rsqrt3A : vector<1000x1xf32> to vector<1000x128xf32>
    %mul3A_31 = arith.mulf %dot_general3A_29, %mul3A_30 : vector<1000x128xf32>
    %swap3A = arith.constant 0 : index
    %swap3A_32 = arith.constant 0 : index
    %swap3A_33 = vector.load %arg8[%swap3A, %swap3A_32] : memref<1000x128xf32, #tpu.memory_space<vmem>>, vector<1000x128xf32>
    tpu.vector_store %arg8[%swap3A, %swap3A_32], %mul3A_31 {strides = array<i32>} : memref<1000x128xf32, #tpu.memory_space<vmem>>, vector<1000x128xf32>,
    %swap3A_34 = arith.constant 0 : index
    %swap3A_35 = arith.constant 0 : index
    %swap3A_36 = vector.load %arg9[%swap3A_34, %swap3A_35] : memref<1000x128xf32, #tpu.memory_space<vmem>>, vector<1000x128xf32>
    tpu.vector_store %arg9[%swap3A_34, %swap3A_35], %mul3A_31 {strides = array<i32>} : memref<1000x128xf32, #tpu.memory_space<vmem>>, vector<1000x128xf32>,
    return
  }
  func.func @transform_0(%arg0: i32) -> (i32, i32) {
    %c0_i32 = arith.constant 0 : i32
    %c0_i32_0 = arith.constant 0 : i32
    return %arg0, %c0_i32 : i32, i32
  }
  func.func @transform_1(%arg0: i32) -> (i32, i32) {
    %c0_i32 = arith.constant 0 : i32
    %c0_i32_0 = arith.constant 0 : i32
    return %arg0, %c0_i32 : i32, i32
  }
  func.func @transform_2(%arg0: i32) -> (i32, i32) {
    %c0_i32 = arith.constant 0 : i32
    %c0_i32_0 = arith.constant 0 : i32
    return %arg0, %c0_i32 : i32, i32
  }
  func.func @transform_3(%arg0: i32) -> (i32, i32) {
    %c0_i32 = arith.constant 0 : i32
    %c0_i32_0 = arith.constant 0 : i32
    return %arg0, %c0_i32 : i32, i32
  }
  func.func @transform_4(%arg0: i32) -> (i32, i32) {
    %c0_i32 = arith.constant 0 : i32
    %c0_i32_0 = arith.constant 0 : i32
    return %arg0, %c0_i32 : i32, i32
  }
  func.func @transform_5(%arg0: i32) -> (i32, i32) {
    %c0_i32 = arith.constant 0 : i32
    %c0_i32_0 = arith.constant 0 : i32
    %c0_i32_1 = arith.constant 0 : i32
    return %c0_i32, %c0_i32_0 : i32, i32
  }
  func.func @transform_6(%arg0: i32) -> (i32, i32) {
    %c0_i32 = arith.constant 0 : i32
    %c0_i32_0 = arith.constant 0 : i32
    %c0_i32_1 = arith.constant 0 : i32
    return %c0_i32, %c0_i32_0 : i32, i32
  }
  func.func @transform_7(%arg0: i32) -> (i32, i32) {
    %c0_i32 = arith.constant 0 : i32
    %c0_i32_0 = arith.constant 0 : i32
    return %arg0, %c0_i32 : i32, i32
  }
  func.func @transform_8(%arg0: i32) -> (i32, i32) {
    %c0_i32 = arith.constant 0 : i32
    %c0_i32_0 = arith.constant 0 : i32
    return %arg0, %c0_i32 : i32, i32
  }
}

module attributes {stable_mosaic.version = 14 : i64} {
  func.func @_final_body(%arg0: i32, %arg1: memref<1000x128xf32, #tpu.memory_space<vmem>>, %arg2: memref<1000x128xf32, #tpu.memory_space<vmem>>, %arg3: memref<1000x1xf32, #tpu.memory_space<vmem>>, %arg4: memref<1x128xf32, #tpu.memory_space<vmem>>, %arg5: memref<1000x128xf32, #tpu.memory_space<vmem>>) attributes {dimension_semantics = [#tpu.dimension_semantics<arbitrary>], iteration_bounds = array<i64: 10>, scalar_prefetch = 0 : i64, scratch_operands = 0 : i64, tpu.core_type = #tpu.core_type<tc>, window_params = [{transform_indices = @transform_0, window_bounds = array<i64: 1000, 128>}, {transform_indices = @transform_1, window_bounds = array<i64: 1000, 128>}, {transform_indices = @transform_2, window_bounds = array<i64: 1000, 1>}, {pipeline_mode = #tpu.pipeline_mode<synchronous>, transform_indices = @transform_3, window_bounds = array<i64: 1, 128>}, {transform_indices = @transform_4, window_bounds = array<i64: 1000, 128>}]} {
    %get3A = arith.constant 0 : index
    %get3A_0 = arith.constant 0 : index
    %get3A_1 = vector.load %arg3[%get3A, %get3A_0] : memref<1000x1xf32, #tpu.memory_space<vmem>>, vector<1000x1xf32>
    %add3A = arith.constant 1.000000e+00 : f32
    %add3A_2 = vector.broadcast %add3A : f32 to vector<1000x1xf32>
    %add3A_3 = arith.addf %get3A_1, %add3A_2 : vector<1000x1xf32>
    %rsqrt3A = math.rsqrt %add3A_3 : vector<1000x1xf32>
    %get3A_4 = arith.constant 0 : index
    %get3A_5 = arith.constant 0 : index
    %get3A_6 = vector.load %arg1[%get3A_4, %get3A_5] : memref<1000x128xf32, #tpu.memory_space<vmem>>, vector<1000x128xf32>
    %get3A_7 = arith.constant 0 : index
    %get3A_8 = arith.constant 0 : index
    %get3A_9 = vector.load %arg2[%get3A_7, %get3A_8] : memref<1000x128xf32, #tpu.memory_space<vmem>>, vector<1000x128xf32>
    %add3A_10 = arith.addf %get3A_6, %get3A_9 : vector<1000x128xf32>
    %mul3A = vector.broadcast %rsqrt3A : vector<1000x1xf32> to vector<1000x128xf32>
    %mul3A_11 = arith.mulf %add3A_10, %mul3A : vector<1000x128xf32>
    %get3A_12 = arith.constant 0 : index
    %get3A_13 = arith.constant 0 : index
    %get3A_14 = vector.load %arg4[%get3A_12, %get3A_13] : memref<1x128xf32, #tpu.memory_space<vmem>>, vector<1x128xf32>
    %add3A_15 = vector.broadcast %get3A_14 : vector<1x128xf32> to vector<1000x128xf32>
    %add3A_16 = arith.addf %mul3A_11, %add3A_15 : vector<1000x128xf32>
    %swap3A = arith.constant 0 : index
    %swap3A_17 = arith.constant 0 : index
    %swap3A_18 = vector.load %arg5[%swap3A, %swap3A_17] : memref<1000x128xf32, #tpu.memory_space<vmem>>, vector<1000x128xf32>
    tpu.vector_store %arg5[%swap3A, %swap3A_17], %add3A_16 {strides = array<i32>} : memref<1000x128xf32, #tpu.memory_space<vmem>>, vector<1000x128xf32>,
    return
  }
  func.func @transform_0(%arg0: i32) -> (i32, i32) {
    %c0_i32 = arith.constant 0 : i32
    %c0_i32_0 = arith.constant 0 : i32
    return %arg0, %c0_i32 : i32, i32
  }
  func.func @transform_1(%arg0: i32) -> (i32, i32) {
    %c0_i32 = arith.constant 0 : i32
    %c0_i32_0 = arith.constant 0 : i32
    return %arg0, %c0_i32 : i32, i32
  }
  func.func @transform_2(%arg0: i32) -> (i32, i32) {
    %c0_i32 = arith.constant 0 : i32
    %c0_i32_0 = arith.constant 0 : i32
    return %arg0, %c0_i32 : i32, i32
  }
  func.func @transform_3(%arg0: i32) -> (i32, i32) {
    %c0_i32 = arith.constant 0 : i32
    %c0_i32_0 = arith.constant 0 : i32
    %c0_i32_1 = arith.constant 0 : i32
    return %c0_i32, %c0_i32_0 : i32, i32
  }
  func.func @transform_4(%arg0: i32) -> (i32, i32) {
    %c0_i32 = arith.constant 0 : i32
    %c0_i32_0 = arith.constant 0 : i32
    return %arg0, %c0_i32 : i32, i32
  }
}

</mosaic_0001>

<sc_bundles>
// kernel: kernel.11.cloned.1.call-start
scs
__scs_entry_jumppad:
0x0: {  	(pc) =	sbr.rel $0x88, $3  }
0x1: {  	(tag) =	ssettag $0x0;
	lr =	simm.s32 $0x1  }
0x2: {  	[smem:$0x3F9B] =	sst lr;
	_ =	strace $0xD0000000  }
0x3: {  	_ = 	snop  }
0x4: {  	_ = 	snop  }
0x5: {  	_ = 	snop  }
0x6: {  	_ = 	snop  }
0x7: {  	_ = 	snop  }
__scs_overlays_trampoline_lowered:
0x8: {  	[smem:$0x3FAA] =	sst s0  }
0x9: {  	[smem:$0x3FAB] =	sst s1  }
0xa: {  	[smem:$0x3FAC] =	sst s2  }
0xb: {  	[smem:$0x3FAD] =	sst s3  }
0xc: {  	[smem:$0x3FAE] =	sst s4  }
0xd: {  	[smem:$0x3FAF] =	sst s5  }
0xe: {  	[smem:$0x3FB0] =	sst s6  }
0xf: {  	[smem:$0x3FB1] =	sst s7  }
0x10: {  	[smem:$0x3FB2] =	sst s8  }
0x11: {  	[smem:$0x3FB3] =	sst s9;
	s0 =	simm.s32 @!p0 $0x0  }
0x12: {  	s1 =	sld [smem:$0x3F99];
	s0 =	simm.s32 @p0 $0x1  }
0x13: {  	[smem:$0x3FB4] =	sst s0;
	s0 =	simm.s32 @!p1 $0x0  }
0x14: {  	s2 =	sld [smem:$0x3F98];
	s0 =	simm.s32 @p1 $0x1  }
0x15: {  	[smem:$0x3FB5] =	sst s0;
	s0 =	simm.s32 @!p2 $0x0  }
0x16: {  	s3 =	sld [smem:$0x3FDB];
	s0 =	simm.s32 @p2 $0x1  }
0x17: {  	s4 =	simm.s32 $0x1BF5;
	[smem:$0x3FB7] =	sst s0  }
0x18: {  	s0 =	sld [smem:$0x3F9A];
	_ =	swait.ge [sflag:s4], $0x0  }
0x19: {  	s7 =	sld [smem:$0x3F9B]  }
0x1a: {  	s8 =	sadd.s32 $0xFFFFE003, lr  }
0x1b: {  	s9 =	sadd.s32 $0xFFFFFEF7, lr;
	s5 =	simm.s32 $0xFFFFFFFF;
	p2 =	slt.u32 s8, $0xFFFFF086  }
0x1c: {  	p1 =	slt.u32 s9, $0xF7A;
	s5 =	simm.s32 @!p2 $0x0  }
0x1d: {  	s5 =	simm.s32 @p1 $0x1;
	p0 =	seq.s32 s7, s2  }
0x1e: {  	s7 =	smul.u32 @!p0 $0xF7A, s2;
	p2 =	seq.s32 @!p0 s5, $0x0  }
0x1f: {  	s9 =	smul.u32 $0xF7A, s1;
	s8 =	simm.s32 @!p0 $0x1BF5;
	p2 =	por !p2, p0  }
0x20: {  	[sflag:s8] =	ssyncset.s32 @!p0 $0xFFFFF086;
	s6 =	sadd.s32 @!p0 s3, s7;
	s7 =	simm.s32 @!p0 $0x108  }
0x21: {  	s3 =	sadd.s32 s3, s9;
	s6 =	sadd.s32 @!p0 $0x88, s6;
	s7 =	simm.s32 @p2 $0x1082  }
0x22: {  	[simem:s7], [sflag:s8] =	dma.local @!p0 [hbm:s6], $0xF7A  }
0x23: {  	s9 =	sor.u32 $0xD0000000, s2;
	s6 =	simm.s32 $0x108;
	_ =	swait.ge @!p0 [sflag:s8], $0x0  }
0x24: {  	s3 =	sadd.s32 $0x88, s3;
	s6 =	simm.s32 @!p1 $0x1082;
	[sflag:s4] =	ssyncset.s32 $0xFFFFF086  }
0x25: {  	[simem:s6], [sflag:s4] =	dma.local [hbm:s3], $0xF7A  }
0x26: {  	[smem:$0x3F9B] =	sst s1;
	(tag) =	ssettag s2;
	_ =	strace s9  }
0x27: {  	s1 =	sld [smem:$0x3FAB]  }
0x28: {  	s2 =	sld [smem:$0x3FAC]  }
0x29: {  	s4 =	sld [smem:$0x3FAE]  }
0x2a: {  	p0 =	seq.s32 s5, $0x0;
	s5 =	sld [smem:$0x3FAF]  }
0x2b: {  	s6 =	sld [smem:$0x3FB0]  }
0x2c: {  	s7 =	sld [smem:$0x3FB1]  }
0x2d: {  	s3 =	simm.s32 $0x108;
	s8 =	sld [smem:$0x3FB2]  }
0x2e: {  	s3 =	simm.s32 @!p0 $0x1082;
	s9 =	sld [smem:$0x3FB3]  }
0x2f: {  	lr =	sadd.s32 s0, s3;
	s0 =	sld [smem:$0x3FAA]  }
0x30: {  	s3 =	sld [smem:$0x3FAD]  }
0x31: {  	[smem:$0x3FB6] =	sst s10  }
0x32: {  	s10 =	sld [smem:$0x3FB4];
	_ =	sdelay $0x3  }
0x33: {  	p0 =	seq.s32 s10, $0x1;
	s10 =	sld [smem:$0x3FB6];
	_ =	sdelay $0x3  }
0x34: {  	[smem:$0x3FB6] =	sst s10  }
0x35: {  	s10 =	sld [smem:$0x3FB5];
	_ =	sdelay $0x3  }
0x36: {  	p1 =	seq.s32 s10, $0x1;
	s10 =	sld [smem:$0x3FB6];
	_ =	sdelay $0x3  }
0x37: {  	[smem:$0x3FB6] =	sst s10  }
0x38: {  	s10 =	sld [smem:$0x3FB7]  }
0x39: {  	_ = 	snop;
	(pc) =	sbr.ind lr, $3  }
0x3a: {  	_ = 	snop  }
0x3b: {  	_ = 	snop  }
0x3c: {  	p2 =	seq.s32 s10, $0x1;
	s10 =	sld [smem:$0x3FB6]  }
0x3d: {  	_ =	shalt  }
0x3e: {  	_ =	shalt  }
0x3f: {  	_ =	shalt  }
0x40: {  	_ =	shalt  }
0x41: {  	_ =	shalt  }
0x42: {  	_ =	shalt  }
0x43: {  	_ =	shalt  }
0x44: {  	_ =	shalt  }
0x45: {  	_ =	shalt  }
0x46: {  	_ =	shalt  }
0x47: {  	_ =	shalt  }
0x48: {  	_ =	shalt  }
0x49: {  	_ =	shalt  }
0x4a: {  	_ =	shalt  }
0x4b: {  	_ =	shalt  }
0x4c: {  	_ =	shalt  }
0x4d: {  	_ =	shalt  }
0x4e: {  	_ =	shalt  }
0x4f: {  	_ =	shalt  }
0x50: {  	_ =	shalt  }
0x51: {  	_ =	shalt  }
0x52: {  	_ =	shalt  }
0x53: {  	_ =	shalt  }
0x54: {  	_ =	shalt  }
0x55: {  	_ =	shalt  }
0x56: {  	_ =	shalt  }
0x57: {  	_ =	shalt  }
0x58: {  	_ =	shalt  }
0x59: {  	_ =	shalt  }
0x5a: {  	_ =	shalt  }
0x5b: {  	_ =	shalt  }
0x5c: {  	_ =	shalt  }
0x5d: {  	_ =	shalt  }
0x5e: {  	_ =	shalt  }
0x5f: {  	_ =	shalt  }
0x60: {  	_ =	shalt  }
0x61: {  	_ =	shalt  }
0x62: {  	_ =	shalt  }
0x63: {  	_ =	shalt  }
0x64: {  	_ =	shalt  }
0x65: {  	_ =	shalt  }
0x66: {  	_ =	shalt  }
0x67: {  	_ =	shalt  }
0x68: {  	_ =	shalt  }
0x69: {  	_ =	shalt  }
0x6a: {  	_ =	shalt  }
0x6b: {  	_ =	shalt  }
0x6c: {  	_ =	shalt  }
0x6d: {  	_ =	shalt  }
0x6e: {  	_ =	shalt  }
0x6f: {  	_ =	shalt  }
0x70: {  	_ =	shalt  }
0x71: {  	_ =	shalt  }
0x72: {  	_ =	shalt  }
0x73: {  	_ =	shalt  }
0x74: {  	_ =	shalt  }
0x75: {  	_ =	shalt  }
0x76: {  	_ =	shalt  }
0x77: {  	_ =	shalt  }
0x78: {  	_ =	shalt  }
0x79: {  	_ =	shalt  }
0x7a: {  	_ =	shalt  }
0x7b: {  	_ =	shalt  }
0x7c: {  	_ =	shalt  }
0x7d: {  	_ =	shalt  }
0x7e: {  	_ =	shalt  }
0x7f: {  	_ =	shalt  }
0x80: {  	_ =	shalt  }
0x81: {  	_ =	shalt  }
0x82: {  	_ =	shalt  }
0x83: {  	_ =	shalt  }
0x84: {  	_ =	shalt  }
0x85: {  	_ =	shalt  }
0x86: {  	_ =	shalt  }
0x87: {  	_ =	shalt  }
.Lfunc_end0:
.L_simem_size_0:
called_computation.1_lowered:
.L_overlay_start_0:
0x88: {  	s2 =	sld [smem:$0x3FD9]  }
0x89: {  	s3 =	sld [smem:$0x3FFE];
	_ =	sdelay $0x1  }
0x8a: {  	s1 =	srdreg.scid  }
0x8b: {  	s0 =	sand.u32 $0x1, s1  }
0x8c: {  	s17 =	sshll.u32 s0, $0xA;
	s2 =	sadd.s32 s3, s2  }
0x8d: {  	s2 =	sadd.s32 s2, s17  }
0x8e: {  	[smem:$0x3FC2] =	sst s2  }
0x8f: {  	_ = 	snop  }
0x90: {  	s2 =	sld [smem:$0x3FD0];
	(tm) =	ssettm $0x1  }
0x91: {  	s18 =	sld [smem:$0x3FFB];
	_ =	sdelay $0x3  }
0x92: {  	_ =	strace s18  }
0x93: {  	s3 =	sld [smem:$0x3FFC];
	_ =	sdelay $0x3  }
0x94: {  	_ =	strace s3  }
0x95: {  	s3 =	sld [smem:$0x3FFD];
	_ =	sdelay $0x3  }
0x96: {  	_ =	strace s3  }
0x97: {  	_ =	strace $0x8FFFFFFF  }
0x98: {  	s19 =	sld [smem:$0x3FDB];
	_ =	sdelay $0x1  }
0x99: {  	s4 =	simm.s32 $_scs_section_size  }
0x9a: {  	s5 =	simm.s32 $_size__tile_overlayer_lowered;
	s6 =	simm.s32 $_tile_overlayer_lowered  }
0x9b: {  	s22 =	simm.s32 $0x1BFF;
	s21 =	sshll.u32 s6, $0x1;
	s3 =	sadd.s32 s4, s19  }
0x9c: {  	s7 =	simm.s32 $0x0;
	s20 =	sshll.u32 s5, $0x1;
	s5 =	sadd.s32 s21, s3  }
0x9d: {  	[timem:s7], [sflag:s22] =	dma.local [hbm:s5], s20  }
0x9e: {  	_ =	swait.ge [sflag:s22], s20  }
0x9f: {  	s4 =	ssub.s32 $0x0, s20;
	[sflag:s22] =	ssyncset.done $0x0  }
0xa0: {  	[sflag:s22] =	ssyncadd.s32 s4;
	_ =	sdelay $0x1  }
0xa1: {  	s23 =	simm.s32 $0x1B8B  }
0xa2: {  	_ =	swait.ge [sflag:s23], $0x1  }
0xa3: {  	[sflag:s23] =	ssyncset.done $0x0  }
0xa4: {  	s25 =	simm.s32 $0x1B8E;
	s24 =	sld [smem:$0x3FFE];
	[sflag:s23] =	ssyncadd.s32 $0xFFFFFFFF  }
0xa5: {  	s26 =	simm.s32 $execute0_lowered;
	[smem:$0x3FD2] =	sst s25  }
0xa6: {  	s5 =	sshll.u32 s26, $0x1;
	_ =	strace $0x80000049;
	[dreg:$0x1] =	wrdreg $0xFFFFFFFF  }
0xa7: {  	s28 =	simm.s32 $_size_execute0_lowered;
	s3 =	sadd.s32 s3, s5;
	[dreg:$0x0] =	wrdreg $0x0  }
0xa8: {  	s5 =	sshll.u32 s28, $0x1;
	[dreg:$0x2] =	wrdreg s3  }
0xa9: {  	[dreg:$0x3] =	wrdreg s5  }
0xaa: {  	[dreg:$0x4] =	wrdreg $0xC0  }
0xab: {  	_ =	task [dreg:s7], $0x5FFFF  }
0xac: {  	[dreg:$0x1] =	wrdreg $0xFFFFFFFF  }
0xad: {  	[dreg:$0x0] =	wrdreg $0x60  }
0xae: {  	[dreg:$0x2] =	wrdreg s2  }
0xaf: {  	[dreg:$0x3] =	wrdreg s24  }
0xb0: {  	[dreg:$0x4] =	wrdreg $0x140000  }
0xb1: {  	[dreg:$0x5] =	wrdreg $0x9  }
0xb2: {  	_ =	task.clear_ibuf [dreg:s7], $0x6FFFF;
	_ =	strace $0x90000049  }
0xb3: {  	s29 =	simm.s32 $0x9;
	_ =	strace $0x8000004B  }
0xb4: {  	_ =	swait.ge [sflag:s29], $0x1  }
0xb5: {  	[sflag:s29] =	ssyncadd.s32 $0xFFFFFFFF  }
0xb6: {  	_ =	strace $0x9000004B  }
0xb7: {  	_ =	sfence  }
0xb8: {  	s30 =	sld [smem:$0x0];
	_ =	sdelay $0x2  }
0xb9: {  	s31 =	sshll.u32 s1, $0xD;
	s1 =	sshrl.u32 s1, $0x2  }
0xba: {  	s3 =	sand.u32 $0x4000, s31;
	s1 =	sadd.s32 s1, s30  }
0xbb: {  	s0 =	sor.u32 s3, s0;
	s1 =	sshll.u32 s1, $0x11  }
0xbc: {  	s0 =	sor.u32 s1, s0  }
0xbd: {  	s0 =	sadd.s32 $0x8F2B, s0  }
0xbe: {  	[sflag:s0] =	ssyncadd.remote.s32 $0x1  }
0xbf: {  	_ =	sfence.sel $0xFFFF  }
0xc0: {  	[dreg:$0x0] =	wrdreg $0xFFFFFFFF;
	(pc) =	sbr.abs _section_cstart, $3  }
0xc1: {  	[dreg:$0x1] =	wrdreg $0xFFFFFFFF  }
0xc2: {  	_ =	task.clear_ibuf [dreg:s7], $0x2FFFF;
	_ =	strace $0x9FFFFFFF  }
0xc3: {  	(tm) =	ssettm $0x7FFFFFFF  }
tec
execute0_lowered:
.L_overlay_start_1:
0x0: {  	(tag) =	ssettag $0x1  }
0x1: {  	s1 =	rddreg [dreg:$0x0]  }
0x2: {  	s0 =	rddreg [dreg:$0x1]  }
0x3: {  	s3 =	rddreg [dreg:$0x2]  }
0x4: {  	s4 =	simm.s32 $0x0;
	s2 =	stileid.u32;
	s8 =	srdreg.scid  }
0x5: {  	s19 =	simm.s32 $0x3;
	s20 =	simm.s32 $0x12000;
	s21 =	simm.s32 $0x5000  }
0x6: {  	s22 =	simm.s32 $0x80;
	s28 =	simm.s32 $0x4F80;
	s29 =	simm.s32 $0x9F00  }
0x7: {  	s30 =	simm.s32 $0x9F80;
	[smem:$0x7FF] =	sst s4;
	s7 =	smul.u32 $0xA00, s2  }
0x8: {  	s5 =	smul.u32 $0x1400, s2;
	s6 =	sadd.s32 $0x3F600, s0;
	s11 =	sand.u32 $0x1, s8  }
0x9: {  	s23 =	smul.u32 $0x28000, s2;
	s9 =	sadd.s32 $0x7A800, s0;
	_ =	strace $0x8000004A  }
0xa: {  	[dreg:$0x4] =	wrdreg s9;
	s24 =	ssub.s32 $0x2, s11;
	p0 =	seq.s32 s11, $0x1  }
0xb: {  	s7 =	sadd.s32 s7, s0;
	s17 =	sadd.s32 s5, s0;
	s10 =	sshrl.u32 s24, $0x1  }
0xc: {  	s12 =	sshrl.u32 s23, $0x2;
	s0 =	sadd.s32 $0xA2800, s0;
	s23 =	simm.s32 $0xA000  }
0xd: {  	[dreg:$0x5] =	wrdreg s0;
	s25 =	ssub.s32 s24, s10;
	s9 =	sadd.s32 s12, s3  }
.Ltmp0:
0xe: {  	s10 =	sadd.s32 $0xE400, s7;
	s15 =	sadd.s32 $0x4400, s7;
	(pc) =	sbr.rel .LBB2_1-.Ltmp0, $4  }
0xf: {  	s26 =	sadd.s32 $0x66800, s17;
	s31 =	sadd.s32 $0x8E800, s17;
	s24 =	simm.s32 $0xE000  }
0x10: {  	s11 =	sadd.s32 $0x2000, s9;
	s12 =	sadd.s32 $0x4000, s9;
	[dreg:$0x6] =	wrdreg s26  }
0x11: {  	s13 =	sadd.s32 $0x6000, s9;
	s14 =	sadd.s32 $0x8000, s9;
	[dreg:$0x7] =	wrdreg s31  }
0x12: {  	v0 =	vimm.f32 $0.0e+00;
	s18 =	smax.u32 s25, $0x1;
	s25 =	simm.s32 $0x1;
	s26 =	simm.s32 $0x2  }
.LBB2_12:
0x13: {  	s7 =	sadd.s32 $0x80, s0;
	[sflag:s19] =	ssyncadd.s32 $0xFFFFC000  }
0x14: {  	[tilespmem:s24], [sflag:$0x2] =	stream.indirect.gather [hbm4b:s1+s22], $0x80, s7, s22, $0xb8;
	[tilespmem:$0x1E000] =	vst v63  }
0x15: {  	_ =	swait.ge [sflag:s25], $0x4000  }
0x16: {  	[sflag:s25] =	ssyncset.done $0x0  }
0x17: {  	s8 =	sadd.s32 $0x5000, s0;
	[sflag:s25] =	ssyncadd.s32 $0xFFFFC000  }
0x18: {  	[spmem:s3] =	stream.indirect.scatter.add.f32 [tilespmem:s23], [sflag:$0x3], $0x80, s8, s22, $0xb8;
	[tilespmem:$0x1E000] =	vst v63  }
0x19: {  	_ =	swait.ge [sflag:s19], $0x4000  }
0x1a: {  	[sflag:s19] =	ssyncset.done $0x0  }
0x1b: {  	s16 =	sadd.s32 $0x100, s0;
	[sflag:s19] =	ssyncadd.s32 $0xFFFFC000  }
0x1c: {  	[tilespmem:s23], [sflag:$0x1] =	stream.indirect.gather [hbm4b:s1+s22], $0x80, s16, s22, $0xb8;
	[tilespmem:$0x1E000] =	vst v63  }
0x1d: {  	_ =	swait.ge [sflag:s26], $0x4000  }
0x1e: {  	[sflag:s26] =	ssyncset.done $0x0  }
0x1f: {  	s17 =	sadd.s32 $0x5080, s0;
	[sflag:s26] =	ssyncadd.s32 $0xFFFFC000  }
0x20: {  	[spmem:s3] =	stream.indirect.scatter.add.f32 [tilespmem:s24], [sflag:$0x3], $0x80, s17, s22, $0xb8;
	[tilespmem:$0x1E000] =	vst v63  }
0x21: {  	_ =	swait.ge [sflag:s19], $0x4000  }
0x22: {  	[sflag:s19] =	ssyncset.done $0x0  }
0x23: {  	s0 =	rddreg [dreg:$0x4];
	[sflag:s19] =	ssyncadd.s32 $0xFFFFC000  }
0x24: {  	[tilespmem:s24], [sflag:$0x2] =	stream.indirect.gather [hbm4b:s1+s22], $0x80, s28, s22, $0xb8;
	[tilespmem:$0x1E000] =	vst v63  }
.LBB2_22:
0x25: {  	_ =	swait.ge [sflag:s25], $0x4000  }
0x26: {  	[sflag:s25] =	ssyncset.done $0x0  }
0x27: {  	[sflag:s25] =	ssyncadd.s32 $0xFFFFC000  }
0x28: {  	[spmem:s3] =	stream.indirect.scatter.add.f32 [tilespmem:s23], [sflag:$0x3], $0x80, s29, s22, $0xb8;
	[tilespmem:$0x1E000] =	vst v63  }
0x29: {  	_ =	swait.ge [sflag:s19], $0x4000  }
0x2a: {  	[sflag:s19] =	ssyncset.done $0x0  }
0x2b: {  	[sflag:s19] =	ssyncadd.s32 $0xFFFFC000  }
0x2c: {  	_ =	swait.ge [sflag:s26], $0x4000  }
0x2d: {  	[sflag:s26] =	ssyncset.done $0x0  }
0x2e: {  	[sflag:s26] =	ssyncadd.s32 $0xFFFFC000  }
0x2f: {  	[spmem:s3] =	stream.indirect.scatter.add.f32 [tilespmem:s24], [sflag:$0x3], $0x80, s30, s22, $0xb8;
	[tilespmem:$0x1E000] =	vst v63  }
0x30: {  	_ =	swait.ge [sflag:s19], $0x4000  }
0x31: {  	s4 =	sadd.s32 $0x1, s4;
	[sflag:s19] =	ssyncset.done $0x0  }
0x32: {  	s0 =	sadd.s32 s0, s5;
	p1 =	sne.s32 s4, s18;
	[sflag:s19] =	ssyncadd.s32 $0xFFFFC000  }
.Ltmp1:
0x33: {  	s7 =	sshrl.u32 s9, $0x3;
	[bflag:$0x0] =	sbarrier.arrive $0xFFFF;
	(pc) =	sbr.rel @!p1 .LBB2_23-.Ltmp1, $4  }
0x34: {  	[hbm:s0], [sflag:s31] =	dma.local [spmem:s7], $0x1400  }
0x35: {  	_ =	swait.ge [sflag:s19], $0x1400  }
0x36: {  	[sflag:s19] =	ssyncset.done $0x0  }
0x37: {  	[sflag:s19] =	ssyncadd.s32 $0xFFFFEC00  }
.LBB2_1:
0x38: {  	s0 =	simm.s32 $0x0;
	s7 =	simm.s32 $0x200  }
.LBB2_2:
0x39: {  	p1 =	sne.s32 s7, $0x7E00;
	[tilespmem:s0+$0x12070] =	vst v0  }
0x3a: {  	[tilespmem:s0+$0x12000] =	vst v0  }
0x3b: {  	[tilespmem:s0+$0x12010] =	vst v0  }
.Ltmp2:
0x3c: {  	[tilespmem:s0+$0x12020] =	vst v0;
	(pc) =	sbr.rel @p1 .LBB2_2-.Ltmp2, $4  }
0x3d: {  	[tilespmem:s0+$0x12030] =	vst v0  }
0x3e: {  	[tilespmem:s0+$0x12040] =	vst v0  }
0x3f: {  	[tilespmem:s0+$0x12050] =	vst v0  }
0x40: {  	[tilespmem:s0+$0x12060] =	vst v0;
	s0 =	sshra.s32 s7, $0x2;
	s7 =	sadd.s32 $0x200, s7  }
0x41: {  	[tilespmem:s0+$0x12070] =	vst v0  }
0x42: {  	[tilespmem:s0+$0x12000] =	vst v0  }
0x43: {  	[tilespmem:s0+$0x12010] =	vst v0  }
0x44: {  	[tilespmem:s0+$0x12020] =	vst v0  }
0x45: {  	[tilespmem:s0+$0x12030] =	vst v0  }
0x46: {  	[tilespmem:s0+$0x12040] =	vst v0  }
0x47: {  	[tilespmem:s0+$0x12050] =	vst v0  }
0x48: {  	[tilespmem:s0+$0x12060] =	vst v0;
	s31 =	simm.s32 $0x0  }
0x49: {  	[tilespmem:s31], [sflag:$0x3] =	stream.linear.gather [hbm4b:s10+s31], $0x5000, $0x38;
	[tilespmem:$0x1E000] =	vst v63  }
0x4a: {  	_ =	swait.ge [sflag:s19], $0x5000  }
0x4b: {  	[sflag:s19] =	ssyncset.done $0x0  }
0x4c: {  	[sflag:s19] =	ssyncadd.s32 $0xFFFFB000  }
0x4d: {  	[spmem:s9] =	stream.linear.scatter [tilespmem:s20], [sflag:$0x3], $0x2000, $0x38;
	[tilespmem:$0x1E000] =	vst v63  }
0x4e: {  	_ =	swait.ge [sflag:s19], $0x2000  }
0x4f: {  	[sflag:s19] =	ssyncset.done $0x0  }
0x50: {  	[sflag:s19] =	ssyncadd.s32 $0xFFFFE000  }
0x51: {  	[spmem:s11] =	stream.linear.scatter [tilespmem:s20], [sflag:$0x3], $0x2000, $0x38;
	[tilespmem:$0x1E000] =	vst v63  }
0x52: {  	_ =	swait.ge [sflag:s19], $0x2000  }
0x53: {  	[sflag:s19] =	ssyncset.done $0x0  }
0x54: {  	[sflag:s19] =	ssyncadd.s32 $0xFFFFE000  }
0x55: {  	[spmem:s12] =	stream.linear.scatter [tilespmem:s20], [sflag:$0x3], $0x2000, $0x38;
	[tilespmem:$0x1E000] =	vst v63  }
0x56: {  	_ =	swait.ge [sflag:s19], $0x2000  }
0x57: {  	[sflag:s19] =	ssyncset.done $0x0  }
0x58: {  	[sflag:s19] =	ssyncadd.s32 $0xFFFFE000  }
0x59: {  	[spmem:s13] =	stream.linear.scatter [tilespmem:s20], [sflag:$0x3], $0x2000, $0x38;
	[tilespmem:$0x1E000] =	vst v63  }
0x5a: {  	_ =	swait.ge [sflag:s19], $0x2000  }
0x5b: {  	[sflag:s19] =	ssyncset.done $0x0  }
0x5c: {  	[sflag:s19] =	ssyncadd.s32 $0xFFFFE000  }
0x5d: {  	[spmem:s14] =	stream.linear.scatter [tilespmem:s20], [sflag:$0x3], $0x2000, $0x38;
	[tilespmem:$0x1E000] =	vst v63  }
0x5e: {  	_ =	swait.ge [sflag:s19], $0x2000  }
0x5f: {  	[sflag:s19] =	ssyncset.done $0x0  }
.Ltmp3:
0x60: {  	[sflag:s19] =	ssyncadd.s32 $0xFFFFE000;
	(pc) =	sbr.rel @!p0 .LBB2_4-.Ltmp3, $4  }
0x61: {  	[tilespmem:s21], [sflag:$0x3] =	stream.linear.gather [hbm4b:s15+s31], $0x5000, $0x38;
	[tilespmem:$0x1E000] =	vst v63  }
0x62: {  	_ =	swait.ge [sflag:s19], $0x5000  }
0x63: {  	[sflag:s19] =	ssyncset.done $0x0  }
0x64: {  	s0 =	simm.s32 $0x0;
	[sflag:s19] =	ssyncadd.s32 $0xFFFFB000  }
0x65: {  	v5 =	vld [tilespmem:s0+$0x5000]  }
0x66: {  	v2 =	vld [tilespmem:s0+$0x5010]  }
0x67: {  	v3 =	vld [tilespmem:s0+$0x5020]  }
0x68: {  	v6 =	vld [tilespmem:s0+$0x5030];
	_ =	sdelay $0x2  }
0x69: {  	v1 =	vld [tilespmem:s0+$0x5040];
	v4 =	vand.u32 $0x3F, v5  }
0x6a: {  	vm0 =	vlt.u32 v5, $0x1388;
	v8 =	vand.u32 $0x3F, v2;
	v7 =	vadd.s32 $0x1388, v4;
	v4 =	vld [tilespmem:s0+$0x5050]  }
0x6b: {  	vm1 =	vlt.u32 v3, $0x1388;
	v10 =	vand.u32 $0x3F, v3;
	v9 =	vand.u32 $0x3F, v6  }
0x6c: {  	s7 =	simm.s32 $0x200;
	v8 =	vadd.s32 $0x1388, v8;
	v7 =	vsel vm0, v5, v7;
	vm0 =	vlt.u32 v2, $0x1388;
	v5 =	vld [tilespmem:s0+$0x5060]  }
.LBB2_14:
0x6d: {  	p1 =	sne.s32 s7, $0x13E00;
	v10 =	vadd.s32 $0x1388, v10;
	vm2 =	vlt.u32 v6, $0x1388;
	v9 =	vadd.s32 $0x1388, v9;
	v11 =	vld [tilespmem:s0+$0x5070]  }
0x6e: {  	s8 =	sshra.s32 s7, $0x2;
	v2 =	vsel vm0, v2, v8;
	[tilespmem:s0+$0x5000] =	vst v7;
	v3 =	vsel vm1, v3, v10;
	v6 =	vsel vm2, v6, v9  }
0x6f: {  	vm0 =	vlt.u32 v1, $0x1388;
	v8 =	vand.u32 $0x3F, v1;
	v7 =	vld [tilespmem:s8+$0x5000];
	[tilespmem:s0+$0x5010] =	vst v2;
	v9 =	vand.u32 $0x3F, v4  }
0x70: {  	v8 =	vadd.s32 $0x1388, v8;
	vm1 =	vlt.u32 v4, $0x1388;
	v2 =	vld [tilespmem:s8+$0x5010];
	[tilespmem:s0+$0x5020] =	vst v3;
	v9 =	vadd.s32 $0x1388, v9  }
0x71: {  	v1 =	vsel vm0, v1, v8;
	v3 =	vld [tilespmem:s8+$0x5020];
	[tilespmem:s0+$0x5030] =	vst v6;
	v4 =	vsel vm1, v4, v9;
	v8 =	vand.u32 $0x3F, v5  }
0x72: {  	vm0 =	vlt.u32 v5, $0x1388;
	v6 =	vld [tilespmem:s8+$0x5030];
	[tilespmem:s0+$0x5040] =	vst v1;
	v1 =	vadd.s32 $0x1388, v8;
	v8 =	vand.u32 $0x3F, v11  }
.Ltmp4:
0x73: {  	[tilespmem:s0+$0x5050] =	vst v4;
	v4 =	vsel vm0, v5, v1;
	vm0 =	vlt.u32 v11, $0x1388;
	v5 =	vadd.s32 $0x1388, v8;
	(pc) =	sbr.rel @p1 .LBB2_14-.Ltmp4, $4  }
0x74: {  	v8 =	vand.u32 $0x3F, v7;
	v1 =	vld [tilespmem:s8+$0x5040];
	[tilespmem:s0+$0x5060] =	vst v4;
	v5 =	vsel vm0, v11, v5  }
0x75: {  	vm0 =	vlt.u32 v7, $0x1388;
	v8 =	vadd.s32 $0x1388, v8;
	v9 =	vand.u32 $0x3F, v2;
	v4 =	vld [tilespmem:s8+$0x5050];
	[tilespmem:s0+$0x5070] =	vst v5;
	s0 =	smov.u32 s8  }
0x76: {  	v7 =	vsel vm0, v7, v8;
	vm0 =	vlt.u32 v2, $0x1388;
	v8 =	vadd.s32 $0x1388, v9  }
0x77: {  	s7 =	sadd.s32 $0x200, s7;
	vm1 =	vlt.u32 v3, $0x1388;
	v10 =	vand.u32 $0x3F, v3;
	v9 =	vand.u32 $0x3F, v6;
	v5 =	vld [tilespmem:s0+$0x5060]  }
0x78: {  	v10 =	vadd.s32 $0x1388, v10;
	vm2 =	vlt.u32 v6, $0x1388;
	v9 =	vadd.s32 $0x1388, v9;
	v11 =	vld [tilespmem:s0+$0x5070]  }
0x79: {  	[tilespmem:s0+$0x5000] =	vst v7;
	v2 =	vsel vm0, v2, v8;
	v3 =	vsel vm1, v3, v10;
	v6 =	vsel vm2, v6, v9  }
0x7a: {  	[tilespmem:s0+$0x5010] =	vst v2;
	vm12 =	vlt.u32 v1, $0x1388;
	v2 =	vand.u32 $0x3F, v1;
	v63 =	vand.u32 $0x3F, v4  }
0x7b: {  	[tilespmem:s0+$0x5020] =	vst v3;
	v2 =	vadd.s32 $0x1388, v2;
	vm13 =	vlt.u32 v4, $0x1388;
	v3 =	vadd.s32 $0x1388, v63  }
0x7c: {  	[tilespmem:s0+$0x5030] =	vst v6;
	v1 =	vsel vm12, v1, v2;
	v2 =	vsel vm13, v4, v3;
	v3 =	vand.u32 $0x3F, v5  }
0x7d: {  	[tilespmem:s0+$0x5040] =	vst v1;
	vm14 =	vlt.u32 v5, $0x1388;
	v1 =	vadd.s32 $0x1388, v3;
	v3 =	vand.u32 $0x3F, v11  }
0x7e: {  	[tilespmem:s0+$0x5050] =	vst v2;
	vm15 =	vlt.u32 v11, $0x1388;
	v1 =	vsel vm14, v5, v1;
	v2 =	vadd.s32 $0x1388, v3  }
0x7f: {  	[tilespmem:s0+$0x5060] =	vst v1;
	v1 =	vsel vm15, v11, v2  }
0x80: {  	[tilespmem:s0+$0x5070] =	vst v1  }
0x81: {  	s7 =	simm.s32 $0x0;
	[bflag:$0x0] =	sbarrier.arrive $0xFFFF  }
0x82: {  	[tilespmem:s23], [sflag:$0x1] =	stream.indirect.gather [hbm4b:s6+s22], $0x80, s7, s22, $0xb8;
	[tilespmem:$0x1E000] =	vst v63  }
0x83: {  	s8 =	simm.s32 $0x80  }
0x84: {  	[tilespmem:s24], [sflag:$0x2] =	stream.indirect.gather [hbm4b:s6+s22], $0x80, s8, s22, $0xb8;
	[tilespmem:$0x1E000] =	vst v63  }
0x85: {  	_ =	swait.ge [sflag:s25], $0x4000  }
0x86: {  	[sflag:s25] =	ssyncset.done $0x0  }
0x87: {  	s16 =	simm.s32 $0x5000;
	[sflag:s25] =	ssyncadd.s32 $0xFFFFC000  }
0x88: {  	[spmem:s3] =	stream.indirect.scatter.add.f32 [tilespmem:s23], [sflag:$0x3], $0x80, s16, s22, $0xb8;
	[tilespmem:$0x1E000] =	vst v63  }
0x89: {  	_ =	swait.ge [sflag:s19], $0x4000  }
0x8a: {  	[sflag:s19] =	ssyncset.done $0x0  }
0x8b: {  	s17 =	simm.s32 $0x100;
	[sflag:s19] =	ssyncadd.s32 $0xFFFFC000  }
0x8c: {  	[tilespmem:s23], [sflag:$0x1] =	stream.indirect.gather [hbm4b:s6+s22], $0x80, s17, s22, $0xb8;
	[tilespmem:$0x1E000] =	vst v63  }
0x8d: {  	_ =	swait.ge [sflag:s26], $0x4000  }
0x8e: {  	[sflag:s26] =	ssyncset.done $0x0  }
0x8f: {  	s31 =	simm.s32 $0x5080;
	[sflag:s26] =	ssyncadd.s32 $0xFFFFC000  }
0x90: {  	[spmem:s3] =	stream.indirect.scatter.add.f32 [tilespmem:s24], [sflag:$0x3], $0x80, s31, s22, $0xb8;
	[tilespmem:$0x1E000] =	vst v63  }
0x91: {  	_ =	swait.ge [sflag:s19], $0x4000  }
0x92: {  	s0 =	simm.s32 $0x100;
	s7 =	simm.s32 $0x800;
	[sflag:s19] =	ssyncset.done $0x0  }
.LBB2_16:
0x93: {  	s8 =	sadd.s32 $0x80, s0  }
0x94: {  	[sflag:s19] =	ssyncadd.s32 $0xFFFFC000;
	s16 =	smov.u32 s7;
	s17 =	sadd.s32 $0x400, s7  }
0x95: {  	[tilespmem:s24], [sflag:$0x2] =	stream.indirect.gather [hbm4b:s6+s22], $0x80, s8, s22, $0xb8;
	[tilespmem:$0x1E000] =	vst v63  }
0x96: {  	p1 =	sne.s32 s7, $0x13800;
	_ =	swait.ge [sflag:s25], $0x4000  }
0x97: {  	[sflag:s25] =	ssyncset.done $0x0  }
0x98: {  	s7 =	sadd.s32 $0x5000, s0;
	[sflag:s25] =	ssyncadd.s32 $0xFFFFC000  }
0x99: {  	[spmem:s3] =	stream.indirect.scatter.add.f32 [tilespmem:s23], [sflag:$0x3], $0x80, s7, s22, $0xb8;
	[tilespmem:$0x1E000] =	vst v63  }
0x9a: {  	_ =	swait.ge [sflag:s19], $0x4000  }
0x9b: {  	[sflag:s19] =	ssyncset.done $0x0  }
0x9c: {  	s7 =	sadd.s32 $0x100, s0;
	[sflag:s19] =	ssyncadd.s32 $0xFFFFC000  }
0x9d: {  	[tilespmem:s23], [sflag:$0x1] =	stream.indirect.gather [hbm4b:s6+s22], $0x80, s7, s22, $0xb8;
	[tilespmem:$0x1E000] =	vst v63  }
0x9e: {  	_ =	swait.ge [sflag:s26], $0x4000  }
.Ltmp5:
0x9f: {  	[sflag:s26] =	ssyncset.done $0x0;
	(pc) =	sbr.rel @p1 .LBB2_16-.Ltmp5, $4  }
0xa0: {  	s0 =	sadd.s32 $0x5080, s0;
	[sflag:s26] =	ssyncadd.s32 $0xFFFFC000  }
0xa1: {  	[spmem:s3] =	stream.indirect.scatter.add.f32 [tilespmem:s24], [sflag:$0x3], $0x80, s0, s22, $0xb8;
	[tilespmem:$0x1E000] =	vst v63  }
0xa2: {  	_ =	swait.ge [sflag:s19], $0x4000  }
0xa3: {  	s7 =	smov.u32 s17;
	s0 =	sshra.s32 s16, $0x2;
	[sflag:s19] =	ssyncset.done $0x0  }
0xa4: {  	s7 =	sadd.s32 $0x80, s0;
	[sflag:s19] =	ssyncadd.s32 $0xFFFFC000  }
0xa5: {  	[tilespmem:s24], [sflag:$0x2] =	stream.indirect.gather [hbm4b:s6+s22], $0x80, s7, s22, $0xb8;
	[tilespmem:$0x1E000] =	vst v63  }
0xa6: {  	_ =	swait.ge [sflag:s25], $0x4000  }
0xa7: {  	[sflag:s25] =	ssyncset.done $0x0  }
0xa8: {  	s8 =	sadd.s32 $0x5000, s0;
	[sflag:s25] =	ssyncadd.s32 $0xFFFFC000  }
0xa9: {  	[spmem:s3] =	stream.indirect.scatter.add.f32 [tilespmem:s23], [sflag:$0x3], $0x80, s8, s22, $0xb8;
	[tilespmem:$0x1E000] =	vst v63  }
0xaa: {  	_ =	swait.ge [sflag:s19], $0x4000  }
0xab: {  	[sflag:s19] =	ssyncset.done $0x0  }
0xac: {  	s16 =	sadd.s32 $0x100, s0;
	[sflag:s19] =	ssyncadd.s32 $0xFFFFC000  }
0xad: {  	[tilespmem:s23], [sflag:$0x1] =	stream.indirect.gather [hbm4b:s6+s22], $0x80, s16, s22, $0xb8;
	[tilespmem:$0x1E000] =	vst v63  }
0xae: {  	_ =	swait.ge [sflag:s26], $0x4000  }
0xaf: {  	[sflag:s26] =	ssyncset.done $0x0  }
0xb0: {  	s17 =	sadd.s32 $0x5080, s0;
	[sflag:s26] =	ssyncadd.s32 $0xFFFFC000  }
0xb1: {  	[spmem:s3] =	stream.indirect.scatter.add.f32 [tilespmem:s24], [sflag:$0x3], $0x80, s17, s22, $0xb8;
	[tilespmem:$0x1E000] =	vst v63  }
0xb2: {  	_ =	swait.ge [sflag:s19], $0x4000  }
0xb3: {  	[sflag:s19] =	ssyncset.done $0x0  }
0xb4: {  	[sflag:s19] =	ssyncadd.s32 $0xFFFFC000  }
0xb5: {  	[tilespmem:s24], [sflag:$0x2] =	stream.indirect.gather [hbm4b:s6+s22], $0x80, s28, s22, $0xb8;
	[tilespmem:$0x1E000] =	vst v63  }
0xb6: {  	_ =	swait.ge [sflag:s25], $0x4000  }
0xb7: {  	[sflag:s25] =	ssyncset.done $0x0  }
0xb8: {  	[sflag:s25] =	ssyncadd.s32 $0xFFFFC000  }
0xb9: {  	[spmem:s3] =	stream.indirect.scatter.add.f32 [tilespmem:s23], [sflag:$0x3], $0x80, s29, s22, $0xb8;
	[tilespmem:$0x1E000] =	vst v63  }
0xba: {  	_ =	swait.ge [sflag:s19], $0x4000  }
0xbb: {  	[sflag:s19] =	ssyncset.done $0x0  }
0xbc: {  	[sflag:s19] =	ssyncadd.s32 $0xFFFFC000  }
0xbd: {  	_ =	swait.ge [sflag:s26], $0x4000  }
0xbe: {  	[sflag:s26] =	ssyncset.done $0x0  }
0xbf: {  	[sflag:s26] =	ssyncadd.s32 $0xFFFFC000  }
0xc0: {  	[spmem:s3] =	stream.indirect.scatter.add.f32 [tilespmem:s24], [sflag:$0x3], $0x80, s30, s22, $0xb8;
	[tilespmem:$0x1E000] =	vst v63  }
0xc1: {  	_ =	swait.ge [sflag:s19], $0x4000  }
0xc2: {  	[sflag:s19] =	ssyncset.done $0x0  }
0xc3: {  	[sflag:s19] =	ssyncadd.s32 $0xFFFFC000  }
0xc4: {  	s7 =	sshll.u32 s2, $0x6;
	[bflag:$0x0] =	sbarrier.arrive $0xFFFF  }
0xc5: {  	s31 =	sor.u32 $0x1C03, s7;
	s8 =	sshrl.u32 s9, $0x3;
	s16 =	rddreg [dreg:$0x7]  }
0xc6: {  	[hbm:s16], [sflag:s31] =	dma.local [spmem:s8], $0x1400  }
0xc7: {  	_ =	swait.ge [sflag:s19], $0x1400  }
0xc8: {  	[sflag:s19] =	ssyncset.done $0x0  }
0xc9: {  	[sflag:s19] =	ssyncadd.s32 $0xFFFFEC00  }
0xca: {  	[spmem:s9] =	stream.linear.scatter [tilespmem:s20], [sflag:$0x3], $0x2000, $0x38;
	[tilespmem:$0x1E000] =	vst v63  }
0xcb: {  	_ =	swait.ge [sflag:s19], $0x2000  }
0xcc: {  	[sflag:s19] =	ssyncset.done $0x0  }
0xcd: {  	[sflag:s19] =	ssyncadd.s32 $0xFFFFE000  }
0xce: {  	[spmem:s11] =	stream.linear.scatter [tilespmem:s20], [sflag:$0x3], $0x2000, $0x38;
	[tilespmem:$0x1E000] =	vst v63  }
0xcf: {  	_ =	swait.ge [sflag:s19], $0x2000  }
0xd0: {  	[sflag:s19] =	ssyncset.done $0x0  }
0xd1: {  	[sflag:s19] =	ssyncadd.s32 $0xFFFFE000  }
0xd2: {  	[spmem:s12] =	stream.linear.scatter [tilespmem:s20], [sflag:$0x3], $0x2000, $0x38;
	[tilespmem:$0x1E000] =	vst v63  }
0xd3: {  	_ =	swait.ge [sflag:s19], $0x2000  }
0xd4: {  	[sflag:s19] =	ssyncset.done $0x0  }
0xd5: {  	[sflag:s19] =	ssyncadd.s32 $0xFFFFE000  }
0xd6: {  	[spmem:s13] =	stream.linear.scatter [tilespmem:s20], [sflag:$0x3], $0x2000, $0x38;
	[tilespmem:$0x1E000] =	vst v63  }
0xd7: {  	_ =	swait.ge [sflag:s19], $0x2000  }
0xd8: {  	[sflag:s19] =	ssyncset.done $0x0  }
0xd9: {  	[sflag:s19] =	ssyncadd.s32 $0xFFFFE000  }
0xda: {  	[spmem:s14] =	stream.linear.scatter [tilespmem:s20], [sflag:$0x3], $0x2000, $0x38;
	[tilespmem:$0x1E000] =	vst v63  }
0xdb: {  	_ =	swait.ge [sflag:s19], $0x2000  }
0xdc: {  	[sflag:s19] =	ssyncset.done $0x0  }
0xdd: {  	s17 =	simm.s32 $0x0;
	[sflag:s19] =	ssyncadd.s32 $0xFFFFE000  }
0xde: {  	[tilespmem:s21], [sflag:$0x3] =	stream.linear.gather [hbm4b:s15+s17], $0x5000, $0x38;
	[tilespmem:$0x1E000] =	vst v63  }
0xdf: {  	_ =	swait.ge [sflag:s19], $0x5000  }
0xe0: {  	[sflag:s19] =	ssyncset.done $0x0  }
0xe1: {  	s0 =	simm.s32 $0x0;
	[sflag:s19] =	ssyncadd.s32 $0xFFFFB000  }
0xe2: {  	v1 =	vld [tilespmem:s0+$0x5000]  }
0xe3: {  	v2 =	vld [tilespmem:s0+$0x5010];
	_ =	sdelay $0x2  }
0xe4: {  	v3 =	vld [tilespmem:s0+$0x5020]  }
0xe5: {  	v8 =	vld [tilespmem:s0+$0x5030]  }
0xe6: {  	v4 =	vadd.s32 $0xFFFFEC78, v1;
	v1 =	vand.u32 $0x3F, v1;
	v6 =	vadd.s32 $0xFFFFEC78, v2  }
0xe7: {  	v5 =	vld [tilespmem:s0+$0x5040];
	v2 =	vand.u32 $0x3F, v2;
	vm0 =	vlt.u32 v4, $0x1388;
	v1 =	vadd.s32 $0x1388, v1  }
0xe8: {  	v4 =	vsel vm0, v4, v1;
	vm0 =	vlt.u32 v6, $0x1388;
	v1 =	vadd.s32 $0x1388, v2  }
0xe9: {  	v2 =	vsel vm0, v6, v1;
	v6 =	vadd.s32 $0xFFFFEC78, v3;
	v1 =	vand.u32 $0x3F, v3;
	v3 =	vld [tilespmem:s0+$0x5050]  }
0xea: {  	v7 =	vadd.s32 $0xFFFFEC78, v8;
	vm0 =	vlt.u32 v6, $0x1388;
	v9 =	vadd.s32 $0x1388, v1;
	v1 =	vld [tilespmem:s0+$0x5060]  }
0xeb: {  	s7 =	simm.s32 $0x200;
	v8 =	vand.u32 $0x3F, v8;
	v6 =	vsel vm0, v6, v9;
	vm0 =	vlt.u32 v7, $0x1388  }
.LBB2_18:
0xec: {  	p1 =	sne.s32 s7, $0x13E00;
	v8 =	vadd.s32 $0x1388, v8;
	v9 =	vadd.s32 $0xFFFFEC78, v5;
	v5 =	vand.u32 $0x3F, v5;
	v10 =	vld [tilespmem:s0+$0x5070]  }
0xed: {  	s8 =	sshra.s32 s7, $0x2;
	[tilespmem:s0+$0x5000] =	vst v4;
	v4 =	vsel vm0, v7, v8;
	vm0 =	vlt.u32 v9, $0x1388;
	v5 =	vadd.s32 $0x1388, v5  }
0xee: {  	v7 =	vld [tilespmem:s8+$0x5000];
	[tilespmem:s0+$0x5010] =	vst v2;
	v2 =	vsel vm0, v9, v5;
	v5 =	vadd.s32 $0xFFFFEC78, v3;
	v3 =	vand.u32 $0x3F, v3  }
0xef: {  	[tilespmem:s0+$0x5020] =	vst v6;
	vm0 =	vlt.u32 v5, $0x1388;
	v3 =	vadd.s32 $0x1388, v3;
	v6 =	vadd.s32 $0xFFFFEC78, v1  }
0xf0: {  	v1 =	vand.u32 $0x3F, v1;
	v8 =	vld [tilespmem:s8+$0x5010];
	[tilespmem:s0+$0x5030] =	vst v4;
	v3 =	vsel vm0, v5, v3;
	vm0 =	vlt.u32 v6, $0x1388  }
0xf1: {  	v1 =	vadd.s32 $0x1388, v1;
	[tilespmem:s0+$0x5040] =	vst v2;
	v2 =	vadd.s32 $0xFFFFEC78, v10;
	v4 =	vand.u32 $0x3F, v10  }
0xf2: {  	v1 =	vsel vm0, v6, v1;
	v9 =	vld [tilespmem:s8+$0x5020];
	[tilespmem:s0+$0x5050] =	vst v3;
	vm0 =	vlt.u32 v2, $0x1388;
	v3 =	vadd.s32 $0x1388, v4  }
0xf3: {  	v4 =	vadd.s32 $0xFFFFEC78, v7;
	v10 =	vld [tilespmem:s8+$0x5030];
	[tilespmem:s0+$0x5060] =	vst v1;
	v1 =	vsel vm0, v2, v3  }
0xf4: {  	v2 =	vand.u32 $0x3F, v7;
	vm0 =	vlt.u32 v4, $0x1388;
	[tilespmem:s0+$0x5070] =	vst v1;
	s0 =	smov.u32 s8  }
.Ltmp6:
0xf5: {  	v1 =	vadd.s32 $0x1388, v2;
	v2 =	vadd.s32 $0xFFFFEC78, v8;
	v3 =	vand.u32 $0x3F, v8;
	v5 =	vld [tilespmem:s0+$0x5040];
	(pc) =	sbr.rel @p1 .LBB2_18-.Ltmp6, $4  }
0xf6: {  	v4 =	vsel vm0, v4, v1;
	vm0 =	vlt.u32 v2, $0x1388;
	v1 =	vadd.s32 $0x1388, v3  }
0xf7: {  	v2 =	vsel vm0, v2, v1;
	v6 =	vadd.s32 $0xFFFFEC78, v9;
	v1 =	vand.u32 $0x3F, v9;
	v3 =	vld [tilespmem:s0+$0x5050]  }
0xf8: {  	vm0 =	vlt.u32 v6, $0x1388;
	v8 =	vadd.s32 $0x1388, v1;
	v7 =	vadd.s32 $0xFFFFEC78, v10;
	v1 =	vld [tilespmem:s0+$0x5060]  }
0xf9: {  	s7 =	sadd.s32 $0x200, s7;
	v6 =	vsel vm0, v6, v8;
	vm0 =	vlt.u32 v7, $0x1388;
	v8 =	vand.u32 $0x3F, v10  }
0xfa: {  	v8 =	vadd.s32 $0x1388, v8;
	v9 =	vadd.s32 $0xFFFFEC78, v5;
	v59 =	vand.u32 $0x3F, v5;
	v10 =	vld [tilespmem:s0+$0x5070]  }
0xfb: {  	[tilespmem:s0+$0x5000] =	vst v4;
	v60 =	vsel vm0, v7, v8;
	vm12 =	vlt.u32 v9, $0x1388;
	v5 =	vadd.s32 $0x1388, v59  }
0xfc: {  	[tilespmem:s0+$0x5010] =	vst v2;
	v2 =	vsel vm12, v9, v5;
	v61 =	vadd.s32 $0xFFFFEC78, v3;
	v3 =	vand.u32 $0x3F, v3  }
0xfd: {  	[tilespmem:s0+$0x5020] =	vst v6;
	vm13 =	vlt.u32 v61, $0x1388;
	v3 =	vadd.s32 $0x1388, v3;
	v62 =	vadd.s32 $0xFFFFEC78, v1  }
0xfe: {  	[tilespmem:s0+$0x5030] =	vst v60;
	v1 =	vand.u32 $0x3F, v1;
	v3 =	vsel vm13, v61, v3;
	vm14 =	vlt.u32 v62, $0x1388  }
0xff: {  	[tilespmem:s0+$0x5040] =	vst v2;
	v1 =	vadd.s32 $0x1388, v1;
	v2 =	vadd.s32 $0xFFFFEC78, v10;
	v63 =	vand.u32 $0x3F, v10  }
0x100: {  	[tilespmem:s0+$0x5050] =	vst v3;
	v1 =	vsel vm14, v62, v1;
	vm15 =	vlt.u32 v2, $0x1388;
	v3 =	vadd.s32 $0x1388, v63  }
0x101: {  	[tilespmem:s0+$0x5060] =	vst v1;
	v1 =	vsel vm15, v2, v3  }
0x102: {  	[tilespmem:s0+$0x5070] =	vst v1  }
0x103: {  	s17 =	simm.s32 $0x0;
	[bflag:$0x0] =	sbarrier.arrive $0xFFFF  }
0x104: {  	[tilespmem:s23], [sflag:$0x1] =	stream.indirect.gather [hbm4b:s6+s22], $0x80, s17, s22, $0xb8;
	[tilespmem:$0x1E000] =	vst v63  }
0x105: {  	s7 =	simm.s32 $0x80  }
0x106: {  	[tilespmem:s24], [sflag:$0x2] =	stream.indirect.gather [hbm4b:s6+s22], $0x80, s7, s22, $0xb8;
	[tilespmem:$0x1E000] =	vst v63  }
0x107: {  	_ =	swait.ge [sflag:s25], $0x4000  }
0x108: {  	[sflag:s25] =	ssyncset.done $0x0  }
0x109: {  	s8 =	simm.s32 $0x5000;
	[sflag:s25] =	ssyncadd.s32 $0xFFFFC000  }
0x10a: {  	[spmem:s3] =	stream.indirect.scatter.add.f32 [tilespmem:s23], [sflag:$0x3], $0x80, s8, s22, $0xb8;
	[tilespmem:$0x1E000] =	vst v63  }
0x10b: {  	_ =	swait.ge [sflag:s19], $0x4000  }
0x10c: {  	[sflag:s19] =	ssyncset.done $0x0  }
0x10d: {  	s16 =	simm.s32 $0x100;
	[sflag:s19] =	ssyncadd.s32 $0xFFFFC000  }
0x10e: {  	[tilespmem:s23], [sflag:$0x1] =	stream.indirect.gather [hbm4b:s6+s22], $0x80, s16, s22, $0xb8;
	[tilespmem:$0x1E000] =	vst v63  }
0x10f: {  	_ =	swait.ge [sflag:s26], $0x4000  }
0x110: {  	[sflag:s26] =	ssyncset.done $0x0  }
0x111: {  	s17 =	simm.s32 $0x5080;
	[sflag:s26] =	ssyncadd.s32 $0xFFFFC000  }
0x112: {  	[spmem:s3] =	stream.indirect.scatter.add.f32 [tilespmem:s24], [sflag:$0x3], $0x80, s17, s22, $0xb8;
	[tilespmem:$0x1E000] =	vst v63  }
0x113: {  	_ =	swait.ge [sflag:s19], $0x4000  }
0x114: {  	s0 =	simm.s32 $0x100;
	s7 =	simm.s32 $0x800;
	[sflag:s19] =	ssyncset.done $0x0  }
.LBB2_20:
0x115: {  	s8 =	sadd.s32 $0x80, s0  }
0x116: {  	[sflag:s19] =	ssyncadd.s32 $0xFFFFC000;
	s16 =	smov.u32 s7;
	s17 =	sadd.s32 $0x400, s7  }
0x117: {  	[tilespmem:s24], [sflag:$0x2] =	stream.indirect.gather [hbm4b:s6+s22], $0x80, s8, s22, $0xb8;
	[tilespmem:$0x1E000] =	vst v63  }
0x118: {  	p1 =	sne.s32 s7, $0x13800;
	_ =	swait.ge [sflag:s25], $0x4000  }
0x119: {  	[sflag:s25] =	ssyncset.done $0x0  }
0x11a: {  	s7 =	sadd.s32 $0x5000, s0;
	[sflag:s25] =	ssyncadd.s32 $0xFFFFC000  }
0x11b: {  	[spmem:s3] =	stream.indirect.scatter.add.f32 [tilespmem:s23], [sflag:$0x3], $0x80, s7, s22, $0xb8;
	[tilespmem:$0x1E000] =	vst v63  }
0x11c: {  	_ =	swait.ge [sflag:s19], $0x4000  }
0x11d: {  	[sflag:s19] =	ssyncset.done $0x0  }
0x11e: {  	s7 =	sadd.s32 $0x100, s0;
	[sflag:s19] =	ssyncadd.s32 $0xFFFFC000  }
0x11f: {  	[tilespmem:s23], [sflag:$0x1] =	stream.indirect.gather [hbm4b:s6+s22], $0x80, s7, s22, $0xb8;
	[tilespmem:$0x1E000] =	vst v63  }
0x120: {  	_ =	swait.ge [sflag:s26], $0x4000  }
.Ltmp7:
0x121: {  	[sflag:s26] =	ssyncset.done $0x0;
	(pc) =	sbr.rel @p1 .LBB2_20-.Ltmp7, $4  }
0x122: {  	s0 =	sadd.s32 $0x5080, s0;
	[sflag:s26] =	ssyncadd.s32 $0xFFFFC000  }
0x123: {  	[spmem:s3] =	stream.indirect.scatter.add.f32 [tilespmem:s24], [sflag:$0x3], $0x80, s0, s22, $0xb8;
	[tilespmem:$0x1E000] =	vst v63  }
0x124: {  	_ =	swait.ge [sflag:s19], $0x4000  }
0x125: {  	s7 =	smov.u32 s17;
	s0 =	sshra.s32 s16, $0x2;
	[sflag:s19] =	ssyncset.done $0x0  }
0x126: {  	s7 =	sadd.s32 $0x80, s0;
	[sflag:s19] =	ssyncadd.s32 $0xFFFFC000  }
0x127: {  	[tilespmem:s24], [sflag:$0x2] =	stream.indirect.gather [hbm4b:s6+s22], $0x80, s7, s22, $0xb8;
	[tilespmem:$0x1E000] =	vst v63  }
0x128: {  	_ =	swait.ge [sflag:s25], $0x4000  }
0x129: {  	[sflag:s25] =	ssyncset.done $0x0  }
0x12a: {  	s8 =	sadd.s32 $0x5000, s0;
	[sflag:s25] =	ssyncadd.s32 $0xFFFFC000  }
0x12b: {  	[spmem:s3] =	stream.indirect.scatter.add.f32 [tilespmem:s23], [sflag:$0x3], $0x80, s8, s22, $0xb8;
	[tilespmem:$0x1E000] =	vst v63  }
0x12c: {  	_ =	swait.ge [sflag:s19], $0x4000  }
0x12d: {  	[sflag:s19] =	ssyncset.done $0x0  }
0x12e: {  	s16 =	sadd.s32 $0x100, s0;
	[sflag:s19] =	ssyncadd.s32 $0xFFFFC000  }
0x12f: {  	[tilespmem:s23], [sflag:$0x1] =	stream.indirect.gather [hbm4b:s6+s22], $0x80, s16, s22, $0xb8;
	[tilespmem:$0x1E000] =	vst v63  }
0x130: {  	_ =	swait.ge [sflag:s26], $0x4000  }
0x131: {  	[sflag:s26] =	ssyncset.done $0x0  }
0x132: {  	s17 =	sadd.s32 $0x5080, s0;
	[sflag:s26] =	ssyncadd.s32 $0xFFFFC000  }
0x133: {  	[spmem:s3] =	stream.indirect.scatter.add.f32 [tilespmem:s24], [sflag:$0x3], $0x80, s17, s22, $0xb8;
	[tilespmem:$0x1E000] =	vst v63  }
.Ltmp8:
0x134: {  	_ = 	snop;
	(pc) =	sbr.rel .LBB2_22-.Ltmp8, $4  }
0x135: {  	_ =	swait.ge [sflag:s19], $0x4000  }
0x136: {  	[sflag:s19] =	ssyncset.done $0x0  }
0x137: {  	s0 =	rddreg [dreg:$0x5];
	[sflag:s19] =	ssyncadd.s32 $0xFFFFC000  }
0x138: {  	[tilespmem:s24], [sflag:$0x2] =	stream.indirect.gather [hbm4b:s6+s22], $0x80, s28, s22, $0xb8;
	[tilespmem:$0x1E000] =	vst v63  }
.LBB2_4:
0x139: {  	v5 =	vld [tilespmem:s0+$0x5000]  }
0x13a: {  	v2 =	vld [tilespmem:s0+$0x5010]  }
0x13b: {  	v3 =	vld [tilespmem:s0+$0x5020]  }
0x13c: {  	v6 =	vld [tilespmem:s0+$0x5030];
	_ =	sdelay $0x2  }
0x13d: {  	v1 =	vld [tilespmem:s0+$0x5040];
	v4 =	vand.u32 $0x3F, v5  }
0x13e: {  	vm0 =	vlt.u32 v5, $0x1388;
	v8 =	vand.u32 $0x3F, v2;
	v7 =	vadd.s32 $0x1388, v4;
	v4 =	vld [tilespmem:s0+$0x5050]  }
0x13f: {  	vm1 =	vlt.u32 v3, $0x1388;
	v10 =	vand.u32 $0x3F, v3;
	v9 =	vand.u32 $0x3F, v6  }
0x140: {  	s7 =	simm.s32 $0x200;
	v8 =	vadd.s32 $0x1388, v8;
	v7 =	vsel vm0, v5, v7;
	vm0 =	vlt.u32 v2, $0x1388;
	v5 =	vld [tilespmem:s0+$0x5060]  }
.LBB2_5:
0x141: {  	p1 =	sne.s32 s7, $0x13E00;
	v10 =	vadd.s32 $0x1388, v10;
	vm2 =	vlt.u32 v6, $0x1388;
	v9 =	vadd.s32 $0x1388, v9;
	v11 =	vld [tilespmem:s0+$0x5070]  }
0x142: {  	s31 =	sshra.s32 s7, $0x2;
	v2 =	vsel vm0, v2, v8;
	[tilespmem:s0+$0x5000] =	vst v7;
	v3 =	vsel vm1, v3, v10;
	v6 =	vsel vm2, v6, v9  }
0x143: {  	vm0 =	vlt.u32 v1, $0x1388;
	v8 =	vand.u32 $0x3F, v1;
	v7 =	vld [tilespmem:s31+$0x5000];
	[tilespmem:s0+$0x5010] =	vst v2;
	v9 =	vand.u32 $0x3F, v4  }
0x144: {  	v8 =	vadd.s32 $0x1388, v8;
	vm1 =	vlt.u32 v4, $0x1388;
	v2 =	vld [tilespmem:s31+$0x5010];
	[tilespmem:s0+$0x5020] =	vst v3;
	v9 =	vadd.s32 $0x1388, v9  }
0x145: {  	v1 =	vsel vm0, v1, v8;
	v3 =	vld [tilespmem:s31+$0x5020];
	[tilespmem:s0+$0x5030] =	vst v6;
	v4 =	vsel vm1, v4, v9;
	v8 =	vand.u32 $0x3F, v5  }
0x146: {  	vm0 =	vlt.u32 v5, $0x1388;
	v6 =	vld [tilespmem:s31+$0x5030];
	[tilespmem:s0+$0x5040] =	vst v1;
	v1 =	vadd.s32 $0x1388, v8;
	v8 =	vand.u32 $0x3F, v11  }
.Ltmp9:
0x147: {  	[tilespmem:s0+$0x5050] =	vst v4;
	v4 =	vsel vm0, v5, v1;
	vm0 =	vlt.u32 v11, $0x1388;
	v5 =	vadd.s32 $0x1388, v8;
	(pc) =	sbr.rel @p1 .LBB2_5-.Ltmp9, $4  }
0x148: {  	v8 =	vand.u32 $0x3F, v7;
	v1 =	vld [tilespmem:s31+$0x5040];
	[tilespmem:s0+$0x5060] =	vst v4;
	v5 =	vsel vm0, v11, v5  }
0x149: {  	vm0 =	vlt.u32 v7, $0x1388;
	v8 =	vadd.s32 $0x1388, v8;
	v9 =	vand.u32 $0x3F, v2;
	v4 =	vld [tilespmem:s31+$0x5050];
	[tilespmem:s0+$0x5070] =	vst v5;
	s0 =	smov.u32 s31  }
0x14a: {  	v7 =	vsel vm0, v7, v8;
	vm0 =	vlt.u32 v2, $0x1388;
	v8 =	vadd.s32 $0x1388, v9  }
0x14b: {  	s7 =	sadd.s32 $0x200, s7;
	vm1 =	vlt.u32 v3, $0x1388;
	v10 =	vand.u32 $0x3F, v3;
	v9 =	vand.u32 $0x3F, v6;
	v5 =	vld [tilespmem:s0+$0x5060]  }
0x14c: {  	v10 =	vadd.s32 $0x1388, v10;
	vm2 =	vlt.u32 v6, $0x1388;
	v9 =	vadd.s32 $0x1388, v9;
	v11 =	vld [tilespmem:s0+$0x5070]  }
0x14d: {  	[tilespmem:s0+$0x5000] =	vst v7;
	v2 =	vsel vm0, v2, v8;
	v3 =	vsel vm1, v3, v10;
	v6 =	vsel vm2, v6, v9  }
0x14e: {  	[tilespmem:s0+$0x5010] =	vst v2;
	vm12 =	vlt.u32 v1, $0x1388;
	v2 =	vand.u32 $0x3F, v1;
	v63 =	vand.u32 $0x3F, v4  }
0x14f: {  	[tilespmem:s0+$0x5020] =	vst v3;
	v2 =	vadd.s32 $0x1388, v2;
	vm13 =	vlt.u32 v4, $0x1388;
	v3 =	vadd.s32 $0x1388, v63  }
0x150: {  	[tilespmem:s0+$0x5030] =	vst v6;
	v1 =	vsel vm12, v1, v2;
	v2 =	vsel vm13, v4, v3;
	v3 =	vand.u32 $0x3F, v5  }
0x151: {  	[tilespmem:s0+$0x5040] =	vst v1;
	vm14 =	vlt.u32 v5, $0x1388;
	v1 =	vadd.s32 $0x1388, v3;
	v3 =	vand.u32 $0x3F, v11  }
0x152: {  	[tilespmem:s0+$0x5050] =	vst v2;
	vm15 =	vlt.u32 v11, $0x1388;
	v1 =	vsel vm14, v5, v1;
	v2 =	vadd.s32 $0x1388, v3  }
0x153: {  	[tilespmem:s0+$0x5060] =	vst v1;
	v1 =	vsel vm15, v11, v2  }
0x154: {  	[tilespmem:s0+$0x5070] =	vst v1  }
0x155: {  	s7 =	simm.s32 $0x0;
	[bflag:$0x0] =	sbarrier.arrive $0xFFFF  }
0x156: {  	[tilespmem:s23], [sflag:$0x1] =	stream.indirect.gather [hbm4b:s1+s22], $0x80, s7, s22, $0xb8;
	[tilespmem:$0x1E000] =	vst v63  }
0x157: {  	s8 =	simm.s32 $0x80  }
0x158: {  	[tilespmem:s24], [sflag:$0x2] =	stream.indirect.gather [hbm4b:s1+s22], $0x80, s8, s22, $0xb8;
	[tilespmem:$0x1E000] =	vst v63  }
0x159: {  	_ =	swait.ge [sflag:s25], $0x4000  }
0x15a: {  	[sflag:s25] =	ssyncset.done $0x0  }
0x15b: {  	s16 =	simm.s32 $0x5000;
	[sflag:s25] =	ssyncadd.s32 $0xFFFFC000  }
0x15c: {  	[spmem:s3] =	stream.indirect.scatter.add.f32 [tilespmem:s23], [sflag:$0x3], $0x80, s16, s22, $0xb8;
	[tilespmem:$0x1E000] =	vst v63  }
0x15d: {  	_ =	swait.ge [sflag:s19], $0x4000  }
0x15e: {  	[sflag:s19] =	ssyncset.done $0x0  }
0x15f: {  	s17 =	simm.s32 $0x100;
	[sflag:s19] =	ssyncadd.s32 $0xFFFFC000  }
0x160: {  	[tilespmem:s23], [sflag:$0x1] =	stream.indirect.gather [hbm4b:s1+s22], $0x80, s17, s22, $0xb8;
	[tilespmem:$0x1E000] =	vst v63  }
0x161: {  	_ =	swait.ge [sflag:s26], $0x4000  }
0x162: {  	[sflag:s26] =	ssyncset.done $0x0  }
0x163: {  	s31 =	simm.s32 $0x5080;
	[sflag:s26] =	ssyncadd.s32 $0xFFFFC000  }
0x164: {  	[spmem:s3] =	stream.indirect.scatter.add.f32 [tilespmem:s24], [sflag:$0x3], $0x80, s31, s22, $0xb8;
	[tilespmem:$0x1E000] =	vst v63  }
0x165: {  	_ =	swait.ge [sflag:s19], $0x4000  }
0x166: {  	s0 =	simm.s32 $0x100;
	s7 =	simm.s32 $0x800;
	[sflag:s19] =	ssyncset.done $0x0  }
.LBB2_7:
0x167: {  	s31 =	sadd.s32 $0x80, s0  }
0x168: {  	[sflag:s19] =	ssyncadd.s32 $0xFFFFC000;
	s16 =	smov.u32 s7;
	s8 =	sadd.s32 $0x400, s7  }
0x169: {  	[tilespmem:s24], [sflag:$0x2] =	stream.indirect.gather [hbm4b:s1+s22], $0x80, s31, s22, $0xb8;
	[tilespmem:$0x1E000] =	vst v63  }
0x16a: {  	p1 =	sne.s32 s7, $0x13800;
	_ =	swait.ge [sflag:s25], $0x4000  }
0x16b: {  	[sflag:s25] =	ssyncset.done $0x0  }
0x16c: {  	s7 =	sadd.s32 $0x5000, s0;
	[sflag:s25] =	ssyncadd.s32 $0xFFFFC000  }
0x16d: {  	[spmem:s3] =	stream.indirect.scatter.add.f32 [tilespmem:s23], [sflag:$0x3], $0x80, s7, s22, $0xb8;
	[tilespmem:$0x1E000] =	vst v63  }
0x16e: {  	_ =	swait.ge [sflag:s19], $0x4000  }
0x16f: {  	[sflag:s19] =	ssyncset.done $0x0  }
0x170: {  	s7 =	sadd.s32 $0x100, s0;
	[sflag:s19] =	ssyncadd.s32 $0xFFFFC000  }
0x171: {  	[tilespmem:s23], [sflag:$0x1] =	stream.indirect.gather [hbm4b:s1+s22], $0x80, s7, s22, $0xb8;
	[tilespmem:$0x1E000] =	vst v63  }
0x172: {  	_ =	swait.ge [sflag:s26], $0x4000  }
.Ltmp10:
0x173: {  	[sflag:s26] =	ssyncset.done $0x0;
	(pc) =	sbr.rel @p1 .LBB2_7-.Ltmp10, $4  }
0x174: {  	s0 =	sadd.s32 $0x5080, s0;
	[sflag:s26] =	ssyncadd.s32 $0xFFFFC000  }
0x175: {  	[spmem:s3] =	stream.indirect.scatter.add.f32 [tilespmem:s24], [sflag:$0x3], $0x80, s0, s22, $0xb8;
	[tilespmem:$0x1E000] =	vst v63  }
0x176: {  	_ =	swait.ge [sflag:s19], $0x4000  }
0x177: {  	s7 =	smov.u32 s8;
	s0 =	sshra.s32 s16, $0x2;
	[sflag:s19] =	ssyncset.done $0x0  }
0x178: {  	s7 =	sadd.s32 $0x80, s0;
	[sflag:s19] =	ssyncadd.s32 $0xFFFFC000  }
0x179: {  	[tilespmem:s24], [sflag:$0x2] =	stream.indirect.gather [hbm4b:s1+s22], $0x80, s7, s22, $0xb8;
	[tilespmem:$0x1E000] =	vst v63  }
0x17a: {  	_ =	swait.ge [sflag:s25], $0x4000  }
0x17b: {  	[sflag:s25] =	ssyncset.done $0x0  }
0x17c: {  	s8 =	sadd.s32 $0x5000, s0;
	[sflag:s25] =	ssyncadd.s32 $0xFFFFC000  }
0x17d: {  	[spmem:s3] =	stream.indirect.scatter.add.f32 [tilespmem:s23], [sflag:$0x3], $0x80, s8, s22, $0xb8;
	[tilespmem:$0x1E000] =	vst v63  }
0x17e: {  	_ =	swait.ge [sflag:s19], $0x4000  }
0x17f: {  	[sflag:s19] =	ssyncset.done $0x0  }
0x180: {  	s16 =	sadd.s32 $0x100, s0;
	[sflag:s19] =	ssyncadd.s32 $0xFFFFC000  }
0x181: {  	[tilespmem:s23], [sflag:$0x1] =	stream.indirect.gather [hbm4b:s1+s22], $0x80, s16, s22, $0xb8;
	[tilespmem:$0x1E000] =	vst v63  }
0x182: {  	_ =	swait.ge [sflag:s26], $0x4000  }
0x183: {  	[sflag:s26] =	ssyncset.done $0x0  }
0x184: {  	s17 =	sadd.s32 $0x5080, s0;
	[sflag:s26] =	ssyncadd.s32 $0xFFFFC000  }
0x185: {  	[spmem:s3] =	stream.indirect.scatter.add.f32 [tilespmem:s24], [sflag:$0x3], $0x80, s17, s22, $0xb8;
	[tilespmem:$0x1E000] =	vst v63  }
0x186: {  	_ =	swait.ge [sflag:s19], $0x4000  }
0x187: {  	[sflag:s19] =	ssyncset.done $0x0  }
0x188: {  	[sflag:s19] =	ssyncadd.s32 $0xFFFFC000  }
0x189: {  	[tilespmem:s24], [sflag:$0x2] =	stream.indirect.gather [hbm4b:s1+s22], $0x80, s28, s22, $0xb8;
	[tilespmem:$0x1E000] =	vst v63  }
0x18a: {  	_ =	swait.ge [sflag:s25], $0x4000  }
0x18b: {  	[sflag:s25] =	ssyncset.done $0x0  }
0x18c: {  	[sflag:s25] =	ssyncadd.s32 $0xFFFFC000  }
0x18d: {  	[spmem:s3] =	stream.indirect.scatter.add.f32 [tilespmem:s23], [sflag:$0x3], $0x80, s29, s22, $0xb8;
	[tilespmem:$0x1E000] =	vst v63  }
0x18e: {  	_ =	swait.ge [sflag:s19], $0x4000  }
0x18f: {  	[sflag:s19] =	ssyncset.done $0x0  }
0x190: {  	[sflag:s19] =	ssyncadd.s32 $0xFFFFC000  }
0x191: {  	_ =	swait.ge [sflag:s26], $0x4000  }
0x192: {  	[sflag:s26] =	ssyncset.done $0x0  }
0x193: {  	[sflag:s26] =	ssyncadd.s32 $0xFFFFC000  }
0x194: {  	[spmem:s3] =	stream.indirect.scatter.add.f32 [tilespmem:s24], [sflag:$0x3], $0x80, s30, s22, $0xb8;
	[tilespmem:$0x1E000] =	vst v63  }
0x195: {  	_ =	swait.ge [sflag:s19], $0x4000  }
0x196: {  	[sflag:s19] =	ssyncset.done $0x0  }
0x197: {  	[sflag:s19] =	ssyncadd.s32 $0xFFFFC000  }
0x198: {  	s7 =	sshll.u32 s2, $0x6;
	[bflag:$0x0] =	sbarrier.arrive $0xFFFF  }
0x199: {  	s31 =	sor.u32 $0x1C03, s7;
	s8 =	sshrl.u32 s9, $0x3;
	s16 =	rddreg [dreg:$0x6]  }
0x19a: {  	[hbm:s16], [sflag:s31] =	dma.local [spmem:s8], $0x1400  }
0x19b: {  	_ =	swait.ge [sflag:s19], $0x1400  }
0x19c: {  	[sflag:s19] =	ssyncset.done $0x0  }
0x19d: {  	[sflag:s19] =	ssyncadd.s32 $0xFFFFEC00  }
0x19e: {  	[spmem:s9] =	stream.linear.scatter [tilespmem:s20], [sflag:$0x3], $0x2000, $0x38;
	[tilespmem:$0x1E000] =	vst v63  }
0x19f: {  	_ =	swait.ge [sflag:s19], $0x2000  }
0x1a0: {  	[sflag:s19] =	ssyncset.done $0x0  }
0x1a1: {  	[sflag:s19] =	ssyncadd.s32 $0xFFFFE000  }
0x1a2: {  	[spmem:s11] =	stream.linear.scatter [tilespmem:s20], [sflag:$0x3], $0x2000, $0x38;
	[tilespmem:$0x1E000] =	vst v63  }
0x1a3: {  	_ =	swait.ge [sflag:s19], $0x2000  }
0x1a4: {  	[sflag:s19] =	ssyncset.done $0x0  }
0x1a5: {  	[sflag:s19] =	ssyncadd.s32 $0xFFFFE000  }
0x1a6: {  	[spmem:s12] =	stream.linear.scatter [tilespmem:s20], [sflag:$0x3], $0x2000, $0x38;
	[tilespmem:$0x1E000] =	vst v63  }
0x1a7: {  	_ =	swait.ge [sflag:s19], $0x2000  }
0x1a8: {  	[sflag:s19] =	ssyncset.done $0x0  }
0x1a9: {  	[sflag:s19] =	ssyncadd.s32 $0xFFFFE000  }
0x1aa: {  	[spmem:s13] =	stream.linear.scatter [tilespmem:s20], [sflag:$0x3], $0x2000, $0x38;
	[tilespmem:$0x1E000] =	vst v63  }
0x1ab: {  	_ =	swait.ge [sflag:s19], $0x2000  }
0x1ac: {  	[sflag:s19] =	ssyncset.done $0x0  }
0x1ad: {  	[sflag:s19] =	ssyncadd.s32 $0xFFFFE000  }
0x1ae: {  	[spmem:s14] =	stream.linear.scatter [tilespmem:s20], [sflag:$0x3], $0x2000, $0x38;
	[tilespmem:$0x1E000] =	vst v63  }
0x1af: {  	_ =	swait.ge [sflag:s19], $0x2000  }
0x1b0: {  	[sflag:s19] =	ssyncset.done $0x0  }
0x1b1: {  	s17 =	simm.s32 $0x0;
	[sflag:s19] =	ssyncadd.s32 $0xFFFFE000  }
0x1b2: {  	[tilespmem:s21], [sflag:$0x3] =	stream.linear.gather [hbm4b:s15+s17], $0x5000, $0x38;
	[tilespmem:$0x1E000] =	vst v63  }
0x1b3: {  	_ =	swait.ge [sflag:s19], $0x5000  }
0x1b4: {  	[sflag:s19] =	ssyncset.done $0x0  }
0x1b5: {  	s0 =	simm.s32 $0x0;
	[sflag:s19] =	ssyncadd.s32 $0xFFFFB000  }
0x1b6: {  	v1 =	vld [tilespmem:s0+$0x5000]  }
0x1b7: {  	v2 =	vld [tilespmem:s0+$0x5010];
	_ =	sdelay $0x2  }
0x1b8: {  	v3 =	vld [tilespmem:s0+$0x5020]  }
0x1b9: {  	v8 =	vld [tilespmem:s0+$0x5030]  }
0x1ba: {  	v4 =	vadd.s32 $0xFFFFEC78, v1;
	v1 =	vand.u32 $0x3F, v1;
	v6 =	vadd.s32 $0xFFFFEC78, v2  }
0x1bb: {  	v5 =	vld [tilespmem:s0+$0x5040];
	v2 =	vand.u32 $0x3F, v2;
	vm0 =	vlt.u32 v4, $0x1388;
	v1 =	vadd.s32 $0x1388, v1  }
0x1bc: {  	v4 =	vsel vm0, v4, v1;
	vm0 =	vlt.u32 v6, $0x1388;
	v1 =	vadd.s32 $0x1388, v2  }
0x1bd: {  	v2 =	vsel vm0, v6, v1;
	v6 =	vadd.s32 $0xFFFFEC78, v3;
	v1 =	vand.u32 $0x3F, v3;
	v3 =	vld [tilespmem:s0+$0x5050]  }
0x1be: {  	v7 =	vadd.s32 $0xFFFFEC78, v8;
	vm0 =	vlt.u32 v6, $0x1388;
	v9 =	vadd.s32 $0x1388, v1;
	v1 =	vld [tilespmem:s0+$0x5060]  }
0x1bf: {  	s7 =	simm.s32 $0x200;
	v8 =	vand.u32 $0x3F, v8;
	v6 =	vsel vm0, v6, v9;
	vm0 =	vlt.u32 v7, $0x1388  }
.LBB2_9:
0x1c0: {  	p1 =	sne.s32 s7, $0x13E00;
	v8 =	vadd.s32 $0x1388, v8;
	v9 =	vadd.s32 $0xFFFFEC78, v5;
	v5 =	vand.u32 $0x3F, v5;
	v10 =	vld [tilespmem:s0+$0x5070]  }
0x1c1: {  	s8 =	sshra.s32 s7, $0x2;
	[tilespmem:s0+$0x5000] =	vst v4;
	v4 =	vsel vm0, v7, v8;
	vm0 =	vlt.u32 v9, $0x1388;
	v5 =	vadd.s32 $0x1388, v5  }
0x1c2: {  	v7 =	vld [tilespmem:s8+$0x5000];
	[tilespmem:s0+$0x5010] =	vst v2;
	v2 =	vsel vm0, v9, v5;
	v5 =	vadd.s32 $0xFFFFEC78, v3;
	v3 =	vand.u32 $0x3F, v3  }
0x1c3: {  	[tilespmem:s0+$0x5020] =	vst v6;
	vm0 =	vlt.u32 v5, $0x1388;
	v3 =	vadd.s32 $0x1388, v3;
	v6 =	vadd.s32 $0xFFFFEC78, v1  }
0x1c4: {  	v1 =	vand.u32 $0x3F, v1;
	v8 =	vld [tilespmem:s8+$0x5010];
	[tilespmem:s0+$0x5030] =	vst v4;
	v3 =	vsel vm0, v5, v3;
	vm0 =	vlt.u32 v6, $0x1388  }
0x1c5: {  	v1 =	vadd.s32 $0x1388, v1;
	[tilespmem:s0+$0x5040] =	vst v2;
	v2 =	vadd.s32 $0xFFFFEC78, v10;
	v4 =	vand.u32 $0x3F, v10  }
0x1c6: {  	v1 =	vsel vm0, v6, v1;
	v9 =	vld [tilespmem:s8+$0x5020];
	[tilespmem:s0+$0x5050] =	vst v3;
	vm0 =	vlt.u32 v2, $0x1388;
	v3 =	vadd.s32 $0x1388, v4  }
0x1c7: {  	v4 =	vadd.s32 $0xFFFFEC78, v7;
	v10 =	vld [tilespmem:s8+$0x5030];
	[tilespmem:s0+$0x5060] =	vst v1;
	v1 =	vsel vm0, v2, v3  }
0x1c8: {  	v2 =	vand.u32 $0x3F, v7;
	vm0 =	vlt.u32 v4, $0x1388;
	[tilespmem:s0+$0x5070] =	vst v1;
	s0 =	smov.u32 s8  }
.Ltmp11:
0x1c9: {  	v1 =	vadd.s32 $0x1388, v2;
	v2 =	vadd.s32 $0xFFFFEC78, v8;
	v3 =	vand.u32 $0x3F, v8;
	v5 =	vld [tilespmem:s0+$0x5040];
	(pc) =	sbr.rel @p1 .LBB2_9-.Ltmp11, $4  }
0x1ca: {  	v4 =	vsel vm0, v4, v1;
	vm0 =	vlt.u32 v2, $0x1388;
	v1 =	vadd.s32 $0x1388, v3  }
0x1cb: {  	v2 =	vsel vm0, v2, v1;
	v6 =	vadd.s32 $0xFFFFEC78, v9;
	v1 =	vand.u32 $0x3F, v9;
	v3 =	vld [tilespmem:s0+$0x5050]  }
0x1cc: {  	vm0 =	vlt.u32 v6, $0x1388;
	v8 =	vadd.s32 $0x1388, v1;
	v7 =	vadd.s32 $0xFFFFEC78, v10;
	v1 =	vld [tilespmem:s0+$0x5060]  }
0x1cd: {  	s7 =	sadd.s32 $0x200, s7;
	v6 =	vsel vm0, v6, v8;
	vm0 =	vlt.u32 v7, $0x1388;
	v8 =	vand.u32 $0x3F, v10  }
0x1ce: {  	v8 =	vadd.s32 $0x1388, v8;
	v9 =	vadd.s32 $0xFFFFEC78, v5;
	v59 =	vand.u32 $0x3F, v5;
	v10 =	vld [tilespmem:s0+$0x5070]  }
0x1cf: {  	[tilespmem:s0+$0x5000] =	vst v4;
	v60 =	vsel vm0, v7, v8;
	vm12 =	vlt.u32 v9, $0x1388;
	v5 =	vadd.s32 $0x1388, v59  }
0x1d0: {  	[tilespmem:s0+$0x5010] =	vst v2;
	v2 =	vsel vm12, v9, v5;
	v61 =	vadd.s32 $0xFFFFEC78, v3;
	v3 =	vand.u32 $0x3F, v3  }
0x1d1: {  	[tilespmem:s0+$0x5020] =	vst v6;
	vm13 =	vlt.u32 v61, $0x1388;
	v3 =	vadd.s32 $0x1388, v3;
	v62 =	vadd.s32 $0xFFFFEC78, v1  }
0x1d2: {  	[tilespmem:s0+$0x5030] =	vst v60;
	v1 =	vand.u32 $0x3F, v1;
	v3 =	vsel vm13, v61, v3;
	vm14 =	vlt.u32 v62, $0x1388  }
0x1d3: {  	[tilespmem:s0+$0x5040] =	vst v2;
	v1 =	vadd.s32 $0x1388, v1;
	v2 =	vadd.s32 $0xFFFFEC78, v10;
	v63 =	vand.u32 $0x3F, v10  }
0x1d4: {  	[tilespmem:s0+$0x5050] =	vst v3;
	v1 =	vsel vm14, v62, v1;
	vm15 =	vlt.u32 v2, $0x1388;
	v3 =	vadd.s32 $0x1388, v63  }
0x1d5: {  	[tilespmem:s0+$0x5060] =	vst v1;
	v1 =	vsel vm15, v2, v3  }
0x1d6: {  	[tilespmem:s0+$0x5070] =	vst v1  }
0x1d7: {  	s17 =	simm.s32 $0x0;
	[bflag:$0x0] =	sbarrier.arrive $0xFFFF  }
0x1d8: {  	[tilespmem:s23], [sflag:$0x1] =	stream.indirect.gather [hbm4b:s1+s22], $0x80, s17, s22, $0xb8;
	[tilespmem:$0x1E000] =	vst v63  }
0x1d9: {  	s7 =	simm.s32 $0x80  }
0x1da: {  	[tilespmem:s24], [sflag:$0x2] =	stream.indirect.gather [hbm4b:s1+s22], $0x80, s7, s22, $0xb8;
	[tilespmem:$0x1E000] =	vst v63  }
0x1db: {  	_ =	swait.ge [sflag:s25], $0x4000  }
0x1dc: {  	[sflag:s25] =	ssyncset.done $0x0  }
0x1dd: {  	s8 =	simm.s32 $0x5000;
	[sflag:s25] =	ssyncadd.s32 $0xFFFFC000  }
0x1de: {  	[spmem:s3] =	stream.indirect.scatter.add.f32 [tilespmem:s23], [sflag:$0x3], $0x80, s8, s22, $0xb8;
	[tilespmem:$0x1E000] =	vst v63  }
0x1df: {  	_ =	swait.ge [sflag:s19], $0x4000  }
0x1e0: {  	[sflag:s19] =	ssyncset.done $0x0  }
0x1e1: {  	s16 =	simm.s32 $0x100;
	[sflag:s19] =	ssyncadd.s32 $0xFFFFC000  }
0x1e2: {  	[tilespmem:s23], [sflag:$0x1] =	stream.indirect.gather [hbm4b:s1+s22], $0x80, s16, s22, $0xb8;
	[tilespmem:$0x1E000] =	vst v63  }
0x1e3: {  	_ =	swait.ge [sflag:s26], $0x4000  }
0x1e4: {  	[sflag:s26] =	ssyncset.done $0x0  }
0x1e5: {  	s17 =	simm.s32 $0x5080;
	[sflag:s26] =	ssyncadd.s32 $0xFFFFC000  }
0x1e6: {  	[spmem:s3] =	stream.indirect.scatter.add.f32 [tilespmem:s24], [sflag:$0x3], $0x80, s17, s22, $0xb8;
	[tilespmem:$0x1E000] =	vst v63  }
0x1e7: {  	_ =	swait.ge [sflag:s19], $0x4000  }
0x1e8: {  	s0 =	simm.s32 $0x100;
	s7 =	simm.s32 $0x800;
	[sflag:s19] =	ssyncset.done $0x0  }
.LBB2_11:
0x1e9: {  	s8 =	sadd.s32 $0x80, s0  }
0x1ea: {  	[sflag:s19] =	ssyncadd.s32 $0xFFFFC000;
	s16 =	smov.u32 s7;
	s17 =	sadd.s32 $0x400, s7  }
0x1eb: {  	[tilespmem:s24], [sflag:$0x2] =	stream.indirect.gather [hbm4b:s1+s22], $0x80, s8, s22, $0xb8;
	[tilespmem:$0x1E000] =	vst v63  }
0x1ec: {  	p1 =	sne.s32 s7, $0x13800;
	_ =	swait.ge [sflag:s25], $0x4000  }
0x1ed: {  	[sflag:s25] =	ssyncset.done $0x0  }
0x1ee: {  	s7 =	sadd.s32 $0x5000, s0;
	[sflag:s25] =	ssyncadd.s32 $0xFFFFC000  }
0x1ef: {  	[spmem:s3] =	stream.indirect.scatter.add.f32 [tilespmem:s23], [sflag:$0x3], $0x80, s7, s22, $0xb8;
	[tilespmem:$0x1E000] =	vst v63  }
0x1f0: {  	_ =	swait.ge [sflag:s19], $0x4000  }
0x1f1: {  	[sflag:s19] =	ssyncset.done $0x0  }
0x1f2: {  	s7 =	sadd.s32 $0x100, s0;
	[sflag:s19] =	ssyncadd.s32 $0xFFFFC000  }
0x1f3: {  	[tilespmem:s23], [sflag:$0x1] =	stream.indirect.gather [hbm4b:s1+s22], $0x80, s7, s22, $0xb8;
	[tilespmem:$0x1E000] =	vst v63  }
0x1f4: {  	_ =	swait.ge [sflag:s26], $0x4000  }
.Ltmp12:
0x1f5: {  	[sflag:s26] =	ssyncset.done $0x0;
	(pc) =	sbr.rel @p1 .LBB2_11-.Ltmp12, $4  }
0x1f6: {  	s0 =	sadd.s32 $0x5080, s0;
	[sflag:s26] =	ssyncadd.s32 $0xFFFFC000  }
0x1f7: {  	[spmem:s3] =	stream.indirect.scatter.add.f32 [tilespmem:s24], [sflag:$0x3], $0x80, s0, s22, $0xb8;
	[tilespmem:$0x1E000] =	vst v63  }
0x1f8: {  	_ =	swait.ge [sflag:s19], $0x4000  }
0x1f9: {  	s7 =	smov.u32 s17;
	s0 =	sshra.s32 s16, $0x2;
	[sflag:s19] =	ssyncset.done $0x0  }
.Ltmp13:
0x1fa: {  	_ = 	snop;
	(pc) =	sbr.rel .LBB2_12-.Ltmp13, $1  }
0x1fb: {  	_ =	sdelay $0x3  }
.LBB2_23:
0x1fc: {  	_ =	sfence.sel $0x180000  }
0x1fd: {  	[bflag:$0x0] =	sbarrier.arrive $0xFFFF  }
0x1fe: {  	_ =	strace $0x9000004A  }
0x1ff: {  	[bflag:$0x2] =	sbarrier.arrive $0xFFFF  }
0x200: {  	p0 =	sne.s32 s2, $0x0;
	s0 =	rddreg [dreg:$0x3]  }
0x201: {  	s0 =	sadd.s32 @!p0 $0x100000, s0  }
0x202: {  	[sflag:s0] =	ssyncadd.tile.s32 @!p0 $0x1;
	_ =	shalt  }
.Lfunc_end2:
_tile_overlayer_lowered:
.L_overlay_start_2:
0x203: {  	(tag) =	ssettag $0x2  }
0x204: {  	s0 =	rddreg [dreg:$0x0];
	s2 =	stileid.u32  }
0x205: {  	s1 =	rddreg [dreg:$0x1];
	p0 =	sne.s32 s2, $0x0  }
0x206: {  	s3 =	rddreg [dreg:$0x2];
	[bflag:$0x3] =	sbarrier.arrive $0xFFFF;
	s2 =	simm.s32 @!p0 $0x1C03  }
0x207: {  	[timem:s3], [sflag:s2] =	dma.local @!p0 [hbm:s0], s1  }
0x208: {  	s0 =	simm.s32 @!p0 $0x3  }
0x209: {  	_ =	swait.ge @!p0 [sflag:s0], s1  }
0x20a: {  	s1 =	ssub.s32 @!p0 $0x0, s1;
	[sflag:s0] =	ssyncset.done @!p0 $0x0  }
0x20b: {  	[sflag:s0] =	ssyncadd.s32 @!p0 s1  }
0x20c: {  	[bflag:$0x3] =	sbarrier.arrive $0xFFFF  }
0x20d: {  	_ =	shalt  }

// kernel: kernel.14.cloned.1.call-start
scs
__scs_entry_jumppad:
0x0: {  	(pc) =	sbr.rel $0x88, $3  }
0x1: {  	(tag) =	ssettag $0x0;
	lr =	simm.s32 $0x1  }
0x2: {  	[smem:$0x3F9B] =	sst lr;
	_ =	strace $0xD0000000  }
0x3: {  	_ = 	snop  }
0x4: {  	_ = 	snop  }
0x5: {  	_ = 	snop  }
0x6: {  	_ = 	snop  }
0x7: {  	_ = 	snop  }
__scs_overlays_trampoline_lowered:
0x8: {  	[smem:$0x3FAA] =	sst s0  }
0x9: {  	[smem:$0x3FAB] =	sst s1  }
0xa: {  	[smem:$0x3FAC] =	sst s2  }
0xb: {  	[smem:$0x3FAD] =	sst s3  }
0xc: {  	[smem:$0x3FAE] =	sst s4  }
0xd: {  	[smem:$0x3FAF] =	sst s5  }
0xe: {  	[smem:$0x3FB0] =	sst s6  }
0xf: {  	[smem:$0x3FB1] =	sst s7  }
0x10: {  	[smem:$0x3FB2] =	sst s8  }
0x11: {  	[smem:$0x3FB3] =	sst s9;
	s0 =	simm.s32 @!p0 $0x0  }
0x12: {  	s1 =	sld [smem:$0x3F99];
	s0 =	simm.s32 @p0 $0x1  }
0x13: {  	[smem:$0x3FB4] =	sst s0;
	s0 =	simm.s32 @!p1 $0x0  }
0x14: {  	s2 =	sld [smem:$0x3F98];
	s0 =	simm.s32 @p1 $0x1  }
0x15: {  	[smem:$0x3FB5] =	sst s0;
	s0 =	simm.s32 @!p2 $0x0  }
0x16: {  	s3 =	sld [smem:$0x3FDB];
	s0 =	simm.s32 @p2 $0x1  }
0x17: {  	s4 =	simm.s32 $0x1BF5;
	[smem:$0x3FB7] =	sst s0  }
0x18: {  	s0 =	sld [smem:$0x3F9A];
	_ =	swait.ge [sflag:s4], $0x0  }
0x19: {  	s7 =	sld [smem:$0x3F9B]  }
0x1a: {  	s8 =	sadd.s32 $0xFFFFE003, lr  }
0x1b: {  	s9 =	sadd.s32 $0xFFFFFEF7, lr;
	s5 =	simm.s32 $0xFFFFFFFF;
	p2 =	slt.u32 s8, $0xFFFFF086  }
0x1c: {  	p1 =	slt.u32 s9, $0xF7A;
	s5 =	simm.s32 @!p2 $0x0  }
0x1d: {  	s5 =	simm.s32 @p1 $0x1;
	p0 =	seq.s32 s7, s2  }
0x1e: {  	s7 =	smul.u32 @!p0 $0xF7A, s2;
	p2 =	seq.s32 @!p0 s5, $0x0  }
0x1f: {  	s9 =	smul.u32 $0xF7A, s1;
	s8 =	simm.s32 @!p0 $0x1BF5;
	p2 =	por !p2, p0  }
0x20: {  	[sflag:s8] =	ssyncset.s32 @!p0 $0xFFFFF086;
	s6 =	sadd.s32 @!p0 s3, s7;
	s7 =	simm.s32 @!p0 $0x108  }
0x21: {  	s3 =	sadd.s32 s3, s9;
	s6 =	sadd.s32 @!p0 $0x88, s6;
	s7 =	simm.s32 @p2 $0x1082  }
0x22: {  	[simem:s7], [sflag:s8] =	dma.local @!p0 [hbm:s6], $0xF7A  }
0x23: {  	s9 =	sor.u32 $0xD0000000, s2;
	s6 =	simm.s32 $0x108;
	_ =	swait.ge @!p0 [sflag:s8], $0x0  }
0x24: {  	s3 =	sadd.s32 $0x88, s3;
	s6 =	simm.s32 @!p1 $0x1082;
	[sflag:s4] =	ssyncset.s32 $0xFFFFF086  }
0x25: {  	[simem:s6], [sflag:s4] =	dma.local [hbm:s3], $0xF7A  }
0x26: {  	[smem:$0x3F9B] =	sst s1;
	(tag) =	ssettag s2;
	_ =	strace s9  }
0x27: {  	s1 =	sld [smem:$0x3FAB]  }
0x28: {  	s2 =	sld [smem:$0x3FAC]  }
0x29: {  	s4 =	sld [smem:$0x3FAE]  }
0x2a: {  	p0 =	seq.s32 s5, $0x0;
	s5 =	sld [smem:$0x3FAF]  }
0x2b: {  	s6 =	sld [smem:$0x3FB0]  }
0x2c: {  	s7 =	sld [smem:$0x3FB1]  }
0x2d: {  	s3 =	simm.s32 $0x108;
	s8 =	sld [smem:$0x3FB2]  }
0x2e: {  	s3 =	simm.s32 @!p0 $0x1082;
	s9 =	sld [smem:$0x3FB3]  }
0x2f: {  	lr =	sadd.s32 s0, s3;
	s0 =	sld [smem:$0x3FAA]  }
0x30: {  	s3 =	sld [smem:$0x3FAD]  }
0x31: {  	[smem:$0x3FB6] =	sst s10  }
0x32: {  	s10 =	sld [smem:$0x3FB4];
	_ =	sdelay $0x3  }
0x33: {  	p0 =	seq.s32 s10, $0x1;
	s10 =	sld [smem:$0x3FB6];
	_ =	sdelay $0x3  }
0x34: {  	[smem:$0x3FB6] =	sst s10  }
0x35: {  	s10 =	sld [smem:$0x3FB5];
	_ =	sdelay $0x3  }
0x36: {  	p1 =	seq.s32 s10, $0x1;
	s10 =	sld [smem:$0x3FB6];
	_ =	sdelay $0x3  }
0x37: {  	[smem:$0x3FB6] =	sst s10  }
0x38: {  	s10 =	sld [smem:$0x3FB7]  }
0x39: {  	_ = 	snop;
	(pc) =	sbr.ind lr, $3  }
0x3a: {  	_ = 	snop  }
0x3b: {  	_ = 	snop  }
0x3c: {  	p2 =	seq.s32 s10, $0x1;
	s10 =	sld [smem:$0x3FB6]  }
0x3d: {  	_ =	shalt  }
0x3e: {  	_ =	shalt  }
0x3f: {  	_ =	shalt  }
0x40: {  	_ =	shalt  }
0x41: {  	_ =	shalt  }
0x42: {  	_ =	shalt  }
0x43: {  	_ =	shalt  }
0x44: {  	_ =	shalt  }
0x45: {  	_ =	shalt  }
0x46: {  	_ =	shalt  }
0x47: {  	_ =	shalt  }
0x48: {  	_ =	shalt  }
0x49: {  	_ =	shalt  }
0x4a: {  	_ =	shalt  }
0x4b: {  	_ =	shalt  }
0x4c: {  	_ =	shalt  }
0x4d: {  	_ =	shalt  }
0x4e: {  	_ =	shalt  }
0x4f: {  	_ =	shalt  }
0x50: {  	_ =	shalt  }
0x51: {  	_ =	shalt  }
0x52: {  	_ =	shalt  }
0x53: {  	_ =	shalt  }
0x54: {  	_ =	shalt  }
0x55: {  	_ =	shalt  }
0x56: {  	_ =	shalt  }
0x57: {  	_ =	shalt  }
0x58: {  	_ =	shalt  }
0x59: {  	_ =	shalt  }
0x5a: {  	_ =	shalt  }
0x5b: {  	_ =	shalt  }
0x5c: {  	_ =	shalt  }
0x5d: {  	_ =	shalt  }
0x5e: {  	_ =	shalt  }
0x5f: {  	_ =	shalt  }
0x60: {  	_ =	shalt  }
0x61: {  	_ =	shalt  }
0x62: {  	_ =	shalt  }
0x63: {  	_ =	shalt  }
0x64: {  	_ =	shalt  }
0x65: {  	_ =	shalt  }
0x66: {  	_ =	shalt  }
0x67: {  	_ =	shalt  }
0x68: {  	_ =	shalt  }
0x69: {  	_ =	shalt  }
0x6a: {  	_ =	shalt  }
0x6b: {  	_ =	shalt  }
0x6c: {  	_ =	shalt  }
0x6d: {  	_ =	shalt  }
0x6e: {  	_ =	shalt  }
0x6f: {  	_ =	shalt  }
0x70: {  	_ =	shalt  }
0x71: {  	_ =	shalt  }
0x72: {  	_ =	shalt  }
0x73: {  	_ =	shalt  }
0x74: {  	_ =	shalt  }
0x75: {  	_ =	shalt  }
0x76: {  	_ =	shalt  }
0x77: {  	_ =	shalt  }
0x78: {  	_ =	shalt  }
0x79: {  	_ =	shalt  }
0x7a: {  	_ =	shalt  }
0x7b: {  	_ =	shalt  }
0x7c: {  	_ =	shalt  }
0x7d: {  	_ =	shalt  }
0x7e: {  	_ =	shalt  }
0x7f: {  	_ =	shalt  }
0x80: {  	_ =	shalt  }
0x81: {  	_ =	shalt  }
0x82: {  	_ =	shalt  }
0x83: {  	_ =	shalt  }
0x84: {  	_ =	shalt  }
0x85: {  	_ =	shalt  }
0x86: {  	_ =	shalt  }
0x87: {  	_ =	shalt  }
.Lfunc_end0:
.L_simem_size_0:
called_computation.2_lowered:
.L_overlay_start_0:
0x88: {  	s2 =	sld [smem:$0x3FD9]  }
0x89: {  	s3 =	sld [smem:$0x3FFE];
	_ =	sdelay $0x1  }
0x8a: {  	s1 =	srdreg.scid  }
0x8b: {  	s0 =	sand.u32 $0x1, s1  }
0x8c: {  	s17 =	sshll.u32 s0, $0xA;
	s2 =	sadd.s32 s3, s2  }
0x8d: {  	s2 =	sadd.s32 s2, s17  }
0x8e: {  	[smem:$0x3FC2] =	sst s2  }
0x8f: {  	_ = 	snop  }
0x90: {  	s2 =	sld [smem:$0x3FD0];
	(tm) =	ssettm $0x1  }
0x91: {  	s18 =	sld [smem:$0x3FFB];
	_ =	sdelay $0x3  }
0x92: {  	_ =	strace s18  }
0x93: {  	s3 =	sld [smem:$0x3FFC];
	_ =	sdelay $0x3  }
0x94: {  	_ =	strace s3  }
0x95: {  	s3 =	sld [smem:$0x3FFD];
	_ =	sdelay $0x3  }
0x96: {  	_ =	strace s3  }
0x97: {  	_ =	strace $0x8FFFFFFF  }
0x98: {  	s19 =	sld [smem:$0x3FDB];
	_ =	sdelay $0x1  }
0x99: {  	s4 =	simm.s32 $_scs_section_size  }
0x9a: {  	s5 =	simm.s32 $_size__tile_overlayer_lowered;
	s6 =	simm.s32 $_tile_overlayer_lowered  }
0x9b: {  	s22 =	simm.s32 $0x1BFF;
	s21 =	sshll.u32 s6, $0x1;
	s3 =	sadd.s32 s4, s19  }
0x9c: {  	s7 =	simm.s32 $0x0;
	s20 =	sshll.u32 s5, $0x1;
	s5 =	sadd.s32 s21, s3  }
0x9d: {  	[timem:s7], [sflag:s22] =	dma.local [hbm:s5], s20  }
0x9e: {  	_ =	swait.ge [sflag:s22], s20  }
0x9f: {  	s4 =	ssub.s32 $0x0, s20;
	[sflag:s22] =	ssyncset.done $0x0  }
0xa0: {  	[sflag:s22] =	ssyncadd.s32 s4;
	_ =	sdelay $0x1  }
0xa1: {  	s23 =	simm.s32 $0x1B8B  }
0xa2: {  	_ =	swait.ge [sflag:s23], $0x1  }
0xa3: {  	[sflag:s23] =	ssyncset.done $0x0  }
0xa4: {  	s25 =	simm.s32 $0x1B8E;
	s24 =	sld [smem:$0x3FFE];
	[sflag:s23] =	ssyncadd.s32 $0xFFFFFFFF  }
0xa5: {  	s26 =	simm.s32 $execute0_lowered;
	[smem:$0x3FD2] =	sst s25  }
0xa6: {  	s5 =	sshll.u32 s26, $0x1;
	_ =	strace $0x8000004C;
	[dreg:$0x1] =	wrdreg $0xFFFFFFFF  }
0xa7: {  	s28 =	simm.s32 $_size_execute0_lowered;
	s3 =	sadd.s32 s3, s5;
	[dreg:$0x0] =	wrdreg $0x0  }
0xa8: {  	s5 =	sshll.u32 s28, $0x1;
	[dreg:$0x2] =	wrdreg s3  }
0xa9: {  	[dreg:$0x3] =	wrdreg s5  }
0xaa: {  	[dreg:$0x4] =	wrdreg $0xC0  }
0xab: {  	_ =	task [dreg:s7], $0x5FFFF  }
0xac: {  	[dreg:$0x1] =	wrdreg $0xFFFFFFFF  }
0xad: {  	[dreg:$0x0] =	wrdreg $0x60  }
0xae: {  	[dreg:$0x2] =	wrdreg s2  }
0xaf: {  	[dreg:$0x3] =	wrdreg s24  }
0xb0: {  	[dreg:$0x4] =	wrdreg $0x140000  }
0xb1: {  	[dreg:$0x5] =	wrdreg $0x9  }
0xb2: {  	_ =	task.clear_ibuf [dreg:s7], $0x6FFFF;
	_ =	strace $0x9000004C  }
0xb3: {  	s29 =	simm.s32 $0x9;
	_ =	strace $0x8000004E  }
0xb4: {  	_ =	swait.ge [sflag:s29], $0x1  }
0xb5: {  	[sflag:s29] =	ssyncadd.s32 $0xFFFFFFFF  }
0xb6: {  	_ =	strace $0x9000004E  }
0xb7: {  	_ =	sfence  }
0xb8: {  	s30 =	sld [smem:$0x0];
	_ =	sdelay $0x2  }
0xb9: {  	s31 =	sshll.u32 s1, $0xD;
	s1 =	sshrl.u32 s1, $0x2  }
0xba: {  	s3 =	sand.u32 $0x4000, s31;
	s1 =	sadd.s32 s1, s30  }
0xbb: {  	s0 =	sor.u32 s3, s0;
	s1 =	sshll.u32 s1, $0x11  }
0xbc: {  	s0 =	sor.u32 s1, s0  }
0xbd: {  	s0 =	sadd.s32 $0x8F2B, s0  }
0xbe: {  	[sflag:s0] =	ssyncadd.remote.s32 $0x1  }
0xbf: {  	_ =	sfence.sel $0xFFFF  }
0xc0: {  	[dreg:$0x0] =	wrdreg $0xFFFFFFFF;
	(pc) =	sbr.abs _section_cstart, $3  }
0xc1: {  	[dreg:$0x1] =	wrdreg $0xFFFFFFFF  }
0xc2: {  	_ =	task.clear_ibuf [dreg:s7], $0x2FFFF;
	_ =	strace $0x9FFFFFFF  }
0xc3: {  	(tm) =	ssettm $0x7FFFFFFF  }
tec
execute0_lowered:
.L_overlay_start_1:
0x0: {  	(tag) =	ssettag $0x1  }
0x1: {  	s1 =	rddreg [dreg:$0x0]  }
0x2: {  	s7 =	rddreg [dreg:$0x1]  }
0x3: {  	s3 =	rddreg [dreg:$0x2];
	s4 =	simm.s32 $0x0  }
0x4: {  	s2 =	stileid.u32;
	s5 =	srdreg.scid;
	s17 =	simm.s32 $0x3  }
0x5: {  	s18 =	simm.s32 $0x12000;
	s20 =	simm.s32 $0x80;
	s21 =	simm.s32 $0xA000  }
0x6: {  	s22 =	simm.s32 $0xE000;
	s23 =	simm.s32 $0x1;
	s24 =	simm.s32 $0x2  }
0x7: {  	s25 =	simm.s32 $0x4F80;
	s26 =	simm.s32 $0x9F00;
	s6 =	smul.u32 $0xA00, s2  }
0x8: {  	s28 =	simm.s32 $0x9F80;
	[smem:$0x7FF] =	sst s4;
	s10 =	smul.u32 $0x28000, s2  }
0x9: {  	s9 =	sand.u32 $0x1, s5;
	s5 =	sadd.s32 $0x3F600, s7;
	s15 =	smul.u32 $0x1400, s2  }
0xa: {  	_ =	strace $0x8000004D;
	s8 =	ssub.s32 $0x2, s9;
	p0 =	seq.s32 s9, $0x1  }
.Ltmp0:
0xb: {  	s14 =	sadd.s32 s6, s7;
	s6 =	sadd.s32 $0x66800, s7;
	(pc) =	sbr.rel .LBB2_1-.Ltmp0, $4  }
0xc: {  	s11 =	sshrl.u32 s8, $0x1;
	s7 =	sadd.s32 $0x7A800, s7;
	s10 =	sshrl.u32 s10, $0x2  }
0xd: {  	s16 =	ssub.s32 s8, s11;
	s8 =	sadd.s32 $0xE400, s14;
	s9 =	sadd.s32 s10, s3  }
0xe: {  	s14 =	sadd.s32 $0x4400, s14;
	s10 =	sadd.s32 $0x2000, s9;
	s11 =	sadd.s32 $0x4000, s9  }
0xf: {  	v0 =	vimm.f32 $0.0e+00;
	s12 =	sadd.s32 $0x6000, s9;
	s13 =	sadd.s32 $0x8000, s9;
	s16 =	smax.u32 s16, $0x1  }
.LBB2_8:
0x10: {  	s0 =	sadd.s32 $0x80, s29;
	[sflag:s17] =	ssyncadd.s32 $0xFFFFC000  }
0x11: {  	[tilespmem:s22], [sflag:$0x2] =	stream.indirect.gather [hbm4b:s1+s20], $0x80, s0, s20, $0xb8;
	[tilespmem:$0x1E000] =	vst v63  }
0x12: {  	_ =	swait.ge [sflag:s23], $0x4000  }
0x13: {  	[sflag:s23] =	ssyncset.done $0x0  }
0x14: {  	s19 =	sadd.s32 $0x5000, s29;
	[sflag:s23] =	ssyncadd.s32 $0xFFFFC000  }
0x15: {  	[spmem:s3] =	stream.indirect.scatter.add.f32 [tilespmem:s21], [sflag:$0x3], $0x80, s19, s20, $0xb8;
	[tilespmem:$0x1E000] =	vst v63  }
0x16: {  	_ =	swait.ge [sflag:s17], $0x4000  }
0x17: {  	[sflag:s17] =	ssyncset.done $0x0  }
0x18: {  	s30 =	sadd.s32 $0x100, s29;
	[sflag:s17] =	ssyncadd.s32 $0xFFFFC000  }
0x19: {  	[tilespmem:s21], [sflag:$0x1] =	stream.indirect.gather [hbm4b:s1+s20], $0x80, s30, s20, $0xb8;
	[tilespmem:$0x1E000] =	vst v63  }
0x1a: {  	_ =	swait.ge [sflag:s24], $0x4000  }
0x1b: {  	[sflag:s24] =	ssyncset.done $0x0  }
0x1c: {  	s31 =	sadd.s32 $0x5080, s29;
	[sflag:s24] =	ssyncadd.s32 $0xFFFFC000  }
0x1d: {  	[spmem:s3] =	stream.indirect.scatter.add.f32 [tilespmem:s22], [sflag:$0x3], $0x80, s31, s20, $0xb8;
	[tilespmem:$0x1E000] =	vst v63  }
0x1e: {  	_ =	swait.ge [sflag:s17], $0x4000  }
0x1f: {  	[sflag:s17] =	ssyncset.done $0x0  }
0x20: {  	s29 =	smov.u32 s6;
	[sflag:s17] =	ssyncadd.s32 $0xFFFFC000  }
0x21: {  	[tilespmem:s22], [sflag:$0x2] =	stream.indirect.gather [hbm4b:s1+s20], $0x80, s25, s20, $0xb8;
	[tilespmem:$0x1E000] =	vst v63  }
.LBB2_14:
0x22: {  	_ =	swait.ge [sflag:s23], $0x4000  }
0x23: {  	[sflag:s23] =	ssyncset.done $0x0  }
0x24: {  	[sflag:s23] =	ssyncadd.s32 $0xFFFFC000  }
0x25: {  	[spmem:s3] =	stream.indirect.scatter.add.f32 [tilespmem:s21], [sflag:$0x3], $0x80, s26, s20, $0xb8;
	[tilespmem:$0x1E000] =	vst v63  }
0x26: {  	_ =	swait.ge [sflag:s17], $0x4000  }
0x27: {  	[sflag:s17] =	ssyncset.done $0x0  }
0x28: {  	[sflag:s17] =	ssyncadd.s32 $0xFFFFC000  }
0x29: {  	_ =	swait.ge [sflag:s24], $0x4000  }
0x2a: {  	[sflag:s24] =	ssyncset.done $0x0  }
0x2b: {  	[sflag:s24] =	ssyncadd.s32 $0xFFFFC000  }
0x2c: {  	[spmem:s3] =	stream.indirect.scatter.add.f32 [tilespmem:s22], [sflag:$0x3], $0x80, s28, s20, $0xb8;
	[tilespmem:$0x1E000] =	vst v63  }
0x2d: {  	s0 =	sadd.s32 s29, s15;
	_ =	swait.ge [sflag:s17], $0x4000  }
0x2e: {  	s19 =	sshll.u32 s2, $0x6;
	s4 =	sadd.s32 $0x1, s4;
	[sflag:s17] =	ssyncset.done $0x0  }
0x2f: {  	s31 =	sshrl.u32 s9, $0x3;
	p1 =	sne.s32 s4, s16;
	[sflag:s17] =	ssyncadd.s32 $0xFFFFC000  }
.Ltmp1:
0x30: {  	s19 =	sor.u32 $0x1C03, s19;
	[bflag:$0x0] =	sbarrier.arrive $0xFFFF;
	(pc) =	sbr.rel @!p1 .LBB2_15-.Ltmp1, $4  }
0x31: {  	[hbm:s0], [sflag:s19] =	dma.local [spmem:s31], $0x1400  }
0x32: {  	_ =	swait.ge [sflag:s17], $0x1400  }
0x33: {  	[sflag:s17] =	ssyncset.done $0x0  }
0x34: {  	[sflag:s17] =	ssyncadd.s32 $0xFFFFEC00  }
.LBB2_1:
0x35: {  	s29 =	simm.s32 $0x0;
	s30 =	simm.s32 $0x200  }
.LBB2_2:
0x36: {  	p1 =	sne.s32 s30, $0x7E00;
	[tilespmem:s29+$0x12070] =	vst v0  }
0x37: {  	[tilespmem:s29+$0x12000] =	vst v0  }
0x38: {  	[tilespmem:s29+$0x12010] =	vst v0  }
.Ltmp2:
0x39: {  	[tilespmem:s29+$0x12020] =	vst v0;
	(pc) =	sbr.rel @p1 .LBB2_2-.Ltmp2, $4  }
0x3a: {  	[tilespmem:s29+$0x12030] =	vst v0  }
0x3b: {  	[tilespmem:s29+$0x12040] =	vst v0  }
0x3c: {  	[tilespmem:s29+$0x12050] =	vst v0  }
0x3d: {  	[tilespmem:s29+$0x12060] =	vst v0;
	s29 =	sshra.s32 s30, $0x2;
	s30 =	sadd.s32 $0x200, s30  }
0x3e: {  	[tilespmem:s29+$0x12070] =	vst v0  }
0x3f: {  	[tilespmem:s29+$0x12000] =	vst v0  }
0x40: {  	[tilespmem:s29+$0x12010] =	vst v0  }
0x41: {  	[tilespmem:s29+$0x12020] =	vst v0  }
0x42: {  	[tilespmem:s29+$0x12030] =	vst v0  }
0x43: {  	[tilespmem:s29+$0x12040] =	vst v0  }
0x44: {  	[tilespmem:s29+$0x12050] =	vst v0  }
0x45: {  	[tilespmem:s29+$0x12060] =	vst v0;
	s29 =	simm.s32 $0x0  }
0x46: {  	[tilespmem:s29], [sflag:$0x3] =	stream.linear.gather [hbm4b:s8+s29], $0x5000, $0x38;
	[tilespmem:$0x1E000] =	vst v63  }
0x47: {  	_ =	swait.ge [sflag:s17], $0x5000  }
0x48: {  	[sflag:s17] =	ssyncset.done $0x0  }
0x49: {  	[sflag:s17] =	ssyncadd.s32 $0xFFFFB000  }
0x4a: {  	[spmem:s9] =	stream.linear.scatter [tilespmem:s18], [sflag:$0x3], $0x2000, $0x38;
	[tilespmem:$0x1E000] =	vst v63  }
0x4b: {  	_ =	swait.ge [sflag:s17], $0x2000  }
0x4c: {  	[sflag:s17] =	ssyncset.done $0x0  }
0x4d: {  	[sflag:s17] =	ssyncadd.s32 $0xFFFFE000  }
0x4e: {  	[spmem:s10] =	stream.linear.scatter [tilespmem:s18], [sflag:$0x3], $0x2000, $0x38;
	[tilespmem:$0x1E000] =	vst v63  }
0x4f: {  	_ =	swait.ge [sflag:s17], $0x2000  }
0x50: {  	[sflag:s17] =	ssyncset.done $0x0  }
0x51: {  	[sflag:s17] =	ssyncadd.s32 $0xFFFFE000  }
0x52: {  	[spmem:s11] =	stream.linear.scatter [tilespmem:s18], [sflag:$0x3], $0x2000, $0x38;
	[tilespmem:$0x1E000] =	vst v63  }
0x53: {  	_ =	swait.ge [sflag:s17], $0x2000  }
0x54: {  	[sflag:s17] =	ssyncset.done $0x0  }
0x55: {  	[sflag:s17] =	ssyncadd.s32 $0xFFFFE000  }
0x56: {  	[spmem:s12] =	stream.linear.scatter [tilespmem:s18], [sflag:$0x3], $0x2000, $0x38;
	[tilespmem:$0x1E000] =	vst v63  }
0x57: {  	_ =	swait.ge [sflag:s17], $0x2000  }
0x58: {  	[sflag:s17] =	ssyncset.done $0x0  }
0x59: {  	[sflag:s17] =	ssyncadd.s32 $0xFFFFE000  }
0x5a: {  	[spmem:s13] =	stream.linear.scatter [tilespmem:s18], [sflag:$0x3], $0x2000, $0x38;
	[tilespmem:$0x1E000] =	vst v63  }
0x5b: {  	_ =	swait.ge [sflag:s17], $0x2000  }
0x5c: {  	[sflag:s17] =	ssyncset.done $0x0  }
.Ltmp3:
0x5d: {  	s0 =	simm.s32 $0x5000;
	[sflag:s17] =	ssyncadd.s32 $0xFFFFE000;
	(pc) =	sbr.rel @!p0 .LBB2_4-.Ltmp3, $4  }
0x5e: {  	[tilespmem:s0], [sflag:$0x3] =	stream.linear.gather [hbm4b:s14+s29], $0x5000, $0x38;
	[tilespmem:$0x1E000] =	vst v63  }
0x5f: {  	_ =	swait.ge [sflag:s17], $0x5000  }
0x60: {  	[sflag:s17] =	ssyncset.done $0x0  }
0x61: {  	s29 =	simm.s32 $0x0;
	[sflag:s17] =	ssyncadd.s32 $0xFFFFB000  }
0x62: {  	v1 =	vld [tilespmem:s29+$0x5000]  }
0x63: {  	v2 =	vld [tilespmem:s29+$0x5010];
	_ =	sdelay $0x2  }
0x64: {  	v3 =	vld [tilespmem:s29+$0x5020]  }
0x65: {  	v8 =	vld [tilespmem:s29+$0x5030]  }
0x66: {  	v4 =	vadd.s32 $0xFFFFEC78, v1;
	v1 =	vand.u32 $0x3F, v1;
	v6 =	vadd.s32 $0xFFFFEC78, v2  }
0x67: {  	v5 =	vld [tilespmem:s29+$0x5040];
	v2 =	vand.u32 $0x3F, v2;
	vm0 =	vlt.u32 v4, $0x1388;
	v1 =	vadd.s32 $0x1388, v1  }
0x68: {  	v4 =	vsel vm0, v4, v1;
	vm0 =	vlt.u32 v6, $0x1388;
	v1 =	vadd.s32 $0x1388, v2  }
0x69: {  	v2 =	vsel vm0, v6, v1;
	v6 =	vadd.s32 $0xFFFFEC78, v3;
	v1 =	vand.u32 $0x3F, v3;
	v3 =	vld [tilespmem:s29+$0x5050]  }
0x6a: {  	v7 =	vadd.s32 $0xFFFFEC78, v8;
	vm0 =	vlt.u32 v6, $0x1388;
	v9 =	vadd.s32 $0x1388, v1;
	v1 =	vld [tilespmem:s29+$0x5060]  }
0x6b: {  	s30 =	simm.s32 $0x200;
	v8 =	vand.u32 $0x3F, v8;
	v6 =	vsel vm0, v6, v9;
	vm0 =	vlt.u32 v7, $0x1388  }
.LBB2_10:
0x6c: {  	p1 =	sne.s32 s30, $0x13E00;
	v8 =	vadd.s32 $0x1388, v8;
	v9 =	vadd.s32 $0xFFFFEC78, v5;
	v5 =	vand.u32 $0x3F, v5;
	v10 =	vld [tilespmem:s29+$0x5070]  }
0x6d: {  	s0 =	sshra.s32 s30, $0x2;
	[tilespmem:s29+$0x5000] =	vst v4;
	v4 =	vsel vm0, v7, v8;
	vm0 =	vlt.u32 v9, $0x1388;
	v5 =	vadd.s32 $0x1388, v5  }
0x6e: {  	v7 =	vld [tilespmem:s0+$0x5000];
	[tilespmem:s29+$0x5010] =	vst v2;
	v2 =	vsel vm0, v9, v5;
	v5 =	vadd.s32 $0xFFFFEC78, v3;
	v3 =	vand.u32 $0x3F, v3  }
0x6f: {  	[tilespmem:s29+$0x5020] =	vst v6;
	vm0 =	vlt.u32 v5, $0x1388;
	v3 =	vadd.s32 $0x1388, v3;
	v6 =	vadd.s32 $0xFFFFEC78, v1  }
0x70: {  	v1 =	vand.u32 $0x3F, v1;
	v8 =	vld [tilespmem:s0+$0x5010];
	[tilespmem:s29+$0x5030] =	vst v4;
	v3 =	vsel vm0, v5, v3;
	vm0 =	vlt.u32 v6, $0x1388  }
0x71: {  	v1 =	vadd.s32 $0x1388, v1;
	[tilespmem:s29+$0x5040] =	vst v2;
	v2 =	vadd.s32 $0xFFFFEC78, v10;
	v4 =	vand.u32 $0x3F, v10  }
0x72: {  	v1 =	vsel vm0, v6, v1;
	v9 =	vld [tilespmem:s0+$0x5020];
	[tilespmem:s29+$0x5050] =	vst v3;
	vm0 =	vlt.u32 v2, $0x1388;
	v3 =	vadd.s32 $0x1388, v4  }
0x73: {  	v4 =	vadd.s32 $0xFFFFEC78, v7;
	v10 =	vld [tilespmem:s0+$0x5030];
	[tilespmem:s29+$0x5060] =	vst v1;
	v1 =	vsel vm0, v2, v3  }
0x74: {  	v2 =	vand.u32 $0x3F, v7;
	vm0 =	vlt.u32 v4, $0x1388;
	[tilespmem:s29+$0x5070] =	vst v1;
	s29 =	smov.u32 s0  }
.Ltmp4:
0x75: {  	v1 =	vadd.s32 $0x1388, v2;
	v2 =	vadd.s32 $0xFFFFEC78, v8;
	v3 =	vand.u32 $0x3F, v8;
	v5 =	vld [tilespmem:s29+$0x5040];
	(pc) =	sbr.rel @p1 .LBB2_10-.Ltmp4, $4  }
0x76: {  	v4 =	vsel vm0, v4, v1;
	vm0 =	vlt.u32 v2, $0x1388;
	v1 =	vadd.s32 $0x1388, v3  }
0x77: {  	v2 =	vsel vm0, v2, v1;
	v6 =	vadd.s32 $0xFFFFEC78, v9;
	v1 =	vand.u32 $0x3F, v9;
	v3 =	vld [tilespmem:s29+$0x5050]  }
0x78: {  	vm0 =	vlt.u32 v6, $0x1388;
	v8 =	vadd.s32 $0x1388, v1;
	v7 =	vadd.s32 $0xFFFFEC78, v10;
	v1 =	vld [tilespmem:s29+$0x5060]  }
0x79: {  	s30 =	sadd.s32 $0x200, s30;
	v6 =	vsel vm0, v6, v8;
	vm0 =	vlt.u32 v7, $0x1388;
	v8 =	vand.u32 $0x3F, v10  }
0x7a: {  	v8 =	vadd.s32 $0x1388, v8;
	v9 =	vadd.s32 $0xFFFFEC78, v5;
	v59 =	vand.u32 $0x3F, v5;
	v10 =	vld [tilespmem:s29+$0x5070]  }
0x7b: {  	[tilespmem:s29+$0x5000] =	vst v4;
	v60 =	vsel vm0, v7, v8;
	vm12 =	vlt.u32 v9, $0x1388;
	v5 =	vadd.s32 $0x1388, v59  }
0x7c: {  	[tilespmem:s29+$0x5010] =	vst v2;
	v2 =	vsel vm12, v9, v5;
	v61 =	vadd.s32 $0xFFFFEC78, v3;
	v3 =	vand.u32 $0x3F, v3  }
0x7d: {  	[tilespmem:s29+$0x5020] =	vst v6;
	vm13 =	vlt.u32 v61, $0x1388;
	v3 =	vadd.s32 $0x1388, v3;
	v62 =	vadd.s32 $0xFFFFEC78, v1  }
0x7e: {  	[tilespmem:s29+$0x5030] =	vst v60;
	v1 =	vand.u32 $0x3F, v1;
	v3 =	vsel vm13, v61, v3;
	vm14 =	vlt.u32 v62, $0x1388  }
0x7f: {  	[tilespmem:s29+$0x5040] =	vst v2;
	v1 =	vadd.s32 $0x1388, v1;
	v2 =	vadd.s32 $0xFFFFEC78, v10;
	v63 =	vand.u32 $0x3F, v10  }
0x80: {  	[tilespmem:s29+$0x5050] =	vst v3;
	v1 =	vsel vm14, v62, v1;
	vm15 =	vlt.u32 v2, $0x1388;
	v3 =	vadd.s32 $0x1388, v63  }
0x81: {  	[tilespmem:s29+$0x5060] =	vst v1;
	v1 =	vsel vm15, v2, v3  }
0x82: {  	[tilespmem:s29+$0x5070] =	vst v1  }
0x83: {  	s0 =	simm.s32 $0x0;
	[bflag:$0x0] =	sbarrier.arrive $0xFFFF  }
0x84: {  	[tilespmem:s21], [sflag:$0x1] =	stream.indirect.gather [hbm4b:s5+s20], $0x80, s0, s20, $0xb8;
	[tilespmem:$0x1E000] =	vst v63  }
0x85: {  	s19 =	simm.s32 $0x80  }
0x86: {  	[tilespmem:s22], [sflag:$0x2] =	stream.indirect.gather [hbm4b:s5+s20], $0x80, s19, s20, $0xb8;
	[tilespmem:$0x1E000] =	vst v63  }
0x87: {  	_ =	swait.ge [sflag:s23], $0x4000  }
0x88: {  	[sflag:s23] =	ssyncset.done $0x0  }
0x89: {  	s31 =	simm.s32 $0x5000;
	[sflag:s23] =	ssyncadd.s32 $0xFFFFC000  }
0x8a: {  	[spmem:s3] =	stream.indirect.scatter.add.f32 [tilespmem:s21], [sflag:$0x3], $0x80, s31, s20, $0xb8;
	[tilespmem:$0x1E000] =	vst v63  }
0x8b: {  	_ =	swait.ge [sflag:s17], $0x4000  }
0x8c: {  	[sflag:s17] =	ssyncset.done $0x0  }
0x8d: {  	s19 =	simm.s32 $0x100;
	[sflag:s17] =	ssyncadd.s32 $0xFFFFC000  }
0x8e: {  	[tilespmem:s21], [sflag:$0x1] =	stream.indirect.gather [hbm4b:s5+s20], $0x80, s19, s20, $0xb8;
	[tilespmem:$0x1E000] =	vst v63  }
0x8f: {  	_ =	swait.ge [sflag:s24], $0x4000  }
0x90: {  	[sflag:s24] =	ssyncset.done $0x0  }
0x91: {  	s31 =	simm.s32 $0x5080;
	[sflag:s24] =	ssyncadd.s32 $0xFFFFC000  }
0x92: {  	[spmem:s3] =	stream.indirect.scatter.add.f32 [tilespmem:s22], [sflag:$0x3], $0x80, s31, s20, $0xb8;
	[tilespmem:$0x1E000] =	vst v63  }
0x93: {  	_ =	swait.ge [sflag:s17], $0x4000  }
0x94: {  	s30 =	simm.s32 $0x800;
	s29 =	simm.s32 $0x100;
	[sflag:s17] =	ssyncset.done $0x0  }
.LBB2_12:
0x95: {  	s0 =	sadd.s32 $0x80, s29  }
0x96: {  	[sflag:s17] =	ssyncadd.s32 $0xFFFFC000;
	s19 =	smov.u32 s30;
	s31 =	sadd.s32 $0x400, s30  }
0x97: {  	[tilespmem:s22], [sflag:$0x2] =	stream.indirect.gather [hbm4b:s5+s20], $0x80, s0, s20, $0xb8;
	[tilespmem:$0x1E000] =	vst v63  }
0x98: {  	p1 =	sne.s32 s30, $0x13800;
	_ =	swait.ge [sflag:s23], $0x4000  }
0x99: {  	[sflag:s23] =	ssyncset.done $0x0  }
0x9a: {  	s0 =	sadd.s32 $0x5000, s29;
	[sflag:s23] =	ssyncadd.s32 $0xFFFFC000  }
0x9b: {  	[spmem:s3] =	stream.indirect.scatter.add.f32 [tilespmem:s21], [sflag:$0x3], $0x80, s0, s20, $0xb8;
	[tilespmem:$0x1E000] =	vst v63  }
0x9c: {  	_ =	swait.ge [sflag:s17], $0x4000  }
0x9d: {  	[sflag:s17] =	ssyncset.done $0x0  }
0x9e: {  	s0 =	sadd.s32 $0x100, s29;
	[sflag:s17] =	ssyncadd.s32 $0xFFFFC000  }
0x9f: {  	[tilespmem:s21], [sflag:$0x1] =	stream.indirect.gather [hbm4b:s5+s20], $0x80, s0, s20, $0xb8;
	[tilespmem:$0x1E000] =	vst v63  }
0xa0: {  	_ =	swait.ge [sflag:s24], $0x4000  }
.Ltmp5:
0xa1: {  	[sflag:s24] =	ssyncset.done $0x0;
	(pc) =	sbr.rel @p1 .LBB2_12-.Ltmp5, $4  }
0xa2: {  	s0 =	sadd.s32 $0x5080, s29;
	[sflag:s24] =	ssyncadd.s32 $0xFFFFC000  }
0xa3: {  	[spmem:s3] =	stream.indirect.scatter.add.f32 [tilespmem:s22], [sflag:$0x3], $0x80, s0, s20, $0xb8;
	[tilespmem:$0x1E000] =	vst v63  }
0xa4: {  	_ =	swait.ge [sflag:s17], $0x4000  }
0xa5: {  	s30 =	smov.u32 s31;
	s29 =	sshra.s32 s19, $0x2;
	[sflag:s17] =	ssyncset.done $0x0  }
0xa6: {  	s0 =	sadd.s32 $0x80, s29;
	[sflag:s17] =	ssyncadd.s32 $0xFFFFC000  }
0xa7: {  	[tilespmem:s22], [sflag:$0x2] =	stream.indirect.gather [hbm4b:s5+s20], $0x80, s0, s20, $0xb8;
	[tilespmem:$0x1E000] =	vst v63  }
0xa8: {  	_ =	swait.ge [sflag:s23], $0x4000  }
0xa9: {  	[sflag:s23] =	ssyncset.done $0x0  }
0xaa: {  	s19 =	sadd.s32 $0x5000, s29;
	[sflag:s23] =	ssyncadd.s32 $0xFFFFC000  }
0xab: {  	[spmem:s3] =	stream.indirect.scatter.add.f32 [tilespmem:s21], [sflag:$0x3], $0x80, s19, s20, $0xb8;
	[tilespmem:$0x1E000] =	vst v63  }
0xac: {  	_ =	swait.ge [sflag:s17], $0x4000  }
0xad: {  	[sflag:s17] =	ssyncset.done $0x0  }
0xae: {  	s30 =	sadd.s32 $0x100, s29;
	[sflag:s17] =	ssyncadd.s32 $0xFFFFC000  }
0xaf: {  	[tilespmem:s21], [sflag:$0x1] =	stream.indirect.gather [hbm4b:s5+s20], $0x80, s30, s20, $0xb8;
	[tilespmem:$0x1E000] =	vst v63  }
0xb0: {  	_ =	swait.ge [sflag:s24], $0x4000  }
0xb1: {  	[sflag:s24] =	ssyncset.done $0x0  }
0xb2: {  	s31 =	sadd.s32 $0x5080, s29;
	[sflag:s24] =	ssyncadd.s32 $0xFFFFC000  }
0xb3: {  	[spmem:s3] =	stream.indirect.scatter.add.f32 [tilespmem:s22], [sflag:$0x3], $0x80, s31, s20, $0xb8;
	[tilespmem:$0x1E000] =	vst v63  }
.Ltmp6:
0xb4: {  	_ = 	snop;
	(pc) =	sbr.rel .LBB2_14-.Ltmp6, $4  }
0xb5: {  	_ =	swait.ge [sflag:s17], $0x4000  }
0xb6: {  	[sflag:s17] =	ssyncset.done $0x0  }
0xb7: {  	s29 =	smov.u32 s7;
	[sflag:s17] =	ssyncadd.s32 $0xFFFFC000  }
0xb8: {  	[tilespmem:s22], [sflag:$0x2] =	stream.indirect.gather [hbm4b:s5+s20], $0x80, s25, s20, $0xb8;
	[tilespmem:$0x1E000] =	vst v63  }
.LBB2_4:
0xb9: {  	v5 =	vld [tilespmem:s29+$0x5000]  }
0xba: {  	v2 =	vld [tilespmem:s29+$0x5010]  }
0xbb: {  	v3 =	vld [tilespmem:s29+$0x5020]  }
0xbc: {  	v6 =	vld [tilespmem:s29+$0x5030];
	_ =	sdelay $0x2  }
0xbd: {  	v1 =	vld [tilespmem:s29+$0x5040];
	v4 =	vand.u32 $0x3F, v5  }
0xbe: {  	vm0 =	vlt.u32 v5, $0x1388;
	v8 =	vand.u32 $0x3F, v2;
	v7 =	vadd.s32 $0x1388, v4;
	v4 =	vld [tilespmem:s29+$0x5050]  }
0xbf: {  	vm1 =	vlt.u32 v3, $0x1388;
	v10 =	vand.u32 $0x3F, v3;
	v9 =	vand.u32 $0x3F, v6  }
0xc0: {  	s30 =	simm.s32 $0x200;
	v8 =	vadd.s32 $0x1388, v8;
	v7 =	vsel vm0, v5, v7;
	vm0 =	vlt.u32 v2, $0x1388;
	v5 =	vld [tilespmem:s29+$0x5060]  }
.LBB2_5:
0xc1: {  	p1 =	sne.s32 s30, $0x13E00;
	v10 =	vadd.s32 $0x1388, v10;
	vm2 =	vlt.u32 v6, $0x1388;
	v9 =	vadd.s32 $0x1388, v9;
	v11 =	vld [tilespmem:s29+$0x5070]  }
0xc2: {  	s31 =	sshra.s32 s30, $0x2;
	v2 =	vsel vm0, v2, v8;
	[tilespmem:s29+$0x5000] =	vst v7;
	v3 =	vsel vm1, v3, v10;
	v6 =	vsel vm2, v6, v9  }
0xc3: {  	vm0 =	vlt.u32 v1, $0x1388;
	v8 =	vand.u32 $0x3F, v1;
	v7 =	vld [tilespmem:s31+$0x5000];
	[tilespmem:s29+$0x5010] =	vst v2;
	v9 =	vand.u32 $0x3F, v4  }
0xc4: {  	v8 =	vadd.s32 $0x1388, v8;
	vm1 =	vlt.u32 v4, $0x1388;
	v2 =	vld [tilespmem:s31+$0x5010];
	[tilespmem:s29+$0x5020] =	vst v3;
	v9 =	vadd.s32 $0x1388, v9  }
0xc5: {  	v1 =	vsel vm0, v1, v8;
	v3 =	vld [tilespmem:s31+$0x5020];
	[tilespmem:s29+$0x5030] =	vst v6;
	v4 =	vsel vm1, v4, v9;
	v8 =	vand.u32 $0x3F, v5  }
0xc6: {  	vm0 =	vlt.u32 v5, $0x1388;
	v6 =	vld [tilespmem:s31+$0x5030];
	[tilespmem:s29+$0x5040] =	vst v1;
	v1 =	vadd.s32 $0x1388, v8;
	v8 =	vand.u32 $0x3F, v11  }
.Ltmp7:
0xc7: {  	[tilespmem:s29+$0x5050] =	vst v4;
	v4 =	vsel vm0, v5, v1;
	vm0 =	vlt.u32 v11, $0x1388;
	v5 =	vadd.s32 $0x1388, v8;
	(pc) =	sbr.rel @p1 .LBB2_5-.Ltmp7, $4  }
0xc8: {  	v8 =	vand.u32 $0x3F, v7;
	v1 =	vld [tilespmem:s31+$0x5040];
	[tilespmem:s29+$0x5060] =	vst v4;
	v5 =	vsel vm0, v11, v5  }
0xc9: {  	vm0 =	vlt.u32 v7, $0x1388;
	v8 =	vadd.s32 $0x1388, v8;
	v9 =	vand.u32 $0x3F, v2;
	v4 =	vld [tilespmem:s31+$0x5050];
	[tilespmem:s29+$0x5070] =	vst v5;
	s29 =	smov.u32 s31  }
0xca: {  	v7 =	vsel vm0, v7, v8;
	vm0 =	vlt.u32 v2, $0x1388;
	v8 =	vadd.s32 $0x1388, v9  }
0xcb: {  	s30 =	sadd.s32 $0x200, s30;
	vm1 =	vlt.u32 v3, $0x1388;
	v10 =	vand.u32 $0x3F, v3;
	v9 =	vand.u32 $0x3F, v6;
	v5 =	vld [tilespmem:s29+$0x5060]  }
0xcc: {  	v10 =	vadd.s32 $0x1388, v10;
	vm2 =	vlt.u32 v6, $0x1388;
	v9 =	vadd.s32 $0x1388, v9;
	v11 =	vld [tilespmem:s29+$0x5070]  }
0xcd: {  	[tilespmem:s29+$0x5000] =	vst v7;
	v2 =	vsel vm0, v2, v8;
	v3 =	vsel vm1, v3, v10;
	v6 =	vsel vm2, v6, v9  }
0xce: {  	[tilespmem:s29+$0x5010] =	vst v2;
	vm12 =	vlt.u32 v1, $0x1388;
	v2 =	vand.u32 $0x3F, v1;
	v63 =	vand.u32 $0x3F, v4  }
0xcf: {  	[tilespmem:s29+$0x5020] =	vst v3;
	v2 =	vadd.s32 $0x1388, v2;
	vm13 =	vlt.u32 v4, $0x1388;
	v3 =	vadd.s32 $0x1388, v63  }
0xd0: {  	[tilespmem:s29+$0x5030] =	vst v6;
	v1 =	vsel vm12, v1, v2;
	v2 =	vsel vm13, v4, v3;
	v3 =	vand.u32 $0x3F, v5  }
0xd1: {  	[tilespmem:s29+$0x5040] =	vst v1;
	vm14 =	vlt.u32 v5, $0x1388;
	v1 =	vadd.s32 $0x1388, v3;
	v3 =	vand.u32 $0x3F, v11  }
0xd2: {  	[tilespmem:s29+$0x5050] =	vst v2;
	vm15 =	vlt.u32 v11, $0x1388;
	v1 =	vsel vm14, v5, v1;
	v2 =	vadd.s32 $0x1388, v3  }
0xd3: {  	[tilespmem:s29+$0x5060] =	vst v1;
	v1 =	vsel vm15, v11, v2  }
0xd4: {  	[tilespmem:s29+$0x5070] =	vst v1  }
0xd5: {  	s29 =	simm.s32 $0x0;
	[bflag:$0x0] =	sbarrier.arrive $0xFFFF  }
0xd6: {  	[tilespmem:s21], [sflag:$0x1] =	stream.indirect.gather [hbm4b:s1+s20], $0x80, s29, s20, $0xb8;
	[tilespmem:$0x1E000] =	vst v63  }
0xd7: {  	s29 =	simm.s32 $0x80  }
0xd8: {  	[tilespmem:s22], [sflag:$0x2] =	stream.indirect.gather [hbm4b:s1+s20], $0x80, s29, s20, $0xb8;
	[tilespmem:$0x1E000] =	vst v63  }
0xd9: {  	_ =	swait.ge [sflag:s23], $0x4000  }
0xda: {  	[sflag:s23] =	ssyncset.done $0x0  }
0xdb: {  	s29 =	simm.s32 $0x5000;
	[sflag:s23] =	ssyncadd.s32 $0xFFFFC000  }
0xdc: {  	[spmem:s3] =	stream.indirect.scatter.add.f32 [tilespmem:s21], [sflag:$0x3], $0x80, s29, s20, $0xb8;
	[tilespmem:$0x1E000] =	vst v63  }
0xdd: {  	_ =	swait.ge [sflag:s17], $0x4000  }
0xde: {  	[sflag:s17] =	ssyncset.done $0x0  }
0xdf: {  	s29 =	simm.s32 $0x100;
	[sflag:s17] =	ssyncadd.s32 $0xFFFFC000  }
0xe0: {  	[tilespmem:s21], [sflag:$0x1] =	stream.indirect.gather [hbm4b:s1+s20], $0x80, s29, s20, $0xb8;
	[tilespmem:$0x1E000] =	vst v63  }
0xe1: {  	_ =	swait.ge [sflag:s24], $0x4000  }
0xe2: {  	[sflag:s24] =	ssyncset.done $0x0  }
0xe3: {  	s29 =	simm.s32 $0x5080;
	[sflag:s24] =	ssyncadd.s32 $0xFFFFC000  }
0xe4: {  	[spmem:s3] =	stream.indirect.scatter.add.f32 [tilespmem:s22], [sflag:$0x3], $0x80, s29, s20, $0xb8;
	[tilespmem:$0x1E000] =	vst v63  }
0xe5: {  	_ =	swait.ge [sflag:s17], $0x4000  }
0xe6: {  	s30 =	simm.s32 $0x800;
	s29 =	simm.s32 $0x100;
	[sflag:s17] =	ssyncset.done $0x0  }
.LBB2_7:
0xe7: {  	s31 =	sadd.s32 $0x80, s29  }
0xe8: {  	[sflag:s17] =	ssyncadd.s32 $0xFFFFC000;
	s0 =	smov.u32 s30;
	s19 =	sadd.s32 $0x400, s30  }
0xe9: {  	[tilespmem:s22], [sflag:$0x2] =	stream.indirect.gather [hbm4b:s1+s20], $0x80, s31, s20, $0xb8;
	[tilespmem:$0x1E000] =	vst v63  }
0xea: {  	p1 =	sne.s32 s30, $0x13800;
	_ =	swait.ge [sflag:s23], $0x4000  }
0xeb: {  	[sflag:s23] =	ssyncset.done $0x0  }
0xec: {  	s30 =	sadd.s32 $0x5000, s29;
	[sflag:s23] =	ssyncadd.s32 $0xFFFFC000  }
0xed: {  	[spmem:s3] =	stream.indirect.scatter.add.f32 [tilespmem:s21], [sflag:$0x3], $0x80, s30, s20, $0xb8;
	[tilespmem:$0x1E000] =	vst v63  }
0xee: {  	_ =	swait.ge [sflag:s17], $0x4000  }
0xef: {  	[sflag:s17] =	ssyncset.done $0x0  }
0xf0: {  	s30 =	sadd.s32 $0x100, s29;
	[sflag:s17] =	ssyncadd.s32 $0xFFFFC000  }
0xf1: {  	[tilespmem:s21], [sflag:$0x1] =	stream.indirect.gather [hbm4b:s1+s20], $0x80, s30, s20, $0xb8;
	[tilespmem:$0x1E000] =	vst v63  }
0xf2: {  	_ =	swait.ge [sflag:s24], $0x4000  }
.Ltmp8:
0xf3: {  	[sflag:s24] =	ssyncset.done $0x0;
	(pc) =	sbr.rel @p1 .LBB2_7-.Ltmp8, $4  }
0xf4: {  	s29 =	sadd.s32 $0x5080, s29;
	[sflag:s24] =	ssyncadd.s32 $0xFFFFC000  }
0xf5: {  	[spmem:s3] =	stream.indirect.scatter.add.f32 [tilespmem:s22], [sflag:$0x3], $0x80, s29, s20, $0xb8;
	[tilespmem:$0x1E000] =	vst v63  }
0xf6: {  	_ =	swait.ge [sflag:s17], $0x4000  }
0xf7: {  	s30 =	smov.u32 s19;
	s29 =	sshra.s32 s0, $0x2;
	[sflag:s17] =	ssyncset.done $0x0  }
.Ltmp9:
0xf8: {  	_ = 	snop;
	(pc) =	sbr.rel .LBB2_8-.Ltmp9, $1  }
0xf9: {  	_ =	sdelay $0x3  }
.LBB2_15:
0xfa: {  	_ =	sfence.sel $0x180000  }
0xfb: {  	[bflag:$0x0] =	sbarrier.arrive $0xFFFF  }
0xfc: {  	_ =	strace $0x9000004D  }
0xfd: {  	[bflag:$0x2] =	sbarrier.arrive $0xFFFF  }
0xfe: {  	p0 =	sne.s32 s2, $0x0;
	s0 =	rddreg [dreg:$0x3]  }
0xff: {  	s0 =	sadd.s32 @!p0 $0x100000, s0  }
0x100: {  	[sflag:s0] =	ssyncadd.tile.s32 @!p0 $0x1;
	_ =	shalt  }
.Lfunc_end2:
_tile_overlayer_lowered:
.L_overlay_start_2:
0x101: {  	(tag) =	ssettag $0x2  }
0x102: {  	s0 =	rddreg [dreg:$0x0];
	s2 =	stileid.u32  }
0x103: {  	s1 =	rddreg [dreg:$0x1];
	p0 =	sne.s32 s2, $0x0  }
0x104: {  	s3 =	rddreg [dreg:$0x2];
	[bflag:$0x3] =	sbarrier.arrive $0xFFFF;
	s2 =	simm.s32 @!p0 $0x1C03  }
0x105: {  	[timem:s3], [sflag:s2] =	dma.local @!p0 [hbm:s0], s1  }
0x106: {  	s0 =	simm.s32 @!p0 $0x3  }
0x107: {  	_ =	swait.ge @!p0 [sflag:s0], s1  }
0x108: {  	s1 =	ssub.s32 @!p0 $0x0, s1;
	[sflag:s0] =	ssyncset.done @!p0 $0x0  }
0x109: {  	[sflag:s0] =	ssyncadd.s32 @!p0 s1  }
0x10a: {  	[bflag:$0x3] =	sbarrier.arrive $0xFFFF  }
0x10b: {  	_ =	shalt  }

// kernel: kernel.8.cloned.1.call-start
scs
__scs_entry_jumppad:
0x0: {  	(pc) =	sbr.rel $0x88, $3  }
0x1: {  	(tag) =	ssettag $0x0;
	lr =	simm.s32 $0x1  }
0x2: {  	[smem:$0x3F9B] =	sst lr;
	_ =	strace $0xD0000000  }
0x3: {  	_ = 	snop  }
0x4: {  	_ = 	snop  }
0x5: {  	_ = 	snop  }
0x6: {  	_ = 	snop  }
0x7: {  	_ = 	snop  }
__scs_overlays_trampoline_lowered:
0x8: {  	[smem:$0x3FAA] =	sst s0  }
0x9: {  	[smem:$0x3FAB] =	sst s1  }
0xa: {  	[smem:$0x3FAC] =	sst s2  }
0xb: {  	[smem:$0x3FAD] =	sst s3  }
0xc: {  	[smem:$0x3FAE] =	sst s4  }
0xd: {  	[smem:$0x3FAF] =	sst s5  }
0xe: {  	[smem:$0x3FB0] =	sst s6  }
0xf: {  	[smem:$0x3FB1] =	sst s7  }
0x10: {  	[smem:$0x3FB2] =	sst s8  }
0x11: {  	[smem:$0x3FB3] =	sst s9;
	s0 =	simm.s32 @!p0 $0x0  }
0x12: {  	s1 =	sld [smem:$0x3F99];
	s0 =	simm.s32 @p0 $0x1  }
0x13: {  	[smem:$0x3FB4] =	sst s0;
	s0 =	simm.s32 @!p1 $0x0  }
0x14: {  	s2 =	sld [smem:$0x3F98];
	s0 =	simm.s32 @p1 $0x1  }
0x15: {  	[smem:$0x3FB5] =	sst s0;
	s0 =	simm.s32 @!p2 $0x0  }
0x16: {  	s3 =	sld [smem:$0x3FDB];
	s0 =	simm.s32 @p2 $0x1  }
0x17: {  	s4 =	simm.s32 $0x1BF5;
	[smem:$0x3FB7] =	sst s0  }
0x18: {  	s0 =	sld [smem:$0x3F9A];
	_ =	swait.ge [sflag:s4], $0x0  }
0x19: {  	s7 =	sld [smem:$0x3F9B]  }
0x1a: {  	s8 =	sadd.s32 $0xFFFFE003, lr  }
0x1b: {  	s9 =	sadd.s32 $0xFFFFFEF7, lr;
	s5 =	simm.s32 $0xFFFFFFFF;
	p2 =	slt.u32 s8, $0xFFFFF086  }
0x1c: {  	p1 =	slt.u32 s9, $0xF7A;
	s5 =	simm.s32 @!p2 $0x0  }
0x1d: {  	s5 =	simm.s32 @p1 $0x1;
	p0 =	seq.s32 s7, s2  }
0x1e: {  	s7 =	smul.u32 @!p0 $0xF7A, s2;
	p2 =	seq.s32 @!p0 s5, $0x0  }
0x1f: {  	s9 =	smul.u32 $0xF7A, s1;
	s8 =	simm.s32 @!p0 $0x1BF5;
	p2 =	por !p2, p0  }
0x20: {  	[sflag:s8] =	ssyncset.s32 @!p0 $0xFFFFF086;
	s6 =	sadd.s32 @!p0 s3, s7;
	s7 =	simm.s32 @!p0 $0x108  }
0x21: {  	s3 =	sadd.s32 s3, s9;
	s6 =	sadd.s32 @!p0 $0x88, s6;
	s7 =	simm.s32 @p2 $0x1082  }
0x22: {  	[simem:s7], [sflag:s8] =	dma.local @!p0 [hbm:s6], $0xF7A  }
0x23: {  	s9 =	sor.u32 $0xD0000000, s2;
	s6 =	simm.s32 $0x108;
	_ =	swait.ge @!p0 [sflag:s8], $0x0  }
0x24: {  	s3 =	sadd.s32 $0x88, s3;
	s6 =	simm.s32 @!p1 $0x1082;
	[sflag:s4] =	ssyncset.s32 $0xFFFFF086  }
0x25: {  	[simem:s6], [sflag:s4] =	dma.local [hbm:s3], $0xF7A  }
0x26: {  	[smem:$0x3F9B] =	sst s1;
	(tag) =	ssettag s2;
	_ =	strace s9  }
0x27: {  	s1 =	sld [smem:$0x3FAB]  }
0x28: {  	s2 =	sld [smem:$0x3FAC]  }
0x29: {  	s4 =	sld [smem:$0x3FAE]  }
0x2a: {  	p0 =	seq.s32 s5, $0x0;
	s5 =	sld [smem:$0x3FAF]  }
0x2b: {  	s6 =	sld [smem:$0x3FB0]  }
0x2c: {  	s7 =	sld [smem:$0x3FB1]  }
0x2d: {  	s3 =	simm.s32 $0x108;
	s8 =	sld [smem:$0x3FB2]  }
0x2e: {  	s3 =	simm.s32 @!p0 $0x1082;
	s9 =	sld [smem:$0x3FB3]  }
0x2f: {  	lr =	sadd.s32 s0, s3;
	s0 =	sld [smem:$0x3FAA]  }
0x30: {  	s3 =	sld [smem:$0x3FAD]  }
0x31: {  	[smem:$0x3FB6] =	sst s10  }
0x32: {  	s10 =	sld [smem:$0x3FB4];
	_ =	sdelay $0x3  }
0x33: {  	p0 =	seq.s32 s10, $0x1;
	s10 =	sld [smem:$0x3FB6];
	_ =	sdelay $0x3  }
0x34: {  	[smem:$0x3FB6] =	sst s10  }
0x35: {  	s10 =	sld [smem:$0x3FB5];
	_ =	sdelay $0x3  }
0x36: {  	p1 =	seq.s32 s10, $0x1;
	s10 =	sld [smem:$0x3FB6];
	_ =	sdelay $0x3  }
0x37: {  	[smem:$0x3FB6] =	sst s10  }
0x38: {  	s10 =	sld [smem:$0x3FB7]  }
0x39: {  	_ = 	snop;
	(pc) =	sbr.ind lr, $3  }
0x3a: {  	_ = 	snop  }
0x3b: {  	_ = 	snop  }
0x3c: {  	p2 =	seq.s32 s10, $0x1;
	s10 =	sld [smem:$0x3FB6]  }
0x3d: {  	_ =	shalt  }
0x3e: {  	_ =	shalt  }
0x3f: {  	_ =	shalt  }
0x40: {  	_ =	shalt  }
0x41: {  	_ =	shalt  }
0x42: {  	_ =	shalt  }
0x43: {  	_ =	shalt  }
0x44: {  	_ =	shalt  }
0x45: {  	_ =	shalt  }
0x46: {  	_ =	shalt  }
0x47: {  	_ =	shalt  }
0x48: {  	_ =	shalt  }
0x49: {  	_ =	shalt  }
0x4a: {  	_ =	shalt  }
0x4b: {  	_ =	shalt  }
0x4c: {  	_ =	shalt  }
0x4d: {  	_ =	shalt  }
0x4e: {  	_ =	shalt  }
0x4f: {  	_ =	shalt  }
0x50: {  	_ =	shalt  }
0x51: {  	_ =	shalt  }
0x52: {  	_ =	shalt  }
0x53: {  	_ =	shalt  }
0x54: {  	_ =	shalt  }
0x55: {  	_ =	shalt  }
0x56: {  	_ =	shalt  }
0x57: {  	_ =	shalt  }
0x58: {  	_ =	shalt  }
0x59: {  	_ =	shalt  }
0x5a: {  	_ =	shalt  }
0x5b: {  	_ =	shalt  }
0x5c: {  	_ =	shalt  }
0x5d: {  	_ =	shalt  }
0x5e: {  	_ =	shalt  }
0x5f: {  	_ =	shalt  }
0x60: {  	_ =	shalt  }
0x61: {  	_ =	shalt  }
0x62: {  	_ =	shalt  }
0x63: {  	_ =	shalt  }
0x64: {  	_ =	shalt  }
0x65: {  	_ =	shalt  }
0x66: {  	_ =	shalt  }
0x67: {  	_ =	shalt  }
0x68: {  	_ =	shalt  }
0x69: {  	_ =	shalt  }
0x6a: {  	_ =	shalt  }
0x6b: {  	_ =	shalt  }
0x6c: {  	_ =	shalt  }
0x6d: {  	_ =	shalt  }
0x6e: {  	_ =	shalt  }
0x6f: {  	_ =	shalt  }
0x70: {  	_ =	shalt  }
0x71: {  	_ =	shalt  }
0x72: {  	_ =	shalt  }
0x73: {  	_ =	shalt  }
0x74: {  	_ =	shalt  }
0x75: {  	_ =	shalt  }
0x76: {  	_ =	shalt  }
0x77: {  	_ =	shalt  }
0x78: {  	_ =	shalt  }
0x79: {  	_ =	shalt  }
0x7a: {  	_ =	shalt  }
0x7b: {  	_ =	shalt  }
0x7c: {  	_ =	shalt  }
0x7d: {  	_ =	shalt  }
0x7e: {  	_ =	shalt  }
0x7f: {  	_ =	shalt  }
0x80: {  	_ =	shalt  }
0x81: {  	_ =	shalt  }
0x82: {  	_ =	shalt  }
0x83: {  	_ =	shalt  }
0x84: {  	_ =	shalt  }
0x85: {  	_ =	shalt  }
0x86: {  	_ =	shalt  }
0x87: {  	_ =	shalt  }
.Lfunc_end0:
.L_simem_size_0:
called_computation_lowered:
.L_overlay_start_0:
0x88: {  	s2 =	sld [smem:$0x3FD9]  }
0x89: {  	s3 =	sld [smem:$0x3FFE];
	_ =	sdelay $0x1  }
0x8a: {  	s1 =	srdreg.scid  }
0x8b: {  	s0 =	sand.u32 $0x1, s1  }
0x8c: {  	s17 =	sshll.u32 s0, $0xA;
	s2 =	sadd.s32 s3, s2  }
0x8d: {  	s2 =	sadd.s32 s2, s17  }
0x8e: {  	[smem:$0x3FC2] =	sst s2  }
0x8f: {  	_ = 	snop  }
0x90: {  	s2 =	sld [smem:$0x3FD0];
	(tm) =	ssettm $0x1  }
0x91: {  	s18 =	sld [smem:$0x3FFB];
	_ =	sdelay $0x3  }
0x92: {  	_ =	strace s18  }
0x93: {  	s3 =	sld [smem:$0x3FFC];
	_ =	sdelay $0x3  }
0x94: {  	_ =	strace s3  }
0x95: {  	s3 =	sld [smem:$0x3FFD];
	_ =	sdelay $0x3  }
0x96: {  	_ =	strace s3  }
0x97: {  	_ =	strace $0x8FFFFFFF  }
0x98: {  	s19 =	sld [smem:$0x3FDB];
	_ =	sdelay $0x1  }
0x99: {  	s4 =	simm.s32 $_scs_section_size  }
0x9a: {  	s5 =	simm.s32 $_size__tile_overlayer_lowered;
	s6 =	simm.s32 $_tile_overlayer_lowered  }
0x9b: {  	s22 =	simm.s32 $0x1BFF;
	s21 =	sshll.u32 s6, $0x1;
	s3 =	sadd.s32 s4, s19  }
0x9c: {  	s7 =	simm.s32 $0x0;
	s20 =	sshll.u32 s5, $0x1;
	s5 =	sadd.s32 s21, s3  }
0x9d: {  	[timem:s7], [sflag:s22] =	dma.local [hbm:s5], s20  }
0x9e: {  	_ =	swait.ge [sflag:s22], s20  }
0x9f: {  	s4 =	ssub.s32 $0x0, s20;
	[sflag:s22] =	ssyncset.done $0x0  }
0xa0: {  	[sflag:s22] =	ssyncadd.s32 s4;
	_ =	sdelay $0x1  }
0xa1: {  	s23 =	simm.s32 $0x1B8B  }
0xa2: {  	_ =	swait.ge [sflag:s23], $0x1  }
0xa3: {  	[sflag:s23] =	ssyncset.done $0x0  }
0xa4: {  	s25 =	simm.s32 $0x1B8E;
	s24 =	sld [smem:$0x3FFE];
	[sflag:s23] =	ssyncadd.s32 $0xFFFFFFFF  }
0xa5: {  	s26 =	simm.s32 $execute0_lowered;
	[smem:$0x3FD2] =	sst s25  }
0xa6: {  	s5 =	sshll.u32 s26, $0x1;
	_ =	strace $0x80000046;
	[dreg:$0x1] =	wrdreg $0xFFFFFFFF  }
0xa7: {  	s28 =	simm.s32 $_size_execute0_lowered;
	s3 =	sadd.s32 s3, s5;
	[dreg:$0x0] =	wrdreg $0x0  }
0xa8: {  	s5 =	sshll.u32 s28, $0x1;
	[dreg:$0x2] =	wrdreg s3  }
0xa9: {  	[dreg:$0x3] =	wrdreg s5  }
0xaa: {  	[dreg:$0x4] =	wrdreg $0xC0  }
0xab: {  	_ =	task [dreg:s7], $0x5FFFF  }
0xac: {  	[dreg:$0x1] =	wrdreg $0xFFFFFFFF  }
0xad: {  	[dreg:$0x0] =	wrdreg $0x60  }
0xae: {  	[dreg:$0x2] =	wrdreg s24  }
0xaf: {  	[dreg:$0x3] =	wrdreg s2  }
0xb0: {  	[dreg:$0x4] =	wrdreg $0x53000  }
0xb1: {  	[dreg:$0x5] =	wrdreg $0x9  }
0xb2: {  	_ =	task.clear_ibuf [dreg:s7], $0x6FFFF;
	_ =	strace $0x90000046  }
0xb3: {  	s29 =	simm.s32 $0x9;
	_ =	strace $0x80000048  }
0xb4: {  	_ =	swait.ge [sflag:s29], $0x1  }
0xb5: {  	[sflag:s29] =	ssyncadd.s32 $0xFFFFFFFF  }
0xb6: {  	_ =	strace $0x90000048  }
0xb7: {  	_ =	sfence  }
0xb8: {  	s30 =	sld [smem:$0x0];
	_ =	sdelay $0x2  }
0xb9: {  	s31 =	sshll.u32 s1, $0xD;
	s1 =	sshrl.u32 s1, $0x2  }
0xba: {  	s3 =	sand.u32 $0x4000, s31;
	s1 =	sadd.s32 s1, s30  }
0xbb: {  	s0 =	sor.u32 s3, s0;
	s1 =	sshll.u32 s1, $0x11  }
0xbc: {  	s0 =	sor.u32 s1, s0  }
0xbd: {  	s0 =	sadd.s32 $0x8F2B, s0  }
0xbe: {  	[sflag:s0] =	ssyncadd.remote.s32 $0x1  }
0xbf: {  	_ =	sfence.sel $0xFFFF  }
0xc0: {  	[dreg:$0x0] =	wrdreg $0xFFFFFFFF;
	(pc) =	sbr.abs _section_cstart, $3  }
0xc1: {  	[dreg:$0x1] =	wrdreg $0xFFFFFFFF  }
0xc2: {  	_ =	task.clear_ibuf [dreg:s7], $0x2FFFF;
	_ =	strace $0x9FFFFFFF  }
0xc3: {  	(tm) =	ssettm $0x7FFFFFFF  }
tec
execute0_lowered:
.L_overlay_start_1:
0x0: {  	(tag) =	ssettag $0x1  }
0x1: {  	s5 =	rddreg [dreg:$0x0]  }
0x2: {  	s2 =	rddreg [dreg:$0x1]  }
0x3: {  	s3 =	rddreg [dreg:$0x2]  }
0x4: {  	s0 =	rddreg [dreg:$0x3];
	s1 =	stileid.u32  }
0x5: {  	s6 =	srdreg.scid;
	s4 =	simm.s32 $0x0;
	s11 =	simm.s32 $0x5000  }
0x6: {  	s14 =	simm.s32 $0x0;
	s8 =	sand.u32 $0x1, s6;
	[smem:$0x7FF] =	sst s4  }
0x7: {  	s7 =	smul.u32 $0xA00, s1;
	s6 =	ssub.s32 $0x2, s8;
	_ =	strace $0x80000047  }
0x8: {  	s31 =	sor.u32 s1, s8;
	s8 =	simm.s32 $0x5080;
	s9 =	sshrl.u32 s6, $0x1  }
0x9: {  	s10 =	sshrl.u32 s7, $0x2;
	s7 =	sadd.s32 s7, s5;
	p0 =	sne.s32 s31, $0x0  }
0xa: {  	s9 =	ssub.s32 s6, s9;
	s5 =	sadd.s32 s10, s3;
	s6 =	sadd.s32 $0x4400, s7  }
0xb: {  	s10 =	simm.s32 $0x80;
	s12 =	sshll.u32 @!p0 s1, $0x6;
	s13 =	sshrl.u32 @!p0 s3, $0x3  }
0xc: {  	v0 =	vimm.f32 $0.0e+00;
	v1 =	vimm.f32 $1.000000000e+00;
	s7 =	smax.u32 s9, $0x1;
	s9 =	simm.s32 $0x1;
	s12 =	sor.u32 @!p0 $0x1C01, s12  }
.LBB2_1:
0xd: {  	[tilespmem:$0x5080] =	vst v0  }
0xe: {  	[tilespmem:$0x5090] =	vst v0  }
0xf: {  	[tilespmem:$0x50A0] =	vst v0  }
0x10: {  	[tilespmem:$0x50B0] =	vst v0  }
0x11: {  	[tilespmem:$0x50C0] =	vst v0  }
0x12: {  	[tilespmem:$0x50D0] =	vst v0  }
0x13: {  	[tilespmem:$0x50E0] =	vst v0  }
0x14: {  	[tilespmem:$0x50F0] =	vst v0  }
0x15: {  	[tilespmem:$0x5100] =	vst v0  }
0x16: {  	[tilespmem:$0x5110] =	vst v0  }
0x17: {  	[tilespmem:$0x5120] =	vst v0  }
0x18: {  	[tilespmem:$0x5130] =	vst v0  }
0x19: {  	[tilespmem:$0x5140] =	vst v0  }
0x1a: {  	[tilespmem:$0x5150] =	vst v0  }
0x1b: {  	[tilespmem:$0x5160] =	vst v0  }
0x1c: {  	[tilespmem:$0x5170] =	vst v0  }
0x1d: {  	[tilespmem:$0x5180] =	vst v0  }
0x1e: {  	[tilespmem:$0x5190] =	vst v0  }
0x1f: {  	[tilespmem:$0x51A0] =	vst v0  }
0x20: {  	[tilespmem:$0x51B0] =	vst v0  }
0x21: {  	[tilespmem:$0x51C0] =	vst v0  }
0x22: {  	[tilespmem:$0x51D0] =	vst v0  }
0x23: {  	[tilespmem:$0x51E0] =	vst v0  }
0x24: {  	[tilespmem:$0x51F0] =	vst v0  }
0x25: {  	[tilespmem:$0x5200] =	vst v0  }
0x26: {  	[tilespmem:$0x5210] =	vst v0  }
0x27: {  	[tilespmem:$0x5220] =	vst v0  }
0x28: {  	[tilespmem:$0x5230] =	vst v0  }
0x29: {  	[tilespmem:$0x5240] =	vst v0  }
0x2a: {  	[tilespmem:$0x5250] =	vst v0  }
0x2b: {  	[tilespmem:$0x5260] =	vst v0  }
0x2c: {  	[tilespmem:$0x5270] =	vst v0  }
0x2d: {  	[tilespmem:$0x5280] =	vst v0  }
0x2e: {  	[tilespmem:$0x5290] =	vst v0  }
0x2f: {  	[tilespmem:$0x52A0] =	vst v0  }
0x30: {  	[tilespmem:$0x52B0] =	vst v0  }
0x31: {  	[tilespmem:$0x52C0] =	vst v0  }
0x32: {  	[tilespmem:$0x52D0] =	vst v0  }
0x33: {  	[tilespmem:$0x52E0] =	vst v0  }
0x34: {  	[tilespmem:$0x52F0] =	vst v0  }
0x35: {  	[tilespmem:$0x5000] =	vst v1  }
0x36: {  	[tilespmem:$0x5010] =	vst v1  }
0x37: {  	[tilespmem:$0x5020] =	vst v1  }
0x38: {  	[tilespmem:$0x5030] =	vst v1  }
0x39: {  	[tilespmem:$0x5040] =	vst v1  }
0x3a: {  	[tilespmem:$0x5050] =	vst v1  }
0x3b: {  	[tilespmem:$0x5060] =	vst v1  }
0x3c: {  	[tilespmem:$0x5070] =	vst v1  }
0x3d: {  	[spmem:s5] =	stream.linear.scatter [tilespmem:s8], [sflag:$0x1], $0x280, $0x38;
	[tilespmem:$0x5580] =	vst v63  }
0x3e: {  	_ =	swait.ge [sflag:s9], $0x280  }
0x3f: {  	[sflag:s9] =	ssyncset.done $0x0  }
0x40: {  	[sflag:s9] =	ssyncadd.s32 $0xFFFFFD80  }
0x41: {  	[tilespmem:s4], [sflag:$0x1] =	stream.linear.gather [hbm4b:s6+s4], $0x5000, $0x38;
	[tilespmem:$0x5580] =	vst v63  }
0x42: {  	_ =	swait.ge [sflag:s9], $0x5000  }
0x43: {  	[sflag:s9] =	ssyncset.done $0x0  }
0x44: {  	[sflag:s9] =	ssyncadd.s32 $0xFFFFB000  }
0x45: {  	s15 =	simm.s32 $0x0;
	[bflag:$0x0] =	sbarrier.arrive $0xFFFF  }
0x46: {  	[spmem:s3] =	stream.indirect.scatter.add.f32 [tilespmem:s11], [sflag:$0x1], $0x1, s15, s10, $0xb8;
	[tilespmem:$0x5580] =	vst v63  }
0x47: {  	_ =	swait.ge [sflag:s9], $0x80  }
0x48: {  	s15 =	simm.s32 $0x200;
	[sflag:s9] =	ssyncset.done $0x0  }
.LBB2_2:
0x49: {  	s16 =	sshra.s32 s15, $0x2;
	[sflag:s9] =	ssyncadd.s32 $0xFFFFFF80;
	p1 =	sne.s32 s15, $0x13E00  }
0x4a: {  	[spmem:s3] =	stream.indirect.scatter.add.f32 [tilespmem:s11], [sflag:$0x1], $0x1, s16, s10, $0xb8;
	[tilespmem:$0x5580] =	vst v63  }
.Ltmp0:
0x4b: {  	_ = 	snop;
	(pc) =	sbr.rel @p1 .LBB2_2-.Ltmp0, $4  }
0x4c: {  	_ = 	snop  }
0x4d: {  	s15 =	sadd.s32 $0x200, s15  }
0x4e: {  	_ =	swait.ge [sflag:s9], $0x80  }
0x4f: {  	[sflag:s9] =	ssyncset.done $0x0  }
0x50: {  	s14 =	sadd.s32 $0x1, s14  }
0x51: {  	[sflag:s9] =	ssyncadd.s32 $0xFFFFFF80;
	p1 =	sne.s32 s14, s7  }
.Ltmp1:
0x52: {  	s15 =	simm.s32 @!p0 $0x1;
	[bflag:$0x0] =	sbarrier.arrive $0xFFFF;
	(pc) =	sbr.rel @p1 .LBB2_1-.Ltmp1, $4  }
0x53: {  	[hbm:s2], [sflag:s12] =	dma.local @!p0 [spmem:s13], $0x500  }
0x54: {  	_ =	swait.ge @!p0 [sflag:s15], $0x500  }
0x55: {  	[sflag:s15] =	ssyncset.done @!p0 $0x0  }
0x56: {  	[sflag:s15] =	ssyncadd.s32 @!p0 $0xFFFFFB00  }
0x57: {  	_ =	sfence.sel $0x180000  }
0x58: {  	[bflag:$0x0] =	sbarrier.arrive $0xFFFF  }
0x59: {  	p0 =	sne.s32 s1, $0x0;
	_ =	strace $0x90000047  }
0x5a: {  	s0 =	sadd.s32 @!p0 $0x100000, s0;
	[bflag:$0x2] =	sbarrier.arrive $0xFFFF  }
0x5b: {  	[sflag:s0] =	ssyncadd.tile.s32 @!p0 $0x1;
	_ =	shalt  }
.Lfunc_end2:
_tile_overlayer_lowered:
.L_overlay_start_2:
0x5c: {  	(tag) =	ssettag $0x2  }
0x5d: {  	s0 =	rddreg [dreg:$0x0];
	s2 =	stileid.u32  }
0x5e: {  	s1 =	rddreg [dreg:$0x1];
	p0 =	sne.s32 s2, $0x0  }
0x5f: {  	s3 =	rddreg [dreg:$0x2];
	[bflag:$0x3] =	sbarrier.arrive $0xFFFF;
	s2 =	simm.s32 @!p0 $0x1C01  }
0x60: {  	[timem:s3], [sflag:s2] =	dma.local @!p0 [hbm:s0], s1  }
0x61: {  	s0 =	simm.s32 @!p0 $0x1  }
0x62: {  	_ =	swait.ge @!p0 [sflag:s0], s1  }
0x63: {  	s1 =	ssub.s32 @!p0 $0x0, s1;
	[sflag:s0] =	ssyncset.done @!p0 $0x0  }
0x64: {  	[sflag:s0] =	ssyncadd.s32 @!p0 s1  }
0x65: {  	[bflag:$0x3] =	sbarrier.arrive $0xFFFF  }
0x66: {  	_ =	shalt  }

</sc_bundles>
